<compile_context>
chip_gen: v7x
topology: tpu7x:2x2x1
jax: 0.10.2.dev20260603
libtpu: 0.0.44.dev20260713+nightly
codegen_flags: <defaults>
</compile_context>

<pallas_src>
import jax
import jax.numpy as jnp
from jax import lax
from jax.experimental import pallas as pl
from jax.experimental.pallas import tpu as pltpu
from jax.experimental.pallas import tpu_sc as plsc

N = 10000
E = 160000
D = 256
DH = 128
EMB = 64
C_OUT = 2
B = 4096

NC = 2
NS = 16
EPT = 9984
ETAIL = NS * EPT
STG = 2048
RPT = B // NS
AROWS = B + 128
SROWS = AROWS // NS
SELCAP = 10240
NCHUNK = SELCAP // 128


def _sc_body(x_hbm, ei_hbm, nodes_hbm,
             accsel_hbm, xsel_hbm, degsel_hbm,
             nodes_v, slot_v, esd_v, esd2_v, selidx_v, selflat_v, selslot_v,
             rows_v, rows2_v, ones_v, degz_v, slidx_v, degbuf_v,
             acc_sh, deg_sh, sem, sem2, seme, seme2):
    c = lax.axis_index("c")
    s = lax.axis_index("s")
    cdh = pl.multiple_of(c * DH, 128)

    zeros16 = jnp.zeros((16,), jnp.float32)
    ones16 = jnp.ones((16,), jnp.float32)
    iota16 = lax.iota(jnp.int32, 16)

    sc0 = jax.named_scope("p0_stage")
    sc0.__enter__()
    ebase = pl.multiple_of(s * EPT, 128)
    pltpu.async_copy(ei_hbm.at[:, pl.ds(ebase, STG)], esd_v, seme)
    pltpu.sync_copy(nodes_hbm, nodes_v)

    def _zero_rows(i, _):
        for k in range(8):
            rows_v[i, pl.ds(k * 16, 16)] = zeros16
        return 0
    lax.fori_loop(0, 128, _zero_rows, 0)

    def _ini_small(i, _):
        ones_v[pl.ds(i * 16, 16)] = ones16
        degbuf_v[pl.ds(i * 16, 16)] = zeros16
        return 0
    lax.fori_loop(0, 8, _ini_small, 0)

    def _zero_degz(i, _):
        degz_v[pl.ds(i * 16, 16)] = zeros16
        return 0
    lax.fori_loop(0, 272 // 16, _zero_degz, 0)

    r0 = s * SROWS
    pltpu.sync_copy(rows_v, acc_sh.at[pl.ds(r0, 128)])
    pltpu.sync_copy(rows_v, acc_sh.at[pl.ds(r0 + 128, 128)])
    pltpu.sync_copy(rows_v.at[pl.ds(0, 8)], acc_sh.at[pl.ds(r0 + 256, 8)])
    pltpu.sync_copy(degz_v.at[pl.ds(0, SROWS)], deg_sh.at[pl.ds(r0, SROWS)])

    neg1 = jnp.full((16,), -1, jnp.int32)

    def _init_slot(i, _):
        for k in range(5):
            slot_v[pl.ds((i * 5 + k) * 16, 16)] = neg1
        return 0
    lax.fori_loop(0, N // 80, _init_slot, 0)

    def _build_slot(b, _):
        for q in range(4):
            idxv = nodes_v[pl.ds((b * 4 + q) * 16, 16)]
            plsc.store_scatter(slot_v, [idxv], (b * 4 + q) * 16 + iota16)
        return 0
    lax.fori_loop(0, B // 64, _build_slot, 0)

    plsc.subcore_barrier()
    sc0.__exit__(None, None, None)

    sca = jax.named_scope("pA_filter")
    sca.__enter__()

    def _filter_group(buf):
        def _f(i, off):
            for q in range(4):
                srcv = buf[0, pl.ds((i * 4 + q) * 16, 16)]
                dstv = buf[1, pl.ds((i * 4 + q) * 16, 16)]
                sl = plsc.load_gather(slot_v, [dstv])
                m = sl >= 0
                plsc.store_compressed(selidx_v.at[pl.ds(off, 16)], srcv, mask=m)
                plsc.store_compressed(selflat_v.at[pl.ds(off, 16)], sl, mask=m)
                off = off + jnp.sum(jnp.where(m, 1, 0))
            return off
        return _f

    off = jnp.int32(0)
    sizes = (STG, STG, STG, STG, EPT - 4 * STG)
    for u in range(5):
        buf, sm = (esd_v, seme) if u % 2 == 0 else (esd2_v, seme2)
        pltpu.make_async_copy(ei_hbm.at[:, pl.ds(0, STG)], buf, sm).wait()
        if u + 1 < 5:
            nbuf, nsm = (esd2_v, seme2) if u % 2 == 0 else (esd_v, seme)
            noff = pl.multiple_of(ebase + (u + 1) * STG, 128)
            pltpu.async_copy(ei_hbm.at[:, pl.ds(noff, STG)], nbuf, nsm)
        off = lax.fori_loop(0, sizes[u] // 64, _filter_group(buf), off)

    toff = pl.multiple_of(ETAIL + (s & 1) * 128, 128)
    pltpu.sync_copy(ei_hbm.at[:, pl.ds(toff, 128)], esd_v.at[:, pl.ds(0, 128)])
    live = s < 2

    def _tfilter(i, off):
        for q in range(4):
            srcv = esd_v[0, pl.ds((i * 4 + q) * 16, 16)]
            dstv = esd_v[1, pl.ds((i * 4 + q) * 16, 16)]
            sl = plsc.load_gather(slot_v, [dstv])
            m = (sl >= 0) & live
            plsc.store_compressed(selidx_v.at[pl.ds(off, 16)], srcv, mask=m)
            plsc.store_compressed(selflat_v.at[pl.ds(off, 16)], sl, mask=m)
            off = off + jnp.sum(jnp.where(m, 1, 0))
        return off

    k_total = lax.fori_loop(0, 2, _tfilter, off)
    nchunks = (k_total + 127) // 128

    pad_sl = B + iota16 * 8

    def _pad(g, _):
        selidx_v[pl.ds(k_total + g * 16, 16)] = iota16
        selflat_v[pl.ds(k_total + g * 16, 16)] = pad_sl
        return 0
    lax.fori_loop(0, 8, _pad, 0)

    def _repack(j, _):
        for k in range(8):
            selslot_v[j, pl.ds(k * 16, 16)] = selflat_v[pl.ds(j * 128 + k * 16, 16)]
        return 0
    lax.fori_loop(0, nchunks, _repack, 0)
    sca.__exit__(None, None, None)

    scb = jax.named_scope("pB_agg")
    scb.__enter__()

    def _gather(j, buf, s_):
        pltpu.async_copy(
            x_hbm.at[selidx_v.at[pl.ds(j * 128, 128)], pl.ds(cdh, DH)], buf, s_)

    def _scat(j, buf):
        pltpu.sync_copy(buf, acc_sh.at[selslot_v.at[j]], add=True)

        @pl.when(c == 0)
        def _():
            pltpu.sync_copy(ones_v, deg_sh.at[selslot_v.at[j]], add=True)

    def _wait_rows(s_):
        pltpu.make_async_copy(x_hbm.at[pl.ds(0, 128), pl.ds(0, DH)], rows_v, s_).wait()

    @pl.when(nchunks > 0)
    def _():
        _gather(0, rows_v, sem)

    npairs = (nchunks + 1) // 2

    def _pair(jp, _):
        j0 = jp * 2
        j1 = j0 + 1

        @pl.when(j1 < nchunks)
        def _():
            _gather(j1, rows2_v, sem2)
        _wait_rows(sem)
        _scat(j0, rows_v)

        @pl.when(j1 < nchunks)
        def _():
            @pl.when(j1 + 1 < nchunks)
            def _():
                _gather(j1 + 1, rows_v, sem)
            _wait_rows(sem2)
            _scat(j1, rows2_v)
        return 0
    lax.fori_loop(0, npairs, _pair, 0)

    plsc.subcore_barrier()
    scb.__exit__(None, None, None)

    scc = jax.named_scope("pC_out")
    scc.__enter__()
    for h in range(RPT // 128):
        base = s * RPT + h * 128
        pltpu.async_copy(
            x_hbm.at[nodes_v.at[pl.ds(base, 128)], pl.ds(cdh, DH)], rows2_v, sem2)

        def _mkidx(k, _):
            nb = nodes_v[pl.ds(base + k * 16, 16)]
            slidx_v[pl.ds(k * 16, 16)] = plsc.load_gather(slot_v, [nb])
            return 0
        lax.fori_loop(0, 8, _mkidx, 0)

        pltpu.sync_copy(acc_sh.at[slidx_v], rows_v)
        pltpu.sync_copy(rows_v, accsel_hbm.at[pl.ds(base, 128), pl.ds(cdh, DH)])

        @pl.when(c == 0)
        def _():
            pltpu.sync_copy(deg_sh.at[slidx_v], degbuf_v)
            pltpu.sync_copy(degbuf_v, degsel_hbm.at[pl.ds(base, 128)])

        pltpu.make_async_copy(x_hbm.at[pl.ds(0, 128), pl.ds(0, DH)], rows2_v, sem2).wait()
        pltpu.sync_copy(rows2_v, xsel_hbm.at[pl.ds(base, 128), pl.ds(cdh, DH)])
    scc.__exit__(None, None, None)


_sc_agg = pl.kernel(
    _sc_body,
    out_type=(
        jax.ShapeDtypeStruct((B, D), jnp.float32),
        jax.ShapeDtypeStruct((B, D), jnp.float32),
        jax.ShapeDtypeStruct((B,), jnp.float32),
    ),
    mesh=plsc.VectorSubcoreMesh(core_axis_name="c", subcore_axis_name="s"),
    compiler_params=pltpu.CompilerParams(needs_layout_passes=False),
    scratch_types=[
        pltpu.VMEM((B,), jnp.int32),
        pltpu.VMEM((N,), jnp.int32),
        pltpu.VMEM((2, STG), jnp.int32),
        pltpu.VMEM((2, STG), jnp.int32),
        pltpu.VMEM((SELCAP,), jnp.int32),
        pltpu.VMEM((SELCAP,), jnp.int32),
        pltpu.VMEM((NCHUNK, 128), jnp.int32),
        pltpu.VMEM((128, DH), jnp.float32),
        pltpu.VMEM((128, DH), jnp.float32),
        pltpu.VMEM((128,), jnp.float32),
        pltpu.VMEM((272,), jnp.float32),
        pltpu.VMEM((128,), jnp.int32),
        pltpu.VMEM((128,), jnp.float32),
        pltpu.VMEM_SHARED((AROWS, DH), jnp.float32),
        pltpu.VMEM_SHARED((AROWS,), jnp.float32),
        pltpu.SemaphoreType.DMA,
        pltpu.SemaphoreType.DMA,
        pltpu.SemaphoreType.DMA,
        pltpu.SemaphoreType.DMA,
    ],
)


_DN = (((1,), (1,)), ((), ()))


def _dense_body(xsel_ref, accsel_ref, degsel_ref, waggT_ref, wT_ref, out_ref):
    xs = xsel_ref[...]
    ac = accsel_ref[...]
    deg = jnp.reshape(degsel_ref[...], (B, 1))
    neigh = ac / jnp.maximum(deg, 1.0)
    w1t = waggT_ref[:, 0:D]
    w2t = waggT_ref[:, D:2 * D]
    h = jnp.maximum(
        lax.dot_general(xs, w1t, _DN, preferred_element_type=jnp.float32)
        + lax.dot_general(neigh, w2t, _DN, preferred_element_type=jnp.float32),
        0.0)
    out_ref[...] = lax.dot_general(
        wT_ref[...], h, _DN, preferred_element_type=jnp.float32)


def kernel(nodes, x, edge_index, W_agg, weight):
    accsel, xsel, degsel = _sc_agg(x, edge_index, nodes)
    scores_t = pl.pallas_call(
        _dense_body,
        out_shape=jax.ShapeDtypeStruct((C_OUT, B), jnp.float32),
    )(xsel, accsel, degsel, W_agg.T, weight.T)
    return scores_t.T

# --- scband reference (transcript-rebuilt; emitter-appended) ---
"""Pipeline reference for scband-gnn-43250320670864 (READ-ONLY COPY).

The authoritative reference and input builder live on the scoring server;
editing this copy changes nothing except your own understanding.
"""

import jax, jax.numpy as jnp
import numpy as np

N = 10000
E = 160000
D = 256
EMB = 64
C = 2
B = 4096


def setup_inputs(seed: int = 0) -> dict:
    key = jax.random.key(seed)
    k1, k2, k3, k4, k5 = jax.random.split(key, 5)
    x = jax.random.normal(k1, (N, D), dtype=jnp.float32)
    edge_index = jax.random.randint(k2, (2, E), 0, N, dtype=jnp.int32)
    nodes = jax.random.randint(k3, (B,), 0, N, dtype=jnp.int32)
    # inter1 aggregator weight: combines self feats with mean-aggregated neighbor feats
    W_agg = jax.random.normal(k4, (2 * D, EMB), dtype=jnp.float32) * (1.0 / np.sqrt(2 * D))
    # final classification weight (xavier-like scale)
    weight = jax.random.normal(k5, (EMB, C), dtype=jnp.float32) * (1.0 / np.sqrt(EMB))
    return {"nodes": nodes, "x": x, "edge_index": edge_index, "W_agg": W_agg, "weight": weight}


def reference(nodes, x, edge_index, W_agg, weight):
    # inter1: one-layer inter-relation aggregation (CARE-GNN style):
    # gather neighbor messages, mean-reduce by destination node,
    # concat with self features, linear + ReLU -> embeddings.
    src = edge_index[0]
    dst = edge_index[1]
    msgs = jnp.take(x, src, axis=0)                      # gather  [E, D]
    agg = jax.ops.segment_sum(msgs, dst, num_segments=N)  # scatter-add [N, D]
    deg = jax.ops.segment_sum(jnp.ones((E,), jnp.float32), dst, num_segments=N)
    neigh = agg / jnp.clip(deg, 1.0)[:, None]
    h = jax.nn.relu(jnp.concatenate([x, neigh], axis=1) @ W_agg)  # [N, EMB]
    embeds1 = jnp.take(h, nodes, axis=0)                 # [B, EMB]
    scores = embeds1 @ weight                            # torch.mm(embeds1, self.weight)
    return scores

if __name__ == "__main__":
    import jax
    _d = setup_inputs()
    print(jax.jit(kernel)(*tuple(_d.values())))

</pallas_src>

<mosaic_0001>
#map = affine_map<(d0, d1) -> (0, 0)>
#map1 = affine_map<(d0, d1) -> (0)>
module attributes {stable_mosaic.version = 14 : i64} {
  func.func @_sc_body(%arg0: i32, %arg1: i32, %arg2: memref<10000x256xf32, #tpu.memory_space<hbm>>, %arg3: memref<2x160000xi32, #tpu.memory_space<hbm>>, %arg4: memref<4096xi32, #tpu.memory_space<hbm>>, %arg5: memref<4096x256xf32, #tpu.memory_space<hbm>>, %arg6: memref<4096x256xf32, #tpu.memory_space<hbm>>, %arg7: memref<4096xf32, #tpu.memory_space<hbm>>, %arg8: memref<4096xi32, #tpu.memory_space<vmem>>, %arg9: memref<10000xi32, #tpu.memory_space<vmem>>, %arg10: memref<2x2048xi32, #tpu.memory_space<vmem>>, %arg11: memref<2x2048xi32, #tpu.memory_space<vmem>>, %arg12: memref<10240xi32, #tpu.memory_space<vmem>>, %arg13: memref<10240xi32, #tpu.memory_space<vmem>>, %arg14: memref<80x128xi32, #tpu.memory_space<vmem>>, %arg15: memref<128x128xf32, #tpu.memory_space<vmem>>, %arg16: memref<128x128xf32, #tpu.memory_space<vmem>>, %arg17: memref<128xf32, #tpu.memory_space<vmem>>, %arg18: memref<272xf32, #tpu.memory_space<vmem>>, %arg19: memref<128xi32, #tpu.memory_space<vmem>>, %arg20: memref<128xf32, #tpu.memory_space<vmem>>, %arg21: memref<4224x128xf32, #tpu.memory_space<vmem_shared>>, %arg22: memref<4224xf32, #tpu.memory_space<vmem_shared>>, %arg23: memref<!tpu.dma_semaphore, #tpu.memory_space<semaphore_mem>>, %arg24: memref<!tpu.dma_semaphore, #tpu.memory_space<semaphore_mem>>, %arg25: memref<!tpu.dma_semaphore, #tpu.memory_space<semaphore_mem>>, %arg26: memref<!tpu.dma_semaphore, #tpu.memory_space<semaphore_mem>>) attributes {dimension_semantics = [#tpu.dimension_semantics<core_parallel>, #tpu.dimension_semantics<subcore_parallel>], iteration_bounds = array<i64: 2, 16>, scalar_prefetch = 0 : i64, scratch_operands = 19 : i64, tpu.core_type = #tpu.core_type<sc_vector_subcore>, window_params = [{transform_indices = #map}, {transform_indices = #map}, {transform_indices = #map1}, {transform_indices = #map}, {transform_indices = #map}, {transform_indices = #map1}]} {
    %mul3A = arith.constant 128 : i32
    %mul3A_0 = arith.muli %arg0, %mul3A : i32
    %multiple_of3A = tpu.assume_multiple %mul3A_0, 128 : i32
    %broadcast_in_dim3A = arith.constant 0.000000e+00 : f32
    %broadcast_in_dim3A_1 = vector.broadcast %broadcast_in_dim3A : f32 to vector<16xf32>
    %broadcast_in_dim3A_2 = arith.constant 1.000000e+00 : f32
    %broadcast_in_dim3A_3 = vector.broadcast %broadcast_in_dim3A_2 : f32 to vector<16xf32>
    %iota3A = tpu.iota {dimensions = array<i32: 0>} : vector<16xi32>
    "tpu.trace_start"() <{level = 10 : i32, message = "p0_stage"}> : () -> ()
    %mul3A_4 = arith.constant 9984 : i32
    %mul3A_5 = arith.muli %arg1, %mul3A_4 : i32
    %multiple_of3A_6 = tpu.assume_multiple %mul3A_5, 128 : i32
    %dma_start3A = arith.constant 0 : i32
    %dma_start3A_7 = tpu.memref_slice %arg3[%dma_start3A, %multiple_of3A_6] : memref<2x160000xi32, #tpu.memory_space<hbm>> -> memref<2x2048xi32, #tpu.memory_space<hbm>>
    %dma_start3A_8 = arith.constant 0 : i32
    %dma_start3A_9 = tpu.memref_slice %arg3[%dma_start3A_8, %multiple_of3A_6] : memref<2x160000xi32, #tpu.memory_space<hbm>> -> memref<2x2048xi32, #tpu.memory_space<hbm>>
    tpu.enqueue_dma source(%dma_start3A_9 : memref<2x2048xi32, #tpu.memory_space<hbm>>) target(%arg10 : memref<2x2048xi32, #tpu.memory_space<vmem>>) target_semaphore(%arg25 : memref<!tpu.dma_semaphore, #tpu.memory_space<semaphore_mem>>)
    "tpu.region"() ({
      %run_scoped3A = tpu.sem_alloc : memref<!tpu.dma_semaphore, #tpu.memory_space<semaphore_mem>>
      tpu.enqueue_dma source(%arg4 : memref<4096xi32, #tpu.memory_space<hbm>>) target(%arg8 : memref<4096xi32, #tpu.memory_space<vmem>>) target_semaphore(%run_scoped3A : memref<!tpu.dma_semaphore, #tpu.memory_space<semaphore_mem>>)
      tpu.wait_dma2 semaphore(%run_scoped3A : memref<!tpu.dma_semaphore, #tpu.memory_space<semaphore_mem>>) src(%arg4 : memref<4096xi32, #tpu.memory_space<hbm>>) dst(%arg8 : memref<4096xi32, #tpu.memory_space<vmem>>)
      tpu.yield
    }) : () -> ()
    %scan3A = arith.constant 0 : i32
    %scan3A_10 = arith.constant 0 : i32
    %scan3A_11 = arith.constant 128 : i32
    %scan3A_12 = arith.addi %scan3A_10, %scan3A_11 : i32
    %scan3A_13 = arith.constant 1 : i32
    %scan3A_14 = scf.for %scan3A_285 = %scan3A_10 to %scan3A_12 step %scan3A_13 iter_args(%scan3A_286 = %scan3A) -> (i32)  : i32 {
      %swap3A = arith.index_cast %scan3A_285 : i32 to index
      %swap3A_287 = arith.constant 0 : index
      %swap3A_288 = tpu.vector_load %arg15[%swap3A, %swap3A_287] {strides = array<i32>} : memref<128x128xf32, #tpu.memory_space<vmem>>, vector<16xf32>,
      tpu.vector_store %arg15[%swap3A, %swap3A_287], %broadcast_in_dim3A_1 {strides = array<i32>} : memref<128x128xf32, #tpu.memory_space<vmem>>, vector<16xf32>,
      %swap3A_289 = arith.index_cast %scan3A_285 : i32 to index
      %swap3A_290 = arith.constant 16 : index
      %swap3A_291 = tpu.vector_load %arg15[%swap3A_289, %swap3A_290] {strides = array<i32>} : memref<128x128xf32, #tpu.memory_space<vmem>>, vector<16xf32>,
      tpu.vector_store %arg15[%swap3A_289, %swap3A_290], %broadcast_in_dim3A_1 {strides = array<i32>} : memref<128x128xf32, #tpu.memory_space<vmem>>, vector<16xf32>,
      %swap3A_292 = arith.index_cast %scan3A_285 : i32 to index
      %swap3A_293 = arith.constant 32 : index
      %swap3A_294 = tpu.vector_load %arg15[%swap3A_292, %swap3A_293] {strides = array<i32>} : memref<128x128xf32, #tpu.memory_space<vmem>>, vector<16xf32>,
      tpu.vector_store %arg15[%swap3A_292, %swap3A_293], %broadcast_in_dim3A_1 {strides = array<i32>} : memref<128x128xf32, #tpu.memory_space<vmem>>, vector<16xf32>,
      %swap3A_295 = arith.index_cast %scan3A_285 : i32 to index
      %swap3A_296 = arith.constant 48 : index
      %swap3A_297 = tpu.vector_load %arg15[%swap3A_295, %swap3A_296] {strides = array<i32>} : memref<128x128xf32, #tpu.memory_space<vmem>>, vector<16xf32>,
      tpu.vector_store %arg15[%swap3A_295, %swap3A_296], %broadcast_in_dim3A_1 {strides = array<i32>} : memref<128x128xf32, #tpu.memory_space<vmem>>, vector<16xf32>,
      %swap3A_298 = arith.index_cast %scan3A_285 : i32 to index
      %swap3A_299 = arith.constant 64 : index
      %swap3A_300 = tpu.vector_load %arg15[%swap3A_298, %swap3A_299] {strides = array<i32>} : memref<128x128xf32, #tpu.memory_space<vmem>>, vector<16xf32>,
      tpu.vector_store %arg15[%swap3A_298, %swap3A_299], %broadcast_in_dim3A_1 {strides = array<i32>} : memref<128x128xf32, #tpu.memory_space<vmem>>, vector<16xf32>,
      %swap3A_301 = arith.index_cast %scan3A_285 : i32 to index
      %swap3A_302 = arith.constant 80 : index
      %swap3A_303 = tpu.vector_load %arg15[%swap3A_301, %swap3A_302] {strides = array<i32>} : memref<128x128xf32, #tpu.memory_space<vmem>>, vector<16xf32>,
      tpu.vector_store %arg15[%swap3A_301, %swap3A_302], %broadcast_in_dim3A_1 {strides = array<i32>} : memref<128x128xf32, #tpu.memory_space<vmem>>, vector<16xf32>,
      %swap3A_304 = arith.index_cast %scan3A_285 : i32 to index
      %swap3A_305 = arith.constant 96 : index
      %swap3A_306 = tpu.vector_load %arg15[%swap3A_304, %swap3A_305] {strides = array<i32>} : memref<128x128xf32, #tpu.memory_space<vmem>>, vector<16xf32>,
      tpu.vector_store %arg15[%swap3A_304, %swap3A_305], %broadcast_in_dim3A_1 {strides = array<i32>} : memref<128x128xf32, #tpu.memory_space<vmem>>, vector<16xf32>,
      %swap3A_307 = arith.index_cast %scan3A_285 : i32 to index
      %swap3A_308 = arith.constant 112 : index
      %swap3A_309 = tpu.vector_load %arg15[%swap3A_307, %swap3A_308] {strides = array<i32>} : memref<128x128xf32, #tpu.memory_space<vmem>>, vector<16xf32>,
      tpu.vector_store %arg15[%swap3A_307, %swap3A_308], %broadcast_in_dim3A_1 {strides = array<i32>} : memref<128x128xf32, #tpu.memory_space<vmem>>, vector<16xf32>,
      %scan3A_310 = arith.constant 0 : i32
      scf.yield %scan3A_310 : i32
    }
    %scan3A_15 = arith.constant 128 : i32
    %scan3A_16 = arith.constant 0 : i32
    %scan3A_17 = arith.constant 0 : i32
    %scan3A_18 = arith.constant 8 : i32
    %scan3A_19 = arith.addi %scan3A_17, %scan3A_18 : i32
    %scan3A_20 = arith.constant 1 : i32
    %scan3A_21 = scf.for %scan3A_285 = %scan3A_17 to %scan3A_19 step %scan3A_20 iter_args(%scan3A_286 = %scan3A_16) -> (i32)  : i32 {
      %mul3A_287 = arith.constant 16 : i32
      %mul3A_288 = arith.muli %scan3A_285, %mul3A_287 : i32
      %swap3A = arith.index_cast %mul3A_288 : i32 to index
      %swap3A_289 = tpu.vector_load %arg17[%swap3A] {strides = array<i32>} : memref<128xf32, #tpu.memory_space<vmem>>, vector<16xf32>,
      tpu.vector_store %arg17[%swap3A], %broadcast_in_dim3A_3 {strides = array<i32>} : memref<128xf32, #tpu.memory_space<vmem>>, vector<16xf32>,
      %mul3A_290 = arith.constant 16 : i32
      %mul3A_291 = arith.muli %scan3A_285, %mul3A_290 : i32
      %swap3A_292 = arith.index_cast %mul3A_291 : i32 to index
      %swap3A_293 = tpu.vector_load %arg20[%swap3A_292] {strides = array<i32>} : memref<128xf32, #tpu.memory_space<vmem>>, vector<16xf32>,
      tpu.vector_store %arg20[%swap3A_292], %broadcast_in_dim3A_1 {strides = array<i32>} : memref<128xf32, #tpu.memory_space<vmem>>, vector<16xf32>,
      %scan3A_294 = arith.constant 0 : i32
      scf.yield %scan3A_294 : i32
    }
    %scan3A_22 = arith.constant 8 : i32
    %scan3A_23 = arith.constant 0 : i32
    %scan3A_24 = arith.constant 0 : i32
    %scan3A_25 = arith.constant 17 : i32
    %scan3A_26 = arith.addi %scan3A_24, %scan3A_25 : i32
    %scan3A_27 = arith.constant 1 : i32
    %scan3A_28 = scf.for %scan3A_285 = %scan3A_24 to %scan3A_26 step %scan3A_27 iter_args(%scan3A_286 = %scan3A_23) -> (i32)  : i32 {
      %mul3A_287 = arith.constant 16 : i32
      %mul3A_288 = arith.muli %scan3A_285, %mul3A_287 : i32
      %swap3A = arith.index_cast %mul3A_288 : i32 to index
      %swap3A_289 = tpu.vector_load %arg18[%swap3A] {strides = array<i32>} : memref<272xf32, #tpu.memory_space<vmem>>, vector<16xf32>,
      tpu.vector_store %arg18[%swap3A], %broadcast_in_dim3A_1 {strides = array<i32>} : memref<272xf32, #tpu.memory_space<vmem>>, vector<16xf32>,
      %scan3A_290 = arith.constant 0 : i32
      scf.yield %scan3A_290 : i32
    }
    %scan3A_29 = arith.constant 17 : i32
    %mul3A_30 = arith.constant 264 : i32
    %mul3A_31 = arith.muli %arg1, %mul3A_30 : i32
    "tpu.region"() ({
      %run_scoped3A = tpu.sem_alloc : memref<!tpu.dma_semaphore, #tpu.memory_space<semaphore_mem>>
      %dma_start3A_285 = arith.constant 0 : i32
      %dma_start3A_286 = tpu.memref_slice %arg21[%mul3A_31, %dma_start3A_285] : memref<4224x128xf32, #tpu.memory_space<vmem_shared>> -> memref<128x128xf32, #tpu.memory_space<vmem_shared>>
      %dma_start3A_287 = arith.constant 0 : i32
      %dma_start3A_288 = tpu.memref_slice %arg21[%mul3A_31, %dma_start3A_287] : memref<4224x128xf32, #tpu.memory_space<vmem_shared>> -> memref<128x128xf32, #tpu.memory_space<vmem_shared>>
      tpu.enqueue_dma source(%arg15 : memref<128x128xf32, #tpu.memory_space<vmem>>) target(%dma_start3A_288 : memref<128x128xf32, #tpu.memory_space<vmem_shared>>) target_semaphore(%run_scoped3A : memref<!tpu.dma_semaphore, #tpu.memory_space<semaphore_mem>>)
      %dma_wait3A_289 = arith.constant 0 : i32
      %dma_wait3A_290 = tpu.memref_slice %arg21[%mul3A_31, %dma_wait3A_289] : memref<4224x128xf32, #tpu.memory_space<vmem_shared>> -> memref<128x128xf32, #tpu.memory_space<vmem_shared>>
      %dma_wait3A_291 = arith.constant 0 : i32
      %dma_wait3A_292 = tpu.memref_slice %arg21[%mul3A_31, %dma_wait3A_291] : memref<4224x128xf32, #tpu.memory_space<vmem_shared>> -> memref<128x128xf32, #tpu.memory_space<vmem_shared>>
      tpu.wait_dma2 semaphore(%run_scoped3A : memref<!tpu.dma_semaphore, #tpu.memory_space<semaphore_mem>>) src(%arg15 : memref<128x128xf32, #tpu.memory_space<vmem>>) dst(%dma_wait3A_292 : memref<128x128xf32, #tpu.memory_space<vmem_shared>>)
      tpu.yield
    }) : () -> ()
    %add3A = arith.constant 128 : i32
    %add3A_32 = arith.addi %mul3A_31, %add3A : i32
    "tpu.region"() ({
      %run_scoped3A = tpu.sem_alloc : memref<!tpu.dma_semaphore, #tpu.memory_space<semaphore_mem>>
      %dma_start3A_285 = arith.constant 0 : i32
      %dma_start3A_286 = tpu.memref_slice %arg21[%add3A_32, %dma_start3A_285] : memref<4224x128xf32, #tpu.memory_space<vmem_shared>> -> memref<128x128xf32, #tpu.memory_space<vmem_shared>>
      %dma_start3A_287 = arith.constant 0 : i32
      %dma_start3A_288 = tpu.memref_slice %arg21[%add3A_32, %dma_start3A_287] : memref<4224x128xf32, #tpu.memory_space<vmem_shared>> -> memref<128x128xf32, #tpu.memory_space<vmem_shared>>
      tpu.enqueue_dma source(%arg15 : memref<128x128xf32, #tpu.memory_space<vmem>>) target(%dma_start3A_288 : memref<128x128xf32, #tpu.memory_space<vmem_shared>>) target_semaphore(%run_scoped3A : memref<!tpu.dma_semaphore, #tpu.memory_space<semaphore_mem>>)
      %dma_wait3A_289 = arith.constant 0 : i32
      %dma_wait3A_290 = tpu.memref_slice %arg21[%add3A_32, %dma_wait3A_289] : memref<4224x128xf32, #tpu.memory_space<vmem_shared>> -> memref<128x128xf32, #tpu.memory_space<vmem_shared>>
      %dma_wait3A_291 = arith.constant 0 : i32
      %dma_wait3A_292 = tpu.memref_slice %arg21[%add3A_32, %dma_wait3A_291] : memref<4224x128xf32, #tpu.memory_space<vmem_shared>> -> memref<128x128xf32, #tpu.memory_space<vmem_shared>>
      tpu.wait_dma2 semaphore(%run_scoped3A : memref<!tpu.dma_semaphore, #tpu.memory_space<semaphore_mem>>) src(%arg15 : memref<128x128xf32, #tpu.memory_space<vmem>>) dst(%dma_wait3A_292 : memref<128x128xf32, #tpu.memory_space<vmem_shared>>)
      tpu.yield
    }) : () -> ()
    %add3A_33 = arith.constant 256 : i32
    %add3A_34 = arith.addi %mul3A_31, %add3A_33 : i32
    "tpu.region"() ({
      %run_scoped3A = tpu.sem_alloc : memref<!tpu.dma_semaphore, #tpu.memory_space<semaphore_mem>>
      %dma_start3A_285 = arith.constant 0 : i32
      %dma_start3A_286 = arith.constant 0 : i32
      %dma_start3A_287 = tpu.memref_slice %arg15[%dma_start3A_285, %dma_start3A_286] : memref<128x128xf32, #tpu.memory_space<vmem>> -> memref<8x128xf32, #tpu.memory_space<vmem>>
      %dma_start3A_288 = arith.constant 0 : i32
      %dma_start3A_289 = tpu.memref_slice %arg21[%add3A_34, %dma_start3A_288] : memref<4224x128xf32, #tpu.memory_space<vmem_shared>> -> memref<8x128xf32, #tpu.memory_space<vmem_shared>>
      %dma_start3A_290 = arith.constant 0 : i32
      %dma_start3A_291 = tpu.memref_slice %arg21[%add3A_34, %dma_start3A_290] : memref<4224x128xf32, #tpu.memory_space<vmem_shared>> -> memref<8x128xf32, #tpu.memory_space<vmem_shared>>
      %dma_start3A_292 = arith.constant 0 : i32
      %dma_start3A_293 = arith.constant 0 : i32
      %dma_start3A_294 = tpu.memref_slice %arg15[%dma_start3A_292, %dma_start3A_293] : memref<128x128xf32, #tpu.memory_space<vmem>> -> memref<8x128xf32, #tpu.memory_space<vmem>>
      tpu.enqueue_dma source(%dma_start3A_294 : memref<8x128xf32, #tpu.memory_space<vmem>>) target(%dma_start3A_291 : memref<8x128xf32, #tpu.memory_space<vmem_shared>>) target_semaphore(%run_scoped3A : memref<!tpu.dma_semaphore, #tpu.memory_space<semaphore_mem>>)
      %dma_wait3A_295 = arith.constant 0 : i32
      %dma_wait3A_296 = arith.constant 0 : i32
      %dma_wait3A_297 = tpu.memref_slice %arg15[%dma_wait3A_295, %dma_wait3A_296] : memref<128x128xf32, #tpu.memory_space<vmem>> -> memref<8x128xf32, #tpu.memory_space<vmem>>
      %dma_wait3A_298 = arith.constant 0 : i32
      %dma_wait3A_299 = tpu.memref_slice %arg21[%add3A_34, %dma_wait3A_298] : memref<4224x128xf32, #tpu.memory_space<vmem_shared>> -> memref<8x128xf32, #tpu.memory_space<vmem_shared>>
      %dma_wait3A_300 = arith.constant 0 : i32
      %dma_wait3A_301 = tpu.memref_slice %arg21[%add3A_34, %dma_wait3A_300] : memref<4224x128xf32, #tpu.memory_space<vmem_shared>> -> memref<8x128xf32, #tpu.memory_space<vmem_shared>>
      %dma_wait3A_302 = arith.constant 0 : i32
      %dma_wait3A_303 = arith.constant 0 : i32
      %dma_wait3A_304 = tpu.memref_slice %arg15[%dma_wait3A_302, %dma_wait3A_303] : memref<128x128xf32, #tpu.memory_space<vmem>> -> memref<8x128xf32, #tpu.memory_space<vmem>>
      tpu.wait_dma2 semaphore(%run_scoped3A : memref<!tpu.dma_semaphore, #tpu.memory_space<semaphore_mem>>) src(%dma_wait3A_304 : memref<8x128xf32, #tpu.memory_space<vmem>>) dst(%dma_wait3A_301 : memref<8x128xf32, #tpu.memory_space<vmem_shared>>)
      tpu.yield
    }) : () -> ()
    "tpu.region"() ({
      %run_scoped3A = tpu.sem_alloc : memref<!tpu.dma_semaphore, #tpu.memory_space<semaphore_mem>>
      %dma_start3A_285 = arith.constant 0 : i32
      %dma_start3A_286 = tpu.memref_slice %arg18[%dma_start3A_285] : memref<272xf32, #tpu.memory_space<vmem>> -> memref<264xf32, #tpu.memory_space<vmem>>
      %dma_start3A_287 = tpu.memref_slice %arg22[%mul3A_31] : memref<4224xf32, #tpu.memory_space<vmem_shared>> -> memref<264xf32, #tpu.memory_space<vmem_shared>>
      %dma_start3A_288 = tpu.memref_slice %arg22[%mul3A_31] : memref<4224xf32, #tpu.memory_space<vmem_shared>> -> memref<264xf32, #tpu.memory_space<vmem_shared>>
      %dma_start3A_289 = arith.constant 0 : i32
      %dma_start3A_290 = tpu.memref_slice %arg18[%dma_start3A_289] : memref<272xf32, #tpu.memory_space<vmem>> -> memref<264xf32, #tpu.memory_space<vmem>>
      tpu.enqueue_dma source(%dma_start3A_290 : memref<264xf32, #tpu.memory_space<vmem>>) target(%dma_start3A_288 : memref<264xf32, #tpu.memory_space<vmem_shared>>) target_semaphore(%run_scoped3A : memref<!tpu.dma_semaphore, #tpu.memory_space<semaphore_mem>>)
      %dma_wait3A_291 = arith.constant 0 : i32
      %dma_wait3A_292 = tpu.memref_slice %arg18[%dma_wait3A_291] : memref<272xf32, #tpu.memory_space<vmem>> -> memref<264xf32, #tpu.memory_space<vmem>>
      %dma_wait3A_293 = tpu.memref_slice %arg22[%mul3A_31] : memref<4224xf32, #tpu.memory_space<vmem_shared>> -> memref<264xf32, #tpu.memory_space<vmem_shared>>
      %dma_wait3A_294 = tpu.memref_slice %arg22[%mul3A_31] : memref<4224xf32, #tpu.memory_space<vmem_shared>> -> memref<264xf32, #tpu.memory_space<vmem_shared>>
      %dma_wait3A_295 = arith.constant 0 : i32
      %dma_wait3A_296 = tpu.memref_slice %arg18[%dma_wait3A_295] : memref<272xf32, #tpu.memory_space<vmem>> -> memref<264xf32, #tpu.memory_space<vmem>>
      tpu.wait_dma2 semaphore(%run_scoped3A : memref<!tpu.dma_semaphore, #tpu.memory_space<semaphore_mem>>) src(%dma_wait3A_296 : memref<264xf32, #tpu.memory_space<vmem>>) dst(%dma_wait3A_294 : memref<264xf32, #tpu.memory_space<vmem_shared>>)
      tpu.yield
    }) : () -> ()
    %broadcast_in_dim3A_35 = arith.constant -1 : i32
    %broadcast_in_dim3A_36 = vector.broadcast %broadcast_in_dim3A_35 : i32 to vector<16xi32>
    %scan3A_37 = arith.constant 0 : i32
    %scan3A_38 = arith.constant 0 : i32
    %scan3A_39 = arith.constant 125 : i32
    %scan3A_40 = arith.addi %scan3A_38, %scan3A_39 : i32
    %scan3A_41 = arith.constant 1 : i32
    %scan3A_42 = scf.for %scan3A_285 = %scan3A_38 to %scan3A_40 step %scan3A_41 iter_args(%scan3A_286 = %scan3A_37) -> (i32)  : i32 {
      %mul3A_287 = arith.constant 5 : i32
      %mul3A_288 = arith.muli %scan3A_285, %mul3A_287 : i32
      %add3A_289 = arith.constant 0 : i32
      %add3A_290 = arith.addi %mul3A_288, %add3A_289 : i32
      %mul3A_291 = arith.constant 16 : i32
      %mul3A_292 = arith.muli %add3A_290, %mul3A_291 : i32
      %swap3A = arith.index_cast %mul3A_292 : i32 to index
      %swap3A_293 = tpu.vector_load %arg9[%swap3A] {strides = array<i32>} : memref<10000xi32, #tpu.memory_space<vmem>>, vector<16xi32>,
      tpu.vector_store %arg9[%swap3A], %broadcast_in_dim3A_36 {strides = array<i32>} : memref<10000xi32, #tpu.memory_space<vmem>>, vector<16xi32>,
      %mul3A_294 = arith.constant 5 : i32
      %mul3A_295 = arith.muli %scan3A_285, %mul3A_294 : i32
      %add3A_296 = arith.constant 1 : i32
      %add3A_297 = arith.addi %mul3A_295, %add3A_296 : i32
      %mul3A_298 = arith.constant 16 : i32
      %mul3A_299 = arith.muli %add3A_297, %mul3A_298 : i32
      %swap3A_300 = arith.index_cast %mul3A_299 : i32 to index
      %swap3A_301 = tpu.vector_load %arg9[%swap3A_300] {strides = array<i32>} : memref<10000xi32, #tpu.memory_space<vmem>>, vector<16xi32>,
      tpu.vector_store %arg9[%swap3A_300], %broadcast_in_dim3A_36 {strides = array<i32>} : memref<10000xi32, #tpu.memory_space<vmem>>, vector<16xi32>,
      %mul3A_302 = arith.constant 5 : i32
      %mul3A_303 = arith.muli %scan3A_285, %mul3A_302 : i32
      %add3A_304 = arith.constant 2 : i32
      %add3A_305 = arith.addi %mul3A_303, %add3A_304 : i32
      %mul3A_306 = arith.constant 16 : i32
      %mul3A_307 = arith.muli %add3A_305, %mul3A_306 : i32
      %swap3A_308 = arith.index_cast %mul3A_307 : i32 to index
      %swap3A_309 = tpu.vector_load %arg9[%swap3A_308] {strides = array<i32>} : memref<10000xi32, #tpu.memory_space<vmem>>, vector<16xi32>,
      tpu.vector_store %arg9[%swap3A_308], %broadcast_in_dim3A_36 {strides = array<i32>} : memref<10000xi32, #tpu.memory_space<vmem>>, vector<16xi32>,
      %mul3A_310 = arith.constant 5 : i32
      %mul3A_311 = arith.muli %scan3A_285, %mul3A_310 : i32
      %add3A_312 = arith.constant 3 : i32
      %add3A_313 = arith.addi %mul3A_311, %add3A_312 : i32
      %mul3A_314 = arith.constant 16 : i32
      %mul3A_315 = arith.muli %add3A_313, %mul3A_314 : i32
      %swap3A_316 = arith.index_cast %mul3A_315 : i32 to index
      %swap3A_317 = tpu.vector_load %arg9[%swap3A_316] {strides = array<i32>} : memref<10000xi32, #tpu.memory_space<vmem>>, vector<16xi32>,
      tpu.vector_store %arg9[%swap3A_316], %broadcast_in_dim3A_36 {strides = array<i32>} : memref<10000xi32, #tpu.memory_space<vmem>>, vector<16xi32>,
      %mul3A_318 = arith.constant 5 : i32
      %mul3A_319 = arith.muli %scan3A_285, %mul3A_318 : i32
      %add3A_320 = arith.constant 4 : i32
      %add3A_321 = arith.addi %mul3A_319, %add3A_320 : i32
      %mul3A_322 = arith.constant 16 : i32
      %mul3A_323 = arith.muli %add3A_321, %mul3A_322 : i32
      %swap3A_324 = arith.index_cast %mul3A_323 : i32 to index
      %swap3A_325 = tpu.vector_load %arg9[%swap3A_324] {strides = array<i32>} : memref<10000xi32, #tpu.memory_space<vmem>>, vector<16xi32>,
      tpu.vector_store %arg9[%swap3A_324], %broadcast_in_dim3A_36 {strides = array<i32>} : memref<10000xi32, #tpu.memory_space<vmem>>, vector<16xi32>,
      %scan3A_326 = arith.constant 0 : i32
      scf.yield %scan3A_326 : i32
    }
    %scan3A_43 = arith.constant 125 : i32
    %scan3A_44 = arith.constant 0 : i32
    %scan3A_45 = arith.constant 0 : i32
    %scan3A_46 = arith.constant 64 : i32
    %scan3A_47 = arith.addi %scan3A_45, %scan3A_46 : i32
    %scan3A_48 = arith.constant 1 : i32
    %scan3A_49 = scf.for %scan3A_285 = %scan3A_45 to %scan3A_47 step %scan3A_48 iter_args(%scan3A_286 = %scan3A_44) -> (i32)  : i32 {
      %mul3A_287 = arith.constant 4 : i32
      %mul3A_288 = arith.muli %scan3A_285, %mul3A_287 : i32
      %add3A_289 = arith.constant 0 : i32
      %add3A_290 = arith.addi %mul3A_288, %add3A_289 : i32
      %mul3A_291 = arith.constant 16 : i32
      %mul3A_292 = arith.muli %add3A_290, %mul3A_291 : i32
      %get3A = arith.index_cast %mul3A_292 : i32 to index
      %get3A_293 = tpu.vector_load %arg8[%get3A] {strides = array<i32>} : memref<4096xi32, #tpu.memory_space<vmem>>, vector<16xi32>,
      %mul3A_294 = arith.constant 4 : i32
      %mul3A_295 = arith.muli %scan3A_285, %mul3A_294 : i32
      %add3A_296 = arith.constant 0 : i32
      %add3A_297 = arith.addi %mul3A_295, %add3A_296 : i32
      %mul3A_298 = arith.constant 16 : i32
      %mul3A_299 = arith.muli %add3A_297, %mul3A_298 : i32
      %add3A_300 = vector.broadcast %mul3A_299 : i32 to vector<16xi32>
      %add3A_301 = arith.addi %add3A_300, %iota3A : vector<16xi32>
      tpu.vector_store_idx %arg9[%get3A_293], %add3A_301 : memref<10000xi32, #tpu.memory_space<vmem>>[vector<16xi32>], vector<16xi32>,
      %mul3A_302 = arith.constant 4 : i32
      %mul3A_303 = arith.muli %scan3A_285, %mul3A_302 : i32
      %add3A_304 = arith.constant 1 : i32
      %add3A_305 = arith.addi %mul3A_303, %add3A_304 : i32
      %mul3A_306 = arith.constant 16 : i32
      %mul3A_307 = arith.muli %add3A_305, %mul3A_306 : i32
      %get3A_308 = arith.index_cast %mul3A_307 : i32 to index
      %get3A_309 = tpu.vector_load %arg8[%get3A_308] {strides = array<i32>} : memref<4096xi32, #tpu.memory_space<vmem>>, vector<16xi32>,
      %mul3A_310 = arith.constant 4 : i32
      %mul3A_311 = arith.muli %scan3A_285, %mul3A_310 : i32
      %add3A_312 = arith.constant 1 : i32
      %add3A_313 = arith.addi %mul3A_311, %add3A_312 : i32
      %mul3A_314 = arith.constant 16 : i32
      %mul3A_315 = arith.muli %add3A_313, %mul3A_314 : i32
      %add3A_316 = vector.broadcast %mul3A_315 : i32 to vector<16xi32>
      %add3A_317 = arith.addi %add3A_316, %iota3A : vector<16xi32>
      tpu.vector_store_idx %arg9[%get3A_309], %add3A_317 : memref<10000xi32, #tpu.memory_space<vmem>>[vector<16xi32>], vector<16xi32>,
      %mul3A_318 = arith.constant 4 : i32
      %mul3A_319 = arith.muli %scan3A_285, %mul3A_318 : i32
      %add3A_320 = arith.constant 2 : i32
      %add3A_321 = arith.addi %mul3A_319, %add3A_320 : i32
      %mul3A_322 = arith.constant 16 : i32
      %mul3A_323 = arith.muli %add3A_321, %mul3A_322 : i32
      %get3A_324 = arith.index_cast %mul3A_323 : i32 to index
      %get3A_325 = tpu.vector_load %arg8[%get3A_324] {strides = array<i32>} : memref<4096xi32, #tpu.memory_space<vmem>>, vector<16xi32>,
      %mul3A_326 = arith.constant 4 : i32
      %mul3A_327 = arith.muli %scan3A_285, %mul3A_326 : i32
      %add3A_328 = arith.constant 2 : i32
      %add3A_329 = arith.addi %mul3A_327, %add3A_328 : i32
      %mul3A_330 = arith.constant 16 : i32
      %mul3A_331 = arith.muli %add3A_329, %mul3A_330 : i32
      %add3A_332 = vector.broadcast %mul3A_331 : i32 to vector<16xi32>
      %add3A_333 = arith.addi %add3A_332, %iota3A : vector<16xi32>
      tpu.vector_store_idx %arg9[%get3A_325], %add3A_333 : memref<10000xi32, #tpu.memory_space<vmem>>[vector<16xi32>], vector<16xi32>,
      %mul3A_334 = arith.constant 4 : i32
      %mul3A_335 = arith.muli %scan3A_285, %mul3A_334 : i32
      %add3A_336 = arith.constant 3 : i32
      %add3A_337 = arith.addi %mul3A_335, %add3A_336 : i32
      %mul3A_338 = arith.constant 16 : i32
      %mul3A_339 = arith.muli %add3A_337, %mul3A_338 : i32
      %get3A_340 = arith.index_cast %mul3A_339 : i32 to index
      %get3A_341 = tpu.vector_load %arg8[%get3A_340] {strides = array<i32>} : memref<4096xi32, #tpu.memory_space<vmem>>, vector<16xi32>,
      %mul3A_342 = arith.constant 4 : i32
      %mul3A_343 = arith.muli %scan3A_285, %mul3A_342 : i32
      %add3A_344 = arith.constant 3 : i32
      %add3A_345 = arith.addi %mul3A_343, %add3A_344 : i32
      %mul3A_346 = arith.constant 16 : i32
      %mul3A_347 = arith.muli %add3A_345, %mul3A_346 : i32
      %add3A_348 = vector.broadcast %mul3A_347 : i32 to vector<16xi32>
      %add3A_349 = arith.addi %add3A_348, %iota3A : vector<16xi32>
      tpu.vector_store_idx %arg9[%get3A_341], %add3A_349 : memref<10000xi32, #tpu.memory_space<vmem>>[vector<16xi32>], vector<16xi32>,
      %scan3A_350 = arith.constant 0 : i32
      scf.yield %scan3A_350 : i32
    }
    %scan3A_50 = arith.constant 64 : i32
    %barrier3A = arith.constant 0 : index
    tpu.barrier barrier_id(%barrier3A)
    "tpu.trace_stop"() : () -> ()
    "tpu.trace_start"() <{level = 10 : i32, message = "pA_filter"}> : () -> ()
    %dma_wait3A = arith.constant 0 : i32
    %dma_wait3A_51 = arith.constant 0 : i32
    %dma_wait3A_52 = tpu.memref_slice %arg3[%dma_wait3A, %dma_wait3A_51] : memref<2x160000xi32, #tpu.memory_space<hbm>> -> memref<2x2048xi32, #tpu.memory_space<hbm>>
    %dma_wait3A_53 = arith.constant 0 : i32
    %dma_wait3A_54 = arith.constant 0 : i32
    %dma_wait3A_55 = tpu.memref_slice %arg3[%dma_wait3A_53, %dma_wait3A_54] : memref<2x160000xi32, #tpu.memory_space<hbm>> -> memref<2x2048xi32, #tpu.memory_space<hbm>>
    tpu.wait_dma2 semaphore(%arg25 : memref<!tpu.dma_semaphore, #tpu.memory_space<semaphore_mem>>) src(%dma_wait3A_55 : memref<2x2048xi32, #tpu.memory_space<hbm>>) dst(%arg10 : memref<2x2048xi32, #tpu.memory_space<vmem>>)
    %add3A_56 = arith.constant 2048 : i32
    %add3A_57 = arith.addi %multiple_of3A_6, %add3A_56 : i32
    %multiple_of3A_58 = tpu.assume_multiple %add3A_57, 128 : i32
    %dma_start3A_59 = arith.constant 0 : i32
    %dma_start3A_60 = tpu.memref_slice %arg3[%dma_start3A_59, %multiple_of3A_58] : memref<2x160000xi32, #tpu.memory_space<hbm>> -> memref<2x2048xi32, #tpu.memory_space<hbm>>
    %dma_start3A_61 = arith.constant 0 : i32
    %dma_start3A_62 = tpu.memref_slice %arg3[%dma_start3A_61, %multiple_of3A_58] : memref<2x160000xi32, #tpu.memory_space<hbm>> -> memref<2x2048xi32, #tpu.memory_space<hbm>>
    tpu.enqueue_dma source(%dma_start3A_62 : memref<2x2048xi32, #tpu.memory_space<hbm>>) target(%arg11 : memref<2x2048xi32, #tpu.memory_space<vmem>>) target_semaphore(%arg26 : memref<!tpu.dma_semaphore, #tpu.memory_space<semaphore_mem>>)
    %scan3A_63 = arith.constant 0 : i32
    %scan3A_64 = arith.constant 0 : i32
    %scan3A_65 = arith.constant 32 : i32
    %scan3A_66 = arith.addi %scan3A_64, %scan3A_65 : i32
    %scan3A_67 = arith.constant 1 : i32
    %scan3A_68 = scf.for %scan3A_285 = %scan3A_64 to %scan3A_66 step %scan3A_67 iter_args(%scan3A_286 = %scan3A_63) -> (i32)  : i32 {
      %mul3A_287 = arith.constant 4 : i32
      %mul3A_288 = arith.muli %scan3A_285, %mul3A_287 : i32
      %add3A_289 = arith.constant 0 : i32
      %add3A_290 = arith.addi %mul3A_288, %add3A_289 : i32
      %mul3A_291 = arith.constant 16 : i32
      %mul3A_292 = arith.muli %add3A_290, %mul3A_291 : i32
      %get3A = arith.constant 0 : i32
      %get3A_293 = arith.index_cast %get3A : i32 to index
      %get3A_294 = arith.index_cast %mul3A_292 : i32 to index
      %get3A_295 = tpu.vector_load %arg10[%get3A_293, %get3A_294] {strides = array<i32>} : memref<2x2048xi32, #tpu.memory_space<vmem>>, vector<16xi32>,
      %mul3A_296 = arith.constant 4 : i32
      %mul3A_297 = arith.muli %scan3A_285, %mul3A_296 : i32
      %add3A_298 = arith.constant 0 : i32
      %add3A_299 = arith.addi %mul3A_297, %add3A_298 : i32
      %mul3A_300 = arith.constant 16 : i32
      %mul3A_301 = arith.muli %add3A_299, %mul3A_300 : i32
      %get3A_302 = arith.constant 1 : i32
      %get3A_303 = arith.index_cast %get3A_302 : i32 to index
      %get3A_304 = arith.index_cast %mul3A_301 : i32 to index
      %get3A_305 = tpu.vector_load %arg10[%get3A_303, %get3A_304] {strides = array<i32>} : memref<2x2048xi32, #tpu.memory_space<vmem>>, vector<16xi32>,
      %gather3A = tpu.vector_load_idx %arg9[%get3A_305] : memref<10000xi32, #tpu.memory_space<vmem>>[vector<16xi32>], vector<16xi32>,
      %ge3A = arith.constant 0 : i32
      %ge3A_306 = vector.broadcast %ge3A : i32 to vector<16xi32>
      %ge3A_307 = arith.cmpi sge, %gather3A, %ge3A_306 : vector<16xi32>
      %swap3A = arith.index_cast %scan3A_286 : i32 to index
      %swap3A_308 = tpu.vector_load %arg12[%swap3A] masked %ge3A_307 {strides = array<i32>} : memref<10240xi32, #tpu.memory_space<vmem>>, vector<16xi32>, vector<16xi1>
      tpu.vector_store %arg12[%swap3A], %get3A_295 masked %ge3A_307 {strides = array<i32>} : memref<10240xi32, #tpu.memory_space<vmem>>, vector<16xi32>, vector<16xi1>
      %swap3A_309 = arith.index_cast %scan3A_286 : i32 to index
      %swap3A_310 = tpu.vector_load %arg13[%swap3A_309] masked %ge3A_307 {strides = array<i32>} : memref<10240xi32, #tpu.memory_space<vmem>>, vector<16xi32>, vector<16xi1>
      tpu.vector_store %arg13[%swap3A_309], %gather3A masked %ge3A_307 {strides = array<i32>} : memref<10240xi32, #tpu.memory_space<vmem>>, vector<16xi32>, vector<16xi1>
      %jit3A_311 = arith.constant 1 : i32
      %jit3A_312 = arith.constant 0 : i32
      %broadcast_in_dim3A_313 = vector.broadcast %jit3A_311 : i32 to vector<16xi32>
      %broadcast_in_dim3A_314 = vector.broadcast %jit3A_312 : i32 to vector<16xi32>
      %select_n3A_315 = arith.select %ge3A_307, %broadcast_in_dim3A_313, %broadcast_in_dim3A_314 : vector<16xi1>, vector<16xi32>
      %reduce_sum3A = arith.constant true
      %reduce_sum3A_316 = vector.broadcast %reduce_sum3A : i1 to vector<16xi1>
      %reduce_sum3A_317 = tpu.scan <sum>, %select_n3A_315 masked %reduce_sum3A_316 : vector<16xi32>, vector<16xi1> -> vector<16xi32>
      %reduce_sum3A_318 = vector.extract %reduce_sum3A_317[15] : i32 from vector<16xi32>
      %add3A_319 = arith.addi %scan3A_286, %reduce_sum3A_318 : i32
      %mul3A_320 = arith.constant 4 : i32
      %mul3A_321 = arith.muli %scan3A_285, %mul3A_320 : i32
      %add3A_322 = arith.constant 1 : i32
      %add3A_323 = arith.addi %mul3A_321, %add3A_322 : i32
      %mul3A_324 = arith.constant 16 : i32
      %mul3A_325 = arith.muli %add3A_323, %mul3A_324 : i32
      %get3A_326 = arith.constant 0 : i32
      %get3A_327 = arith.index_cast %get3A_326 : i32 to index
      %get3A_328 = arith.index_cast %mul3A_325 : i32 to index
      %get3A_329 = tpu.vector_load %arg10[%get3A_327, %get3A_328] {strides = array<i32>} : memref<2x2048xi32, #tpu.memory_space<vmem>>, vector<16xi32>,
      %mul3A_330 = arith.constant 4 : i32
      %mul3A_331 = arith.muli %scan3A_285, %mul3A_330 : i32
      %add3A_332 = arith.constant 1 : i32
      %add3A_333 = arith.addi %mul3A_331, %add3A_332 : i32
      %mul3A_334 = arith.constant 16 : i32
      %mul3A_335 = arith.muli %add3A_333, %mul3A_334 : i32
      %get3A_336 = arith.constant 1 : i32
      %get3A_337 = arith.index_cast %get3A_336 : i32 to index
      %get3A_338 = arith.index_cast %mul3A_335 : i32 to index
      %get3A_339 = tpu.vector_load %arg10[%get3A_337, %get3A_338] {strides = array<i32>} : memref<2x2048xi32, #tpu.memory_space<vmem>>, vector<16xi32>,
      %gather3A_340 = tpu.vector_load_idx %arg9[%get3A_339] : memref<10000xi32, #tpu.memory_space<vmem>>[vector<16xi32>], vector<16xi32>,
      %ge3A_341 = arith.constant 0 : i32
      %ge3A_342 = vector.broadcast %ge3A_341 : i32 to vector<16xi32>
      %ge3A_343 = arith.cmpi sge, %gather3A_340, %ge3A_342 : vector<16xi32>
      %swap3A_344 = arith.index_cast %add3A_319 : i32 to index
      %swap3A_345 = tpu.vector_load %arg12[%swap3A_344] masked %ge3A_343 {strides = array<i32>} : memref<10240xi32, #tpu.memory_space<vmem>>, vector<16xi32>, vector<16xi1>
      tpu.vector_store %arg12[%swap3A_344], %get3A_329 masked %ge3A_343 {strides = array<i32>} : memref<10240xi32, #tpu.memory_space<vmem>>, vector<16xi32>, vector<16xi1>
      %swap3A_346 = arith.index_cast %add3A_319 : i32 to index
      %swap3A_347 = tpu.vector_load %arg13[%swap3A_346] masked %ge3A_343 {strides = array<i32>} : memref<10240xi32, #tpu.memory_space<vmem>>, vector<16xi32>, vector<16xi1>
      tpu.vector_store %arg13[%swap3A_346], %gather3A_340 masked %ge3A_343 {strides = array<i32>} : memref<10240xi32, #tpu.memory_space<vmem>>, vector<16xi32>, vector<16xi1>
      %jit3A_348 = arith.constant 1 : i32
      %jit3A_349 = arith.constant 0 : i32
      %broadcast_in_dim3A_350 = vector.broadcast %jit3A_348 : i32 to vector<16xi32>
      %broadcast_in_dim3A_351 = vector.broadcast %jit3A_349 : i32 to vector<16xi32>
      %select_n3A_352 = arith.select %ge3A_343, %broadcast_in_dim3A_350, %broadcast_in_dim3A_351 : vector<16xi1>, vector<16xi32>
      %reduce_sum3A_353 = arith.constant true
      %reduce_sum3A_354 = vector.broadcast %reduce_sum3A_353 : i1 to vector<16xi1>
      %reduce_sum3A_355 = tpu.scan <sum>, %select_n3A_352 masked %reduce_sum3A_354 : vector<16xi32>, vector<16xi1> -> vector<16xi32>
      %reduce_sum3A_356 = vector.extract %reduce_sum3A_355[15] : i32 from vector<16xi32>
      %add3A_357 = arith.addi %add3A_319, %reduce_sum3A_356 : i32
      %mul3A_358 = arith.constant 4 : i32
      %mul3A_359 = arith.muli %scan3A_285, %mul3A_358 : i32
      %add3A_360 = arith.constant 2 : i32
      %add3A_361 = arith.addi %mul3A_359, %add3A_360 : i32
      %mul3A_362 = arith.constant 16 : i32
      %mul3A_363 = arith.muli %add3A_361, %mul3A_362 : i32
      %get3A_364 = arith.constant 0 : i32
      %get3A_365 = arith.index_cast %get3A_364 : i32 to index
      %get3A_366 = arith.index_cast %mul3A_363 : i32 to index
      %get3A_367 = tpu.vector_load %arg10[%get3A_365, %get3A_366] {strides = array<i32>} : memref<2x2048xi32, #tpu.memory_space<vmem>>, vector<16xi32>,
      %mul3A_368 = arith.constant 4 : i32
      %mul3A_369 = arith.muli %scan3A_285, %mul3A_368 : i32
      %add3A_370 = arith.constant 2 : i32
      %add3A_371 = arith.addi %mul3A_369, %add3A_370 : i32
      %mul3A_372 = arith.constant 16 : i32
      %mul3A_373 = arith.muli %add3A_371, %mul3A_372 : i32
      %get3A_374 = arith.constant 1 : i32
      %get3A_375 = arith.index_cast %get3A_374 : i32 to index
      %get3A_376 = arith.index_cast %mul3A_373 : i32 to index
      %get3A_377 = tpu.vector_load %arg10[%get3A_375, %get3A_376] {strides = array<i32>} : memref<2x2048xi32, #tpu.memory_space<vmem>>, vector<16xi32>,
      %gather3A_378 = tpu.vector_load_idx %arg9[%get3A_377] : memref<10000xi32, #tpu.memory_space<vmem>>[vector<16xi32>], vector<16xi32>,
      %ge3A_379 = arith.constant 0 : i32
      %ge3A_380 = vector.broadcast %ge3A_379 : i32 to vector<16xi32>
      %ge3A_381 = arith.cmpi sge, %gather3A_378, %ge3A_380 : vector<16xi32>
      %swap3A_382 = arith.index_cast %add3A_357 : i32 to index
      %swap3A_383 = tpu.vector_load %arg12[%swap3A_382] masked %ge3A_381 {strides = array<i32>} : memref<10240xi32, #tpu.memory_space<vmem>>, vector<16xi32>, vector<16xi1>
      tpu.vector_store %arg12[%swap3A_382], %get3A_367 masked %ge3A_381 {strides = array<i32>} : memref<10240xi32, #tpu.memory_space<vmem>>, vector<16xi32>, vector<16xi1>
      %swap3A_384 = arith.index_cast %add3A_357 : i32 to index
      %swap3A_385 = tpu.vector_load %arg13[%swap3A_384] masked %ge3A_381 {strides = array<i32>} : memref<10240xi32, #tpu.memory_space<vmem>>, vector<16xi32>, vector<16xi1>
      tpu.vector_store %arg13[%swap3A_384], %gather3A_378 masked %ge3A_381 {strides = array<i32>} : memref<10240xi32, #tpu.memory_space<vmem>>, vector<16xi32>, vector<16xi1>
      %jit3A_386 = arith.constant 1 : i32
      %jit3A_387 = arith.constant 0 : i32
      %broadcast_in_dim3A_388 = vector.broadcast %jit3A_386 : i32 to vector<16xi32>
      %broadcast_in_dim3A_389 = vector.broadcast %jit3A_387 : i32 to vector<16xi32>
      %select_n3A_390 = arith.select %ge3A_381, %broadcast_in_dim3A_388, %broadcast_in_dim3A_389 : vector<16xi1>, vector<16xi32>
      %reduce_sum3A_391 = arith.constant true
      %reduce_sum3A_392 = vector.broadcast %reduce_sum3A_391 : i1 to vector<16xi1>
      %reduce_sum3A_393 = tpu.scan <sum>, %select_n3A_390 masked %reduce_sum3A_392 : vector<16xi32>, vector<16xi1> -> vector<16xi32>
      %reduce_sum3A_394 = vector.extract %reduce_sum3A_393[15] : i32 from vector<16xi32>
      %add3A_395 = arith.addi %add3A_357, %reduce_sum3A_394 : i32
      %mul3A_396 = arith.constant 4 : i32
      %mul3A_397 = arith.muli %scan3A_285, %mul3A_396 : i32
      %add3A_398 = arith.constant 3 : i32
      %add3A_399 = arith.addi %mul3A_397, %add3A_398 : i32
      %mul3A_400 = arith.constant 16 : i32
      %mul3A_401 = arith.muli %add3A_399, %mul3A_400 : i32
      %get3A_402 = arith.constant 0 : i32
      %get3A_403 = arith.index_cast %get3A_402 : i32 to index
      %get3A_404 = arith.index_cast %mul3A_401 : i32 to index
      %get3A_405 = tpu.vector_load %arg10[%get3A_403, %get3A_404] {strides = array<i32>} : memref<2x2048xi32, #tpu.memory_space<vmem>>, vector<16xi32>,
      %mul3A_406 = arith.constant 4 : i32
      %mul3A_407 = arith.muli %scan3A_285, %mul3A_406 : i32
      %add3A_408 = arith.constant 3 : i32
      %add3A_409 = arith.addi %mul3A_407, %add3A_408 : i32
      %mul3A_410 = arith.constant 16 : i32
      %mul3A_411 = arith.muli %add3A_409, %mul3A_410 : i32
      %get3A_412 = arith.constant 1 : i32
      %get3A_413 = arith.index_cast %get3A_412 : i32 to index
      %get3A_414 = arith.index_cast %mul3A_411 : i32 to index
      %get3A_415 = tpu.vector_load %arg10[%get3A_413, %get3A_414] {strides = array<i32>} : memref<2x2048xi32, #tpu.memory_space<vmem>>, vector<16xi32>,
      %gather3A_416 = tpu.vector_load_idx %arg9[%get3A_415] : memref<10000xi32, #tpu.memory_space<vmem>>[vector<16xi32>], vector<16xi32>,
      %ge3A_417 = arith.constant 0 : i32
      %ge3A_418 = vector.broadcast %ge3A_417 : i32 to vector<16xi32>
      %ge3A_419 = arith.cmpi sge, %gather3A_416, %ge3A_418 : vector<16xi32>
      %swap3A_420 = arith.index_cast %add3A_395 : i32 to index
      %swap3A_421 = tpu.vector_load %arg12[%swap3A_420] masked %ge3A_419 {strides = array<i32>} : memref<10240xi32, #tpu.memory_space<vmem>>, vector<16xi32>, vector<16xi1>
      tpu.vector_store %arg12[%swap3A_420], %get3A_405 masked %ge3A_419 {strides = array<i32>} : memref<10240xi32, #tpu.memory_space<vmem>>, vector<16xi32>, vector<16xi1>
      %swap3A_422 = arith.index_cast %add3A_395 : i32 to index
      %swap3A_423 = tpu.vector_load %arg13[%swap3A_422] masked %ge3A_419 {strides = array<i32>} : memref<10240xi32, #tpu.memory_space<vmem>>, vector<16xi32>, vector<16xi1>
      tpu.vector_store %arg13[%swap3A_422], %gather3A_416 masked %ge3A_419 {strides = array<i32>} : memref<10240xi32, #tpu.memory_space<vmem>>, vector<16xi32>, vector<16xi1>
      %jit3A_424 = arith.constant 1 : i32
      %jit3A_425 = arith.constant 0 : i32
      %broadcast_in_dim3A_426 = vector.broadcast %jit3A_424 : i32 to vector<16xi32>
      %broadcast_in_dim3A_427 = vector.broadcast %jit3A_425 : i32 to vector<16xi32>
      %select_n3A_428 = arith.select %ge3A_419, %broadcast_in_dim3A_426, %broadcast_in_dim3A_427 : vector<16xi1>, vector<16xi32>
      %reduce_sum3A_429 = arith.constant true
      %reduce_sum3A_430 = vector.broadcast %reduce_sum3A_429 : i1 to vector<16xi1>
      %reduce_sum3A_431 = tpu.scan <sum>, %select_n3A_428 masked %reduce_sum3A_430 : vector<16xi32>, vector<16xi1> -> vector<16xi32>
      %reduce_sum3A_432 = vector.extract %reduce_sum3A_431[15] : i32 from vector<16xi32>
      %add3A_433 = arith.addi %add3A_395, %reduce_sum3A_432 : i32
      scf.yield %add3A_433 : i32
    }
    %scan3A_69 = arith.constant 32 : i32
    %dma_wait3A_70 = arith.constant 0 : i32
    %dma_wait3A_71 = arith.constant 0 : i32
    %dma_wait3A_72 = tpu.memref_slice %arg3[%dma_wait3A_70, %dma_wait3A_71] : memref<2x160000xi32, #tpu.memory_space<hbm>> -> memref<2x2048xi32, #tpu.memory_space<hbm>>
    %dma_wait3A_73 = arith.constant 0 : i32
    %dma_wait3A_74 = arith.constant 0 : i32
    %dma_wait3A_75 = tpu.memref_slice %arg3[%dma_wait3A_73, %dma_wait3A_74] : memref<2x160000xi32, #tpu.memory_space<hbm>> -> memref<2x2048xi32, #tpu.memory_space<hbm>>
    tpu.wait_dma2 semaphore(%arg26 : memref<!tpu.dma_semaphore, #tpu.memory_space<semaphore_mem>>) src(%dma_wait3A_75 : memref<2x2048xi32, #tpu.memory_space<hbm>>) dst(%arg11 : memref<2x2048xi32, #tpu.memory_space<vmem>>)
    %add3A_76 = arith.constant 4096 : i32
    %add3A_77 = arith.addi %multiple_of3A_6, %add3A_76 : i32
    %multiple_of3A_78 = tpu.assume_multiple %add3A_77, 128 : i32
    %dma_start3A_79 = arith.constant 0 : i32
    %dma_start3A_80 = tpu.memref_slice %arg3[%dma_start3A_79, %multiple_of3A_78] : memref<2x160000xi32, #tpu.memory_space<hbm>> -> memref<2x2048xi32, #tpu.memory_space<hbm>>
    %dma_start3A_81 = arith.constant 0 : i32
    %dma_start3A_82 = tpu.memref_slice %arg3[%dma_start3A_81, %multiple_of3A_78] : memref<2x160000xi32, #tpu.memory_space<hbm>> -> memref<2x2048xi32, #tpu.memory_space<hbm>>
    tpu.enqueue_dma source(%dma_start3A_82 : memref<2x2048xi32, #tpu.memory_space<hbm>>) target(%arg10 : memref<2x2048xi32, #tpu.memory_space<vmem>>) target_semaphore(%arg25 : memref<!tpu.dma_semaphore, #tpu.memory_space<semaphore_mem>>)
    %scan3A_83 = arith.constant 0 : i32
    %scan3A_84 = arith.constant 32 : i32
    %scan3A_85 = arith.addi %scan3A_83, %scan3A_84 : i32
    %scan3A_86 = arith.constant 1 : i32
    %scan3A_87 = scf.for %scan3A_285 = %scan3A_83 to %scan3A_85 step %scan3A_86 iter_args(%scan3A_286 = %scan3A_68) -> (i32)  : i32 {
      %mul3A_287 = arith.constant 4 : i32
      %mul3A_288 = arith.muli %scan3A_285, %mul3A_287 : i32
      %add3A_289 = arith.constant 0 : i32
      %add3A_290 = arith.addi %mul3A_288, %add3A_289 : i32
      %mul3A_291 = arith.constant 16 : i32
      %mul3A_292 = arith.muli %add3A_290, %mul3A_291 : i32
      %get3A = arith.constant 0 : i32
      %get3A_293 = arith.index_cast %get3A : i32 to index
      %get3A_294 = arith.index_cast %mul3A_292 : i32 to index
      %get3A_295 = tpu.vector_load %arg11[%get3A_293, %get3A_294] {strides = array<i32>} : memref<2x2048xi32, #tpu.memory_space<vmem>>, vector<16xi32>,
      %mul3A_296 = arith.constant 4 : i32
      %mul3A_297 = arith.muli %scan3A_285, %mul3A_296 : i32
      %add3A_298 = arith.constant 0 : i32
      %add3A_299 = arith.addi %mul3A_297, %add3A_298 : i32
      %mul3A_300 = arith.constant 16 : i32
      %mul3A_301 = arith.muli %add3A_299, %mul3A_300 : i32
      %get3A_302 = arith.constant 1 : i32
      %get3A_303 = arith.index_cast %get3A_302 : i32 to index
      %get3A_304 = arith.index_cast %mul3A_301 : i32 to index
      %get3A_305 = tpu.vector_load %arg11[%get3A_303, %get3A_304] {strides = array<i32>} : memref<2x2048xi32, #tpu.memory_space<vmem>>, vector<16xi32>,
      %gather3A = tpu.vector_load_idx %arg9[%get3A_305] : memref<10000xi32, #tpu.memory_space<vmem>>[vector<16xi32>], vector<16xi32>,
      %ge3A = arith.constant 0 : i32
      %ge3A_306 = vector.broadcast %ge3A : i32 to vector<16xi32>
      %ge3A_307 = arith.cmpi sge, %gather3A, %ge3A_306 : vector<16xi32>
      %swap3A = arith.index_cast %scan3A_286 : i32 to index
      %swap3A_308 = tpu.vector_load %arg12[%swap3A] masked %ge3A_307 {strides = array<i32>} : memref<10240xi32, #tpu.memory_space<vmem>>, vector<16xi32>, vector<16xi1>
      tpu.vector_store %arg12[%swap3A], %get3A_295 masked %ge3A_307 {strides = array<i32>} : memref<10240xi32, #tpu.memory_space<vmem>>, vector<16xi32>, vector<16xi1>
      %swap3A_309 = arith.index_cast %scan3A_286 : i32 to index
      %swap3A_310 = tpu.vector_load %arg13[%swap3A_309] masked %ge3A_307 {strides = array<i32>} : memref<10240xi32, #tpu.memory_space<vmem>>, vector<16xi32>, vector<16xi1>
      tpu.vector_store %arg13[%swap3A_309], %gather3A masked %ge3A_307 {strides = array<i32>} : memref<10240xi32, #tpu.memory_space<vmem>>, vector<16xi32>, vector<16xi1>
      %jit3A_311 = arith.constant 1 : i32
      %jit3A_312 = arith.constant 0 : i32
      %broadcast_in_dim3A_313 = vector.broadcast %jit3A_311 : i32 to vector<16xi32>
      %broadcast_in_dim3A_314 = vector.broadcast %jit3A_312 : i32 to vector<16xi32>
      %select_n3A_315 = arith.select %ge3A_307, %broadcast_in_dim3A_313, %broadcast_in_dim3A_314 : vector<16xi1>, vector<16xi32>
      %reduce_sum3A = arith.constant true
      %reduce_sum3A_316 = vector.broadcast %reduce_sum3A : i1 to vector<16xi1>
      %reduce_sum3A_317 = tpu.scan <sum>, %select_n3A_315 masked %reduce_sum3A_316 : vector<16xi32>, vector<16xi1> -> vector<16xi32>
      %reduce_sum3A_318 = vector.extract %reduce_sum3A_317[15] : i32 from vector<16xi32>
      %add3A_319 = arith.addi %scan3A_286, %reduce_sum3A_318 : i32
      %mul3A_320 = arith.constant 4 : i32
      %mul3A_321 = arith.muli %scan3A_285, %mul3A_320 : i32
      %add3A_322 = arith.constant 1 : i32
      %add3A_323 = arith.addi %mul3A_321, %add3A_322 : i32
      %mul3A_324 = arith.constant 16 : i32
      %mul3A_325 = arith.muli %add3A_323, %mul3A_324 : i32
      %get3A_326 = arith.constant 0 : i32
      %get3A_327 = arith.index_cast %get3A_326 : i32 to index
      %get3A_328 = arith.index_cast %mul3A_325 : i32 to index
      %get3A_329 = tpu.vector_load %arg11[%get3A_327, %get3A_328] {strides = array<i32>} : memref<2x2048xi32, #tpu.memory_space<vmem>>, vector<16xi32>,
      %mul3A_330 = arith.constant 4 : i32
      %mul3A_331 = arith.muli %scan3A_285, %mul3A_330 : i32
      %add3A_332 = arith.constant 1 : i32
      %add3A_333 = arith.addi %mul3A_331, %add3A_332 : i32
      %mul3A_334 = arith.constant 16 : i32
      %mul3A_335 = arith.muli %add3A_333, %mul3A_334 : i32
      %get3A_336 = arith.constant 1 : i32
      %get3A_337 = arith.index_cast %get3A_336 : i32 to index
      %get3A_338 = arith.index_cast %mul3A_335 : i32 to index
      %get3A_339 = tpu.vector_load %arg11[%get3A_337, %get3A_338] {strides = array<i32>} : memref<2x2048xi32, #tpu.memory_space<vmem>>, vector<16xi32>,
      %gather3A_340 = tpu.vector_load_idx %arg9[%get3A_339] : memref<10000xi32, #tpu.memory_space<vmem>>[vector<16xi32>], vector<16xi32>,
      %ge3A_341 = arith.constant 0 : i32
      %ge3A_342 = vector.broadcast %ge3A_341 : i32 to vector<16xi32>
      %ge3A_343 = arith.cmpi sge, %gather3A_340, %ge3A_342 : vector<16xi32>
      %swap3A_344 = arith.index_cast %add3A_319 : i32 to index
      %swap3A_345 = tpu.vector_load %arg12[%swap3A_344] masked %ge3A_343 {strides = array<i32>} : memref<10240xi32, #tpu.memory_space<vmem>>, vector<16xi32>, vector<16xi1>
      tpu.vector_store %arg12[%swap3A_344], %get3A_329 masked %ge3A_343 {strides = array<i32>} : memref<10240xi32, #tpu.memory_space<vmem>>, vector<16xi32>, vector<16xi1>
      %swap3A_346 = arith.index_cast %add3A_319 : i32 to index
      %swap3A_347 = tpu.vector_load %arg13[%swap3A_346] masked %ge3A_343 {strides = array<i32>} : memref<10240xi32, #tpu.memory_space<vmem>>, vector<16xi32>, vector<16xi1>
      tpu.vector_store %arg13[%swap3A_346], %gather3A_340 masked %ge3A_343 {strides = array<i32>} : memref<10240xi32, #tpu.memory_space<vmem>>, vector<16xi32>, vector<16xi1>
      %jit3A_348 = arith.constant 1 : i32
      %jit3A_349 = arith.constant 0 : i32
      %broadcast_in_dim3A_350 = vector.broadcast %jit3A_348 : i32 to vector<16xi32>
      %broadcast_in_dim3A_351 = vector.broadcast %jit3A_349 : i32 to vector<16xi32>
      %select_n3A_352 = arith.select %ge3A_343, %broadcast_in_dim3A_350, %broadcast_in_dim3A_351 : vector<16xi1>, vector<16xi32>
      %reduce_sum3A_353 = arith.constant true
      %reduce_sum3A_354 = vector.broadcast %reduce_sum3A_353 : i1 to vector<16xi1>
      %reduce_sum3A_355 = tpu.scan <sum>, %select_n3A_352 masked %reduce_sum3A_354 : vector<16xi32>, vector<16xi1> -> vector<16xi32>
      %reduce_sum3A_356 = vector.extract %reduce_sum3A_355[15] : i32 from vector<16xi32>
      %add3A_357 = arith.addi %add3A_319, %reduce_sum3A_356 : i32
      %mul3A_358 = arith.constant 4 : i32
      %mul3A_359 = arith.muli %scan3A_285, %mul3A_358 : i32
      %add3A_360 = arith.constant 2 : i32
      %add3A_361 = arith.addi %mul3A_359, %add3A_360 : i32
      %mul3A_362 = arith.constant 16 : i32
      %mul3A_363 = arith.muli %add3A_361, %mul3A_362 : i32
      %get3A_364 = arith.constant 0 : i32
      %get3A_365 = arith.index_cast %get3A_364 : i32 to index
      %get3A_366 = arith.index_cast %mul3A_363 : i32 to index
      %get3A_367 = tpu.vector_load %arg11[%get3A_365, %get3A_366] {strides = array<i32>} : memref<2x2048xi32, #tpu.memory_space<vmem>>, vector<16xi32>,
      %mul3A_368 = arith.constant 4 : i32
      %mul3A_369 = arith.muli %scan3A_285, %mul3A_368 : i32
      %add3A_370 = arith.constant 2 : i32
      %add3A_371 = arith.addi %mul3A_369, %add3A_370 : i32
      %mul3A_372 = arith.constant 16 : i32
      %mul3A_373 = arith.muli %add3A_371, %mul3A_372 : i32
      %get3A_374 = arith.constant 1 : i32
      %get3A_375 = arith.index_cast %get3A_374 : i32 to index
      %get3A_376 = arith.index_cast %mul3A_373 : i32 to index
      %get3A_377 = tpu.vector_load %arg11[%get3A_375, %get3A_376] {strides = array<i32>} : memref<2x2048xi32, #tpu.memory_space<vmem>>, vector<16xi32>,
      %gather3A_378 = tpu.vector_load_idx %arg9[%get3A_377] : memref<10000xi32, #tpu.memory_space<vmem>>[vector<16xi32>], vector<16xi32>,
      %ge3A_379 = arith.constant 0 : i32
      %ge3A_380 = vector.broadcast %ge3A_379 : i32 to vector<16xi32>
      %ge3A_381 = arith.cmpi sge, %gather3A_378, %ge3A_380 : vector<16xi32>
      %swap3A_382 = arith.index_cast %add3A_357 : i32 to index
      %swap3A_383 = tpu.vector_load %arg12[%swap3A_382] masked %ge3A_381 {strides = array<i32>} : memref<10240xi32, #tpu.memory_space<vmem>>, vector<16xi32>, vector<16xi1>
      tpu.vector_store %arg12[%swap3A_382], %get3A_367 masked %ge3A_381 {strides = array<i32>} : memref<10240xi32, #tpu.memory_space<vmem>>, vector<16xi32>, vector<16xi1>
      %swap3A_384 = arith.index_cast %add3A_357 : i32 to index
      %swap3A_385 = tpu.vector_load %arg13[%swap3A_384] masked %ge3A_381 {strides = array<i32>} : memref<10240xi32, #tpu.memory_space<vmem>>, vector<16xi32>, vector<16xi1>
      tpu.vector_store %arg13[%swap3A_384], %gather3A_378 masked %ge3A_381 {strides = array<i32>} : memref<10240xi32, #tpu.memory_space<vmem>>, vector<16xi32>, vector<16xi1>
      %jit3A_386 = arith.constant 1 : i32
      %jit3A_387 = arith.constant 0 : i32
      %broadcast_in_dim3A_388 = vector.broadcast %jit3A_386 : i32 to vector<16xi32>
      %broadcast_in_dim3A_389 = vector.broadcast %jit3A_387 : i32 to vector<16xi32>
      %select_n3A_390 = arith.select %ge3A_381, %broadcast_in_dim3A_388, %broadcast_in_dim3A_389 : vector<16xi1>, vector<16xi32>
      %reduce_sum3A_391 = arith.constant true
      %reduce_sum3A_392 = vector.broadcast %reduce_sum3A_391 : i1 to vector<16xi1>
      %reduce_sum3A_393 = tpu.scan <sum>, %select_n3A_390 masked %reduce_sum3A_392 : vector<16xi32>, vector<16xi1> -> vector<16xi32>
      %reduce_sum3A_394 = vector.extract %reduce_sum3A_393[15] : i32 from vector<16xi32>
      %add3A_395 = arith.addi %add3A_357, %reduce_sum3A_394 : i32
      %mul3A_396 = arith.constant 4 : i32
      %mul3A_397 = arith.muli %scan3A_285, %mul3A_396 : i32
      %add3A_398 = arith.constant 3 : i32
      %add3A_399 = arith.addi %mul3A_397, %add3A_398 : i32
      %mul3A_400 = arith.constant 16 : i32
      %mul3A_401 = arith.muli %add3A_399, %mul3A_400 : i32
      %get3A_402 = arith.constant 0 : i32
      %get3A_403 = arith.index_cast %get3A_402 : i32 to index
      %get3A_404 = arith.index_cast %mul3A_401 : i32 to index
      %get3A_405 = tpu.vector_load %arg11[%get3A_403, %get3A_404] {strides = array<i32>} : memref<2x2048xi32, #tpu.memory_space<vmem>>, vector<16xi32>,
      %mul3A_406 = arith.constant 4 : i32
      %mul3A_407 = arith.muli %scan3A_285, %mul3A_406 : i32
      %add3A_408 = arith.constant 3 : i32
      %add3A_409 = arith.addi %mul3A_407, %add3A_408 : i32
      %mul3A_410 = arith.constant 16 : i32
      %mul3A_411 = arith.muli %add3A_409, %mul3A_410 : i32
      %get3A_412 = arith.constant 1 : i32
      %get3A_413 = arith.index_cast %get3A_412 : i32 to index
      %get3A_414 = arith.index_cast %mul3A_411 : i32 to index
      %get3A_415 = tpu.vector_load %arg11[%get3A_413, %get3A_414] {strides = array<i32>} : memref<2x2048xi32, #tpu.memory_space<vmem>>, vector<16xi32>,
      %gather3A_416 = tpu.vector_load_idx %arg9[%get3A_415] : memref<10000xi32, #tpu.memory_space<vmem>>[vector<16xi32>], vector<16xi32>,
      %ge3A_417 = arith.constant 0 : i32
      %ge3A_418 = vector.broadcast %ge3A_417 : i32 to vector<16xi32>
      %ge3A_419 = arith.cmpi sge, %gather3A_416, %ge3A_418 : vector<16xi32>
      %swap3A_420 = arith.index_cast %add3A_395 : i32 to index
      %swap3A_421 = tpu.vector_load %arg12[%swap3A_420] masked %ge3A_419 {strides = array<i32>} : memref<10240xi32, #tpu.memory_space<vmem>>, vector<16xi32>, vector<16xi1>
      tpu.vector_store %arg12[%swap3A_420], %get3A_405 masked %ge3A_419 {strides = array<i32>} : memref<10240xi32, #tpu.memory_space<vmem>>, vector<16xi32>, vector<16xi1>
      %swap3A_422 = arith.index_cast %add3A_395 : i32 to index
      %swap3A_423 = tpu.vector_load %arg13[%swap3A_422] masked %ge3A_419 {strides = array<i32>} : memref<10240xi32, #tpu.memory_space<vmem>>, vector<16xi32>, vector<16xi1>
      tpu.vector_store %arg13[%swap3A_422], %gather3A_416 masked %ge3A_419 {strides = array<i32>} : memref<10240xi32, #tpu.memory_space<vmem>>, vector<16xi32>, vector<16xi1>
      %jit3A_424 = arith.constant 1 : i32
      %jit3A_425 = arith.constant 0 : i32
      %broadcast_in_dim3A_426 = vector.broadcast %jit3A_424 : i32 to vector<16xi32>
      %broadcast_in_dim3A_427 = vector.broadcast %jit3A_425 : i32 to vector<16xi32>
      %select_n3A_428 = arith.select %ge3A_419, %broadcast_in_dim3A_426, %broadcast_in_dim3A_427 : vector<16xi1>, vector<16xi32>
      %reduce_sum3A_429 = arith.constant true
      %reduce_sum3A_430 = vector.broadcast %reduce_sum3A_429 : i1 to vector<16xi1>
      %reduce_sum3A_431 = tpu.scan <sum>, %select_n3A_428 masked %reduce_sum3A_430 : vector<16xi32>, vector<16xi1> -> vector<16xi32>
      %reduce_sum3A_432 = vector.extract %reduce_sum3A_431[15] : i32 from vector<16xi32>
      %add3A_433 = arith.addi %add3A_395, %reduce_sum3A_432 : i32
      scf.yield %add3A_433 : i32
    }
    %scan3A_88 = arith.constant 32 : i32
    %dma_wait3A_89 = arith.constant 0 : i32
    %dma_wait3A_90 = arith.constant 0 : i32
    %dma_wait3A_91 = tpu.memref_slice %arg3[%dma_wait3A_89, %dma_wait3A_90] : memref<2x160000xi32, #tpu.memory_space<hbm>> -> memref<2x2048xi32, #tpu.memory_space<hbm>>
    %dma_wait3A_92 = arith.constant 0 : i32
    %dma_wait3A_93 = arith.constant 0 : i32
    %dma_wait3A_94 = tpu.memref_slice %arg3[%dma_wait3A_92, %dma_wait3A_93] : memref<2x160000xi32, #tpu.memory_space<hbm>> -> memref<2x2048xi32, #tpu.memory_space<hbm>>
    tpu.wait_dma2 semaphore(%arg25 : memref<!tpu.dma_semaphore, #tpu.memory_space<semaphore_mem>>) src(%dma_wait3A_94 : memref<2x2048xi32, #tpu.memory_space<hbm>>) dst(%arg10 : memref<2x2048xi32, #tpu.memory_space<vmem>>)
    %add3A_95 = arith.constant 6144 : i32
    %add3A_96 = arith.addi %multiple_of3A_6, %add3A_95 : i32
    %multiple_of3A_97 = tpu.assume_multiple %add3A_96, 128 : i32
    %dma_start3A_98 = arith.constant 0 : i32
    %dma_start3A_99 = tpu.memref_slice %arg3[%dma_start3A_98, %multiple_of3A_97] : memref<2x160000xi32, #tpu.memory_space<hbm>> -> memref<2x2048xi32, #tpu.memory_space<hbm>>
    %dma_start3A_100 = arith.constant 0 : i32
    %dma_start3A_101 = tpu.memref_slice %arg3[%dma_start3A_100, %multiple_of3A_97] : memref<2x160000xi32, #tpu.memory_space<hbm>> -> memref<2x2048xi32, #tpu.memory_space<hbm>>
    tpu.enqueue_dma source(%dma_start3A_101 : memref<2x2048xi32, #tpu.memory_space<hbm>>) target(%arg11 : memref<2x2048xi32, #tpu.memory_space<vmem>>) target_semaphore(%arg26 : memref<!tpu.dma_semaphore, #tpu.memory_space<semaphore_mem>>)
    %scan3A_102 = arith.constant 0 : i32
    %scan3A_103 = arith.constant 32 : i32
    %scan3A_104 = arith.addi %scan3A_102, %scan3A_103 : i32
    %scan3A_105 = arith.constant 1 : i32
    %scan3A_106 = scf.for %scan3A_285 = %scan3A_102 to %scan3A_104 step %scan3A_105 iter_args(%scan3A_286 = %scan3A_87) -> (i32)  : i32 {
      %mul3A_287 = arith.constant 4 : i32
      %mul3A_288 = arith.muli %scan3A_285, %mul3A_287 : i32
      %add3A_289 = arith.constant 0 : i32
      %add3A_290 = arith.addi %mul3A_288, %add3A_289 : i32
      %mul3A_291 = arith.constant 16 : i32
      %mul3A_292 = arith.muli %add3A_290, %mul3A_291 : i32
      %get3A = arith.constant 0 : i32
      %get3A_293 = arith.index_cast %get3A : i32 to index
      %get3A_294 = arith.index_cast %mul3A_292 : i32 to index
      %get3A_295 = tpu.vector_load %arg10[%get3A_293, %get3A_294] {strides = array<i32>} : memref<2x2048xi32, #tpu.memory_space<vmem>>, vector<16xi32>,
      %mul3A_296 = arith.constant 4 : i32
      %mul3A_297 = arith.muli %scan3A_285, %mul3A_296 : i32
      %add3A_298 = arith.constant 0 : i32
      %add3A_299 = arith.addi %mul3A_297, %add3A_298 : i32
      %mul3A_300 = arith.constant 16 : i32
      %mul3A_301 = arith.muli %add3A_299, %mul3A_300 : i32
      %get3A_302 = arith.constant 1 : i32
      %get3A_303 = arith.index_cast %get3A_302 : i32 to index
      %get3A_304 = arith.index_cast %mul3A_301 : i32 to index
      %get3A_305 = tpu.vector_load %arg10[%get3A_303, %get3A_304] {strides = array<i32>} : memref<2x2048xi32, #tpu.memory_space<vmem>>, vector<16xi32>,
      %gather3A = tpu.vector_load_idx %arg9[%get3A_305] : memref<10000xi32, #tpu.memory_space<vmem>>[vector<16xi32>], vector<16xi32>,
      %ge3A = arith.constant 0 : i32
      %ge3A_306 = vector.broadcast %ge3A : i32 to vector<16xi32>
      %ge3A_307 = arith.cmpi sge, %gather3A, %ge3A_306 : vector<16xi32>
      %swap3A = arith.index_cast %scan3A_286 : i32 to index
      %swap3A_308 = tpu.vector_load %arg12[%swap3A] masked %ge3A_307 {strides = array<i32>} : memref<10240xi32, #tpu.memory_space<vmem>>, vector<16xi32>, vector<16xi1>
      tpu.vector_store %arg12[%swap3A], %get3A_295 masked %ge3A_307 {strides = array<i32>} : memref<10240xi32, #tpu.memory_space<vmem>>, vector<16xi32>, vector<16xi1>
      %swap3A_309 = arith.index_cast %scan3A_286 : i32 to index
      %swap3A_310 = tpu.vector_load %arg13[%swap3A_309] masked %ge3A_307 {strides = array<i32>} : memref<10240xi32, #tpu.memory_space<vmem>>, vector<16xi32>, vector<16xi1>
      tpu.vector_store %arg13[%swap3A_309], %gather3A masked %ge3A_307 {strides = array<i32>} : memref<10240xi32, #tpu.memory_space<vmem>>, vector<16xi32>, vector<16xi1>
      %jit3A_311 = arith.constant 1 : i32
      %jit3A_312 = arith.constant 0 : i32
      %broadcast_in_dim3A_313 = vector.broadcast %jit3A_311 : i32 to vector<16xi32>
      %broadcast_in_dim3A_314 = vector.broadcast %jit3A_312 : i32 to vector<16xi32>
      %select_n3A_315 = arith.select %ge3A_307, %broadcast_in_dim3A_313, %broadcast_in_dim3A_314 : vector<16xi1>, vector<16xi32>
      %reduce_sum3A = arith.constant true
      %reduce_sum3A_316 = vector.broadcast %reduce_sum3A : i1 to vector<16xi1>
      %reduce_sum3A_317 = tpu.scan <sum>, %select_n3A_315 masked %reduce_sum3A_316 : vector<16xi32>, vector<16xi1> -> vector<16xi32>
      %reduce_sum3A_318 = vector.extract %reduce_sum3A_317[15] : i32 from vector<16xi32>
      %add3A_319 = arith.addi %scan3A_286, %reduce_sum3A_318 : i32
      %mul3A_320 = arith.constant 4 : i32
      %mul3A_321 = arith.muli %scan3A_285, %mul3A_320 : i32
      %add3A_322 = arith.constant 1 : i32
      %add3A_323 = arith.addi %mul3A_321, %add3A_322 : i32
      %mul3A_324 = arith.constant 16 : i32
      %mul3A_325 = arith.muli %add3A_323, %mul3A_324 : i32
      %get3A_326 = arith.constant 0 : i32
      %get3A_327 = arith.index_cast %get3A_326 : i32 to index
      %get3A_328 = arith.index_cast %mul3A_325 : i32 to index
      %get3A_329 = tpu.vector_load %arg10[%get3A_327, %get3A_328] {strides = array<i32>} : memref<2x2048xi32, #tpu.memory_space<vmem>>, vector<16xi32>,
      %mul3A_330 = arith.constant 4 : i32
      %mul3A_331 = arith.muli %scan3A_285, %mul3A_330 : i32
      %add3A_332 = arith.constant 1 : i32
      %add3A_333 = arith.addi %mul3A_331, %add3A_332 : i32
      %mul3A_334 = arith.constant 16 : i32
      %mul3A_335 = arith.muli %add3A_333, %mul3A_334 : i32
      %get3A_336 = arith.constant 1 : i32
      %get3A_337 = arith.index_cast %get3A_336 : i32 to index
      %get3A_338 = arith.index_cast %mul3A_335 : i32 to index
      %get3A_339 = tpu.vector_load %arg10[%get3A_337, %get3A_338] {strides = array<i32>} : memref<2x2048xi32, #tpu.memory_space<vmem>>, vector<16xi32>,
      %gather3A_340 = tpu.vector_load_idx %arg9[%get3A_339] : memref<10000xi32, #tpu.memory_space<vmem>>[vector<16xi32>], vector<16xi32>,
      %ge3A_341 = arith.constant 0 : i32
      %ge3A_342 = vector.broadcast %ge3A_341 : i32 to vector<16xi32>
      %ge3A_343 = arith.cmpi sge, %gather3A_340, %ge3A_342 : vector<16xi32>
      %swap3A_344 = arith.index_cast %add3A_319 : i32 to index
      %swap3A_345 = tpu.vector_load %arg12[%swap3A_344] masked %ge3A_343 {strides = array<i32>} : memref<10240xi32, #tpu.memory_space<vmem>>, vector<16xi32>, vector<16xi1>
      tpu.vector_store %arg12[%swap3A_344], %get3A_329 masked %ge3A_343 {strides = array<i32>} : memref<10240xi32, #tpu.memory_space<vmem>>, vector<16xi32>, vector<16xi1>
      %swap3A_346 = arith.index_cast %add3A_319 : i32 to index
      %swap3A_347 = tpu.vector_load %arg13[%swap3A_346] masked %ge3A_343 {strides = array<i32>} : memref<10240xi32, #tpu.memory_space<vmem>>, vector<16xi32>, vector<16xi1>
      tpu.vector_store %arg13[%swap3A_346], %gather3A_340 masked %ge3A_343 {strides = array<i32>} : memref<10240xi32, #tpu.memory_space<vmem>>, vector<16xi32>, vector<16xi1>
      %jit3A_348 = arith.constant 1 : i32
      %jit3A_349 = arith.constant 0 : i32
      %broadcast_in_dim3A_350 = vector.broadcast %jit3A_348 : i32 to vector<16xi32>
      %broadcast_in_dim3A_351 = vector.broadcast %jit3A_349 : i32 to vector<16xi32>
      %select_n3A_352 = arith.select %ge3A_343, %broadcast_in_dim3A_350, %broadcast_in_dim3A_351 : vector<16xi1>, vector<16xi32>
      %reduce_sum3A_353 = arith.constant true
      %reduce_sum3A_354 = vector.broadcast %reduce_sum3A_353 : i1 to vector<16xi1>
      %reduce_sum3A_355 = tpu.scan <sum>, %select_n3A_352 masked %reduce_sum3A_354 : vector<16xi32>, vector<16xi1> -> vector<16xi32>
      %reduce_sum3A_356 = vector.extract %reduce_sum3A_355[15] : i32 from vector<16xi32>
      %add3A_357 = arith.addi %add3A_319, %reduce_sum3A_356 : i32
      %mul3A_358 = arith.constant 4 : i32
      %mul3A_359 = arith.muli %scan3A_285, %mul3A_358 : i32
      %add3A_360 = arith.constant 2 : i32
      %add3A_361 = arith.addi %mul3A_359, %add3A_360 : i32
      %mul3A_362 = arith.constant 16 : i32
      %mul3A_363 = arith.muli %add3A_361, %mul3A_362 : i32
      %get3A_364 = arith.constant 0 : i32
      %get3A_365 = arith.index_cast %get3A_364 : i32 to index
      %get3A_366 = arith.index_cast %mul3A_363 : i32 to index
      %get3A_367 = tpu.vector_load %arg10[%get3A_365, %get3A_366] {strides = array<i32>} : memref<2x2048xi32, #tpu.memory_space<vmem>>, vector<16xi32>,
      %mul3A_368 = arith.constant 4 : i32
      %mul3A_369 = arith.muli %scan3A_285, %mul3A_368 : i32
      %add3A_370 = arith.constant 2 : i32
      %add3A_371 = arith.addi %mul3A_369, %add3A_370 : i32
      %mul3A_372 = arith.constant 16 : i32
      %mul3A_373 = arith.muli %add3A_371, %mul3A_372 : i32
      %get3A_374 = arith.constant 1 : i32
      %get3A_375 = arith.index_cast %get3A_374 : i32 to index
      %get3A_376 = arith.index_cast %mul3A_373 : i32 to index
      %get3A_377 = tpu.vector_load %arg10[%get3A_375, %get3A_376] {strides = array<i32>} : memref<2x2048xi32, #tpu.memory_space<vmem>>, vector<16xi32>,
      %gather3A_378 = tpu.vector_load_idx %arg9[%get3A_377] : memref<10000xi32, #tpu.memory_space<vmem>>[vector<16xi32>], vector<16xi32>,
      %ge3A_379 = arith.constant 0 : i32
      %ge3A_380 = vector.broadcast %ge3A_379 : i32 to vector<16xi32>
      %ge3A_381 = arith.cmpi sge, %gather3A_378, %ge3A_380 : vector<16xi32>
      %swap3A_382 = arith.index_cast %add3A_357 : i32 to index
      %swap3A_383 = tpu.vector_load %arg12[%swap3A_382] masked %ge3A_381 {strides = array<i32>} : memref<10240xi32, #tpu.memory_space<vmem>>, vector<16xi32>, vector<16xi1>
      tpu.vector_store %arg12[%swap3A_382], %get3A_367 masked %ge3A_381 {strides = array<i32>} : memref<10240xi32, #tpu.memory_space<vmem>>, vector<16xi32>, vector<16xi1>
      %swap3A_384 = arith.index_cast %add3A_357 : i32 to index
      %swap3A_385 = tpu.vector_load %arg13[%swap3A_384] masked %ge3A_381 {strides = array<i32>} : memref<10240xi32, #tpu.memory_space<vmem>>, vector<16xi32>, vector<16xi1>
      tpu.vector_store %arg13[%swap3A_384], %gather3A_378 masked %ge3A_381 {strides = array<i32>} : memref<10240xi32, #tpu.memory_space<vmem>>, vector<16xi32>, vector<16xi1>
      %jit3A_386 = arith.constant 1 : i32
      %jit3A_387 = arith.constant 0 : i32
      %broadcast_in_dim3A_388 = vector.broadcast %jit3A_386 : i32 to vector<16xi32>
      %broadcast_in_dim3A_389 = vector.broadcast %jit3A_387 : i32 to vector<16xi32>
      %select_n3A_390 = arith.select %ge3A_381, %broadcast_in_dim3A_388, %broadcast_in_dim3A_389 : vector<16xi1>, vector<16xi32>
      %reduce_sum3A_391 = arith.constant true
      %reduce_sum3A_392 = vector.broadcast %reduce_sum3A_391 : i1 to vector<16xi1>
      %reduce_sum3A_393 = tpu.scan <sum>, %select_n3A_390 masked %reduce_sum3A_392 : vector<16xi32>, vector<16xi1> -> vector<16xi32>
      %reduce_sum3A_394 = vector.extract %reduce_sum3A_393[15] : i32 from vector<16xi32>
      %add3A_395 = arith.addi %add3A_357, %reduce_sum3A_394 : i32
      %mul3A_396 = arith.constant 4 : i32
      %mul3A_397 = arith.muli %scan3A_285, %mul3A_396 : i32
      %add3A_398 = arith.constant 3 : i32
      %add3A_399 = arith.addi %mul3A_397, %add3A_398 : i32
      %mul3A_400 = arith.constant 16 : i32
      %mul3A_401 = arith.muli %add3A_399, %mul3A_400 : i32
      %get3A_402 = arith.constant 0 : i32
      %get3A_403 = arith.index_cast %get3A_402 : i32 to index
      %get3A_404 = arith.index_cast %mul3A_401 : i32 to index
      %get3A_405 = tpu.vector_load %arg10[%get3A_403, %get3A_404] {strides = array<i32>} : memref<2x2048xi32, #tpu.memory_space<vmem>>, vector<16xi32>,
      %mul3A_406 = arith.constant 4 : i32
      %mul3A_407 = arith.muli %scan3A_285, %mul3A_406 : i32
      %add3A_408 = arith.constant 3 : i32
      %add3A_409 = arith.addi %mul3A_407, %add3A_408 : i32
      %mul3A_410 = arith.constant 16 : i32
      %mul3A_411 = arith.muli %add3A_409, %mul3A_410 : i32
      %get3A_412 = arith.constant 1 : i32
      %get3A_413 = arith.index_cast %get3A_412 : i32 to index
      %get3A_414 = arith.index_cast %mul3A_411 : i32 to index
      %get3A_415 = tpu.vector_load %arg10[%get3A_413, %get3A_414] {strides = array<i32>} : memref<2x2048xi32, #tpu.memory_space<vmem>>, vector<16xi32>,
      %gather3A_416 = tpu.vector_load_idx %arg9[%get3A_415] : memref<10000xi32, #tpu.memory_space<vmem>>[vector<16xi32>], vector<16xi32>,
      %ge3A_417 = arith.constant 0 : i32
      %ge3A_418 = vector.broadcast %ge3A_417 : i32 to vector<16xi32>
      %ge3A_419 = arith.cmpi sge, %gather3A_416, %ge3A_418 : vector<16xi32>
      %swap3A_420 = arith.index_cast %add3A_395 : i32 to index
      %swap3A_421 = tpu.vector_load %arg12[%swap3A_420] masked %ge3A_419 {strides = array<i32>} : memref<10240xi32, #tpu.memory_space<vmem>>, vector<16xi32>, vector<16xi1>
      tpu.vector_store %arg12[%swap3A_420], %get3A_405 masked %ge3A_419 {strides = array<i32>} : memref<10240xi32, #tpu.memory_space<vmem>>, vector<16xi32>, vector<16xi1>
      %swap3A_422 = arith.index_cast %add3A_395 : i32 to index
      %swap3A_423 = tpu.vector_load %arg13[%swap3A_422] masked %ge3A_419 {strides = array<i32>} : memref<10240xi32, #tpu.memory_space<vmem>>, vector<16xi32>, vector<16xi1>
      tpu.vector_store %arg13[%swap3A_422], %gather3A_416 masked %ge3A_419 {strides = array<i32>} : memref<10240xi32, #tpu.memory_space<vmem>>, vector<16xi32>, vector<16xi1>
      %jit3A_424 = arith.constant 1 : i32
      %jit3A_425 = arith.constant 0 : i32
      %broadcast_in_dim3A_426 = vector.broadcast %jit3A_424 : i32 to vector<16xi32>
      %broadcast_in_dim3A_427 = vector.broadcast %jit3A_425 : i32 to vector<16xi32>
      %select_n3A_428 = arith.select %ge3A_419, %broadcast_in_dim3A_426, %broadcast_in_dim3A_427 : vector<16xi1>, vector<16xi32>
      %reduce_sum3A_429 = arith.constant true
      %reduce_sum3A_430 = vector.broadcast %reduce_sum3A_429 : i1 to vector<16xi1>
      %reduce_sum3A_431 = tpu.scan <sum>, %select_n3A_428 masked %reduce_sum3A_430 : vector<16xi32>, vector<16xi1> -> vector<16xi32>
      %reduce_sum3A_432 = vector.extract %reduce_sum3A_431[15] : i32 from vector<16xi32>
      %add3A_433 = arith.addi %add3A_395, %reduce_sum3A_432 : i32
      scf.yield %add3A_433 : i32
    }
    %scan3A_107 = arith.constant 32 : i32
    %dma_wait3A_108 = arith.constant 0 : i32
    %dma_wait3A_109 = arith.constant 0 : i32
    %dma_wait3A_110 = tpu.memref_slice %arg3[%dma_wait3A_108, %dma_wait3A_109] : memref<2x160000xi32, #tpu.memory_space<hbm>> -> memref<2x2048xi32, #tpu.memory_space<hbm>>
    %dma_wait3A_111 = arith.constant 0 : i32
    %dma_wait3A_112 = arith.constant 0 : i32
    %dma_wait3A_113 = tpu.memref_slice %arg3[%dma_wait3A_111, %dma_wait3A_112] : memref<2x160000xi32, #tpu.memory_space<hbm>> -> memref<2x2048xi32, #tpu.memory_space<hbm>>
    tpu.wait_dma2 semaphore(%arg26 : memref<!tpu.dma_semaphore, #tpu.memory_space<semaphore_mem>>) src(%dma_wait3A_113 : memref<2x2048xi32, #tpu.memory_space<hbm>>) dst(%arg11 : memref<2x2048xi32, #tpu.memory_space<vmem>>)
    %add3A_114 = arith.constant 8192 : i32
    %add3A_115 = arith.addi %multiple_of3A_6, %add3A_114 : i32
    %multiple_of3A_116 = tpu.assume_multiple %add3A_115, 128 : i32
    %dma_start3A_117 = arith.constant 0 : i32
    %dma_start3A_118 = tpu.memref_slice %arg3[%dma_start3A_117, %multiple_of3A_116] : memref<2x160000xi32, #tpu.memory_space<hbm>> -> memref<2x2048xi32, #tpu.memory_space<hbm>>
    %dma_start3A_119 = arith.constant 0 : i32
    %dma_start3A_120 = tpu.memref_slice %arg3[%dma_start3A_119, %multiple_of3A_116] : memref<2x160000xi32, #tpu.memory_space<hbm>> -> memref<2x2048xi32, #tpu.memory_space<hbm>>
    tpu.enqueue_dma source(%dma_start3A_120 : memref<2x2048xi32, #tpu.memory_space<hbm>>) target(%arg10 : memref<2x2048xi32, #tpu.memory_space<vmem>>) target_semaphore(%arg25 : memref<!tpu.dma_semaphore, #tpu.memory_space<semaphore_mem>>)
    %scan3A_121 = arith.constant 0 : i32
    %scan3A_122 = arith.constant 32 : i32
    %scan3A_123 = arith.addi %scan3A_121, %scan3A_122 : i32
    %scan3A_124 = arith.constant 1 : i32
    %scan3A_125 = scf.for %scan3A_285 = %scan3A_121 to %scan3A_123 step %scan3A_124 iter_args(%scan3A_286 = %scan3A_106) -> (i32)  : i32 {
      %mul3A_287 = arith.constant 4 : i32
      %mul3A_288 = arith.muli %scan3A_285, %mul3A_287 : i32
      %add3A_289 = arith.constant 0 : i32
      %add3A_290 = arith.addi %mul3A_288, %add3A_289 : i32
      %mul3A_291 = arith.constant 16 : i32
      %mul3A_292 = arith.muli %add3A_290, %mul3A_291 : i32
      %get3A = arith.constant 0 : i32
      %get3A_293 = arith.index_cast %get3A : i32 to index
      %get3A_294 = arith.index_cast %mul3A_292 : i32 to index
      %get3A_295 = tpu.vector_load %arg11[%get3A_293, %get3A_294] {strides = array<i32>} : memref<2x2048xi32, #tpu.memory_space<vmem>>, vector<16xi32>,
      %mul3A_296 = arith.constant 4 : i32
      %mul3A_297 = arith.muli %scan3A_285, %mul3A_296 : i32
      %add3A_298 = arith.constant 0 : i32
      %add3A_299 = arith.addi %mul3A_297, %add3A_298 : i32
      %mul3A_300 = arith.constant 16 : i32
      %mul3A_301 = arith.muli %add3A_299, %mul3A_300 : i32
      %get3A_302 = arith.constant 1 : i32
      %get3A_303 = arith.index_cast %get3A_302 : i32 to index
      %get3A_304 = arith.index_cast %mul3A_301 : i32 to index
      %get3A_305 = tpu.vector_load %arg11[%get3A_303, %get3A_304] {strides = array<i32>} : memref<2x2048xi32, #tpu.memory_space<vmem>>, vector<16xi32>,
      %gather3A = tpu.vector_load_idx %arg9[%get3A_305] : memref<10000xi32, #tpu.memory_space<vmem>>[vector<16xi32>], vector<16xi32>,
      %ge3A = arith.constant 0 : i32
      %ge3A_306 = vector.broadcast %ge3A : i32 to vector<16xi32>
      %ge3A_307 = arith.cmpi sge, %gather3A, %ge3A_306 : vector<16xi32>
      %swap3A = arith.index_cast %scan3A_286 : i32 to index
      %swap3A_308 = tpu.vector_load %arg12[%swap3A] masked %ge3A_307 {strides = array<i32>} : memref<10240xi32, #tpu.memory_space<vmem>>, vector<16xi32>, vector<16xi1>
      tpu.vector_store %arg12[%swap3A], %get3A_295 masked %ge3A_307 {strides = array<i32>} : memref<10240xi32, #tpu.memory_space<vmem>>, vector<16xi32>, vector<16xi1>
      %swap3A_309 = arith.index_cast %scan3A_286 : i32 to index
      %swap3A_310 = tpu.vector_load %arg13[%swap3A_309] masked %ge3A_307 {strides = array<i32>} : memref<10240xi32, #tpu.memory_space<vmem>>, vector<16xi32>, vector<16xi1>
      tpu.vector_store %arg13[%swap3A_309], %gather3A masked %ge3A_307 {strides = array<i32>} : memref<10240xi32, #tpu.memory_space<vmem>>, vector<16xi32>, vector<16xi1>
      %jit3A_311 = arith.constant 1 : i32
      %jit3A_312 = arith.constant 0 : i32
      %broadcast_in_dim3A_313 = vector.broadcast %jit3A_311 : i32 to vector<16xi32>
      %broadcast_in_dim3A_314 = vector.broadcast %jit3A_312 : i32 to vector<16xi32>
      %select_n3A_315 = arith.select %ge3A_307, %broadcast_in_dim3A_313, %broadcast_in_dim3A_314 : vector<16xi1>, vector<16xi32>
      %reduce_sum3A = arith.constant true
      %reduce_sum3A_316 = vector.broadcast %reduce_sum3A : i1 to vector<16xi1>
      %reduce_sum3A_317 = tpu.scan <sum>, %select_n3A_315 masked %reduce_sum3A_316 : vector<16xi32>, vector<16xi1> -> vector<16xi32>
      %reduce_sum3A_318 = vector.extract %reduce_sum3A_317[15] : i32 from vector<16xi32>
      %add3A_319 = arith.addi %scan3A_286, %reduce_sum3A_318 : i32
      %mul3A_320 = arith.constant 4 : i32
      %mul3A_321 = arith.muli %scan3A_285, %mul3A_320 : i32
      %add3A_322 = arith.constant 1 : i32
      %add3A_323 = arith.addi %mul3A_321, %add3A_322 : i32
      %mul3A_324 = arith.constant 16 : i32
      %mul3A_325 = arith.muli %add3A_323, %mul3A_324 : i32
      %get3A_326 = arith.constant 0 : i32
      %get3A_327 = arith.index_cast %get3A_326 : i32 to index
      %get3A_328 = arith.index_cast %mul3A_325 : i32 to index
      %get3A_329 = tpu.vector_load %arg11[%get3A_327, %get3A_328] {strides = array<i32>} : memref<2x2048xi32, #tpu.memory_space<vmem>>, vector<16xi32>,
      %mul3A_330 = arith.constant 4 : i32
      %mul3A_331 = arith.muli %scan3A_285, %mul3A_330 : i32
      %add3A_332 = arith.constant 1 : i32
      %add3A_333 = arith.addi %mul3A_331, %add3A_332 : i32
      %mul3A_334 = arith.constant 16 : i32
      %mul3A_335 = arith.muli %add3A_333, %mul3A_334 : i32
      %get3A_336 = arith.constant 1 : i32
      %get3A_337 = arith.index_cast %get3A_336 : i32 to index
      %get3A_338 = arith.index_cast %mul3A_335 : i32 to index
      %get3A_339 = tpu.vector_load %arg11[%get3A_337, %get3A_338] {strides = array<i32>} : memref<2x2048xi32, #tpu.memory_space<vmem>>, vector<16xi32>,
      %gather3A_340 = tpu.vector_load_idx %arg9[%get3A_339] : memref<10000xi32, #tpu.memory_space<vmem>>[vector<16xi32>], vector<16xi32>,
      %ge3A_341 = arith.constant 0 : i32
      %ge3A_342 = vector.broadcast %ge3A_341 : i32 to vector<16xi32>
      %ge3A_343 = arith.cmpi sge, %gather3A_340, %ge3A_342 : vector<16xi32>
      %swap3A_344 = arith.index_cast %add3A_319 : i32 to index
      %swap3A_345 = tpu.vector_load %arg12[%swap3A_344] masked %ge3A_343 {strides = array<i32>} : memref<10240xi32, #tpu.memory_space<vmem>>, vector<16xi32>, vector<16xi1>
      tpu.vector_store %arg12[%swap3A_344], %get3A_329 masked %ge3A_343 {strides = array<i32>} : memref<10240xi32, #tpu.memory_space<vmem>>, vector<16xi32>, vector<16xi1>
      %swap3A_346 = arith.index_cast %add3A_319 : i32 to index
      %swap3A_347 = tpu.vector_load %arg13[%swap3A_346] masked %ge3A_343 {strides = array<i32>} : memref<10240xi32, #tpu.memory_space<vmem>>, vector<16xi32>, vector<16xi1>
      tpu.vector_store %arg13[%swap3A_346], %gather3A_340 masked %ge3A_343 {strides = array<i32>} : memref<10240xi32, #tpu.memory_space<vmem>>, vector<16xi32>, vector<16xi1>
      %jit3A_348 = arith.constant 1 : i32
      %jit3A_349 = arith.constant 0 : i32
      %broadcast_in_dim3A_350 = vector.broadcast %jit3A_348 : i32 to vector<16xi32>
      %broadcast_in_dim3A_351 = vector.broadcast %jit3A_349 : i32 to vector<16xi32>
      %select_n3A_352 = arith.select %ge3A_343, %broadcast_in_dim3A_350, %broadcast_in_dim3A_351 : vector<16xi1>, vector<16xi32>
      %reduce_sum3A_353 = arith.constant true
      %reduce_sum3A_354 = vector.broadcast %reduce_sum3A_353 : i1 to vector<16xi1>
      %reduce_sum3A_355 = tpu.scan <sum>, %select_n3A_352 masked %reduce_sum3A_354 : vector<16xi32>, vector<16xi1> -> vector<16xi32>
      %reduce_sum3A_356 = vector.extract %reduce_sum3A_355[15] : i32 from vector<16xi32>
      %add3A_357 = arith.addi %add3A_319, %reduce_sum3A_356 : i32
      %mul3A_358 = arith.constant 4 : i32
      %mul3A_359 = arith.muli %scan3A_285, %mul3A_358 : i32
      %add3A_360 = arith.constant 2 : i32
      %add3A_361 = arith.addi %mul3A_359, %add3A_360 : i32
      %mul3A_362 = arith.constant 16 : i32
      %mul3A_363 = arith.muli %add3A_361, %mul3A_362 : i32
      %get3A_364 = arith.constant 0 : i32
      %get3A_365 = arith.index_cast %get3A_364 : i32 to index
      %get3A_366 = arith.index_cast %mul3A_363 : i32 to index
      %get3A_367 = tpu.vector_load %arg11[%get3A_365, %get3A_366] {strides = array<i32>} : memref<2x2048xi32, #tpu.memory_space<vmem>>, vector<16xi32>,
      %mul3A_368 = arith.constant 4 : i32
      %mul3A_369 = arith.muli %scan3A_285, %mul3A_368 : i32
      %add3A_370 = arith.constant 2 : i32
      %add3A_371 = arith.addi %mul3A_369, %add3A_370 : i32
      %mul3A_372 = arith.constant 16 : i32
      %mul3A_373 = arith.muli %add3A_371, %mul3A_372 : i32
      %get3A_374 = arith.constant 1 : i32
      %get3A_375 = arith.index_cast %get3A_374 : i32 to index
      %get3A_376 = arith.index_cast %mul3A_373 : i32 to index
      %get3A_377 = tpu.vector_load %arg11[%get3A_375, %get3A_376] {strides = array<i32>} : memref<2x2048xi32, #tpu.memory_space<vmem>>, vector<16xi32>,
      %gather3A_378 = tpu.vector_load_idx %arg9[%get3A_377] : memref<10000xi32, #tpu.memory_space<vmem>>[vector<16xi32>], vector<16xi32>,
      %ge3A_379 = arith.constant 0 : i32
      %ge3A_380 = vector.broadcast %ge3A_379 : i32 to vector<16xi32>
      %ge3A_381 = arith.cmpi sge, %gather3A_378, %ge3A_380 : vector<16xi32>
      %swap3A_382 = arith.index_cast %add3A_357 : i32 to index
      %swap3A_383 = tpu.vector_load %arg12[%swap3A_382] masked %ge3A_381 {strides = array<i32>} : memref<10240xi32, #tpu.memory_space<vmem>>, vector<16xi32>, vector<16xi1>
      tpu.vector_store %arg12[%swap3A_382], %get3A_367 masked %ge3A_381 {strides = array<i32>} : memref<10240xi32, #tpu.memory_space<vmem>>, vector<16xi32>, vector<16xi1>
      %swap3A_384 = arith.index_cast %add3A_357 : i32 to index
      %swap3A_385 = tpu.vector_load %arg13[%swap3A_384] masked %ge3A_381 {strides = array<i32>} : memref<10240xi32, #tpu.memory_space<vmem>>, vector<16xi32>, vector<16xi1>
      tpu.vector_store %arg13[%swap3A_384], %gather3A_378 masked %ge3A_381 {strides = array<i32>} : memref<10240xi32, #tpu.memory_space<vmem>>, vector<16xi32>, vector<16xi1>
      %jit3A_386 = arith.constant 1 : i32
      %jit3A_387 = arith.constant 0 : i32
      %broadcast_in_dim3A_388 = vector.broadcast %jit3A_386 : i32 to vector<16xi32>
      %broadcast_in_dim3A_389 = vector.broadcast %jit3A_387 : i32 to vector<16xi32>
      %select_n3A_390 = arith.select %ge3A_381, %broadcast_in_dim3A_388, %broadcast_in_dim3A_389 : vector<16xi1>, vector<16xi32>
      %reduce_sum3A_391 = arith.constant true
      %reduce_sum3A_392 = vector.broadcast %reduce_sum3A_391 : i1 to vector<16xi1>
      %reduce_sum3A_393 = tpu.scan <sum>, %select_n3A_390 masked %reduce_sum3A_392 : vector<16xi32>, vector<16xi1> -> vector<16xi32>
      %reduce_sum3A_394 = vector.extract %reduce_sum3A_393[15] : i32 from vector<16xi32>
      %add3A_395 = arith.addi %add3A_357, %reduce_sum3A_394 : i32
      %mul3A_396 = arith.constant 4 : i32
      %mul3A_397 = arith.muli %scan3A_285, %mul3A_396 : i32
      %add3A_398 = arith.constant 3 : i32
      %add3A_399 = arith.addi %mul3A_397, %add3A_398 : i32
      %mul3A_400 = arith.constant 16 : i32
      %mul3A_401 = arith.muli %add3A_399, %mul3A_400 : i32
      %get3A_402 = arith.constant 0 : i32
      %get3A_403 = arith.index_cast %get3A_402 : i32 to index
      %get3A_404 = arith.index_cast %mul3A_401 : i32 to index
      %get3A_405 = tpu.vector_load %arg11[%get3A_403, %get3A_404] {strides = array<i32>} : memref<2x2048xi32, #tpu.memory_space<vmem>>, vector<16xi32>,
      %mul3A_406 = arith.constant 4 : i32
      %mul3A_407 = arith.muli %scan3A_285, %mul3A_406 : i32
      %add3A_408 = arith.constant 3 : i32
      %add3A_409 = arith.addi %mul3A_407, %add3A_408 : i32
      %mul3A_410 = arith.constant 16 : i32
      %mul3A_411 = arith.muli %add3A_409, %mul3A_410 : i32
      %get3A_412 = arith.constant 1 : i32
      %get3A_413 = arith.index_cast %get3A_412 : i32 to index
      %get3A_414 = arith.index_cast %mul3A_411 : i32 to index
      %get3A_415 = tpu.vector_load %arg11[%get3A_413, %get3A_414] {strides = array<i32>} : memref<2x2048xi32, #tpu.memory_space<vmem>>, vector<16xi32>,
      %gather3A_416 = tpu.vector_load_idx %arg9[%get3A_415] : memref<10000xi32, #tpu.memory_space<vmem>>[vector<16xi32>], vector<16xi32>,
      %ge3A_417 = arith.constant 0 : i32
      %ge3A_418 = vector.broadcast %ge3A_417 : i32 to vector<16xi32>
      %ge3A_419 = arith.cmpi sge, %gather3A_416, %ge3A_418 : vector<16xi32>
      %swap3A_420 = arith.index_cast %add3A_395 : i32 to index
      %swap3A_421 = tpu.vector_load %arg12[%swap3A_420] masked %ge3A_419 {strides = array<i32>} : memref<10240xi32, #tpu.memory_space<vmem>>, vector<16xi32>, vector<16xi1>
      tpu.vector_store %arg12[%swap3A_420], %get3A_405 masked %ge3A_419 {strides = array<i32>} : memref<10240xi32, #tpu.memory_space<vmem>>, vector<16xi32>, vector<16xi1>
      %swap3A_422 = arith.index_cast %add3A_395 : i32 to index
      %swap3A_423 = tpu.vector_load %arg13[%swap3A_422] masked %ge3A_419 {strides = array<i32>} : memref<10240xi32, #tpu.memory_space<vmem>>, vector<16xi32>, vector<16xi1>
      tpu.vector_store %arg13[%swap3A_422], %gather3A_416 masked %ge3A_419 {strides = array<i32>} : memref<10240xi32, #tpu.memory_space<vmem>>, vector<16xi32>, vector<16xi1>
      %jit3A_424 = arith.constant 1 : i32
      %jit3A_425 = arith.constant 0 : i32
      %broadcast_in_dim3A_426 = vector.broadcast %jit3A_424 : i32 to vector<16xi32>
      %broadcast_in_dim3A_427 = vector.broadcast %jit3A_425 : i32 to vector<16xi32>
      %select_n3A_428 = arith.select %ge3A_419, %broadcast_in_dim3A_426, %broadcast_in_dim3A_427 : vector<16xi1>, vector<16xi32>
      %reduce_sum3A_429 = arith.constant true
      %reduce_sum3A_430 = vector.broadcast %reduce_sum3A_429 : i1 to vector<16xi1>
      %reduce_sum3A_431 = tpu.scan <sum>, %select_n3A_428 masked %reduce_sum3A_430 : vector<16xi32>, vector<16xi1> -> vector<16xi32>
      %reduce_sum3A_432 = vector.extract %reduce_sum3A_431[15] : i32 from vector<16xi32>
      %add3A_433 = arith.addi %add3A_395, %reduce_sum3A_432 : i32
      scf.yield %add3A_433 : i32
    }
    %scan3A_126 = arith.constant 32 : i32
    %dma_wait3A_127 = arith.constant 0 : i32
    %dma_wait3A_128 = arith.constant 0 : i32
    %dma_wait3A_129 = tpu.memref_slice %arg3[%dma_wait3A_127, %dma_wait3A_128] : memref<2x160000xi32, #tpu.memory_space<hbm>> -> memref<2x2048xi32, #tpu.memory_space<hbm>>
    %dma_wait3A_130 = arith.constant 0 : i32
    %dma_wait3A_131 = arith.constant 0 : i32
    %dma_wait3A_132 = tpu.memref_slice %arg3[%dma_wait3A_130, %dma_wait3A_131] : memref<2x160000xi32, #tpu.memory_space<hbm>> -> memref<2x2048xi32, #tpu.memory_space<hbm>>
    tpu.wait_dma2 semaphore(%arg25 : memref<!tpu.dma_semaphore, #tpu.memory_space<semaphore_mem>>) src(%dma_wait3A_132 : memref<2x2048xi32, #tpu.memory_space<hbm>>) dst(%arg10 : memref<2x2048xi32, #tpu.memory_space<vmem>>)
    %scan3A_133 = arith.constant 0 : i32
    %scan3A_134 = arith.constant 28 : i32
    %scan3A_135 = arith.addi %scan3A_133, %scan3A_134 : i32
    %scan3A_136 = arith.constant 1 : i32
    %scan3A_137 = scf.for %scan3A_285 = %scan3A_133 to %scan3A_135 step %scan3A_136 iter_args(%scan3A_286 = %scan3A_125) -> (i32)  : i32 {
      %mul3A_287 = arith.constant 4 : i32
      %mul3A_288 = arith.muli %scan3A_285, %mul3A_287 : i32
      %add3A_289 = arith.constant 0 : i32
      %add3A_290 = arith.addi %mul3A_288, %add3A_289 : i32
      %mul3A_291 = arith.constant 16 : i32
      %mul3A_292 = arith.muli %add3A_290, %mul3A_291 : i32
      %get3A = arith.constant 0 : i32
      %get3A_293 = arith.index_cast %get3A : i32 to index
      %get3A_294 = arith.index_cast %mul3A_292 : i32 to index
      %get3A_295 = tpu.vector_load %arg10[%get3A_293, %get3A_294] {strides = array<i32>} : memref<2x2048xi32, #tpu.memory_space<vmem>>, vector<16xi32>,
      %mul3A_296 = arith.constant 4 : i32
      %mul3A_297 = arith.muli %scan3A_285, %mul3A_296 : i32
      %add3A_298 = arith.constant 0 : i32
      %add3A_299 = arith.addi %mul3A_297, %add3A_298 : i32
      %mul3A_300 = arith.constant 16 : i32
      %mul3A_301 = arith.muli %add3A_299, %mul3A_300 : i32
      %get3A_302 = arith.constant 1 : i32
      %get3A_303 = arith.index_cast %get3A_302 : i32 to index
      %get3A_304 = arith.index_cast %mul3A_301 : i32 to index
      %get3A_305 = tpu.vector_load %arg10[%get3A_303, %get3A_304] {strides = array<i32>} : memref<2x2048xi32, #tpu.memory_space<vmem>>, vector<16xi32>,
      %gather3A = tpu.vector_load_idx %arg9[%get3A_305] : memref<10000xi32, #tpu.memory_space<vmem>>[vector<16xi32>], vector<16xi32>,
      %ge3A = arith.constant 0 : i32
      %ge3A_306 = vector.broadcast %ge3A : i32 to vector<16xi32>
      %ge3A_307 = arith.cmpi sge, %gather3A, %ge3A_306 : vector<16xi32>
      %swap3A = arith.index_cast %scan3A_286 : i32 to index
      %swap3A_308 = tpu.vector_load %arg12[%swap3A] masked %ge3A_307 {strides = array<i32>} : memref<10240xi32, #tpu.memory_space<vmem>>, vector<16xi32>, vector<16xi1>
      tpu.vector_store %arg12[%swap3A], %get3A_295 masked %ge3A_307 {strides = array<i32>} : memref<10240xi32, #tpu.memory_space<vmem>>, vector<16xi32>, vector<16xi1>
      %swap3A_309 = arith.index_cast %scan3A_286 : i32 to index
      %swap3A_310 = tpu.vector_load %arg13[%swap3A_309] masked %ge3A_307 {strides = array<i32>} : memref<10240xi32, #tpu.memory_space<vmem>>, vector<16xi32>, vector<16xi1>
      tpu.vector_store %arg13[%swap3A_309], %gather3A masked %ge3A_307 {strides = array<i32>} : memref<10240xi32, #tpu.memory_space<vmem>>, vector<16xi32>, vector<16xi1>
      %jit3A_311 = arith.constant 1 : i32
      %jit3A_312 = arith.constant 0 : i32
      %broadcast_in_dim3A_313 = vector.broadcast %jit3A_311 : i32 to vector<16xi32>
      %broadcast_in_dim3A_314 = vector.broadcast %jit3A_312 : i32 to vector<16xi32>
      %select_n3A_315 = arith.select %ge3A_307, %broadcast_in_dim3A_313, %broadcast_in_dim3A_314 : vector<16xi1>, vector<16xi32>
      %reduce_sum3A = arith.constant true
      %reduce_sum3A_316 = vector.broadcast %reduce_sum3A : i1 to vector<16xi1>
      %reduce_sum3A_317 = tpu.scan <sum>, %select_n3A_315 masked %reduce_sum3A_316 : vector<16xi32>, vector<16xi1> -> vector<16xi32>
      %reduce_sum3A_318 = vector.extract %reduce_sum3A_317[15] : i32 from vector<16xi32>
      %add3A_319 = arith.addi %scan3A_286, %reduce_sum3A_318 : i32
      %mul3A_320 = arith.constant 4 : i32
      %mul3A_321 = arith.muli %scan3A_285, %mul3A_320 : i32
      %add3A_322 = arith.constant 1 : i32
      %add3A_323 = arith.addi %mul3A_321, %add3A_322 : i32
      %mul3A_324 = arith.constant 16 : i32
      %mul3A_325 = arith.muli %add3A_323, %mul3A_324 : i32
      %get3A_326 = arith.constant 0 : i32
      %get3A_327 = arith.index_cast %get3A_326 : i32 to index
      %get3A_328 = arith.index_cast %mul3A_325 : i32 to index
      %get3A_329 = tpu.vector_load %arg10[%get3A_327, %get3A_328] {strides = array<i32>} : memref<2x2048xi32, #tpu.memory_space<vmem>>, vector<16xi32>,
      %mul3A_330 = arith.constant 4 : i32
      %mul3A_331 = arith.muli %scan3A_285, %mul3A_330 : i32
      %add3A_332 = arith.constant 1 : i32
      %add3A_333 = arith.addi %mul3A_331, %add3A_332 : i32
      %mul3A_334 = arith.constant 16 : i32
      %mul3A_335 = arith.muli %add3A_333, %mul3A_334 : i32
      %get3A_336 = arith.constant 1 : i32
      %get3A_337 = arith.index_cast %get3A_336 : i32 to index
      %get3A_338 = arith.index_cast %mul3A_335 : i32 to index
      %get3A_339 = tpu.vector_load %arg10[%get3A_337, %get3A_338] {strides = array<i32>} : memref<2x2048xi32, #tpu.memory_space<vmem>>, vector<16xi32>,
      %gather3A_340 = tpu.vector_load_idx %arg9[%get3A_339] : memref<10000xi32, #tpu.memory_space<vmem>>[vector<16xi32>], vector<16xi32>,
      %ge3A_341 = arith.constant 0 : i32
      %ge3A_342 = vector.broadcast %ge3A_341 : i32 to vector<16xi32>
      %ge3A_343 = arith.cmpi sge, %gather3A_340, %ge3A_342 : vector<16xi32>
      %swap3A_344 = arith.index_cast %add3A_319 : i32 to index
      %swap3A_345 = tpu.vector_load %arg12[%swap3A_344] masked %ge3A_343 {strides = array<i32>} : memref<10240xi32, #tpu.memory_space<vmem>>, vector<16xi32>, vector<16xi1>
      tpu.vector_store %arg12[%swap3A_344], %get3A_329 masked %ge3A_343 {strides = array<i32>} : memref<10240xi32, #tpu.memory_space<vmem>>, vector<16xi32>, vector<16xi1>
      %swap3A_346 = arith.index_cast %add3A_319 : i32 to index
      %swap3A_347 = tpu.vector_load %arg13[%swap3A_346] masked %ge3A_343 {strides = array<i32>} : memref<10240xi32, #tpu.memory_space<vmem>>, vector<16xi32>, vector<16xi1>
      tpu.vector_store %arg13[%swap3A_346], %gather3A_340 masked %ge3A_343 {strides = array<i32>} : memref<10240xi32, #tpu.memory_space<vmem>>, vector<16xi32>, vector<16xi1>
      %jit3A_348 = arith.constant 1 : i32
      %jit3A_349 = arith.constant 0 : i32
      %broadcast_in_dim3A_350 = vector.broadcast %jit3A_348 : i32 to vector<16xi32>
      %broadcast_in_dim3A_351 = vector.broadcast %jit3A_349 : i32 to vector<16xi32>
      %select_n3A_352 = arith.select %ge3A_343, %broadcast_in_dim3A_350, %broadcast_in_dim3A_351 : vector<16xi1>, vector<16xi32>
      %reduce_sum3A_353 = arith.constant true
      %reduce_sum3A_354 = vector.broadcast %reduce_sum3A_353 : i1 to vector<16xi1>
      %reduce_sum3A_355 = tpu.scan <sum>, %select_n3A_352 masked %reduce_sum3A_354 : vector<16xi32>, vector<16xi1> -> vector<16xi32>
      %reduce_sum3A_356 = vector.extract %reduce_sum3A_355[15] : i32 from vector<16xi32>
      %add3A_357 = arith.addi %add3A_319, %reduce_sum3A_356 : i32
      %mul3A_358 = arith.constant 4 : i32
      %mul3A_359 = arith.muli %scan3A_285, %mul3A_358 : i32
      %add3A_360 = arith.constant 2 : i32
      %add3A_361 = arith.addi %mul3A_359, %add3A_360 : i32
      %mul3A_362 = arith.constant 16 : i32
      %mul3A_363 = arith.muli %add3A_361, %mul3A_362 : i32
      %get3A_364 = arith.constant 0 : i32
      %get3A_365 = arith.index_cast %get3A_364 : i32 to index
      %get3A_366 = arith.index_cast %mul3A_363 : i32 to index
      %get3A_367 = tpu.vector_load %arg10[%get3A_365, %get3A_366] {strides = array<i32>} : memref<2x2048xi32, #tpu.memory_space<vmem>>, vector<16xi32>,
      %mul3A_368 = arith.constant 4 : i32
      %mul3A_369 = arith.muli %scan3A_285, %mul3A_368 : i32
      %add3A_370 = arith.constant 2 : i32
      %add3A_371 = arith.addi %mul3A_369, %add3A_370 : i32
      %mul3A_372 = arith.constant 16 : i32
      %mul3A_373 = arith.muli %add3A_371, %mul3A_372 : i32
      %get3A_374 = arith.constant 1 : i32
      %get3A_375 = arith.index_cast %get3A_374 : i32 to index
      %get3A_376 = arith.index_cast %mul3A_373 : i32 to index
      %get3A_377 = tpu.vector_load %arg10[%get3A_375, %get3A_376] {strides = array<i32>} : memref<2x2048xi32, #tpu.memory_space<vmem>>, vector<16xi32>,
      %gather3A_378 = tpu.vector_load_idx %arg9[%get3A_377] : memref<10000xi32, #tpu.memory_space<vmem>>[vector<16xi32>], vector<16xi32>,
      %ge3A_379 = arith.constant 0 : i32
      %ge3A_380 = vector.broadcast %ge3A_379 : i32 to vector<16xi32>
      %ge3A_381 = arith.cmpi sge, %gather3A_378, %ge3A_380 : vector<16xi32>
      %swap3A_382 = arith.index_cast %add3A_357 : i32 to index
      %swap3A_383 = tpu.vector_load %arg12[%swap3A_382] masked %ge3A_381 {strides = array<i32>} : memref<10240xi32, #tpu.memory_space<vmem>>, vector<16xi32>, vector<16xi1>
      tpu.vector_store %arg12[%swap3A_382], %get3A_367 masked %ge3A_381 {strides = array<i32>} : memref<10240xi32, #tpu.memory_space<vmem>>, vector<16xi32>, vector<16xi1>
      %swap3A_384 = arith.index_cast %add3A_357 : i32 to index
      %swap3A_385 = tpu.vector_load %arg13[%swap3A_384] masked %ge3A_381 {strides = array<i32>} : memref<10240xi32, #tpu.memory_space<vmem>>, vector<16xi32>, vector<16xi1>
      tpu.vector_store %arg13[%swap3A_384], %gather3A_378 masked %ge3A_381 {strides = array<i32>} : memref<10240xi32, #tpu.memory_space<vmem>>, vector<16xi32>, vector<16xi1>
      %jit3A_386 = arith.constant 1 : i32
      %jit3A_387 = arith.constant 0 : i32
      %broadcast_in_dim3A_388 = vector.broadcast %jit3A_386 : i32 to vector<16xi32>
      %broadcast_in_dim3A_389 = vector.broadcast %jit3A_387 : i32 to vector<16xi32>
      %select_n3A_390 = arith.select %ge3A_381, %broadcast_in_dim3A_388, %broadcast_in_dim3A_389 : vector<16xi1>, vector<16xi32>
      %reduce_sum3A_391 = arith.constant true
      %reduce_sum3A_392 = vector.broadcast %reduce_sum3A_391 : i1 to vector<16xi1>
      %reduce_sum3A_393 = tpu.scan <sum>, %select_n3A_390 masked %reduce_sum3A_392 : vector<16xi32>, vector<16xi1> -> vector<16xi32>
      %reduce_sum3A_394 = vector.extract %reduce_sum3A_393[15] : i32 from vector<16xi32>
      %add3A_395 = arith.addi %add3A_357, %reduce_sum3A_394 : i32
      %mul3A_396 = arith.constant 4 : i32
      %mul3A_397 = arith.muli %scan3A_285, %mul3A_396 : i32
      %add3A_398 = arith.constant 3 : i32
      %add3A_399 = arith.addi %mul3A_397, %add3A_398 : i32
      %mul3A_400 = arith.constant 16 : i32
      %mul3A_401 = arith.muli %add3A_399, %mul3A_400 : i32
      %get3A_402 = arith.constant 0 : i32
      %get3A_403 = arith.index_cast %get3A_402 : i32 to index
      %get3A_404 = arith.index_cast %mul3A_401 : i32 to index
      %get3A_405 = tpu.vector_load %arg10[%get3A_403, %get3A_404] {strides = array<i32>} : memref<2x2048xi32, #tpu.memory_space<vmem>>, vector<16xi32>,
      %mul3A_406 = arith.constant 4 : i32
      %mul3A_407 = arith.muli %scan3A_285, %mul3A_406 : i32
      %add3A_408 = arith.constant 3 : i32
      %add3A_409 = arith.addi %mul3A_407, %add3A_408 : i32
      %mul3A_410 = arith.constant 16 : i32
      %mul3A_411 = arith.muli %add3A_409, %mul3A_410 : i32
      %get3A_412 = arith.constant 1 : i32
      %get3A_413 = arith.index_cast %get3A_412 : i32 to index
      %get3A_414 = arith.index_cast %mul3A_411 : i32 to index
      %get3A_415 = tpu.vector_load %arg10[%get3A_413, %get3A_414] {strides = array<i32>} : memref<2x2048xi32, #tpu.memory_space<vmem>>, vector<16xi32>,
      %gather3A_416 = tpu.vector_load_idx %arg9[%get3A_415] : memref<10000xi32, #tpu.memory_space<vmem>>[vector<16xi32>], vector<16xi32>,
      %ge3A_417 = arith.constant 0 : i32
      %ge3A_418 = vector.broadcast %ge3A_417 : i32 to vector<16xi32>
      %ge3A_419 = arith.cmpi sge, %gather3A_416, %ge3A_418 : vector<16xi32>
      %swap3A_420 = arith.index_cast %add3A_395 : i32 to index
      %swap3A_421 = tpu.vector_load %arg12[%swap3A_420] masked %ge3A_419 {strides = array<i32>} : memref<10240xi32, #tpu.memory_space<vmem>>, vector<16xi32>, vector<16xi1>
      tpu.vector_store %arg12[%swap3A_420], %get3A_405 masked %ge3A_419 {strides = array<i32>} : memref<10240xi32, #tpu.memory_space<vmem>>, vector<16xi32>, vector<16xi1>
      %swap3A_422 = arith.index_cast %add3A_395 : i32 to index
      %swap3A_423 = tpu.vector_load %arg13[%swap3A_422] masked %ge3A_419 {strides = array<i32>} : memref<10240xi32, #tpu.memory_space<vmem>>, vector<16xi32>, vector<16xi1>
      tpu.vector_store %arg13[%swap3A_422], %gather3A_416 masked %ge3A_419 {strides = array<i32>} : memref<10240xi32, #tpu.memory_space<vmem>>, vector<16xi32>, vector<16xi1>
      %jit3A_424 = arith.constant 1 : i32
      %jit3A_425 = arith.constant 0 : i32
      %broadcast_in_dim3A_426 = vector.broadcast %jit3A_424 : i32 to vector<16xi32>
      %broadcast_in_dim3A_427 = vector.broadcast %jit3A_425 : i32 to vector<16xi32>
      %select_n3A_428 = arith.select %ge3A_419, %broadcast_in_dim3A_426, %broadcast_in_dim3A_427 : vector<16xi1>, vector<16xi32>
      %reduce_sum3A_429 = arith.constant true
      %reduce_sum3A_430 = vector.broadcast %reduce_sum3A_429 : i1 to vector<16xi1>
      %reduce_sum3A_431 = tpu.scan <sum>, %select_n3A_428 masked %reduce_sum3A_430 : vector<16xi32>, vector<16xi1> -> vector<16xi32>
      %reduce_sum3A_432 = vector.extract %reduce_sum3A_431[15] : i32 from vector<16xi32>
      %add3A_433 = arith.addi %add3A_395, %reduce_sum3A_432 : i32
      scf.yield %add3A_433 : i32
    }
    %scan3A_138 = arith.constant 28 : i32
    %and3A = arith.constant 1 : i32
    %and3A_139 = arith.andi %arg1, %and3A : i32
    %mul3A_140 = arith.constant 128 : i32
    %mul3A_141 = arith.muli %and3A_139, %mul3A_140 : i32
    %add3A_142 = arith.constant 159744 : i32
    %add3A_143 = arith.addi %add3A_142, %mul3A_141 : i32
    %multiple_of3A_144 = tpu.assume_multiple %add3A_143, 128 : i32
    "tpu.region"() ({
      %run_scoped3A = tpu.sem_alloc : memref<!tpu.dma_semaphore, #tpu.memory_space<semaphore_mem>>
      %dma_start3A_285 = arith.constant 0 : i32
      %dma_start3A_286 = arith.constant 0 : i32
      %dma_start3A_287 = tpu.memref_slice %arg10[%dma_start3A_285, %dma_start3A_286] : memref<2x2048xi32, #tpu.memory_space<vmem>> -> memref<2x128xi32, #tpu.memory_space<vmem>>
      %dma_start3A_288 = arith.constant 0 : i32
      %dma_start3A_289 = tpu.memref_slice %arg3[%dma_start3A_288, %multiple_of3A_144] : memref<2x160000xi32, #tpu.memory_space<hbm>> -> memref<2x128xi32, #tpu.memory_space<hbm>>
      %dma_start3A_290 = arith.constant 0 : i32
      %dma_start3A_291 = arith.constant 0 : i32
      %dma_start3A_292 = tpu.memref_slice %arg10[%dma_start3A_290, %dma_start3A_291] : memref<2x2048xi32, #tpu.memory_space<vmem>> -> memref<2x128xi32, #tpu.memory_space<vmem>>
      %dma_start3A_293 = arith.constant 0 : i32
      %dma_start3A_294 = tpu.memref_slice %arg3[%dma_start3A_293, %multiple_of3A_144] : memref<2x160000xi32, #tpu.memory_space<hbm>> -> memref<2x128xi32, #tpu.memory_space<hbm>>
      tpu.enqueue_dma source(%dma_start3A_294 : memref<2x128xi32, #tpu.memory_space<hbm>>) target(%dma_start3A_292 : memref<2x128xi32, #tpu.memory_space<vmem>>) target_semaphore(%run_scoped3A : memref<!tpu.dma_semaphore, #tpu.memory_space<semaphore_mem>>)
      %dma_wait3A_295 = arith.constant 0 : i32
      %dma_wait3A_296 = arith.constant 0 : i32
      %dma_wait3A_297 = tpu.memref_slice %arg10[%dma_wait3A_295, %dma_wait3A_296] : memref<2x2048xi32, #tpu.memory_space<vmem>> -> memref<2x128xi32, #tpu.memory_space<vmem>>
      %dma_wait3A_298 = arith.constant 0 : i32
      %dma_wait3A_299 = tpu.memref_slice %arg3[%dma_wait3A_298, %multiple_of3A_144] : memref<2x160000xi32, #tpu.memory_space<hbm>> -> memref<2x128xi32, #tpu.memory_space<hbm>>
      %dma_wait3A_300 = arith.constant 0 : i32
      %dma_wait3A_301 = arith.constant 0 : i32
      %dma_wait3A_302 = tpu.memref_slice %arg10[%dma_wait3A_300, %dma_wait3A_301] : memref<2x2048xi32, #tpu.memory_space<vmem>> -> memref<2x128xi32, #tpu.memory_space<vmem>>
      %dma_wait3A_303 = arith.constant 0 : i32
      %dma_wait3A_304 = tpu.memref_slice %arg3[%dma_wait3A_303, %multiple_of3A_144] : memref<2x160000xi32, #tpu.memory_space<hbm>> -> memref<2x128xi32, #tpu.memory_space<hbm>>
      tpu.wait_dma2 semaphore(%run_scoped3A : memref<!tpu.dma_semaphore, #tpu.memory_space<semaphore_mem>>) src(%dma_wait3A_304 : memref<2x128xi32, #tpu.memory_space<hbm>>) dst(%dma_wait3A_302 : memref<2x128xi32, #tpu.memory_space<vmem>>)
      tpu.yield
    }) : () -> ()
    %lt3A = arith.constant 2 : i32
    %lt3A_145 = arith.cmpi slt, %arg1, %lt3A : i32
    %scan3A_146 = arith.constant 0 : i32
    %scan3A_147 = arith.constant 2 : i32
    %scan3A_148 = arith.addi %scan3A_146, %scan3A_147 : i32
    %scan3A_149 = arith.constant 1 : i32
    %scan3A_150 = scf.for %scan3A_285 = %scan3A_146 to %scan3A_148 step %scan3A_149 iter_args(%scan3A_286 = %scan3A_137) -> (i32)  : i32 {
      %mul3A_287 = arith.constant 4 : i32
      %mul3A_288 = arith.muli %scan3A_285, %mul3A_287 : i32
      %add3A_289 = arith.constant 0 : i32
      %add3A_290 = arith.addi %mul3A_288, %add3A_289 : i32
      %mul3A_291 = arith.constant 16 : i32
      %mul3A_292 = arith.muli %add3A_290, %mul3A_291 : i32
      %get3A = arith.constant 0 : i32
      %get3A_293 = arith.index_cast %get3A : i32 to index
      %get3A_294 = arith.index_cast %mul3A_292 : i32 to index
      %get3A_295 = tpu.vector_load %arg10[%get3A_293, %get3A_294] {strides = array<i32>} : memref<2x2048xi32, #tpu.memory_space<vmem>>, vector<16xi32>,
      %mul3A_296 = arith.constant 4 : i32
      %mul3A_297 = arith.muli %scan3A_285, %mul3A_296 : i32
      %add3A_298 = arith.constant 0 : i32
      %add3A_299 = arith.addi %mul3A_297, %add3A_298 : i32
      %mul3A_300 = arith.constant 16 : i32
      %mul3A_301 = arith.muli %add3A_299, %mul3A_300 : i32
      %get3A_302 = arith.constant 1 : i32
      %get3A_303 = arith.index_cast %get3A_302 : i32 to index
      %get3A_304 = arith.index_cast %mul3A_301 : i32 to index
      %get3A_305 = tpu.vector_load %arg10[%get3A_303, %get3A_304] {strides = array<i32>} : memref<2x2048xi32, #tpu.memory_space<vmem>>, vector<16xi32>,
      %gather3A = tpu.vector_load_idx %arg9[%get3A_305] : memref<10000xi32, #tpu.memory_space<vmem>>[vector<16xi32>], vector<16xi32>,
      %ge3A = arith.constant 0 : i32
      %ge3A_306 = vector.broadcast %ge3A : i32 to vector<16xi32>
      %ge3A_307 = arith.cmpi sge, %gather3A, %ge3A_306 : vector<16xi32>
      %and3A_308 = vector.broadcast %lt3A_145 : i1 to vector<16xi1>
      %and3A_309 = arith.andi %ge3A_307, %and3A_308 : vector<16xi1>
      %swap3A = arith.index_cast %scan3A_286 : i32 to index
      %swap3A_310 = tpu.vector_load %arg12[%swap3A] masked %and3A_309 {strides = array<i32>} : memref<10240xi32, #tpu.memory_space<vmem>>, vector<16xi32>, vector<16xi1>
      tpu.vector_store %arg12[%swap3A], %get3A_295 masked %and3A_309 {strides = array<i32>} : memref<10240xi32, #tpu.memory_space<vmem>>, vector<16xi32>, vector<16xi1>
      %swap3A_311 = arith.index_cast %scan3A_286 : i32 to index
      %swap3A_312 = tpu.vector_load %arg13[%swap3A_311] masked %and3A_309 {strides = array<i32>} : memref<10240xi32, #tpu.memory_space<vmem>>, vector<16xi32>, vector<16xi1>
      tpu.vector_store %arg13[%swap3A_311], %gather3A masked %and3A_309 {strides = array<i32>} : memref<10240xi32, #tpu.memory_space<vmem>>, vector<16xi32>, vector<16xi1>
      %jit3A_313 = arith.constant 1 : i32
      %jit3A_314 = arith.constant 0 : i32
      %broadcast_in_dim3A_315 = vector.broadcast %jit3A_313 : i32 to vector<16xi32>
      %broadcast_in_dim3A_316 = vector.broadcast %jit3A_314 : i32 to vector<16xi32>
      %select_n3A_317 = arith.select %and3A_309, %broadcast_in_dim3A_315, %broadcast_in_dim3A_316 : vector<16xi1>, vector<16xi32>
      %reduce_sum3A = arith.constant true
      %reduce_sum3A_318 = vector.broadcast %reduce_sum3A : i1 to vector<16xi1>
      %reduce_sum3A_319 = tpu.scan <sum>, %select_n3A_317 masked %reduce_sum3A_318 : vector<16xi32>, vector<16xi1> -> vector<16xi32>
      %reduce_sum3A_320 = vector.extract %reduce_sum3A_319[15] : i32 from vector<16xi32>
      %add3A_321 = arith.addi %scan3A_286, %reduce_sum3A_320 : i32
      %mul3A_322 = arith.constant 4 : i32
      %mul3A_323 = arith.muli %scan3A_285, %mul3A_322 : i32
      %add3A_324 = arith.constant 1 : i32
      %add3A_325 = arith.addi %mul3A_323, %add3A_324 : i32
      %mul3A_326 = arith.constant 16 : i32
      %mul3A_327 = arith.muli %add3A_325, %mul3A_326 : i32
      %get3A_328 = arith.constant 0 : i32
      %get3A_329 = arith.index_cast %get3A_328 : i32 to index
      %get3A_330 = arith.index_cast %mul3A_327 : i32 to index
      %get3A_331 = tpu.vector_load %arg10[%get3A_329, %get3A_330] {strides = array<i32>} : memref<2x2048xi32, #tpu.memory_space<vmem>>, vector<16xi32>,
      %mul3A_332 = arith.constant 4 : i32
      %mul3A_333 = arith.muli %scan3A_285, %mul3A_332 : i32
      %add3A_334 = arith.constant 1 : i32
      %add3A_335 = arith.addi %mul3A_333, %add3A_334 : i32
      %mul3A_336 = arith.constant 16 : i32
      %mul3A_337 = arith.muli %add3A_335, %mul3A_336 : i32
      %get3A_338 = arith.constant 1 : i32
      %get3A_339 = arith.index_cast %get3A_338 : i32 to index
      %get3A_340 = arith.index_cast %mul3A_337 : i32 to index
      %get3A_341 = tpu.vector_load %arg10[%get3A_339, %get3A_340] {strides = array<i32>} : memref<2x2048xi32, #tpu.memory_space<vmem>>, vector<16xi32>,
      %gather3A_342 = tpu.vector_load_idx %arg9[%get3A_341] : memref<10000xi32, #tpu.memory_space<vmem>>[vector<16xi32>], vector<16xi32>,
      %ge3A_343 = arith.constant 0 : i32
      %ge3A_344 = vector.broadcast %ge3A_343 : i32 to vector<16xi32>
      %ge3A_345 = arith.cmpi sge, %gather3A_342, %ge3A_344 : vector<16xi32>
      %and3A_346 = vector.broadcast %lt3A_145 : i1 to vector<16xi1>
      %and3A_347 = arith.andi %ge3A_345, %and3A_346 : vector<16xi1>
      %swap3A_348 = arith.index_cast %add3A_321 : i32 to index
      %swap3A_349 = tpu.vector_load %arg12[%swap3A_348] masked %and3A_347 {strides = array<i32>} : memref<10240xi32, #tpu.memory_space<vmem>>, vector<16xi32>, vector<16xi1>
      tpu.vector_store %arg12[%swap3A_348], %get3A_331 masked %and3A_347 {strides = array<i32>} : memref<10240xi32, #tpu.memory_space<vmem>>, vector<16xi32>, vector<16xi1>
      %swap3A_350 = arith.index_cast %add3A_321 : i32 to index
      %swap3A_351 = tpu.vector_load %arg13[%swap3A_350] masked %and3A_347 {strides = array<i32>} : memref<10240xi32, #tpu.memory_space<vmem>>, vector<16xi32>, vector<16xi1>
      tpu.vector_store %arg13[%swap3A_350], %gather3A_342 masked %and3A_347 {strides = array<i32>} : memref<10240xi32, #tpu.memory_space<vmem>>, vector<16xi32>, vector<16xi1>
      %jit3A_352 = arith.constant 1 : i32
      %jit3A_353 = arith.constant 0 : i32
      %broadcast_in_dim3A_354 = vector.broadcast %jit3A_352 : i32 to vector<16xi32>
      %broadcast_in_dim3A_355 = vector.broadcast %jit3A_353 : i32 to vector<16xi32>
      %select_n3A_356 = arith.select %and3A_347, %broadcast_in_dim3A_354, %broadcast_in_dim3A_355 : vector<16xi1>, vector<16xi32>
      %reduce_sum3A_357 = arith.constant true
      %reduce_sum3A_358 = vector.broadcast %reduce_sum3A_357 : i1 to vector<16xi1>
      %reduce_sum3A_359 = tpu.scan <sum>, %select_n3A_356 masked %reduce_sum3A_358 : vector<16xi32>, vector<16xi1> -> vector<16xi32>
      %reduce_sum3A_360 = vector.extract %reduce_sum3A_359[15] : i32 from vector<16xi32>
      %add3A_361 = arith.addi %add3A_321, %reduce_sum3A_360 : i32
      %mul3A_362 = arith.constant 4 : i32
      %mul3A_363 = arith.muli %scan3A_285, %mul3A_362 : i32
      %add3A_364 = arith.constant 2 : i32
      %add3A_365 = arith.addi %mul3A_363, %add3A_364 : i32
      %mul3A_366 = arith.constant 16 : i32
      %mul3A_367 = arith.muli %add3A_365, %mul3A_366 : i32
      %get3A_368 = arith.constant 0 : i32
      %get3A_369 = arith.index_cast %get3A_368 : i32 to index
      %get3A_370 = arith.index_cast %mul3A_367 : i32 to index
      %get3A_371 = tpu.vector_load %arg10[%get3A_369, %get3A_370] {strides = array<i32>} : memref<2x2048xi32, #tpu.memory_space<vmem>>, vector<16xi32>,
      %mul3A_372 = arith.constant 4 : i32
      %mul3A_373 = arith.muli %scan3A_285, %mul3A_372 : i32
      %add3A_374 = arith.constant 2 : i32
      %add3A_375 = arith.addi %mul3A_373, %add3A_374 : i32
      %mul3A_376 = arith.constant 16 : i32
      %mul3A_377 = arith.muli %add3A_375, %mul3A_376 : i32
      %get3A_378 = arith.constant 1 : i32
      %get3A_379 = arith.index_cast %get3A_378 : i32 to index
      %get3A_380 = arith.index_cast %mul3A_377 : i32 to index
      %get3A_381 = tpu.vector_load %arg10[%get3A_379, %get3A_380] {strides = array<i32>} : memref<2x2048xi32, #tpu.memory_space<vmem>>, vector<16xi32>,
      %gather3A_382 = tpu.vector_load_idx %arg9[%get3A_381] : memref<10000xi32, #tpu.memory_space<vmem>>[vector<16xi32>], vector<16xi32>,
      %ge3A_383 = arith.constant 0 : i32
      %ge3A_384 = vector.broadcast %ge3A_383 : i32 to vector<16xi32>
      %ge3A_385 = arith.cmpi sge, %gather3A_382, %ge3A_384 : vector<16xi32>
      %and3A_386 = vector.broadcast %lt3A_145 : i1 to vector<16xi1>
      %and3A_387 = arith.andi %ge3A_385, %and3A_386 : vector<16xi1>
      %swap3A_388 = arith.index_cast %add3A_361 : i32 to index
      %swap3A_389 = tpu.vector_load %arg12[%swap3A_388] masked %and3A_387 {strides = array<i32>} : memref<10240xi32, #tpu.memory_space<vmem>>, vector<16xi32>, vector<16xi1>
      tpu.vector_store %arg12[%swap3A_388], %get3A_371 masked %and3A_387 {strides = array<i32>} : memref<10240xi32, #tpu.memory_space<vmem>>, vector<16xi32>, vector<16xi1>
      %swap3A_390 = arith.index_cast %add3A_361 : i32 to index
      %swap3A_391 = tpu.vector_load %arg13[%swap3A_390] masked %and3A_387 {strides = array<i32>} : memref<10240xi32, #tpu.memory_space<vmem>>, vector<16xi32>, vector<16xi1>
      tpu.vector_store %arg13[%swap3A_390], %gather3A_382 masked %and3A_387 {strides = array<i32>} : memref<10240xi32, #tpu.memory_space<vmem>>, vector<16xi32>, vector<16xi1>
      %jit3A_392 = arith.constant 1 : i32
      %jit3A_393 = arith.constant 0 : i32
      %broadcast_in_dim3A_394 = vector.broadcast %jit3A_392 : i32 to vector<16xi32>
      %broadcast_in_dim3A_395 = vector.broadcast %jit3A_393 : i32 to vector<16xi32>
      %select_n3A_396 = arith.select %and3A_387, %broadcast_in_dim3A_394, %broadcast_in_dim3A_395 : vector<16xi1>, vector<16xi32>
      %reduce_sum3A_397 = arith.constant true
      %reduce_sum3A_398 = vector.broadcast %reduce_sum3A_397 : i1 to vector<16xi1>
      %reduce_sum3A_399 = tpu.scan <sum>, %select_n3A_396 masked %reduce_sum3A_398 : vector<16xi32>, vector<16xi1> -> vector<16xi32>
      %reduce_sum3A_400 = vector.extract %reduce_sum3A_399[15] : i32 from vector<16xi32>
      %add3A_401 = arith.addi %add3A_361, %reduce_sum3A_400 : i32
      %mul3A_402 = arith.constant 4 : i32
      %mul3A_403 = arith.muli %scan3A_285, %mul3A_402 : i32
      %add3A_404 = arith.constant 3 : i32
      %add3A_405 = arith.addi %mul3A_403, %add3A_404 : i32
      %mul3A_406 = arith.constant 16 : i32
      %mul3A_407 = arith.muli %add3A_405, %mul3A_406 : i32
      %get3A_408 = arith.constant 0 : i32
      %get3A_409 = arith.index_cast %get3A_408 : i32 to index
      %get3A_410 = arith.index_cast %mul3A_407 : i32 to index
      %get3A_411 = tpu.vector_load %arg10[%get3A_409, %get3A_410] {strides = array<i32>} : memref<2x2048xi32, #tpu.memory_space<vmem>>, vector<16xi32>,
      %mul3A_412 = arith.constant 4 : i32
      %mul3A_413 = arith.muli %scan3A_285, %mul3A_412 : i32
      %add3A_414 = arith.constant 3 : i32
      %add3A_415 = arith.addi %mul3A_413, %add3A_414 : i32
      %mul3A_416 = arith.constant 16 : i32
      %mul3A_417 = arith.muli %add3A_415, %mul3A_416 : i32
      %get3A_418 = arith.constant 1 : i32
      %get3A_419 = arith.index_cast %get3A_418 : i32 to index
      %get3A_420 = arith.index_cast %mul3A_417 : i32 to index
      %get3A_421 = tpu.vector_load %arg10[%get3A_419, %get3A_420] {strides = array<i32>} : memref<2x2048xi32, #tpu.memory_space<vmem>>, vector<16xi32>,
      %gather3A_422 = tpu.vector_load_idx %arg9[%get3A_421] : memref<10000xi32, #tpu.memory_space<vmem>>[vector<16xi32>], vector<16xi32>,
      %ge3A_423 = arith.constant 0 : i32
      %ge3A_424 = vector.broadcast %ge3A_423 : i32 to vector<16xi32>
      %ge3A_425 = arith.cmpi sge, %gather3A_422, %ge3A_424 : vector<16xi32>
      %and3A_426 = vector.broadcast %lt3A_145 : i1 to vector<16xi1>
      %and3A_427 = arith.andi %ge3A_425, %and3A_426 : vector<16xi1>
      %swap3A_428 = arith.index_cast %add3A_401 : i32 to index
      %swap3A_429 = tpu.vector_load %arg12[%swap3A_428] masked %and3A_427 {strides = array<i32>} : memref<10240xi32, #tpu.memory_space<vmem>>, vector<16xi32>, vector<16xi1>
      tpu.vector_store %arg12[%swap3A_428], %get3A_411 masked %and3A_427 {strides = array<i32>} : memref<10240xi32, #tpu.memory_space<vmem>>, vector<16xi32>, vector<16xi1>
      %swap3A_430 = arith.index_cast %add3A_401 : i32 to index
      %swap3A_431 = tpu.vector_load %arg13[%swap3A_430] masked %and3A_427 {strides = array<i32>} : memref<10240xi32, #tpu.memory_space<vmem>>, vector<16xi32>, vector<16xi1>
      tpu.vector_store %arg13[%swap3A_430], %gather3A_422 masked %and3A_427 {strides = array<i32>} : memref<10240xi32, #tpu.memory_space<vmem>>, vector<16xi32>, vector<16xi1>
      %jit3A_432 = arith.constant 1 : i32
      %jit3A_433 = arith.constant 0 : i32
      %broadcast_in_dim3A_434 = vector.broadcast %jit3A_432 : i32 to vector<16xi32>
      %broadcast_in_dim3A_435 = vector.broadcast %jit3A_433 : i32 to vector<16xi32>
      %select_n3A_436 = arith.select %and3A_427, %broadcast_in_dim3A_434, %broadcast_in_dim3A_435 : vector<16xi1>, vector<16xi32>
      %reduce_sum3A_437 = arith.constant true
      %reduce_sum3A_438 = vector.broadcast %reduce_sum3A_437 : i1 to vector<16xi1>
      %reduce_sum3A_439 = tpu.scan <sum>, %select_n3A_436 masked %reduce_sum3A_438 : vector<16xi32>, vector<16xi1> -> vector<16xi32>
      %reduce_sum3A_440 = vector.extract %reduce_sum3A_439[15] : i32 from vector<16xi32>
      %add3A_441 = arith.addi %add3A_401, %reduce_sum3A_440 : i32
      scf.yield %add3A_441 : i32
    }
    %scan3A_151 = arith.constant 2 : i32
    %add3A_152 = arith.constant 127 : i32
    %add3A_153 = arith.addi %scan3A_150, %add3A_152 : i32
    %jit3A = arith.constant 128 : i32
    %div3A = arith.divsi %add3A_153, %jit3A : i32
    %sign3A = arith.constant 0 : i32
    %sign3A_154 = arith.cmpi sgt, %add3A_153, %sign3A : i32
    %sign3A_155 = arith.extui %sign3A_154 : i1 to i32
    %sign3A_156 = arith.constant 0 : i32
    %sign3A_157 = arith.cmpi slt, %add3A_153, %sign3A_156 : i32
    %sign3A_158 = arith.extui %sign3A_157 : i1 to i32
    %sign3A_159 = arith.subi %sign3A_155, %sign3A_158 : i32
    %sign3A_160 = arith.constant 0 : i32
    %sign3A_161 = arith.cmpi sgt, %jit3A, %sign3A_160 : i32
    %sign3A_162 = arith.extui %sign3A_161 : i1 to i32
    %sign3A_163 = arith.constant 0 : i32
    %sign3A_164 = arith.cmpi slt, %jit3A, %sign3A_163 : i32
    %sign3A_165 = arith.extui %sign3A_164 : i1 to i32
    %sign3A_166 = arith.subi %sign3A_162, %sign3A_165 : i32
    %ne3A = arith.cmpi ne, %sign3A_159, %sign3A_166 : i32
    %rem3A = arith.remsi %add3A_153, %jit3A : i32
    %ne3A_167 = arith.constant 0 : i32
    %ne3A_168 = arith.cmpi ne, %rem3A, %ne3A_167 : i32
    %and3A_169 = arith.andi %ne3A, %ne3A_168 : i1
    %sub3A = arith.constant 1 : i32
    %sub3A_170 = arith.subi %div3A, %sub3A : i32
    %select_n3A = arith.select %and3A_169, %sub3A_170, %div3A : i32
    %mul3A_171 = arith.constant 8 : i32
    %mul3A_172 = vector.broadcast %mul3A_171 : i32 to vector<16xi32>
    %mul3A_173 = arith.muli %iota3A, %mul3A_172 : vector<16xi32>
    %add3A_174 = arith.constant 4096 : i32
    %add3A_175 = vector.broadcast %add3A_174 : i32 to vector<16xi32>
    %add3A_176 = arith.addi %add3A_175, %mul3A_173 : vector<16xi32>
    %scan3A_177 = arith.constant 0 : i32
    %scan3A_178 = arith.constant 0 : i32
    %scan3A_179 = arith.constant 8 : i32
    %scan3A_180 = arith.addi %scan3A_178, %scan3A_179 : i32
    %scan3A_181 = arith.constant 1 : i32
    %scan3A_182 = scf.for %scan3A_285 = %scan3A_178 to %scan3A_180 step %scan3A_181 iter_args(%scan3A_286 = %scan3A_177) -> (i32)  : i32 {
      %mul3A_287 = arith.constant 16 : i32
      %mul3A_288 = arith.muli %scan3A_285, %mul3A_287 : i32
      %add3A_289 = arith.addi %scan3A_150, %mul3A_288 : i32
      %swap3A = arith.index_cast %add3A_289 : i32 to index
      %swap3A_290 = tpu.vector_load %arg12[%swap3A] {strides = array<i32>} : memref<10240xi32, #tpu.memory_space<vmem>>, vector<16xi32>,
      tpu.vector_store %arg12[%swap3A], %iota3A {strides = array<i32>} : memref<10240xi32, #tpu.memory_space<vmem>>, vector<16xi32>,
      %mul3A_291 = arith.constant 16 : i32
      %mul3A_292 = arith.muli %scan3A_285, %mul3A_291 : i32
      %add3A_293 = arith.addi %scan3A_150, %mul3A_292 : i32
      %swap3A_294 = arith.index_cast %add3A_293 : i32 to index
      %swap3A_295 = tpu.vector_load %arg13[%swap3A_294] {strides = array<i32>} : memref<10240xi32, #tpu.memory_space<vmem>>, vector<16xi32>,
      tpu.vector_store %arg13[%swap3A_294], %add3A_176 {strides = array<i32>} : memref<10240xi32, #tpu.memory_space<vmem>>, vector<16xi32>,
      %scan3A_296 = arith.constant 0 : i32
      scf.yield %scan3A_296 : i32
    }
    %scan3A_183 = arith.constant 8 : i32
    %while3A = arith.constant 0 : i32
    %while3A_184 = arith.constant 0 : i32
    %while3A_185 = arith.subi %select_n3A, %while3A : i32
    %while3A_186 = arith.addi %while3A, %while3A_185 : i32
    %while3A_187 = arith.constant 1 : i32
    %while3A_188 = arith.divsi %while3A_185, %while3A_187 : i32
    %while3A_189 = arith.muli %while3A_188, %while3A_187 : i32
    %while3A_190 = arith.addi %while3A, %while3A_189 : i32
    %while3A_191 = arith.constant 1 : i32
    %while3A_192 = scf.for %while3A_285 = %while3A to %while3A_190 step %while3A_191 iter_args(%while3A_286 = %while3A_184) -> (i32)  : i32 {
      %mul3A_287 = arith.constant 128 : i32
      %mul3A_288 = arith.muli %while3A_285, %mul3A_287 : i32
      %add3A_289 = arith.constant 0 : i32
      %add3A_290 = arith.addi %mul3A_288, %add3A_289 : i32
      %get3A = arith.index_cast %add3A_290 : i32 to index
      %get3A_291 = tpu.vector_load %arg13[%get3A] {strides = array<i32>} : memref<10240xi32, #tpu.memory_space<vmem>>, vector<16xi32>,
      %swap3A = arith.index_cast %while3A_285 : i32 to index
      %swap3A_292 = arith.constant 0 : index
      %swap3A_293 = tpu.vector_load %arg14[%swap3A, %swap3A_292] {strides = array<i32>} : memref<80x128xi32, #tpu.memory_space<vmem>>, vector<16xi32>,
      tpu.vector_store %arg14[%swap3A, %swap3A_292], %get3A_291 {strides = array<i32>} : memref<80x128xi32, #tpu.memory_space<vmem>>, vector<16xi32>,
      %mul3A_294 = arith.constant 128 : i32
      %mul3A_295 = arith.muli %while3A_285, %mul3A_294 : i32
      %add3A_296 = arith.constant 16 : i32
      %add3A_297 = arith.addi %mul3A_295, %add3A_296 : i32
      %get3A_298 = arith.index_cast %add3A_297 : i32 to index
      %get3A_299 = tpu.vector_load %arg13[%get3A_298] {strides = array<i32>} : memref<10240xi32, #tpu.memory_space<vmem>>, vector<16xi32>,
      %swap3A_300 = arith.index_cast %while3A_285 : i32 to index
      %swap3A_301 = arith.constant 16 : index
      %swap3A_302 = tpu.vector_load %arg14[%swap3A_300, %swap3A_301] {strides = array<i32>} : memref<80x128xi32, #tpu.memory_space<vmem>>, vector<16xi32>,
      tpu.vector_store %arg14[%swap3A_300, %swap3A_301], %get3A_299 {strides = array<i32>} : memref<80x128xi32, #tpu.memory_space<vmem>>, vector<16xi32>,
      %mul3A_303 = arith.constant 128 : i32
      %mul3A_304 = arith.muli %while3A_285, %mul3A_303 : i32
      %add3A_305 = arith.constant 32 : i32
      %add3A_306 = arith.addi %mul3A_304, %add3A_305 : i32
      %get3A_307 = arith.index_cast %add3A_306 : i32 to index
      %get3A_308 = tpu.vector_load %arg13[%get3A_307] {strides = array<i32>} : memref<10240xi32, #tpu.memory_space<vmem>>, vector<16xi32>,
      %swap3A_309 = arith.index_cast %while3A_285 : i32 to index
      %swap3A_310 = arith.constant 32 : index
      %swap3A_311 = tpu.vector_load %arg14[%swap3A_309, %swap3A_310] {strides = array<i32>} : memref<80x128xi32, #tpu.memory_space<vmem>>, vector<16xi32>,
      tpu.vector_store %arg14[%swap3A_309, %swap3A_310], %get3A_308 {strides = array<i32>} : memref<80x128xi32, #tpu.memory_space<vmem>>, vector<16xi32>,
      %mul3A_312 = arith.constant 128 : i32
      %mul3A_313 = arith.muli %while3A_285, %mul3A_312 : i32
      %add3A_314 = arith.constant 48 : i32
      %add3A_315 = arith.addi %mul3A_313, %add3A_314 : i32
      %get3A_316 = arith.index_cast %add3A_315 : i32 to index
      %get3A_317 = tpu.vector_load %arg13[%get3A_316] {strides = array<i32>} : memref<10240xi32, #tpu.memory_space<vmem>>, vector<16xi32>,
      %swap3A_318 = arith.index_cast %while3A_285 : i32 to index
      %swap3A_319 = arith.constant 48 : index
      %swap3A_320 = tpu.vector_load %arg14[%swap3A_318, %swap3A_319] {strides = array<i32>} : memref<80x128xi32, #tpu.memory_space<vmem>>, vector<16xi32>,
      tpu.vector_store %arg14[%swap3A_318, %swap3A_319], %get3A_317 {strides = array<i32>} : memref<80x128xi32, #tpu.memory_space<vmem>>, vector<16xi32>,
      %mul3A_321 = arith.constant 128 : i32
      %mul3A_322 = arith.muli %while3A_285, %mul3A_321 : i32
      %add3A_323 = arith.constant 64 : i32
      %add3A_324 = arith.addi %mul3A_322, %add3A_323 : i32
      %get3A_325 = arith.index_cast %add3A_324 : i32 to index
      %get3A_326 = tpu.vector_load %arg13[%get3A_325] {strides = array<i32>} : memref<10240xi32, #tpu.memory_space<vmem>>, vector<16xi32>,
      %swap3A_327 = arith.index_cast %while3A_285 : i32 to index
      %swap3A_328 = arith.constant 64 : index
      %swap3A_329 = tpu.vector_load %arg14[%swap3A_327, %swap3A_328] {strides = array<i32>} : memref<80x128xi32, #tpu.memory_space<vmem>>, vector<16xi32>,
      tpu.vector_store %arg14[%swap3A_327, %swap3A_328], %get3A_326 {strides = array<i32>} : memref<80x128xi32, #tpu.memory_space<vmem>>, vector<16xi32>,
      %mul3A_330 = arith.constant 128 : i32
      %mul3A_331 = arith.muli %while3A_285, %mul3A_330 : i32
      %add3A_332 = arith.constant 80 : i32
      %add3A_333 = arith.addi %mul3A_331, %add3A_332 : i32
      %get3A_334 = arith.index_cast %add3A_333 : i32 to index
      %get3A_335 = tpu.vector_load %arg13[%get3A_334] {strides = array<i32>} : memref<10240xi32, #tpu.memory_space<vmem>>, vector<16xi32>,
      %swap3A_336 = arith.index_cast %while3A_285 : i32 to index
      %swap3A_337 = arith.constant 80 : index
      %swap3A_338 = tpu.vector_load %arg14[%swap3A_336, %swap3A_337] {strides = array<i32>} : memref<80x128xi32, #tpu.memory_space<vmem>>, vector<16xi32>,
      tpu.vector_store %arg14[%swap3A_336, %swap3A_337], %get3A_335 {strides = array<i32>} : memref<80x128xi32, #tpu.memory_space<vmem>>, vector<16xi32>,
      %mul3A_339 = arith.constant 128 : i32
      %mul3A_340 = arith.muli %while3A_285, %mul3A_339 : i32
      %add3A_341 = arith.constant 96 : i32
      %add3A_342 = arith.addi %mul3A_340, %add3A_341 : i32
      %get3A_343 = arith.index_cast %add3A_342 : i32 to index
      %get3A_344 = tpu.vector_load %arg13[%get3A_343] {strides = array<i32>} : memref<10240xi32, #tpu.memory_space<vmem>>, vector<16xi32>,
      %swap3A_345 = arith.index_cast %while3A_285 : i32 to index
      %swap3A_346 = arith.constant 96 : index
      %swap3A_347 = tpu.vector_load %arg14[%swap3A_345, %swap3A_346] {strides = array<i32>} : memref<80x128xi32, #tpu.memory_space<vmem>>, vector<16xi32>,
      tpu.vector_store %arg14[%swap3A_345, %swap3A_346], %get3A_344 {strides = array<i32>} : memref<80x128xi32, #tpu.memory_space<vmem>>, vector<16xi32>,
      %mul3A_348 = arith.constant 128 : i32
      %mul3A_349 = arith.muli %while3A_285, %mul3A_348 : i32
      %add3A_350 = arith.constant 112 : i32
      %add3A_351 = arith.addi %mul3A_349, %add3A_350 : i32
      %get3A_352 = arith.index_cast %add3A_351 : i32 to index
      %get3A_353 = tpu.vector_load %arg13[%get3A_352] {strides = array<i32>} : memref<10240xi32, #tpu.memory_space<vmem>>, vector<16xi32>,
      %swap3A_354 = arith.index_cast %while3A_285 : i32 to index
      %swap3A_355 = arith.constant 112 : index
      %swap3A_356 = tpu.vector_load %arg14[%swap3A_354, %swap3A_355] {strides = array<i32>} : memref<80x128xi32, #tpu.memory_space<vmem>>, vector<16xi32>,
      tpu.vector_store %arg14[%swap3A_354, %swap3A_355], %get3A_353 {strides = array<i32>} : memref<80x128xi32, #tpu.memory_space<vmem>>, vector<16xi32>,
      %while3A_357 = arith.constant 0 : i32
      scf.yield %while3A_357 : i32
    }
    %while3A_193 = arith.constant 1 : i32
    %while3A_194 = scf.for %while3A_285 = %while3A_190 to %while3A_186 step %while3A_193 iter_args(%while3A_286 = %while3A_192) -> (i32)  : i32 {
      %mul3A_287 = arith.constant 128 : i32
      %mul3A_288 = arith.muli %while3A_285, %mul3A_287 : i32
      %add3A_289 = arith.constant 0 : i32
      %add3A_290 = arith.addi %mul3A_288, %add3A_289 : i32
      %get3A = arith.index_cast %add3A_290 : i32 to index
      %get3A_291 = tpu.vector_load %arg13[%get3A] {strides = array<i32>} : memref<10240xi32, #tpu.memory_space<vmem>>, vector<16xi32>,
      %swap3A = arith.index_cast %while3A_285 : i32 to index
      %swap3A_292 = arith.constant 0 : index
      %swap3A_293 = tpu.vector_load %arg14[%swap3A, %swap3A_292] {strides = array<i32>} : memref<80x128xi32, #tpu.memory_space<vmem>>, vector<16xi32>,
      tpu.vector_store %arg14[%swap3A, %swap3A_292], %get3A_291 {strides = array<i32>} : memref<80x128xi32, #tpu.memory_space<vmem>>, vector<16xi32>,
      %mul3A_294 = arith.constant 128 : i32
      %mul3A_295 = arith.muli %while3A_285, %mul3A_294 : i32
      %add3A_296 = arith.constant 16 : i32
      %add3A_297 = arith.addi %mul3A_295, %add3A_296 : i32
      %get3A_298 = arith.index_cast %add3A_297 : i32 to index
      %get3A_299 = tpu.vector_load %arg13[%get3A_298] {strides = array<i32>} : memref<10240xi32, #tpu.memory_space<vmem>>, vector<16xi32>,
      %swap3A_300 = arith.index_cast %while3A_285 : i32 to index
      %swap3A_301 = arith.constant 16 : index
      %swap3A_302 = tpu.vector_load %arg14[%swap3A_300, %swap3A_301] {strides = array<i32>} : memref<80x128xi32, #tpu.memory_space<vmem>>, vector<16xi32>,
      tpu.vector_store %arg14[%swap3A_300, %swap3A_301], %get3A_299 {strides = array<i32>} : memref<80x128xi32, #tpu.memory_space<vmem>>, vector<16xi32>,
      %mul3A_303 = arith.constant 128 : i32
      %mul3A_304 = arith.muli %while3A_285, %mul3A_303 : i32
      %add3A_305 = arith.constant 32 : i32
      %add3A_306 = arith.addi %mul3A_304, %add3A_305 : i32
      %get3A_307 = arith.index_cast %add3A_306 : i32 to index
      %get3A_308 = tpu.vector_load %arg13[%get3A_307] {strides = array<i32>} : memref<10240xi32, #tpu.memory_space<vmem>>, vector<16xi32>,
      %swap3A_309 = arith.index_cast %while3A_285 : i32 to index
      %swap3A_310 = arith.constant 32 : index
      %swap3A_311 = tpu.vector_load %arg14[%swap3A_309, %swap3A_310] {strides = array<i32>} : memref<80x128xi32, #tpu.memory_space<vmem>>, vector<16xi32>,
      tpu.vector_store %arg14[%swap3A_309, %swap3A_310], %get3A_308 {strides = array<i32>} : memref<80x128xi32, #tpu.memory_space<vmem>>, vector<16xi32>,
      %mul3A_312 = arith.constant 128 : i32
      %mul3A_313 = arith.muli %while3A_285, %mul3A_312 : i32
      %add3A_314 = arith.constant 48 : i32
      %add3A_315 = arith.addi %mul3A_313, %add3A_314 : i32
      %get3A_316 = arith.index_cast %add3A_315 : i32 to index
      %get3A_317 = tpu.vector_load %arg13[%get3A_316] {strides = array<i32>} : memref<10240xi32, #tpu.memory_space<vmem>>, vector<16xi32>,
      %swap3A_318 = arith.index_cast %while3A_285 : i32 to index
      %swap3A_319 = arith.constant 48 : index
      %swap3A_320 = tpu.vector_load %arg14[%swap3A_318, %swap3A_319] {strides = array<i32>} : memref<80x128xi32, #tpu.memory_space<vmem>>, vector<16xi32>,
      tpu.vector_store %arg14[%swap3A_318, %swap3A_319], %get3A_317 {strides = array<i32>} : memref<80x128xi32, #tpu.memory_space<vmem>>, vector<16xi32>,
      %mul3A_321 = arith.constant 128 : i32
      %mul3A_322 = arith.muli %while3A_285, %mul3A_321 : i32
      %add3A_323 = arith.constant 64 : i32
      %add3A_324 = arith.addi %mul3A_322, %add3A_323 : i32
      %get3A_325 = arith.index_cast %add3A_324 : i32 to index
      %get3A_326 = tpu.vector_load %arg13[%get3A_325] {strides = array<i32>} : memref<10240xi32, #tpu.memory_space<vmem>>, vector<16xi32>,
      %swap3A_327 = arith.index_cast %while3A_285 : i32 to index
      %swap3A_328 = arith.constant 64 : index
      %swap3A_329 = tpu.vector_load %arg14[%swap3A_327, %swap3A_328] {strides = array<i32>} : memref<80x128xi32, #tpu.memory_space<vmem>>, vector<16xi32>,
      tpu.vector_store %arg14[%swap3A_327, %swap3A_328], %get3A_326 {strides = array<i32>} : memref<80x128xi32, #tpu.memory_space<vmem>>, vector<16xi32>,
      %mul3A_330 = arith.constant 128 : i32
      %mul3A_331 = arith.muli %while3A_285, %mul3A_330 : i32
      %add3A_332 = arith.constant 80 : i32
      %add3A_333 = arith.addi %mul3A_331, %add3A_332 : i32
      %get3A_334 = arith.index_cast %add3A_333 : i32 to index
      %get3A_335 = tpu.vector_load %arg13[%get3A_334] {strides = array<i32>} : memref<10240xi32, #tpu.memory_space<vmem>>, vector<16xi32>,
      %swap3A_336 = arith.index_cast %while3A_285 : i32 to index
      %swap3A_337 = arith.constant 80 : index
      %swap3A_338 = tpu.vector_load %arg14[%swap3A_336, %swap3A_337] {strides = array<i32>} : memref<80x128xi32, #tpu.memory_space<vmem>>, vector<16xi32>,
      tpu.vector_store %arg14[%swap3A_336, %swap3A_337], %get3A_335 {strides = array<i32>} : memref<80x128xi32, #tpu.memory_space<vmem>>, vector<16xi32>,
      %mul3A_339 = arith.constant 128 : i32
      %mul3A_340 = arith.muli %while3A_285, %mul3A_339 : i32
      %add3A_341 = arith.constant 96 : i32
      %add3A_342 = arith.addi %mul3A_340, %add3A_341 : i32
      %get3A_343 = arith.index_cast %add3A_342 : i32 to index
      %get3A_344 = tpu.vector_load %arg13[%get3A_343] {strides = array<i32>} : memref<10240xi32, #tpu.memory_space<vmem>>, vector<16xi32>,
      %swap3A_345 = arith.index_cast %while3A_285 : i32 to index
      %swap3A_346 = arith.constant 96 : index
      %swap3A_347 = tpu.vector_load %arg14[%swap3A_345, %swap3A_346] {strides = array<i32>} : memref<80x128xi32, #tpu.memory_space<vmem>>, vector<16xi32>,
      tpu.vector_store %arg14[%swap3A_345, %swap3A_346], %get3A_344 {strides = array<i32>} : memref<80x128xi32, #tpu.memory_space<vmem>>, vector<16xi32>,
      %mul3A_348 = arith.constant 128 : i32
      %mul3A_349 = arith.muli %while3A_285, %mul3A_348 : i32
      %add3A_350 = arith.constant 112 : i32
      %add3A_351 = arith.addi %mul3A_349, %add3A_350 : i32
      %get3A_352 = arith.index_cast %add3A_351 : i32 to index
      %get3A_353 = tpu.vector_load %arg13[%get3A_352] {strides = array<i32>} : memref<10240xi32, #tpu.memory_space<vmem>>, vector<16xi32>,
      %swap3A_354 = arith.index_cast %while3A_285 : i32 to index
      %swap3A_355 = arith.constant 112 : index
      %swap3A_356 = tpu.vector_load %arg14[%swap3A_354, %swap3A_355] {strides = array<i32>} : memref<80x128xi32, #tpu.memory_space<vmem>>, vector<16xi32>,
      tpu.vector_store %arg14[%swap3A_354, %swap3A_355], %get3A_353 {strides = array<i32>} : memref<80x128xi32, #tpu.memory_space<vmem>>, vector<16xi32>,
      %while3A_357 = arith.constant 0 : i32
      scf.yield %while3A_357 : i32
    }
    %gt3A = arith.constant 0 : i32
    "tpu.trace_stop"() : () -> ()
    "tpu.trace_start"() <{level = 10 : i32, message = "pB_agg"}> : () -> ()
    %gt3A_195 = arith.cmpi sgt, %select_n3A, %gt3A : i32
    %convert_element_type3A = arith.extui %gt3A_195 : i1 to i32
    %cond3A = arith.constant 0 : i32
    %cond3A_196 = arith.cmpi ne, %convert_element_type3A, %cond3A : i32
    scf.if %cond3A_196 {
      %dma_start3A_285 = arith.constant 0 : i32
      %dma_start3A_286 = tpu.memref_slice %arg12[%dma_start3A_285] : memref<10240xi32, #tpu.memory_space<vmem>> -> memref<128xi32, #tpu.memory_space<vmem>>
      %dma_start3A_287 = arith.constant 0 : i32
      %dma_start3A_288 = tpu.memref_slice %arg2[%dma_start3A_287, %multiple_of3A] : memref<10000x256xf32, #tpu.memory_space<hbm>> -> memref<10000x128xf32, #tpu.memory_space<hbm>>
      tpu.enqueue_indirect_dma source(%dma_start3A_288 : memref<10000x128xf32, #tpu.memory_space<hbm>>) target(%arg15 : memref<128x128xf32, #tpu.memory_space<vmem>>) offsets(%dma_start3A_286 : memref<128xi32, #tpu.memory_space<vmem>>) semaphore(%arg23 : memref<!tpu.dma_semaphore, #tpu.memory_space<semaphore_mem>>)
    } else {
    }
    %add3A_197 = arith.constant 1 : i32
    %add3A_198 = arith.addi %select_n3A, %add3A_197 : i32
    %jit3A_199 = arith.constant 2 : i32
    %div3A_200 = arith.divsi %add3A_198, %jit3A_199 : i32
    %sign3A_201 = arith.constant 0 : i32
    %sign3A_202 = arith.cmpi sgt, %add3A_198, %sign3A_201 : i32
    %sign3A_203 = arith.extui %sign3A_202 : i1 to i32
    %sign3A_204 = arith.constant 0 : i32
    %sign3A_205 = arith.cmpi slt, %add3A_198, %sign3A_204 : i32
    %sign3A_206 = arith.extui %sign3A_205 : i1 to i32
    %sign3A_207 = arith.subi %sign3A_203, %sign3A_206 : i32
    %sign3A_208 = arith.constant 0 : i32
    %sign3A_209 = arith.cmpi sgt, %jit3A_199, %sign3A_208 : i32
    %sign3A_210 = arith.extui %sign3A_209 : i1 to i32
    %sign3A_211 = arith.constant 0 : i32
    %sign3A_212 = arith.cmpi slt, %jit3A_199, %sign3A_211 : i32
    %sign3A_213 = arith.extui %sign3A_212 : i1 to i32
    %sign3A_214 = arith.subi %sign3A_210, %sign3A_213 : i32
    %ne3A_215 = arith.cmpi ne, %sign3A_207, %sign3A_214 : i32
    %rem3A_216 = arith.remsi %add3A_198, %jit3A_199 : i32
    %ne3A_217 = arith.constant 0 : i32
    %ne3A_218 = arith.cmpi ne, %rem3A_216, %ne3A_217 : i32
    %and3A_219 = arith.andi %ne3A_215, %ne3A_218 : i1
    %sub3A_220 = arith.constant 1 : i32
    %sub3A_221 = arith.subi %div3A_200, %sub3A_220 : i32
    %select_n3A_222 = arith.select %and3A_219, %sub3A_221, %div3A_200 : i32
    %while3A_223 = arith.constant 0 : i32
    %while3A_224 = arith.constant 0 : i32
    %while3A_225 = arith.subi %select_n3A_222, %while3A_223 : i32
    %while3A_226 = arith.addi %while3A_223, %while3A_225 : i32
    %while3A_227 = arith.constant 1 : i32
    %while3A_228 = arith.divsi %while3A_225, %while3A_227 : i32
    %while3A_229 = arith.muli %while3A_228, %while3A_227 : i32
    %while3A_230 = arith.addi %while3A_223, %while3A_229 : i32
    %while3A_231 = arith.constant 1 : i32
    %while3A_232 = scf.for %while3A_285 = %while3A_223 to %while3A_230 step %while3A_231 iter_args(%while3A_286 = %while3A_224) -> (i32)  : i32 {
      %mul3A_287 = arith.constant 2 : i32
      %mul3A_288 = arith.muli %while3A_285, %mul3A_287 : i32
      %add3A_289 = arith.constant 1 : i32
      %add3A_290 = arith.addi %mul3A_288, %add3A_289 : i32
      %lt3A_291 = arith.cmpi slt, %add3A_290, %select_n3A : i32
      %convert_element_type3A_292 = arith.extui %lt3A_291 : i1 to i32
      %cond3A_293 = arith.constant 0 : i32
      %cond3A_294 = arith.cmpi ne, %convert_element_type3A_292, %cond3A_293 : i32
      scf.if %cond3A_294 {
        %mul3A_311 = arith.constant 128 : i32
        %mul3A_312 = arith.muli %add3A_290, %mul3A_311 : i32
        %dma_start3A_313 = tpu.memref_slice %arg12[%mul3A_312] : memref<10240xi32, #tpu.memory_space<vmem>> -> memref<128xi32, #tpu.memory_space<vmem>>
        %dma_start3A_314 = arith.constant 0 : i32
        %dma_start3A_315 = tpu.memref_slice %arg2[%dma_start3A_314, %multiple_of3A] : memref<10000x256xf32, #tpu.memory_space<hbm>> -> memref<10000x128xf32, #tpu.memory_space<hbm>>
        tpu.enqueue_indirect_dma source(%dma_start3A_315 : memref<10000x128xf32, #tpu.memory_space<hbm>>) target(%arg16 : memref<128x128xf32, #tpu.memory_space<vmem>>) offsets(%dma_start3A_313 : memref<128xi32, #tpu.memory_space<vmem>>) semaphore(%arg24 : memref<!tpu.dma_semaphore, #tpu.memory_space<semaphore_mem>>)
      } else {
      }
      %dma_wait3A_295 = arith.constant 0 : i32
      %dma_wait3A_296 = arith.constant 0 : i32
      %dma_wait3A_297 = tpu.memref_slice %arg2[%dma_wait3A_295, %dma_wait3A_296] : memref<10000x256xf32, #tpu.memory_space<hbm>> -> memref<128x128xf32, #tpu.memory_space<hbm>>
      %dma_wait3A_298 = arith.constant 0 : i32
      %dma_wait3A_299 = arith.constant 0 : i32
      %dma_wait3A_300 = tpu.memref_slice %arg2[%dma_wait3A_298, %dma_wait3A_299] : memref<10000x256xf32, #tpu.memory_space<hbm>> -> memref<128x128xf32, #tpu.memory_space<hbm>>
      tpu.wait_dma2 semaphore(%arg23 : memref<!tpu.dma_semaphore, #tpu.memory_space<semaphore_mem>>) src(%dma_wait3A_300 : memref<128x128xf32, #tpu.memory_space<hbm>>) dst(%arg15 : memref<128x128xf32, #tpu.memory_space<vmem>>)
      "tpu.region"() ({
        %run_scoped3A = tpu.sem_alloc : memref<!tpu.dma_semaphore, #tpu.memory_space<semaphore_mem>>
        %dma_start3A_311 = arith.constant 0 : i32
        %dma_start3A_312 = tpu.memref_slice %arg14[%mul3A_288, %dma_start3A_311] : memref<80x128xi32, #tpu.memory_space<vmem>> -> memref<1x128xi32, #tpu.memory_space<vmem>>
        %dma_start3A_313 = tpu.memref_squeeze %dma_start3A_312 : memref<1x128xi32, #tpu.memory_space<vmem>> -> memref<128xi32, #tpu.memory_space<vmem>>
        %dma_start3A_314 = arith.constant 0 : i32
        %dma_start3A_315 = arith.constant 0 : i32
        %dma_start3A_316 = tpu.memref_slice %arg21[%dma_start3A_314, %dma_start3A_315] : memref<4224x128xf32, #tpu.memory_space<vmem_shared>> -> memref<4224x128xf32, #tpu.memory_space<vmem_shared>>
        tpu.enqueue_indirect_dma source(%arg15 : memref<128x128xf32, #tpu.memory_space<vmem>>) target(%dma_start3A_316 : memref<4224x128xf32, #tpu.memory_space<vmem_shared>>) offsets(%dma_start3A_313 : memref<128xi32, #tpu.memory_space<vmem>>) semaphore(%run_scoped3A : memref<!tpu.dma_semaphore, #tpu.memory_space<semaphore_mem>>) {add = true}
        %dma_wait3A_317 = arith.constant 0 : i32
        %dma_wait3A_318 = tpu.memref_slice %arg14[%mul3A_288, %dma_wait3A_317] : memref<80x128xi32, #tpu.memory_space<vmem>> -> memref<1x128xi32, #tpu.memory_space<vmem>>
        %dma_wait3A_319 = tpu.memref_squeeze %dma_wait3A_318 : memref<1x128xi32, #tpu.memory_space<vmem>> -> memref<128xi32, #tpu.memory_space<vmem>>
        %dma_wait3A_320 = arith.constant 0 : i32
        %dma_wait3A_321 = arith.constant 0 : i32
        %dma_wait3A_322 = tpu.memref_slice %arg21[%dma_wait3A_320, %dma_wait3A_321] : memref<4224x128xf32, #tpu.memory_space<vmem_shared>> -> memref<4224x128xf32, #tpu.memory_space<vmem_shared>>
        tpu.wait_indirect_dma semaphore(%run_scoped3A : memref<!tpu.dma_semaphore, #tpu.memory_space<semaphore_mem>>) src(%arg15 : memref<128x128xf32, #tpu.memory_space<vmem>>) dst(%dma_wait3A_322 : memref<4224x128xf32, #tpu.memory_space<vmem_shared>>)
        tpu.yield
      }) : () -> ()
      %eq3A_301 = arith.constant 0 : i32
      %eq3A_302 = arith.cmpi eq, %arg0, %eq3A_301 : i32
      %convert_element_type3A_303 = arith.extui %eq3A_302 : i1 to i32
      %cond3A_304 = arith.constant 0 : i32
      %cond3A_305 = arith.cmpi ne, %convert_element_type3A_303, %cond3A_304 : i32
      scf.if %cond3A_305 {
        "tpu.region"() ({
          %run_scoped3A = tpu.sem_alloc : memref<!tpu.dma_semaphore, #tpu.memory_space<semaphore_mem>>
          %dma_start3A_311 = arith.constant 0 : i32
          %dma_start3A_312 = tpu.memref_slice %arg14[%mul3A_288, %dma_start3A_311] : memref<80x128xi32, #tpu.memory_space<vmem>> -> memref<1x128xi32, #tpu.memory_space<vmem>>
          %dma_start3A_313 = tpu.memref_squeeze %dma_start3A_312 : memref<1x128xi32, #tpu.memory_space<vmem>> -> memref<128xi32, #tpu.memory_space<vmem>>
          %dma_start3A_314 = arith.constant 0 : i32
          %dma_start3A_315 = tpu.memref_slice %arg22[%dma_start3A_314] : memref<4224xf32, #tpu.memory_space<vmem_shared>> -> memref<4224xf32, #tpu.memory_space<vmem_shared>>
          tpu.enqueue_indirect_dma source(%arg17 : memref<128xf32, #tpu.memory_space<vmem>>) target(%dma_start3A_315 : memref<4224xf32, #tpu.memory_space<vmem_shared>>) offsets(%dma_start3A_313 : memref<128xi32, #tpu.memory_space<vmem>>) semaphore(%run_scoped3A : memref<!tpu.dma_semaphore, #tpu.memory_space<semaphore_mem>>) {add = true}
          %dma_wait3A_316 = arith.constant 0 : i32
          %dma_wait3A_317 = tpu.memref_slice %arg14[%mul3A_288, %dma_wait3A_316] : memref<80x128xi32, #tpu.memory_space<vmem>> -> memref<1x128xi32, #tpu.memory_space<vmem>>
          %dma_wait3A_318 = tpu.memref_squeeze %dma_wait3A_317 : memref<1x128xi32, #tpu.memory_space<vmem>> -> memref<128xi32, #tpu.memory_space<vmem>>
          %dma_wait3A_319 = arith.constant 0 : i32
          %dma_wait3A_320 = tpu.memref_slice %arg22[%dma_wait3A_319] : memref<4224xf32, #tpu.memory_space<vmem_shared>> -> memref<4224xf32, #tpu.memory_space<vmem_shared>>
          tpu.wait_indirect_dma semaphore(%run_scoped3A : memref<!tpu.dma_semaphore, #tpu.memory_space<semaphore_mem>>) src(%arg17 : memref<128xf32, #tpu.memory_space<vmem>>) dst(%dma_wait3A_320 : memref<4224xf32, #tpu.memory_space<vmem_shared>>)
          tpu.yield
        }) : () -> ()
      } else {
      }
      %lt3A_306 = arith.cmpi slt, %add3A_290, %select_n3A : i32
      %convert_element_type3A_307 = arith.extui %lt3A_306 : i1 to i32
      %cond3A_308 = arith.constant 0 : i32
      %cond3A_309 = arith.cmpi ne, %convert_element_type3A_307, %cond3A_308 : i32
      scf.if %cond3A_309 {
        %add3A_311 = arith.constant 1 : i32
        %add3A_312 = arith.addi %add3A_290, %add3A_311 : i32
        %lt3A_313 = arith.cmpi slt, %add3A_312, %select_n3A : i32
        %convert_element_type3A_314 = arith.extui %lt3A_313 : i1 to i32
        %cond3A_315 = arith.constant 0 : i32
        %cond3A_316 = arith.cmpi ne, %convert_element_type3A_314, %cond3A_315 : i32
        scf.if %cond3A_316 {
          %add3A_328 = arith.constant 1 : i32
          %add3A_329 = arith.addi %add3A_290, %add3A_328 : i32
          %mul3A_330 = arith.constant 128 : i32
          %mul3A_331 = arith.muli %add3A_329, %mul3A_330 : i32
          %dma_start3A_332 = tpu.memref_slice %arg12[%mul3A_331] : memref<10240xi32, #tpu.memory_space<vmem>> -> memref<128xi32, #tpu.memory_space<vmem>>
          %dma_start3A_333 = arith.constant 0 : i32
          %dma_start3A_334 = tpu.memref_slice %arg2[%dma_start3A_333, %multiple_of3A] : memref<10000x256xf32, #tpu.memory_space<hbm>> -> memref<10000x128xf32, #tpu.memory_space<hbm>>
          tpu.enqueue_indirect_dma source(%dma_start3A_334 : memref<10000x128xf32, #tpu.memory_space<hbm>>) target(%arg15 : memref<128x128xf32, #tpu.memory_space<vmem>>) offsets(%dma_start3A_332 : memref<128xi32, #tpu.memory_space<vmem>>) semaphore(%arg23 : memref<!tpu.dma_semaphore, #tpu.memory_space<semaphore_mem>>)
        } else {
        }
        %dma_wait3A_317 = arith.constant 0 : i32
        %dma_wait3A_318 = arith.constant 0 : i32
        %dma_wait3A_319 = tpu.memref_slice %arg2[%dma_wait3A_317, %dma_wait3A_318] : memref<10000x256xf32, #tpu.memory_space<hbm>> -> memref<128x128xf32, #tpu.memory_space<hbm>>
        %dma_wait3A_320 = arith.constant 0 : i32
        %dma_wait3A_321 = arith.constant 0 : i32
        %dma_wait3A_322 = tpu.memref_slice %arg2[%dma_wait3A_320, %dma_wait3A_321] : memref<10000x256xf32, #tpu.memory_space<hbm>> -> memref<128x128xf32, #tpu.memory_space<hbm>>
        tpu.wait_dma2 semaphore(%arg24 : memref<!tpu.dma_semaphore, #tpu.memory_space<semaphore_mem>>) src(%dma_wait3A_322 : memref<128x128xf32, #tpu.memory_space<hbm>>) dst(%arg15 : memref<128x128xf32, #tpu.memory_space<vmem>>)
        "tpu.region"() ({
          %run_scoped3A = tpu.sem_alloc : memref<!tpu.dma_semaphore, #tpu.memory_space<semaphore_mem>>
          %dma_start3A_328 = arith.constant 0 : i32
          %dma_start3A_329 = tpu.memref_slice %arg14[%add3A_290, %dma_start3A_328] : memref<80x128xi32, #tpu.memory_space<vmem>> -> memref<1x128xi32, #tpu.memory_space<vmem>>
          %dma_start3A_330 = tpu.memref_squeeze %dma_start3A_329 : memref<1x128xi32, #tpu.memory_space<vmem>> -> memref<128xi32, #tpu.memory_space<vmem>>
          %dma_start3A_331 = arith.constant 0 : i32
          %dma_start3A_332 = arith.constant 0 : i32
          %dma_start3A_333 = tpu.memref_slice %arg21[%dma_start3A_331, %dma_start3A_332] : memref<4224x128xf32, #tpu.memory_space<vmem_shared>> -> memref<4224x128xf32, #tpu.memory_space<vmem_shared>>
          tpu.enqueue_indirect_dma source(%arg16 : memref<128x128xf32, #tpu.memory_space<vmem>>) target(%dma_start3A_333 : memref<4224x128xf32, #tpu.memory_space<vmem_shared>>) offsets(%dma_start3A_330 : memref<128xi32, #tpu.memory_space<vmem>>) semaphore(%run_scoped3A : memref<!tpu.dma_semaphore, #tpu.memory_space<semaphore_mem>>) {add = true}
          %dma_wait3A_334 = arith.constant 0 : i32
          %dma_wait3A_335 = tpu.memref_slice %arg14[%add3A_290, %dma_wait3A_334] : memref<80x128xi32, #tpu.memory_space<vmem>> -> memref<1x128xi32, #tpu.memory_space<vmem>>
          %dma_wait3A_336 = tpu.memref_squeeze %dma_wait3A_335 : memref<1x128xi32, #tpu.memory_space<vmem>> -> memref<128xi32, #tpu.memory_space<vmem>>
          %dma_wait3A_337 = arith.constant 0 : i32
          %dma_wait3A_338 = arith.constant 0 : i32
          %dma_wait3A_339 = tpu.memref_slice %arg21[%dma_wait3A_337, %dma_wait3A_338] : memref<4224x128xf32, #tpu.memory_space<vmem_shared>> -> memref<4224x128xf32, #tpu.memory_space<vmem_shared>>
          tpu.wait_indirect_dma semaphore(%run_scoped3A : memref<!tpu.dma_semaphore, #tpu.memory_space<semaphore_mem>>) src(%arg16 : memref<128x128xf32, #tpu.memory_space<vmem>>) dst(%dma_wait3A_339 : memref<4224x128xf32, #tpu.memory_space<vmem_shared>>)
          tpu.yield
        }) : () -> ()
        %eq3A_323 = arith.constant 0 : i32
        %eq3A_324 = arith.cmpi eq, %arg0, %eq3A_323 : i32
        %convert_element_type3A_325 = arith.extui %eq3A_324 : i1 to i32
        %cond3A_326 = arith.constant 0 : i32
        %cond3A_327 = arith.cmpi ne, %convert_element_type3A_325, %cond3A_326 : i32
        scf.if %cond3A_327 {
          "tpu.region"() ({
            %run_scoped3A = tpu.sem_alloc : memref<!tpu.dma_semaphore, #tpu.memory_space<semaphore_mem>>
            %dma_start3A_328 = arith.constant 0 : i32
            %dma_start3A_329 = tpu.memref_slice %arg14[%add3A_290, %dma_start3A_328] : memref<80x128xi32, #tpu.memory_space<vmem>> -> memref<1x128xi32, #tpu.memory_space<vmem>>
            %dma_start3A_330 = tpu.memref_squeeze %dma_start3A_329 : memref<1x128xi32, #tpu.memory_space<vmem>> -> memref<128xi32, #tpu.memory_space<vmem>>
            %dma_start3A_331 = arith.constant 0 : i32
            %dma_start3A_332 = tpu.memref_slice %arg22[%dma_start3A_331] : memref<4224xf32, #tpu.memory_space<vmem_shared>> -> memref<4224xf32, #tpu.memory_space<vmem_shared>>
            tpu.enqueue_indirect_dma source(%arg17 : memref<128xf32, #tpu.memory_space<vmem>>) target(%dma_start3A_332 : memref<4224xf32, #tpu.memory_space<vmem_shared>>) offsets(%dma_start3A_330 : memref<128xi32, #tpu.memory_space<vmem>>) semaphore(%run_scoped3A : memref<!tpu.dma_semaphore, #tpu.memory_space<semaphore_mem>>) {add = true}
            %dma_wait3A_333 = arith.constant 0 : i32
            %dma_wait3A_334 = tpu.memref_slice %arg14[%add3A_290, %dma_wait3A_333] : memref<80x128xi32, #tpu.memory_space<vmem>> -> memref<1x128xi32, #tpu.memory_space<vmem>>
            %dma_wait3A_335 = tpu.memref_squeeze %dma_wait3A_334 : memref<1x128xi32, #tpu.memory_space<vmem>> -> memref<128xi32, #tpu.memory_space<vmem>>
            %dma_wait3A_336 = arith.constant 0 : i32
            %dma_wait3A_337 = tpu.memref_slice %arg22[%dma_wait3A_336] : memref<4224xf32, #tpu.memory_space<vmem_shared>> -> memref<4224xf32, #tpu.memory_space<vmem_shared>>
            tpu.wait_indirect_dma semaphore(%run_scoped3A : memref<!tpu.dma_semaphore, #tpu.memory_space<semaphore_mem>>) src(%arg17 : memref<128xf32, #tpu.memory_space<vmem>>) dst(%dma_wait3A_337 : memref<4224xf32, #tpu.memory_space<vmem_shared>>)
            tpu.yield
          }) : () -> ()
        } else {
        }
      } else {
      }
      %while3A_310 = arith.constant 0 : i32
      scf.yield %while3A_310 : i32
    }
    %while3A_233 = arith.constant 1 : i32
    %while3A_234 = scf.for %while3A_285 = %while3A_230 to %while3A_226 step %while3A_233 iter_args(%while3A_286 = %while3A_232) -> (i32)  : i32 {
      %mul3A_287 = arith.constant 2 : i32
      %mul3A_288 = arith.muli %while3A_285, %mul3A_287 : i32
      %add3A_289 = arith.constant 1 : i32
      %add3A_290 = arith.addi %mul3A_288, %add3A_289 : i32
      %lt3A_291 = arith.cmpi slt, %add3A_290, %select_n3A : i32
      %convert_element_type3A_292 = arith.extui %lt3A_291 : i1 to i32
      %cond3A_293 = arith.constant 0 : i32
      %cond3A_294 = arith.cmpi ne, %convert_element_type3A_292, %cond3A_293 : i32
      scf.if %cond3A_294 {
        %mul3A_311 = arith.constant 128 : i32
        %mul3A_312 = arith.muli %add3A_290, %mul3A_311 : i32
        %dma_start3A_313 = tpu.memref_slice %arg12[%mul3A_312] : memref<10240xi32, #tpu.memory_space<vmem>> -> memref<128xi32, #tpu.memory_space<vmem>>
        %dma_start3A_314 = arith.constant 0 : i32
        %dma_start3A_315 = tpu.memref_slice %arg2[%dma_start3A_314, %multiple_of3A] : memref<10000x256xf32, #tpu.memory_space<hbm>> -> memref<10000x128xf32, #tpu.memory_space<hbm>>
        tpu.enqueue_indirect_dma source(%dma_start3A_315 : memref<10000x128xf32, #tpu.memory_space<hbm>>) target(%arg16 : memref<128x128xf32, #tpu.memory_space<vmem>>) offsets(%dma_start3A_313 : memref<128xi32, #tpu.memory_space<vmem>>) semaphore(%arg24 : memref<!tpu.dma_semaphore, #tpu.memory_space<semaphore_mem>>)
      } else {
      }
      %dma_wait3A_295 = arith.constant 0 : i32
      %dma_wait3A_296 = arith.constant 0 : i32
      %dma_wait3A_297 = tpu.memref_slice %arg2[%dma_wait3A_295, %dma_wait3A_296] : memref<10000x256xf32, #tpu.memory_space<hbm>> -> memref<128x128xf32, #tpu.memory_space<hbm>>
      %dma_wait3A_298 = arith.constant 0 : i32
      %dma_wait3A_299 = arith.constant 0 : i32
      %dma_wait3A_300 = tpu.memref_slice %arg2[%dma_wait3A_298, %dma_wait3A_299] : memref<10000x256xf32, #tpu.memory_space<hbm>> -> memref<128x128xf32, #tpu.memory_space<hbm>>
      tpu.wait_dma2 semaphore(%arg23 : memref<!tpu.dma_semaphore, #tpu.memory_space<semaphore_mem>>) src(%dma_wait3A_300 : memref<128x128xf32, #tpu.memory_space<hbm>>) dst(%arg15 : memref<128x128xf32, #tpu.memory_space<vmem>>)
      "tpu.region"() ({
        %run_scoped3A = tpu.sem_alloc : memref<!tpu.dma_semaphore, #tpu.memory_space<semaphore_mem>>
        %dma_start3A_311 = arith.constant 0 : i32
        %dma_start3A_312 = tpu.memref_slice %arg14[%mul3A_288, %dma_start3A_311] : memref<80x128xi32, #tpu.memory_space<vmem>> -> memref<1x128xi32, #tpu.memory_space<vmem>>
        %dma_start3A_313 = tpu.memref_squeeze %dma_start3A_312 : memref<1x128xi32, #tpu.memory_space<vmem>> -> memref<128xi32, #tpu.memory_space<vmem>>
        %dma_start3A_314 = arith.constant 0 : i32
        %dma_start3A_315 = arith.constant 0 : i32
        %dma_start3A_316 = tpu.memref_slice %arg21[%dma_start3A_314, %dma_start3A_315] : memref<4224x128xf32, #tpu.memory_space<vmem_shared>> -> memref<4224x128xf32, #tpu.memory_space<vmem_shared>>
        tpu.enqueue_indirect_dma source(%arg15 : memref<128x128xf32, #tpu.memory_space<vmem>>) target(%dma_start3A_316 : memref<4224x128xf32, #tpu.memory_space<vmem_shared>>) offsets(%dma_start3A_313 : memref<128xi32, #tpu.memory_space<vmem>>) semaphore(%run_scoped3A : memref<!tpu.dma_semaphore, #tpu.memory_space<semaphore_mem>>) {add = true}
        %dma_wait3A_317 = arith.constant 0 : i32
        %dma_wait3A_318 = tpu.memref_slice %arg14[%mul3A_288, %dma_wait3A_317] : memref<80x128xi32, #tpu.memory_space<vmem>> -> memref<1x128xi32, #tpu.memory_space<vmem>>
        %dma_wait3A_319 = tpu.memref_squeeze %dma_wait3A_318 : memref<1x128xi32, #tpu.memory_space<vmem>> -> memref<128xi32, #tpu.memory_space<vmem>>
        %dma_wait3A_320 = arith.constant 0 : i32
        %dma_wait3A_321 = arith.constant 0 : i32
        %dma_wait3A_322 = tpu.memref_slice %arg21[%dma_wait3A_320, %dma_wait3A_321] : memref<4224x128xf32, #tpu.memory_space<vmem_shared>> -> memref<4224x128xf32, #tpu.memory_space<vmem_shared>>
        tpu.wait_indirect_dma semaphore(%run_scoped3A : memref<!tpu.dma_semaphore, #tpu.memory_space<semaphore_mem>>) src(%arg15 : memref<128x128xf32, #tpu.memory_space<vmem>>) dst(%dma_wait3A_322 : memref<4224x128xf32, #tpu.memory_space<vmem_shared>>)
        tpu.yield
      }) : () -> ()
      %eq3A_301 = arith.constant 0 : i32
      %eq3A_302 = arith.cmpi eq, %arg0, %eq3A_301 : i32
      %convert_element_type3A_303 = arith.extui %eq3A_302 : i1 to i32
      %cond3A_304 = arith.constant 0 : i32
      %cond3A_305 = arith.cmpi ne, %convert_element_type3A_303, %cond3A_304 : i32
      scf.if %cond3A_305 {
        "tpu.region"() ({
          %run_scoped3A = tpu.sem_alloc : memref<!tpu.dma_semaphore, #tpu.memory_space<semaphore_mem>>
          %dma_start3A_311 = arith.constant 0 : i32
          %dma_start3A_312 = tpu.memref_slice %arg14[%mul3A_288, %dma_start3A_311] : memref<80x128xi32, #tpu.memory_space<vmem>> -> memref<1x128xi32, #tpu.memory_space<vmem>>
          %dma_start3A_313 = tpu.memref_squeeze %dma_start3A_312 : memref<1x128xi32, #tpu.memory_space<vmem>> -> memref<128xi32, #tpu.memory_space<vmem>>
          %dma_start3A_314 = arith.constant 0 : i32
          %dma_start3A_315 = tpu.memref_slice %arg22[%dma_start3A_314] : memref<4224xf32, #tpu.memory_space<vmem_shared>> -> memref<4224xf32, #tpu.memory_space<vmem_shared>>
          tpu.enqueue_indirect_dma source(%arg17 : memref<128xf32, #tpu.memory_space<vmem>>) target(%dma_start3A_315 : memref<4224xf32, #tpu.memory_space<vmem_shared>>) offsets(%dma_start3A_313 : memref<128xi32, #tpu.memory_space<vmem>>) semaphore(%run_scoped3A : memref<!tpu.dma_semaphore, #tpu.memory_space<semaphore_mem>>) {add = true}
          %dma_wait3A_316 = arith.constant 0 : i32
          %dma_wait3A_317 = tpu.memref_slice %arg14[%mul3A_288, %dma_wait3A_316] : memref<80x128xi32, #tpu.memory_space<vmem>> -> memref<1x128xi32, #tpu.memory_space<vmem>>
          %dma_wait3A_318 = tpu.memref_squeeze %dma_wait3A_317 : memref<1x128xi32, #tpu.memory_space<vmem>> -> memref<128xi32, #tpu.memory_space<vmem>>
          %dma_wait3A_319 = arith.constant 0 : i32
          %dma_wait3A_320 = tpu.memref_slice %arg22[%dma_wait3A_319] : memref<4224xf32, #tpu.memory_space<vmem_shared>> -> memref<4224xf32, #tpu.memory_space<vmem_shared>>
          tpu.wait_indirect_dma semaphore(%run_scoped3A : memref<!tpu.dma_semaphore, #tpu.memory_space<semaphore_mem>>) src(%arg17 : memref<128xf32, #tpu.memory_space<vmem>>) dst(%dma_wait3A_320 : memref<4224xf32, #tpu.memory_space<vmem_shared>>)
          tpu.yield
        }) : () -> ()
      } else {
      }
      %lt3A_306 = arith.cmpi slt, %add3A_290, %select_n3A : i32
      %convert_element_type3A_307 = arith.extui %lt3A_306 : i1 to i32
      %cond3A_308 = arith.constant 0 : i32
      %cond3A_309 = arith.cmpi ne, %convert_element_type3A_307, %cond3A_308 : i32
      scf.if %cond3A_309 {
        %add3A_311 = arith.constant 1 : i32
        %add3A_312 = arith.addi %add3A_290, %add3A_311 : i32
        %lt3A_313 = arith.cmpi slt, %add3A_312, %select_n3A : i32
        %convert_element_type3A_314 = arith.extui %lt3A_313 : i1 to i32
        %cond3A_315 = arith.constant 0 : i32
        %cond3A_316 = arith.cmpi ne, %convert_element_type3A_314, %cond3A_315 : i32
        scf.if %cond3A_316 {
          %add3A_328 = arith.constant 1 : i32
          %add3A_329 = arith.addi %add3A_290, %add3A_328 : i32
          %mul3A_330 = arith.constant 128 : i32
          %mul3A_331 = arith.muli %add3A_329, %mul3A_330 : i32
          %dma_start3A_332 = tpu.memref_slice %arg12[%mul3A_331] : memref<10240xi32, #tpu.memory_space<vmem>> -> memref<128xi32, #tpu.memory_space<vmem>>
          %dma_start3A_333 = arith.constant 0 : i32
          %dma_start3A_334 = tpu.memref_slice %arg2[%dma_start3A_333, %multiple_of3A] : memref<10000x256xf32, #tpu.memory_space<hbm>> -> memref<10000x128xf32, #tpu.memory_space<hbm>>
          tpu.enqueue_indirect_dma source(%dma_start3A_334 : memref<10000x128xf32, #tpu.memory_space<hbm>>) target(%arg15 : memref<128x128xf32, #tpu.memory_space<vmem>>) offsets(%dma_start3A_332 : memref<128xi32, #tpu.memory_space<vmem>>) semaphore(%arg23 : memref<!tpu.dma_semaphore, #tpu.memory_space<semaphore_mem>>)
        } else {
        }
        %dma_wait3A_317 = arith.constant 0 : i32
        %dma_wait3A_318 = arith.constant 0 : i32
        %dma_wait3A_319 = tpu.memref_slice %arg2[%dma_wait3A_317, %dma_wait3A_318] : memref<10000x256xf32, #tpu.memory_space<hbm>> -> memref<128x128xf32, #tpu.memory_space<hbm>>
        %dma_wait3A_320 = arith.constant 0 : i32
        %dma_wait3A_321 = arith.constant 0 : i32
        %dma_wait3A_322 = tpu.memref_slice %arg2[%dma_wait3A_320, %dma_wait3A_321] : memref<10000x256xf32, #tpu.memory_space<hbm>> -> memref<128x128xf32, #tpu.memory_space<hbm>>
        tpu.wait_dma2 semaphore(%arg24 : memref<!tpu.dma_semaphore, #tpu.memory_space<semaphore_mem>>) src(%dma_wait3A_322 : memref<128x128xf32, #tpu.memory_space<hbm>>) dst(%arg15 : memref<128x128xf32, #tpu.memory_space<vmem>>)
        "tpu.region"() ({
          %run_scoped3A = tpu.sem_alloc : memref<!tpu.dma_semaphore, #tpu.memory_space<semaphore_mem>>
          %dma_start3A_328 = arith.constant 0 : i32
          %dma_start3A_329 = tpu.memref_slice %arg14[%add3A_290, %dma_start3A_328] : memref<80x128xi32, #tpu.memory_space<vmem>> -> memref<1x128xi32, #tpu.memory_space<vmem>>
          %dma_start3A_330 = tpu.memref_squeeze %dma_start3A_329 : memref<1x128xi32, #tpu.memory_space<vmem>> -> memref<128xi32, #tpu.memory_space<vmem>>
          %dma_start3A_331 = arith.constant 0 : i32
          %dma_start3A_332 = arith.constant 0 : i32
          %dma_start3A_333 = tpu.memref_slice %arg21[%dma_start3A_331, %dma_start3A_332] : memref<4224x128xf32, #tpu.memory_space<vmem_shared>> -> memref<4224x128xf32, #tpu.memory_space<vmem_shared>>
          tpu.enqueue_indirect_dma source(%arg16 : memref<128x128xf32, #tpu.memory_space<vmem>>) target(%dma_start3A_333 : memref<4224x128xf32, #tpu.memory_space<vmem_shared>>) offsets(%dma_start3A_330 : memref<128xi32, #tpu.memory_space<vmem>>) semaphore(%run_scoped3A : memref<!tpu.dma_semaphore, #tpu.memory_space<semaphore_mem>>) {add = true}
          %dma_wait3A_334 = arith.constant 0 : i32
          %dma_wait3A_335 = tpu.memref_slice %arg14[%add3A_290, %dma_wait3A_334] : memref<80x128xi32, #tpu.memory_space<vmem>> -> memref<1x128xi32, #tpu.memory_space<vmem>>
          %dma_wait3A_336 = tpu.memref_squeeze %dma_wait3A_335 : memref<1x128xi32, #tpu.memory_space<vmem>> -> memref<128xi32, #tpu.memory_space<vmem>>
          %dma_wait3A_337 = arith.constant 0 : i32
          %dma_wait3A_338 = arith.constant 0 : i32
          %dma_wait3A_339 = tpu.memref_slice %arg21[%dma_wait3A_337, %dma_wait3A_338] : memref<4224x128xf32, #tpu.memory_space<vmem_shared>> -> memref<4224x128xf32, #tpu.memory_space<vmem_shared>>
          tpu.wait_indirect_dma semaphore(%run_scoped3A : memref<!tpu.dma_semaphore, #tpu.memory_space<semaphore_mem>>) src(%arg16 : memref<128x128xf32, #tpu.memory_space<vmem>>) dst(%dma_wait3A_339 : memref<4224x128xf32, #tpu.memory_space<vmem_shared>>)
          tpu.yield
        }) : () -> ()
        %eq3A_323 = arith.constant 0 : i32
        %eq3A_324 = arith.cmpi eq, %arg0, %eq3A_323 : i32
        %convert_element_type3A_325 = arith.extui %eq3A_324 : i1 to i32
        %cond3A_326 = arith.constant 0 : i32
        %cond3A_327 = arith.cmpi ne, %convert_element_type3A_325, %cond3A_326 : i32
        scf.if %cond3A_327 {
          "tpu.region"() ({
            %run_scoped3A = tpu.sem_alloc : memref<!tpu.dma_semaphore, #tpu.memory_space<semaphore_mem>>
            %dma_start3A_328 = arith.constant 0 : i32
            %dma_start3A_329 = tpu.memref_slice %arg14[%add3A_290, %dma_start3A_328] : memref<80x128xi32, #tpu.memory_space<vmem>> -> memref<1x128xi32, #tpu.memory_space<vmem>>
            %dma_start3A_330 = tpu.memref_squeeze %dma_start3A_329 : memref<1x128xi32, #tpu.memory_space<vmem>> -> memref<128xi32, #tpu.memory_space<vmem>>
            %dma_start3A_331 = arith.constant 0 : i32
            %dma_start3A_332 = tpu.memref_slice %arg22[%dma_start3A_331] : memref<4224xf32, #tpu.memory_space<vmem_shared>> -> memref<4224xf32, #tpu.memory_space<vmem_shared>>
            tpu.enqueue_indirect_dma source(%arg17 : memref<128xf32, #tpu.memory_space<vmem>>) target(%dma_start3A_332 : memref<4224xf32, #tpu.memory_space<vmem_shared>>) offsets(%dma_start3A_330 : memref<128xi32, #tpu.memory_space<vmem>>) semaphore(%run_scoped3A : memref<!tpu.dma_semaphore, #tpu.memory_space<semaphore_mem>>) {add = true}
            %dma_wait3A_333 = arith.constant 0 : i32
            %dma_wait3A_334 = tpu.memref_slice %arg14[%add3A_290, %dma_wait3A_333] : memref<80x128xi32, #tpu.memory_space<vmem>> -> memref<1x128xi32, #tpu.memory_space<vmem>>
            %dma_wait3A_335 = tpu.memref_squeeze %dma_wait3A_334 : memref<1x128xi32, #tpu.memory_space<vmem>> -> memref<128xi32, #tpu.memory_space<vmem>>
            %dma_wait3A_336 = arith.constant 0 : i32
            %dma_wait3A_337 = tpu.memref_slice %arg22[%dma_wait3A_336] : memref<4224xf32, #tpu.memory_space<vmem_shared>> -> memref<4224xf32, #tpu.memory_space<vmem_shared>>
            tpu.wait_indirect_dma semaphore(%run_scoped3A : memref<!tpu.dma_semaphore, #tpu.memory_space<semaphore_mem>>) src(%arg17 : memref<128xf32, #tpu.memory_space<vmem>>) dst(%dma_wait3A_337 : memref<4224xf32, #tpu.memory_space<vmem_shared>>)
            tpu.yield
          }) : () -> ()
        } else {
        }
      } else {
      }
      %while3A_310 = arith.constant 0 : i32
      scf.yield %while3A_310 : i32
    }
    %barrier3A_235 = arith.constant 0 : index
    tpu.barrier barrier_id(%barrier3A_235)
    "tpu.trace_stop"() : () -> ()
    "tpu.trace_start"() <{level = 10 : i32, message = "pC_out"}> : () -> ()
    %mul3A_236 = arith.constant 256 : i32
    %mul3A_237 = arith.muli %arg1, %mul3A_236 : i32
    %add3A_238 = arith.constant 0 : i32
    %add3A_239 = arith.addi %mul3A_237, %add3A_238 : i32
    %dma_start3A_240 = tpu.memref_slice %arg8[%add3A_239] : memref<4096xi32, #tpu.memory_space<vmem>> -> memref<128xi32, #tpu.memory_space<vmem>>
    %dma_start3A_241 = arith.constant 0 : i32
    %dma_start3A_242 = tpu.memref_slice %arg2[%dma_start3A_241, %multiple_of3A] : memref<10000x256xf32, #tpu.memory_space<hbm>> -> memref<10000x128xf32, #tpu.memory_space<hbm>>
    tpu.enqueue_indirect_dma source(%dma_start3A_242 : memref<10000x128xf32, #tpu.memory_space<hbm>>) target(%arg16 : memref<128x128xf32, #tpu.memory_space<vmem>>) offsets(%dma_start3A_240 : memref<128xi32, #tpu.memory_space<vmem>>) semaphore(%arg24 : memref<!tpu.dma_semaphore, #tpu.memory_space<semaphore_mem>>)
    %scan3A_243 = arith.constant 0 : i32
    %scan3A_244 = arith.constant 0 : i32
    %scan3A_245 = arith.constant 8 : i32
    %scan3A_246 = arith.addi %scan3A_244, %scan3A_245 : i32
    %scan3A_247 = arith.constant 1 : i32
    %scan3A_248 = scf.for %scan3A_285 = %scan3A_244 to %scan3A_246 step %scan3A_247 iter_args(%scan3A_286 = %scan3A_243) -> (i32)  : i32 {
      %mul3A_287 = arith.constant 16 : i32
      %mul3A_288 = arith.muli %scan3A_285, %mul3A_287 : i32
      %add3A_289 = arith.addi %add3A_239, %mul3A_288 : i32
      %get3A = arith.index_cast %add3A_289 : i32 to index
      %get3A_290 = tpu.vector_load %arg8[%get3A] {strides = array<i32>} : memref<4096xi32, #tpu.memory_space<vmem>>, vector<16xi32>,
      %gather3A = tpu.vector_load_idx %arg9[%get3A_290] : memref<10000xi32, #tpu.memory_space<vmem>>[vector<16xi32>], vector<16xi32>,
      %mul3A_291 = arith.constant 16 : i32
      %mul3A_292 = arith.muli %scan3A_285, %mul3A_291 : i32
      %swap3A = arith.index_cast %mul3A_292 : i32 to index
      %swap3A_293 = tpu.vector_load %arg19[%swap3A] {strides = array<i32>} : memref<128xi32, #tpu.memory_space<vmem>>, vector<16xi32>,
      tpu.vector_store %arg19[%swap3A], %gather3A {strides = array<i32>} : memref<128xi32, #tpu.memory_space<vmem>>, vector<16xi32>,
      %scan3A_294 = arith.constant 0 : i32
      scf.yield %scan3A_294 : i32
    }
    %scan3A_249 = arith.constant 8 : i32
    "tpu.region"() ({
      %run_scoped3A = tpu.sem_alloc : memref<!tpu.dma_semaphore, #tpu.memory_space<semaphore_mem>>
      %dma_start3A_285 = arith.constant 0 : i32
      %dma_start3A_286 = arith.constant 0 : i32
      %dma_start3A_287 = tpu.memref_slice %arg21[%dma_start3A_285, %dma_start3A_286] : memref<4224x128xf32, #tpu.memory_space<vmem_shared>> -> memref<4224x128xf32, #tpu.memory_space<vmem_shared>>
      tpu.enqueue_indirect_dma source(%dma_start3A_287 : memref<4224x128xf32, #tpu.memory_space<vmem_shared>>) target(%arg15 : memref<128x128xf32, #tpu.memory_space<vmem>>) offsets(%arg19 : memref<128xi32, #tpu.memory_space<vmem>>) semaphore(%run_scoped3A : memref<!tpu.dma_semaphore, #tpu.memory_space<semaphore_mem>>)
      %dma_wait3A_288 = arith.constant 0 : i32
      %dma_wait3A_289 = arith.constant 0 : i32
      %dma_wait3A_290 = tpu.memref_slice %arg21[%dma_wait3A_288, %dma_wait3A_289] : memref<4224x128xf32, #tpu.memory_space<vmem_shared>> -> memref<4224x128xf32, #tpu.memory_space<vmem_shared>>
      tpu.wait_indirect_dma semaphore(%run_scoped3A : memref<!tpu.dma_semaphore, #tpu.memory_space<semaphore_mem>>) src(%dma_wait3A_290 : memref<4224x128xf32, #tpu.memory_space<vmem_shared>>) dst(%arg15 : memref<128x128xf32, #tpu.memory_space<vmem>>)
      tpu.yield
    }) : () -> ()
    "tpu.region"() ({
      %run_scoped3A = tpu.sem_alloc : memref<!tpu.dma_semaphore, #tpu.memory_space<semaphore_mem>>
      %dma_start3A_285 = tpu.memref_slice %arg5[%add3A_239, %multiple_of3A] : memref<4096x256xf32, #tpu.memory_space<hbm>> -> memref<128x128xf32, #tpu.memory_space<hbm>>
      %dma_start3A_286 = tpu.memref_slice %arg5[%add3A_239, %multiple_of3A] : memref<4096x256xf32, #tpu.memory_space<hbm>> -> memref<128x128xf32, #tpu.memory_space<hbm>>
      tpu.enqueue_dma source(%arg15 : memref<128x128xf32, #tpu.memory_space<vmem>>) target(%dma_start3A_286 : memref<128x128xf32, #tpu.memory_space<hbm>>) target_semaphore(%run_scoped3A : memref<!tpu.dma_semaphore, #tpu.memory_space<semaphore_mem>>)
      %dma_wait3A_287 = tpu.memref_slice %arg5[%add3A_239, %multiple_of3A] : memref<4096x256xf32, #tpu.memory_space<hbm>> -> memref<128x128xf32, #tpu.memory_space<hbm>>
      %dma_wait3A_288 = tpu.memref_slice %arg5[%add3A_239, %multiple_of3A] : memref<4096x256xf32, #tpu.memory_space<hbm>> -> memref<128x128xf32, #tpu.memory_space<hbm>>
      tpu.wait_dma2 semaphore(%run_scoped3A : memref<!tpu.dma_semaphore, #tpu.memory_space<semaphore_mem>>) src(%arg15 : memref<128x128xf32, #tpu.memory_space<vmem>>) dst(%dma_wait3A_288 : memref<128x128xf32, #tpu.memory_space<hbm>>)
      tpu.yield
    }) : () -> ()
    %eq3A = arith.constant 0 : i32
    %eq3A_250 = arith.cmpi eq, %arg0, %eq3A : i32
    %convert_element_type3A_251 = arith.extui %eq3A_250 : i1 to i32
    %cond3A_252 = arith.constant 0 : i32
    %cond3A_253 = arith.cmpi ne, %convert_element_type3A_251, %cond3A_252 : i32
    scf.if %cond3A_253 {
      "tpu.region"() ({
        %run_scoped3A = tpu.sem_alloc : memref<!tpu.dma_semaphore, #tpu.memory_space<semaphore_mem>>
        %dma_start3A_285 = arith.constant 0 : i32
        %dma_start3A_286 = tpu.memref_slice %arg22[%dma_start3A_285] : memref<4224xf32, #tpu.memory_space<vmem_shared>> -> memref<4224xf32, #tpu.memory_space<vmem_shared>>
        tpu.enqueue_indirect_dma source(%dma_start3A_286 : memref<4224xf32, #tpu.memory_space<vmem_shared>>) target(%arg20 : memref<128xf32, #tpu.memory_space<vmem>>) offsets(%arg19 : memref<128xi32, #tpu.memory_space<vmem>>) semaphore(%run_scoped3A : memref<!tpu.dma_semaphore, #tpu.memory_space<semaphore_mem>>)
        %dma_wait3A_287 = arith.constant 0 : i32
        %dma_wait3A_288 = tpu.memref_slice %arg22[%dma_wait3A_287] : memref<4224xf32, #tpu.memory_space<vmem_shared>> -> memref<4224xf32, #tpu.memory_space<vmem_shared>>
        tpu.wait_indirect_dma semaphore(%run_scoped3A : memref<!tpu.dma_semaphore, #tpu.memory_space<semaphore_mem>>) src(%dma_wait3A_288 : memref<4224xf32, #tpu.memory_space<vmem_shared>>) dst(%arg20 : memref<128xf32, #tpu.memory_space<vmem>>)
        tpu.yield
      }) : () -> ()
      "tpu.region"() ({
        %run_scoped3A = tpu.sem_alloc : memref<!tpu.dma_semaphore, #tpu.memory_space<semaphore_mem>>
        %dma_start3A_285 = tpu.memref_slice %arg7[%add3A_239] : memref<4096xf32, #tpu.memory_space<hbm>> -> memref<128xf32, #tpu.memory_space<hbm>>
        %dma_start3A_286 = tpu.memref_slice %arg7[%add3A_239] : memref<4096xf32, #tpu.memory_space<hbm>> -> memref<128xf32, #tpu.memory_space<hbm>>
        tpu.enqueue_dma source(%arg20 : memref<128xf32, #tpu.memory_space<vmem>>) target(%dma_start3A_286 : memref<128xf32, #tpu.memory_space<hbm>>) target_semaphore(%run_scoped3A : memref<!tpu.dma_semaphore, #tpu.memory_space<semaphore_mem>>)
        %dma_wait3A_287 = tpu.memref_slice %arg7[%add3A_239] : memref<4096xf32, #tpu.memory_space<hbm>> -> memref<128xf32, #tpu.memory_space<hbm>>
        %dma_wait3A_288 = tpu.memref_slice %arg7[%add3A_239] : memref<4096xf32, #tpu.memory_space<hbm>> -> memref<128xf32, #tpu.memory_space<hbm>>
        tpu.wait_dma2 semaphore(%run_scoped3A : memref<!tpu.dma_semaphore, #tpu.memory_space<semaphore_mem>>) src(%arg20 : memref<128xf32, #tpu.memory_space<vmem>>) dst(%dma_wait3A_288 : memref<128xf32, #tpu.memory_space<hbm>>)
        tpu.yield
      }) : () -> ()
    } else {
    }
    %dma_wait3A_254 = arith.constant 0 : i32
    %dma_wait3A_255 = arith.constant 0 : i32
    %dma_wait3A_256 = tpu.memref_slice %arg2[%dma_wait3A_254, %dma_wait3A_255] : memref<10000x256xf32, #tpu.memory_space<hbm>> -> memref<128x128xf32, #tpu.memory_space<hbm>>
    %dma_wait3A_257 = arith.constant 0 : i32
    %dma_wait3A_258 = arith.constant 0 : i32
    %dma_wait3A_259 = tpu.memref_slice %arg2[%dma_wait3A_257, %dma_wait3A_258] : memref<10000x256xf32, #tpu.memory_space<hbm>> -> memref<128x128xf32, #tpu.memory_space<hbm>>
    tpu.wait_dma2 semaphore(%arg24 : memref<!tpu.dma_semaphore, #tpu.memory_space<semaphore_mem>>) src(%dma_wait3A_259 : memref<128x128xf32, #tpu.memory_space<hbm>>) dst(%arg16 : memref<128x128xf32, #tpu.memory_space<vmem>>)
    "tpu.region"() ({
      %run_scoped3A = tpu.sem_alloc : memref<!tpu.dma_semaphore, #tpu.memory_space<semaphore_mem>>
      %dma_start3A_285 = tpu.memref_slice %arg6[%add3A_239, %multiple_of3A] : memref<4096x256xf32, #tpu.memory_space<hbm>> -> memref<128x128xf32, #tpu.memory_space<hbm>>
      %dma_start3A_286 = tpu.memref_slice %arg6[%add3A_239, %multiple_of3A] : memref<4096x256xf32, #tpu.memory_space<hbm>> -> memref<128x128xf32, #tpu.memory_space<hbm>>
      tpu.enqueue_dma source(%arg16 : memref<128x128xf32, #tpu.memory_space<vmem>>) target(%dma_start3A_286 : memref<128x128xf32, #tpu.memory_space<hbm>>) target_semaphore(%run_scoped3A : memref<!tpu.dma_semaphore, #tpu.memory_space<semaphore_mem>>)
      %dma_wait3A_287 = tpu.memref_slice %arg6[%add3A_239, %multiple_of3A] : memref<4096x256xf32, #tpu.memory_space<hbm>> -> memref<128x128xf32, #tpu.memory_space<hbm>>
      %dma_wait3A_288 = tpu.memref_slice %arg6[%add3A_239, %multiple_of3A] : memref<4096x256xf32, #tpu.memory_space<hbm>> -> memref<128x128xf32, #tpu.memory_space<hbm>>
      tpu.wait_dma2 semaphore(%run_scoped3A : memref<!tpu.dma_semaphore, #tpu.memory_space<semaphore_mem>>) src(%arg16 : memref<128x128xf32, #tpu.memory_space<vmem>>) dst(%dma_wait3A_288 : memref<128x128xf32, #tpu.memory_space<hbm>>)
      tpu.yield
    }) : () -> ()
    %mul3A_260 = arith.constant 256 : i32
    %mul3A_261 = arith.muli %arg1, %mul3A_260 : i32
    %add3A_262 = arith.constant 128 : i32
    %add3A_263 = arith.addi %mul3A_261, %add3A_262 : i32
    %dma_start3A_264 = tpu.memref_slice %arg8[%add3A_263] : memref<4096xi32, #tpu.memory_space<vmem>> -> memref<128xi32, #tpu.memory_space<vmem>>
    %dma_start3A_265 = arith.constant 0 : i32
    %dma_start3A_266 = tpu.memref_slice %arg2[%dma_start3A_265, %multiple_of3A] : memref<10000x256xf32, #tpu.memory_space<hbm>> -> memref<10000x128xf32, #tpu.memory_space<hbm>>
    tpu.enqueue_indirect_dma source(%dma_start3A_266 : memref<10000x128xf32, #tpu.memory_space<hbm>>) target(%arg16 : memref<128x128xf32, #tpu.memory_space<vmem>>) offsets(%dma_start3A_264 : memref<128xi32, #tpu.memory_space<vmem>>) semaphore(%arg24 : memref<!tpu.dma_semaphore, #tpu.memory_space<semaphore_mem>>)
    %scan3A_267 = arith.constant 0 : i32
    %scan3A_268 = arith.constant 0 : i32
    %scan3A_269 = arith.constant 8 : i32
    %scan3A_270 = arith.addi %scan3A_268, %scan3A_269 : i32
    %scan3A_271 = arith.constant 1 : i32
    %scan3A_272 = scf.for %scan3A_285 = %scan3A_268 to %scan3A_270 step %scan3A_271 iter_args(%scan3A_286 = %scan3A_267) -> (i32)  : i32 {
      %mul3A_287 = arith.constant 16 : i32
      %mul3A_288 = arith.muli %scan3A_285, %mul3A_287 : i32
      %add3A_289 = arith.addi %add3A_263, %mul3A_288 : i32
      %get3A = arith.index_cast %add3A_289 : i32 to index
      %get3A_290 = tpu.vector_load %arg8[%get3A] {strides = array<i32>} : memref<4096xi32, #tpu.memory_space<vmem>>, vector<16xi32>,
      %gather3A = tpu.vector_load_idx %arg9[%get3A_290] : memref<10000xi32, #tpu.memory_space<vmem>>[vector<16xi32>], vector<16xi32>,
      %mul3A_291 = arith.constant 16 : i32
      %mul3A_292 = arith.muli %scan3A_285, %mul3A_291 : i32
      %swap3A = arith.index_cast %mul3A_292 : i32 to index
      %swap3A_293 = tpu.vector_load %arg19[%swap3A] {strides = array<i32>} : memref<128xi32, #tpu.memory_space<vmem>>, vector<16xi32>,
      tpu.vector_store %arg19[%swap3A], %gather3A {strides = array<i32>} : memref<128xi32, #tpu.memory_space<vmem>>, vector<16xi32>,
      %scan3A_294 = arith.constant 0 : i32
      scf.yield %scan3A_294 : i32
    }
    %scan3A_273 = arith.constant 8 : i32
    "tpu.region"() ({
      %run_scoped3A = tpu.sem_alloc : memref<!tpu.dma_semaphore, #tpu.memory_space<semaphore_mem>>
      %dma_start3A_285 = arith.constant 0 : i32
      %dma_start3A_286 = arith.constant 0 : i32
      %dma_start3A_287 = tpu.memref_slice %arg21[%dma_start3A_285, %dma_start3A_286] : memref<4224x128xf32, #tpu.memory_space<vmem_shared>> -> memref<4224x128xf32, #tpu.memory_space<vmem_shared>>
      tpu.enqueue_indirect_dma source(%dma_start3A_287 : memref<4224x128xf32, #tpu.memory_space<vmem_shared>>) target(%arg15 : memref<128x128xf32, #tpu.memory_space<vmem>>) offsets(%arg19 : memref<128xi32, #tpu.memory_space<vmem>>) semaphore(%run_scoped3A : memref<!tpu.dma_semaphore, #tpu.memory_space<semaphore_mem>>)
      %dma_wait3A_288 = arith.constant 0 : i32
      %dma_wait3A_289 = arith.constant 0 : i32
      %dma_wait3A_290 = tpu.memref_slice %arg21[%dma_wait3A_288, %dma_wait3A_289] : memref<4224x128xf32, #tpu.memory_space<vmem_shared>> -> memref<4224x128xf32, #tpu.memory_space<vmem_shared>>
      tpu.wait_indirect_dma semaphore(%run_scoped3A : memref<!tpu.dma_semaphore, #tpu.memory_space<semaphore_mem>>) src(%dma_wait3A_290 : memref<4224x128xf32, #tpu.memory_space<vmem_shared>>) dst(%arg15 : memref<128x128xf32, #tpu.memory_space<vmem>>)
      tpu.yield
    }) : () -> ()
    "tpu.region"() ({
      %run_scoped3A = tpu.sem_alloc : memref<!tpu.dma_semaphore, #tpu.memory_space<semaphore_mem>>
      %dma_start3A_285 = tpu.memref_slice %arg5[%add3A_263, %multiple_of3A] : memref<4096x256xf32, #tpu.memory_space<hbm>> -> memref<128x128xf32, #tpu.memory_space<hbm>>
      %dma_start3A_286 = tpu.memref_slice %arg5[%add3A_263, %multiple_of3A] : memref<4096x256xf32, #tpu.memory_space<hbm>> -> memref<128x128xf32, #tpu.memory_space<hbm>>
      tpu.enqueue_dma source(%arg15 : memref<128x128xf32, #tpu.memory_space<vmem>>) target(%dma_start3A_286 : memref<128x128xf32, #tpu.memory_space<hbm>>) target_semaphore(%run_scoped3A : memref<!tpu.dma_semaphore, #tpu.memory_space<semaphore_mem>>)
      %dma_wait3A_287 = tpu.memref_slice %arg5[%add3A_263, %multiple_of3A] : memref<4096x256xf32, #tpu.memory_space<hbm>> -> memref<128x128xf32, #tpu.memory_space<hbm>>
      %dma_wait3A_288 = tpu.memref_slice %arg5[%add3A_263, %multiple_of3A] : memref<4096x256xf32, #tpu.memory_space<hbm>> -> memref<128x128xf32, #tpu.memory_space<hbm>>
      tpu.wait_dma2 semaphore(%run_scoped3A : memref<!tpu.dma_semaphore, #tpu.memory_space<semaphore_mem>>) src(%arg15 : memref<128x128xf32, #tpu.memory_space<vmem>>) dst(%dma_wait3A_288 : memref<128x128xf32, #tpu.memory_space<hbm>>)
      tpu.yield
    }) : () -> ()
    %eq3A_274 = arith.constant 0 : i32
    %eq3A_275 = arith.cmpi eq, %arg0, %eq3A_274 : i32
    %convert_element_type3A_276 = arith.extui %eq3A_275 : i1 to i32
    %cond3A_277 = arith.constant 0 : i32
    %cond3A_278 = arith.cmpi ne, %convert_element_type3A_276, %cond3A_277 : i32
    scf.if %cond3A_278 {
      "tpu.region"() ({
        %run_scoped3A = tpu.sem_alloc : memref<!tpu.dma_semaphore, #tpu.memory_space<semaphore_mem>>
        %dma_start3A_285 = arith.constant 0 : i32
        %dma_start3A_286 = tpu.memref_slice %arg22[%dma_start3A_285] : memref<4224xf32, #tpu.memory_space<vmem_shared>> -> memref<4224xf32, #tpu.memory_space<vmem_shared>>
        tpu.enqueue_indirect_dma source(%dma_start3A_286 : memref<4224xf32, #tpu.memory_space<vmem_shared>>) target(%arg20 : memref<128xf32, #tpu.memory_space<vmem>>) offsets(%arg19 : memref<128xi32, #tpu.memory_space<vmem>>) semaphore(%run_scoped3A : memref<!tpu.dma_semaphore, #tpu.memory_space<semaphore_mem>>)
        %dma_wait3A_287 = arith.constant 0 : i32
        %dma_wait3A_288 = tpu.memref_slice %arg22[%dma_wait3A_287] : memref<4224xf32, #tpu.memory_space<vmem_shared>> -> memref<4224xf32, #tpu.memory_space<vmem_shared>>
        tpu.wait_indirect_dma semaphore(%run_scoped3A : memref<!tpu.dma_semaphore, #tpu.memory_space<semaphore_mem>>) src(%dma_wait3A_288 : memref<4224xf32, #tpu.memory_space<vmem_shared>>) dst(%arg20 : memref<128xf32, #tpu.memory_space<vmem>>)
        tpu.yield
      }) : () -> ()
      "tpu.region"() ({
        %run_scoped3A = tpu.sem_alloc : memref<!tpu.dma_semaphore, #tpu.memory_space<semaphore_mem>>
        %dma_start3A_285 = tpu.memref_slice %arg7[%add3A_263] : memref<4096xf32, #tpu.memory_space<hbm>> -> memref<128xf32, #tpu.memory_space<hbm>>
        %dma_start3A_286 = tpu.memref_slice %arg7[%add3A_263] : memref<4096xf32, #tpu.memory_space<hbm>> -> memref<128xf32, #tpu.memory_space<hbm>>
        tpu.enqueue_dma source(%arg20 : memref<128xf32, #tpu.memory_space<vmem>>) target(%dma_start3A_286 : memref<128xf32, #tpu.memory_space<hbm>>) target_semaphore(%run_scoped3A : memref<!tpu.dma_semaphore, #tpu.memory_space<semaphore_mem>>)
        %dma_wait3A_287 = tpu.memref_slice %arg7[%add3A_263] : memref<4096xf32, #tpu.memory_space<hbm>> -> memref<128xf32, #tpu.memory_space<hbm>>
        %dma_wait3A_288 = tpu.memref_slice %arg7[%add3A_263] : memref<4096xf32, #tpu.memory_space<hbm>> -> memref<128xf32, #tpu.memory_space<hbm>>
        tpu.wait_dma2 semaphore(%run_scoped3A : memref<!tpu.dma_semaphore, #tpu.memory_space<semaphore_mem>>) src(%arg20 : memref<128xf32, #tpu.memory_space<vmem>>) dst(%dma_wait3A_288 : memref<128xf32, #tpu.memory_space<hbm>>)
        tpu.yield
      }) : () -> ()
    } else {
    }
    %dma_wait3A_279 = arith.constant 0 : i32
    %dma_wait3A_280 = arith.constant 0 : i32
    %dma_wait3A_281 = tpu.memref_slice %arg2[%dma_wait3A_279, %dma_wait3A_280] : memref<10000x256xf32, #tpu.memory_space<hbm>> -> memref<128x128xf32, #tpu.memory_space<hbm>>
    %dma_wait3A_282 = arith.constant 0 : i32
    %dma_wait3A_283 = arith.constant 0 : i32
    %dma_wait3A_284 = tpu.memref_slice %arg2[%dma_wait3A_282, %dma_wait3A_283] : memref<10000x256xf32, #tpu.memory_space<hbm>> -> memref<128x128xf32, #tpu.memory_space<hbm>>
    tpu.wait_dma2 semaphore(%arg24 : memref<!tpu.dma_semaphore, #tpu.memory_space<semaphore_mem>>) src(%dma_wait3A_284 : memref<128x128xf32, #tpu.memory_space<hbm>>) dst(%arg16 : memref<128x128xf32, #tpu.memory_space<vmem>>)
    "tpu.region"() ({
      %run_scoped3A = tpu.sem_alloc : memref<!tpu.dma_semaphore, #tpu.memory_space<semaphore_mem>>
      %dma_start3A_285 = tpu.memref_slice %arg6[%add3A_263, %multiple_of3A] : memref<4096x256xf32, #tpu.memory_space<hbm>> -> memref<128x128xf32, #tpu.memory_space<hbm>>
      %dma_start3A_286 = tpu.memref_slice %arg6[%add3A_263, %multiple_of3A] : memref<4096x256xf32, #tpu.memory_space<hbm>> -> memref<128x128xf32, #tpu.memory_space<hbm>>
      tpu.enqueue_dma source(%arg16 : memref<128x128xf32, #tpu.memory_space<vmem>>) target(%dma_start3A_286 : memref<128x128xf32, #tpu.memory_space<hbm>>) target_semaphore(%run_scoped3A : memref<!tpu.dma_semaphore, #tpu.memory_space<semaphore_mem>>)
      %dma_wait3A_287 = tpu.memref_slice %arg6[%add3A_263, %multiple_of3A] : memref<4096x256xf32, #tpu.memory_space<hbm>> -> memref<128x128xf32, #tpu.memory_space<hbm>>
      %dma_wait3A_288 = tpu.memref_slice %arg6[%add3A_263, %multiple_of3A] : memref<4096x256xf32, #tpu.memory_space<hbm>> -> memref<128x128xf32, #tpu.memory_space<hbm>>
      tpu.wait_dma2 semaphore(%run_scoped3A : memref<!tpu.dma_semaphore, #tpu.memory_space<semaphore_mem>>) src(%arg16 : memref<128x128xf32, #tpu.memory_space<vmem>>) dst(%dma_wait3A_288 : memref<128x128xf32, #tpu.memory_space<hbm>>)
      tpu.yield
    }) : () -> ()
    "tpu.trace_stop"() : () -> ()
    return
  }
}

module attributes {stable_mosaic.version = 14 : i64} {
  func.func @_dense_body(%arg0: memref<4096x256xf32, #tpu.memory_space<vmem>>, %arg1: memref<4096x256xf32, #tpu.memory_space<vmem>>, %arg2: memref<4096xf32, #tpu.memory_space<vmem>>, %arg3: memref<64x512xf32, #tpu.memory_space<vmem>>, %arg4: memref<2x64xf32, #tpu.memory_space<vmem>>, %arg5: memref<2x4096xf32, #tpu.memory_space<vmem>>) attributes {dimension_semantics = [], scalar_prefetch = 0 : i64, scratch_operands = 0 : i64, tpu.core_type = #tpu.core_type<tc>} {
    %get3A = arith.constant 0 : index
    %get3A_0 = arith.constant 0 : index
    %get3A_1 = vector.load %arg0[%get3A, %get3A_0] : memref<4096x256xf32, #tpu.memory_space<vmem>>, vector<4096x256xf32>
    %get3A_2 = arith.constant 0 : index
    %get3A_3 = arith.constant 0 : index
    %get3A_4 = vector.load %arg1[%get3A_2, %get3A_3] : memref<4096x256xf32, #tpu.memory_space<vmem>>, vector<4096x256xf32>
    %get3A_5 = arith.constant 0 : index
    %get3A_6 = vector.load %arg2[%get3A_5] : memref<4096xf32, #tpu.memory_space<vmem>>, vector<4096xf32>
    %reshape3A = vector.shape_cast %get3A_6 : vector<4096xf32> to vector<4096x1xf32>
    %max3A = arith.constant 1.000000e+00 : f32
    %max3A_7 = vector.broadcast %max3A : f32 to vector<4096x1xf32>
    %max3A_8 = arith.maximumf %reshape3A, %max3A_7 : vector<4096x1xf32>
    %div3A = vector.broadcast %max3A_8 : vector<4096x1xf32> to vector<4096x256xf32>
    %div3A_9 = arith.divf %get3A_4, %div3A : vector<4096x256xf32>
    %get3A_10 = arith.constant 0 : index
    %get3A_11 = arith.constant 0 : index
    %get3A_12 = vector.load %arg3[%get3A_10, %get3A_11] : memref<64x512xf32, #tpu.memory_space<vmem>>, vector<64x256xf32>
    %get3A_13 = arith.constant 0 : index
    %get3A_14 = arith.constant 256 : index
    %get3A_15 = vector.load %arg3[%get3A_13, %get3A_14] : memref<64x512xf32, #tpu.memory_space<vmem>>, vector<64x256xf32>
    %dot_general3A = arith.constant dense<0.000000e+00> : vector<4096x64xf32>
    %dot_general3A_16 = tpu.matmul %get3A_1, %get3A_12, %dot_general3A {dimension_numbers = #tpu.dot_dimension_numbers<[1], [1], [0], [0], [0, 0, 1, 0], [], []>, transpose_lhs_hint = false} : vector<4096x256xf32>, vector<64x256xf32>, vector<4096x64xf32> -> vector<4096x64xf32>
    %dot_general3A_17 = arith.constant dense<0.000000e+00> : vector<4096x64xf32>
    %dot_general3A_18 = tpu.matmul %div3A_9, %get3A_15, %dot_general3A_17 {dimension_numbers = #tpu.dot_dimension_numbers<[1], [1], [0], [0], [0, 0, 1, 0], [], []>, transpose_lhs_hint = false} : vector<4096x256xf32>, vector<64x256xf32>, vector<4096x64xf32> -> vector<4096x64xf32>
    %add3A = arith.addf %dot_general3A_16, %dot_general3A_18 : vector<4096x64xf32>
    %max3A_19 = arith.constant 0.000000e+00 : f32
    %max3A_20 = vector.broadcast %max3A_19 : f32 to vector<4096x64xf32>
    %max3A_21 = arith.maximumf %add3A, %max3A_20 : vector<4096x64xf32>
    %get3A_22 = arith.constant 0 : index
    %get3A_23 = arith.constant 0 : index
    %get3A_24 = vector.load %arg4[%get3A_22, %get3A_23] : memref<2x64xf32, #tpu.memory_space<vmem>>, vector<2x64xf32>
    %dot_general3A_25 = arith.constant dense<0.000000e+00> : vector<2x4096xf32>
    %dot_general3A_26 = tpu.matmul %get3A_24, %max3A_21, %dot_general3A_25 {dimension_numbers = #tpu.dot_dimension_numbers<[1], [1], [0], [0], [0, 0, 1, 0], [], []>, transpose_lhs_hint = false} : vector<2x64xf32>, vector<4096x64xf32>, vector<2x4096xf32> -> vector<2x4096xf32>
    %swap3A = arith.constant 0 : index
    %swap3A_27 = arith.constant 0 : index
    %swap3A_28 = vector.load %arg5[%swap3A, %swap3A_27] : memref<2x4096xf32, #tpu.memory_space<vmem>>, vector<2x4096xf32>
    tpu.vector_store %arg5[%swap3A, %swap3A_27], %dot_general3A_26 {strides = array<i32>} : memref<2x4096xf32, #tpu.memory_space<vmem>>, vector<2x4096xf32>,
    return
  }
}

</mosaic_0001>

<sc_bundles>
// kernel: kernel.4.cloned.1.call-start
scs
__scs_entry_jumppad:
0x0: {  	(pc) =	sbr.rel $0x88, $3  }
0x1: {  	(tag) =	ssettag $0x0;
	lr =	simm.s32 $0x1  }
0x2: {  	[smem:$0x3F9C] =	sst lr;
	_ =	strace $0xD0000000  }
0x3: {  	_ = 	snop  }
0x4: {  	_ = 	snop  }
0x5: {  	_ = 	snop  }
0x6: {  	_ = 	snop  }
0x7: {  	_ = 	snop  }
__scs_overlays_trampoline_lowered:
0x8: {  	[smem:$0x3FAB] =	sst s0  }
0x9: {  	[smem:$0x3FAC] =	sst s1  }
0xa: {  	[smem:$0x3FAD] =	sst s2  }
0xb: {  	[smem:$0x3FAE] =	sst s3  }
0xc: {  	[smem:$0x3FAF] =	sst s4  }
0xd: {  	[smem:$0x3FB0] =	sst s5  }
0xe: {  	[smem:$0x3FB1] =	sst s6  }
0xf: {  	[smem:$0x3FB2] =	sst s7  }
0x10: {  	[smem:$0x3FB3] =	sst s8  }
0x11: {  	[smem:$0x3FB4] =	sst s9;
	s0 =	simm.s32 @!p0 $0x0  }
0x12: {  	s1 =	sld [smem:$0x3F9A];
	s0 =	simm.s32 @p0 $0x1  }
0x13: {  	[smem:$0x3FB5] =	sst s0;
	s0 =	simm.s32 @!p1 $0x0  }
0x14: {  	s2 =	sld [smem:$0x3F99];
	s0 =	simm.s32 @p1 $0x1  }
0x15: {  	[smem:$0x3FB6] =	sst s0;
	s0 =	simm.s32 @!p2 $0x0  }
0x16: {  	s3 =	sld [smem:$0x3FDB];
	s0 =	simm.s32 @p2 $0x1  }
0x17: {  	s4 =	simm.s32 $0x1BF5;
	[smem:$0x3FB8] =	sst s0  }
0x18: {  	s0 =	sld [smem:$0x3F9B];
	_ =	swait.ge [sflag:s4], $0x0  }
0x19: {  	s7 =	sld [smem:$0x3F9C]  }
0x1a: {  	s8 =	sadd.s32 $0xFFFFE003, lr  }
0x1b: {  	s9 =	sadd.s32 $0xFFFFFEF7, lr;
	s5 =	simm.s32 $0xFFFFFFFF;
	p2 =	slt.u32 s8, $0xFFFFF086  }
0x1c: {  	p1 =	slt.u32 s9, $0xF7A;
	s5 =	simm.s32 @!p2 $0x0  }
0x1d: {  	s5 =	simm.s32 @p1 $0x1;
	p0 =	seq.s32 s7, s2  }
0x1e: {  	s7 =	smul.u32 @!p0 $0xF7A, s2;
	p2 =	seq.s32 @!p0 s5, $0x0  }
0x1f: {  	s9 =	smul.u32 $0xF7A, s1;
	s8 =	simm.s32 @!p0 $0x1BF5;
	p2 =	por !p2, p0  }
0x20: {  	[sflag:s8] =	ssyncset.s32 @!p0 $0xFFFFF086;
	s6 =	sadd.s32 @!p0 s3, s7;
	s7 =	simm.s32 @!p0 $0x108  }
0x21: {  	s3 =	sadd.s32 s3, s9;
	s6 =	sadd.s32 @!p0 $0x88, s6;
	s7 =	simm.s32 @p2 $0x1082  }
0x22: {  	[simem:s7], [sflag:s8] =	dma.local @!p0 [hbm:s6], $0xF7A  }
0x23: {  	s9 =	sor.u32 $0xD0000000, s2;
	s6 =	simm.s32 $0x108;
	_ =	swait.ge @!p0 [sflag:s8], $0x0  }
0x24: {  	s3 =	sadd.s32 $0x88, s3;
	s6 =	simm.s32 @!p1 $0x1082;
	[sflag:s4] =	ssyncset.s32 $0xFFFFF086  }
0x25: {  	[simem:s6], [sflag:s4] =	dma.local [hbm:s3], $0xF7A  }
0x26: {  	[smem:$0x3F9C] =	sst s1;
	(tag) =	ssettag s2;
	_ =	strace s9  }
0x27: {  	s1 =	sld [smem:$0x3FAC]  }
0x28: {  	s2 =	sld [smem:$0x3FAD]  }
0x29: {  	s4 =	sld [smem:$0x3FAF]  }
0x2a: {  	p0 =	seq.s32 s5, $0x0;
	s5 =	sld [smem:$0x3FB0]  }
0x2b: {  	s6 =	sld [smem:$0x3FB1]  }
0x2c: {  	s7 =	sld [smem:$0x3FB2]  }
0x2d: {  	s3 =	simm.s32 $0x108;
	s8 =	sld [smem:$0x3FB3]  }
0x2e: {  	s3 =	simm.s32 @!p0 $0x1082;
	s9 =	sld [smem:$0x3FB4]  }
0x2f: {  	lr =	sadd.s32 s0, s3;
	s0 =	sld [smem:$0x3FAB]  }
0x30: {  	s3 =	sld [smem:$0x3FAE]  }
0x31: {  	[smem:$0x3FB7] =	sst s10  }
0x32: {  	s10 =	sld [smem:$0x3FB5];
	_ =	sdelay $0x3  }
0x33: {  	p0 =	seq.s32 s10, $0x1;
	s10 =	sld [smem:$0x3FB7];
	_ =	sdelay $0x3  }
0x34: {  	[smem:$0x3FB7] =	sst s10  }
0x35: {  	s10 =	sld [smem:$0x3FB6];
	_ =	sdelay $0x3  }
0x36: {  	p1 =	seq.s32 s10, $0x1;
	s10 =	sld [smem:$0x3FB7];
	_ =	sdelay $0x3  }
0x37: {  	[smem:$0x3FB7] =	sst s10  }
0x38: {  	s10 =	sld [smem:$0x3FB8]  }
0x39: {  	_ = 	snop;
	(pc) =	sbr.ind lr, $3  }
0x3a: {  	_ = 	snop  }
0x3b: {  	_ = 	snop  }
0x3c: {  	p2 =	seq.s32 s10, $0x1;
	s10 =	sld [smem:$0x3FB7]  }
0x3d: {  	_ =	shalt  }
0x3e: {  	_ =	shalt  }
0x3f: {  	_ =	shalt  }
0x40: {  	_ =	shalt  }
0x41: {  	_ =	shalt  }
0x42: {  	_ =	shalt  }
0x43: {  	_ =	shalt  }
0x44: {  	_ =	shalt  }
0x45: {  	_ =	shalt  }
0x46: {  	_ =	shalt  }
0x47: {  	_ =	shalt  }
0x48: {  	_ =	shalt  }
0x49: {  	_ =	shalt  }
0x4a: {  	_ =	shalt  }
0x4b: {  	_ =	shalt  }
0x4c: {  	_ =	shalt  }
0x4d: {  	_ =	shalt  }
0x4e: {  	_ =	shalt  }
0x4f: {  	_ =	shalt  }
0x50: {  	_ =	shalt  }
0x51: {  	_ =	shalt  }
0x52: {  	_ =	shalt  }
0x53: {  	_ =	shalt  }
0x54: {  	_ =	shalt  }
0x55: {  	_ =	shalt  }
0x56: {  	_ =	shalt  }
0x57: {  	_ =	shalt  }
0x58: {  	_ =	shalt  }
0x59: {  	_ =	shalt  }
0x5a: {  	_ =	shalt  }
0x5b: {  	_ =	shalt  }
0x5c: {  	_ =	shalt  }
0x5d: {  	_ =	shalt  }
0x5e: {  	_ =	shalt  }
0x5f: {  	_ =	shalt  }
0x60: {  	_ =	shalt  }
0x61: {  	_ =	shalt  }
0x62: {  	_ =	shalt  }
0x63: {  	_ =	shalt  }
0x64: {  	_ =	shalt  }
0x65: {  	_ =	shalt  }
0x66: {  	_ =	shalt  }
0x67: {  	_ =	shalt  }
0x68: {  	_ =	shalt  }
0x69: {  	_ =	shalt  }
0x6a: {  	_ =	shalt  }
0x6b: {  	_ =	shalt  }
0x6c: {  	_ =	shalt  }
0x6d: {  	_ =	shalt  }
0x6e: {  	_ =	shalt  }
0x6f: {  	_ =	shalt  }
0x70: {  	_ =	shalt  }
0x71: {  	_ =	shalt  }
0x72: {  	_ =	shalt  }
0x73: {  	_ =	shalt  }
0x74: {  	_ =	shalt  }
0x75: {  	_ =	shalt  }
0x76: {  	_ =	shalt  }
0x77: {  	_ =	shalt  }
0x78: {  	_ =	shalt  }
0x79: {  	_ =	shalt  }
0x7a: {  	_ =	shalt  }
0x7b: {  	_ =	shalt  }
0x7c: {  	_ =	shalt  }
0x7d: {  	_ =	shalt  }
0x7e: {  	_ =	shalt  }
0x7f: {  	_ =	shalt  }
0x80: {  	_ =	shalt  }
0x81: {  	_ =	shalt  }
0x82: {  	_ =	shalt  }
0x83: {  	_ =	shalt  }
0x84: {  	_ =	shalt  }
0x85: {  	_ =	shalt  }
0x86: {  	_ =	shalt  }
0x87: {  	_ =	shalt  }
.Lfunc_end0:
.L_simem_size_0:
called_computation_lowered:
.L_overlay_start_0:
0x88: {  	s2 =	sld [smem:$0x3FD9]  }
0x89: {  	s3 =	sld [smem:$0x3FFE];
	_ =	sdelay $0x1  }
0x8a: {  	s1 =	srdreg.scid  }
0x8b: {  	s0 =	sand.u32 $0x1, s1  }
0x8c: {  	s17 =	sshll.u32 s0, $0xA;
	s2 =	sadd.s32 s3, s2  }
0x8d: {  	s2 =	sadd.s32 s2, s17  }
0x8e: {  	[smem:$0x3FC3] =	sst s2  }
0x8f: {  	_ = 	snop  }
0x90: {  	s2 =	sld [smem:$0x3FC9]  }
0x91: {  	s18 =	sld [smem:$0x3FC8]  }
0x92: {  	s4 =	sld [smem:$0x3FC7]  }
0x93: {  	s5 =	sld [smem:$0x3FD0];
	(tm) =	ssettm $0x1  }
0x94: {  	s6 =	sld [smem:$0x3FFB];
	_ =	sdelay $0x3  }
0x95: {  	_ =	strace s6  }
0x96: {  	s6 =	sld [smem:$0x3FFC];
	_ =	sdelay $0x3  }
0x97: {  	_ =	strace s6  }
0x98: {  	s6 =	sld [smem:$0x3FFD];
	_ =	sdelay $0x3  }
0x99: {  	_ =	strace s6  }
0x9a: {  	_ =	strace $0x8FFFFFFF  }
0x9b: {  	s19 =	sld [smem:$0x3FDB];
	_ =	sdelay $0x1  }
0x9c: {  	s7 =	simm.s32 $_scs_section_size  }
0x9d: {  	s8 =	simm.s32 $_size__tile_overlayer_lowered;
	s9 =	simm.s32 $_tile_overlayer_lowered  }
0x9e: {  	s22 =	simm.s32 $0x1BFF;
	s21 =	sshll.u32 s9, $0x1;
	s6 =	sadd.s32 s7, s19  }
0x9f: {  	s10 =	simm.s32 $0x0;
	s20 =	sshll.u32 s8, $0x1;
	s8 =	sadd.s32 s21, s6  }
0xa0: {  	[timem:s10], [sflag:s22] =	dma.local [hbm:s8], s20  }
0xa1: {  	_ =	swait.ge [sflag:s22], s20  }
0xa2: {  	s7 =	ssub.s32 $0x0, s20;
	[sflag:s22] =	ssyncset.done $0x0  }
0xa3: {  	[sflag:s22] =	ssyncadd.s32 s7;
	_ =	sdelay $0x1  }
0xa4: {  	s23 =	simm.s32 $0x1B8B  }
0xa5: {  	_ =	swait.ge [sflag:s23], $0x1  }
0xa6: {  	[sflag:s23] =	ssyncset.done $0x0  }
0xa7: {  	s25 =	simm.s32 $0x1B8E;
	s24 =	sld [smem:$0x3FFE];
	[sflag:s23] =	ssyncadd.s32 $0xFFFFFFFF  }
0xa8: {  	s26 =	simm.s32 $execute0_lowered;
	[smem:$0x3FD2] =	sst s25  }
0xa9: {  	s8 =	sshll.u32 s26, $0x1;
	_ =	strace $0x80000046;
	[dreg:$0x1] =	wrdreg $0xFFFFFFFF  }
0xaa: {  	s28 =	simm.s32 $_size_execute0_lowered;
	s6 =	sadd.s32 s6, s8;
	[dreg:$0x0] =	wrdreg $0x0  }
0xab: {  	s8 =	sshll.u32 s28, $0x1;
	[dreg:$0x2] =	wrdreg s6  }
0xac: {  	[dreg:$0x3] =	wrdreg s8  }
0xad: {  	[dreg:$0x4] =	wrdreg $0xC0  }
0xae: {  	_ =	task [dreg:s10], $0x5FFFF  }
0xaf: {  	[dreg:$0x1] =	wrdreg $0xFFFFFFFF  }
0xb0: {  	[dreg:$0x0] =	wrdreg $0x60  }
0xb1: {  	[dreg:$0x2] =	wrdreg s18  }
0xb2: {  	[dreg:$0x3] =	wrdreg s4  }
0xb3: {  	[dreg:$0x4] =	wrdreg s2  }
0xb4: {  	[dreg:$0x5] =	wrdreg s24  }
0xb5: {  	[dreg:$0x6] =	wrdreg s5  }
0xb6: {  	[dreg:$0x7] =	wrdreg $0x152800  }
0xb7: {  	[dreg:$0x8] =	wrdreg $0x1D6800  }
0xb8: {  	[dreg:$0x9] =	wrdreg $0x9  }
0xb9: {  	_ =	task.clear_ibuf [dreg:s10], $0xAFFFF;
	_ =	strace $0x90000046  }
0xba: {  	s29 =	simm.s32 $0x9;
	_ =	strace $0x8000004C  }
0xbb: {  	_ =	swait.ge [sflag:s29], $0x1  }
0xbc: {  	[sflag:s29] =	ssyncadd.s32 $0xFFFFFFFF  }
0xbd: {  	_ =	strace $0x9000004C  }
0xbe: {  	_ =	sfence  }
0xbf: {  	s30 =	sld [smem:$0x0];
	_ =	sdelay $0x2  }
0xc0: {  	s31 =	sshll.u32 s1, $0xD;
	s1 =	sshrl.u32 s1, $0x2  }
0xc1: {  	s3 =	sand.u32 $0x4000, s31;
	s1 =	sadd.s32 s1, s30  }
0xc2: {  	s0 =	sor.u32 s3, s0;
	s1 =	sshll.u32 s1, $0x11  }
0xc3: {  	s0 =	sor.u32 s1, s0  }
0xc4: {  	s0 =	sadd.s32 $0x8F2B, s0  }
0xc5: {  	[sflag:s0] =	ssyncadd.remote.s32 $0x1  }
0xc6: {  	_ =	sfence.sel $0xFFFF  }
0xc7: {  	[dreg:$0x0] =	wrdreg $0xFFFFFFFF;
	(pc) =	sbr.abs _section_cstart, $3  }
0xc8: {  	[dreg:$0x1] =	wrdreg $0xFFFFFFFF  }
0xc9: {  	_ =	task.clear_ibuf [dreg:s10], $0x2FFFF;
	_ =	strace $0x9FFFFFFF  }
0xca: {  	(tm) =	ssettm $0x7FFFFFFF  }
0xcb: {  	_ =	shalt  }
tec
execute0_lowered:
.L_overlay_start_1:
0x0: {  	(tag) =	ssettag $0x1  }
0x1: {  	s0 =	rddreg [dreg:$0x0]  }
0x2: {  	s1 =	rddreg [dreg:$0x1]  }
0x3: {  	s4 =	rddreg [dreg:$0x3]  }
0x4: {  	s6 =	rddreg [dreg:$0x4]  }
0x5: {  	s3 =	rddreg [dreg:$0x5]  }
0x6: {  	s2 =	rddreg [dreg:$0x6];
	s5 =	simm.s32 $0x0  }
0x7: {  	s7 =	srdreg.scid;
	s18 =	stileid.u32;
	s28 =	simm.s32 $0x5  }
0x8: {  	s31 =	simm.s32 $0x1000;
	s29 =	simm.s32 $0x80;
	s10 =	smul.u32 $0x21000, s18  }
0x9: {  	[smem:$0x7FF] =	sst s5;
	s7 =	sand.u32 $0x1, s7;
	s12 =	smul.u32 $0x9C0, s18  }
0xa: {  	s8 =	sadd.s32 $0x1200, s4;
	s4 =	sadd.s32 $0x21200, s4;
	s22 =	smul.u32 $0x4E00, s18  }
0xb: {  	s24 =	smul.u32 $0x420, s18;
	s15 =	sshll.u32 s18, $0x5;
	s17 =	sshll.u32 s18, $0x10  }
0xc: {  	p1 =	slt.u32 s18, $0x2;
	_ =	strace $0x80000047;
	s9 =	ssub.s32 $0x2, s7  }
0xd: {  	s26 =	sand.u32 $0x20, s15;
	s30 =	sshll.u32 s7, $0x7;
	s16 =	sshll.u32 s7, $0xA  }
0xe: {  	s15 =	sadd.s32 s6, s15;
	p0 =	sne.s32 s7, $0x0;
	s11 =	sshrl.u32 s9, $0x1  }
0xf: {  	s10 =	sshrl.u32 s10, $0x2;
	s12 =	sadd.s32 s1, s12;
	[dreg:$0xe] =	wrdreg s15  }
0x10: {  	s14 =	sadd.s32 s0, s30;
	[dreg:$0x8] =	wrdreg s12;
	s23 =	sadd.s32 s10, s3  }
0x11: {  	s9 =	ssub.s32 s9, s11;
	s13 =	sadd.s32 $0x4000, s23;
	[dreg:$0x9] =	wrdreg s23  }
0x12: {  	s10 =	sshrl.u32 s24, $0x2;
	s12 =	sadd.s32 $0x8000, s23;
	[dreg:$0xa] =	wrdreg s13  }
0x13: {  	s11 =	sshrl.u32 s22, $0x3;
	s10 =	sadd.s32 s10, s2;
	[dreg:$0xb] =	wrdreg s12  }
0x14: {  	s11 =	sadd.s32 s1, s11;
	s30 =	smax.u32 s9, $0x1;
	[dreg:$0xc] =	wrdreg s10  }
0x15: {  	s1 =	sadd.s32 s26, s1;
	s25 =	sadd.s32 $0x200, s11;
	[dreg:$0x18] =	wrdreg s30  }
0x16: {  	s9 =	simm.s32 $0x14980;
	s12 =	sshll.u32 s18, $0x8;
	[dreg:$0xd] =	wrdreg s25  }
0x17: {  	s13 =	sor.u32 s16, s17;
	s23 =	sadd.s32 $0x400, s11;
	[dreg:$0x19] =	wrdreg s12  }
0x18: {  	s24 =	sadd.s32 $0x600, s11;
	s26 =	sadd.s32 $0x9C00, s1;
	[dreg:$0x14] =	wrdreg s23  }
0x19: {  	s1 =	simm.s32 $0x1;
	s2 =	sor.u32 $0x80, s12;
	[dreg:$0x15] =	wrdreg s24  }
0x1a: {  	s0 =	sshrl.u32 s13, $0x3;
	s25 =	sadd.s32 $0x800, s11;
	[dreg:$0x17] =	wrdreg s26  }
0x1b: {  	s24 =	simm.s32 $0x14F00;
	s23 =	simm.s32 $0x14E80;
	s26 =	simm.s32 $0x14E00  }
0x1c: {  	s13 =	simm.s32 $0x14C00;
	s12 =	simm.s32 $0x14800;
	s11 =	simm.s32 $0x2  }
0x1d: {  	v0 =	vlaneseq.u32;
	vm0 =	vmxor vm0, vm0;
	v2 =	vimm.f32 $0.0e+00;
	s17 =	sshll.u32 s2, $0x8;
	[dreg:$0x1a] =	wrdreg s2;
	s19 =	sshrl.u32 s2, $0x3  }
0x1e: {  	v3 =	vimm.f32 $1.000000000e+00;
	v4 =	vimm.s32 $0xFFFFFFFF;
	v5 =	vimm.s32 $0x0;
	s20 =	sadd.s32 s8, s0;
	s0 =	sadd.s32 s4, s0;
	[dreg:$0x16] =	wrdreg s25  }
0x1f: {  	v7 =	vimm.s32 $0x7;
	v8 =	vimm.s32 $0x1;
	v9 =	vimm.s32 $0x2;
	s2 =	simm.s32 $0x14D80;
	s10 =	sor.u32 s16, s17;
	[dreg:$0x10] =	wrdreg s20  }
.Ltmp0:
0x20: {  	v10 =	vimm.s32 $0x3;
	v11 =	vimm.s32 $0x4;
	v12 =	vimm.s32 $0x5;
	s6 =	sadd.s32 s6, s19;
	[dreg:$0x11] =	wrdreg s0;
	(pc) =	sbr.rel .LBB2_1-.Ltmp0, $4  }
0x21: {  	v13 =	vimm.s32 $0x6;
	v14 =	vimm.s32 $0x8;
	v15 =	vimm.s32 $0x9;
	s25 =	simm.s32 $0x14D00;
	s10 =	sshrl.u32 s10, $0x3;
	[dreg:$0xf] =	wrdreg s6  }
0x22: {  	v16 =	vimm.s32 $0xA;
	v17 =	vimm.s32 $0xB;
	v1 =	vmul.u32 $0x8, v0;
	s6 =	simm.s32 $0x14880;
	s21 =	sadd.s32 s8, s10;
	s22 =	sadd.s32 s4, s10  }
0x23: {  	v18 =	vimm.s32 $0xC;
	v19 =	vimm.s32 $0xD;
	v20 =	vimm.s32 $0xE;
	s8 =	simm.s32 $0x14B80;
	s10 =	simm.s32 $0x6;
	[dreg:$0x12] =	wrdreg s21  }
0x24: {  	v21 =	vimm.s32 $0xF;
	vm0 =	vmneg @p1 vm0;
	v6 =	vor.u32 $0x1000, v1;
	s4 =	simm.s32 $0x0;
	[dreg:$0x13] =	wrdreg s22;
	s22 =	simm.s32 $0x10F80  }
.LBB2_33:
0x25: {  	[bflag:$0x0] =	sbarrier.arrive $0xFFFF  }
0x26: {  	_ =	strace $0x9000004A  }
0x27: {  	_ =	strace $0x8000004B  }
0x28: {  	s7 =	rddreg [dreg:$0x19]  }
0x29: {  	v22 =	vld [tilespmem:s7+$0x0];
	_ =	sdelay $0x4  }
0x2a: {  	v23 =	vshll.u32 v22, $0x1  }
0x2b: {  	v22 =	vand.u32 $0x7, v22;
	v23 =	vand.u32 $0xFFFFFFF0, v23  }
0x2c: {  	v22 =	vor.u32 v22, v23  }
0x2d: {  	v23 =	vperm.xlane v22, v5;
	_ =	sdelay $0x1  }
0x2e: {  	v24 =	vperm.xlane v22, v8;
	v23 =	vadd.s32 v1, v23;
	_ =	sdelay $0x1  }
0x2f: {  	v25 =	vperm.xlane v22, v9;
	v24 =	vadd.s32 v1, v24;
	_ =	sdelay $0x1  }
0x30: {  	vm1 =	vmmov $0x1;
	v26 =	vperm.xlane v22, v10;
	v25 =	vadd.s32 v1, v25  }
0x31: {  	[tilespmem:s22], [sflag:$0x2] =	stream.indirect_vreg.gather [hbm4b:s14+s5], $0x80, v23, vm1, $0x2000b8;
	[tilespmem:$0x1D788] =	vst v63  }
0x32: {  	s0 =	simm.s32 $0x11000;
	v39 =	vperm.xlane v22, v11;
	v23 =	vadd.s32 v1, v26  }
0x33: {  	[tilespmem:s0], [sflag:$0x2] =	stream.indirect_vreg.gather [hbm4b:s14+s5], $0x80, v24, vm1, $0x2000b8;
	[tilespmem:$0x1D788] =	vst v63  }
0x34: {  	s12 =	simm.s32 $0x11080;
	v41 =	vperm.xlane v22, v12;
	v40 =	vadd.s32 v1, v39  }
0x35: {  	[tilespmem:s12], [sflag:$0x2] =	stream.indirect_vreg.gather [hbm4b:s14+s5], $0x80, v25, vm1, $0x2000b8;
	[tilespmem:$0x1D788] =	vst v63  }
0x36: {  	s26 =	simm.s32 $0x11100;
	v43 =	vperm.xlane v22, v13;
	v42 =	vadd.s32 v1, v41  }
0x37: {  	[tilespmem:s26], [sflag:$0x2] =	stream.indirect_vreg.gather [hbm4b:s14+s5], $0x80, v23, vm1, $0x2000b8;
	[tilespmem:$0x1D788] =	vst v63  }
0x38: {  	s18 =	simm.s32 $0x11180;
	v44 =	vperm.xlane v22, v7;
	v23 =	vadd.s32 v1, v43  }
0x39: {  	[tilespmem:s18], [sflag:$0x2] =	stream.indirect_vreg.gather [hbm4b:s14+s5], $0x80, v40, vm1, $0x2000b8;
	[tilespmem:$0x1D788] =	vst v63  }
0x3a: {  	s6 =	simm.s32 $0x11200;
	v46 =	vperm.xlane v22, v14;
	v45 =	vadd.s32 v1, v44  }
0x3b: {  	[tilespmem:s6], [sflag:$0x2] =	stream.indirect_vreg.gather [hbm4b:s14+s5], $0x80, v42, vm1, $0x2000b8;
	[tilespmem:$0x1D788] =	vst v63  }
0x3c: {  	s19 =	simm.s32 $0x11280;
	v48 =	vperm.xlane v22, v15;
	v47 =	vadd.s32 v1, v46  }
0x3d: {  	[tilespmem:s19], [sflag:$0x2] =	stream.indirect_vreg.gather [hbm4b:s14+s5], $0x80, v23, vm1, $0x2000b8;
	[tilespmem:$0x1D788] =	vst v63  }
0x3e: {  	s9 =	simm.s32 $0x11300;
	v49 =	vperm.xlane v22, v16;
	v23 =	vadd.s32 v1, v48  }
0x3f: {  	[tilespmem:s9], [sflag:$0x2] =	stream.indirect_vreg.gather [hbm4b:s14+s5], $0x80, v45, vm1, $0x2000b8;
	[tilespmem:$0x1D788] =	vst v63  }
0x40: {  	s20 =	simm.s32 $0x11380;
	v51 =	vperm.xlane v22, v17;
	v50 =	vadd.s32 v1, v49  }
0x41: {  	[tilespmem:s20], [sflag:$0x2] =	stream.indirect_vreg.gather [hbm4b:s14+s5], $0x80, v47, vm1, $0x2000b8;
	[tilespmem:$0x1D788] =	vst v63  }
0x42: {  	v53 =	vperm.xlane v22, v18;
	v52 =	vadd.s32 v1, v51;
	s22 =	simm.s32 $0x11400  }
0x43: {  	[tilespmem:s22], [sflag:$0x2] =	stream.indirect_vreg.gather [hbm4b:s14+s5], $0x80, v23, vm1, $0x2000b8;
	[tilespmem:$0x1D788] =	vst v63  }
0x44: {  	s21 =	simm.s32 $0x11480;
	v54 =	vperm.xlane v22, v19;
	v23 =	vadd.s32 v1, v53  }
0x45: {  	[tilespmem:s21], [sflag:$0x2] =	stream.indirect_vreg.gather [hbm4b:s14+s5], $0x80, v50, vm1, $0x2000b8;
	[tilespmem:$0x1D788] =	vst v63  }
0x46: {  	s23 =	simm.s32 $0x11500;
	v56 =	vperm.xlane v22, v20;
	v55 =	vadd.s32 v1, v54  }
0x47: {  	[tilespmem:s23], [sflag:$0x2] =	stream.indirect_vreg.gather [hbm4b:s14+s5], $0x80, v52, vm1, $0x2000b8;
	[tilespmem:$0x1D788] =	vst v63  }
0x48: {  	s24 =	simm.s32 $0x11580;
	v22 =	vperm.xlane v22, v21;
	v57 =	vadd.s32 v1, v56  }
0x49: {  	[tilespmem:s24], [sflag:$0x2] =	stream.indirect_vreg.gather [hbm4b:s14+s5], $0x80, v23, vm1, $0x2000b8;
	[tilespmem:$0x1D788] =	vst v63  }
0x4a: {  	s25 =	simm.s32 $0x11600;
	v22 =	vadd.s32 v1, v22  }
0x4b: {  	[tilespmem:s25], [sflag:$0x2] =	stream.indirect_vreg.gather [hbm4b:s14+s5], $0x80, v55, vm1, $0x2000b8;
	[tilespmem:$0x1D788] =	vst v63  }
0x4c: {  	s30 =	simm.s32 $0x11680  }
0x4d: {  	[tilespmem:s30], [sflag:$0x2] =	stream.indirect_vreg.gather [hbm4b:s14+s5], $0x80, v57, vm1, $0x2000b8;
	[tilespmem:$0x1D788] =	vst v63  }
0x4e: {  	s4 =	simm.s32 $0x11700  }
0x4f: {  	[tilespmem:s4], [sflag:$0x2] =	stream.indirect_vreg.gather [hbm4b:s14+s5], $0x80, v22, vm1, $0x2000b8;
	[tilespmem:$0x1D788] =	vst v63  }
0x50: {  	v22 =	vld [tilespmem:s7+$0x10];
	_ =	sdelay $0x4  }
0x51: {  	v23 =	vshll.u32 v22, $0x1  }
0x52: {  	v22 =	vand.u32 $0x7, v22;
	v23 =	vand.u32 $0xFFFFFFF0, v23  }
0x53: {  	v22 =	vor.u32 v22, v23  }
0x54: {  	v23 =	vperm.xlane v22, v5;
	_ =	sdelay $0x1  }
0x55: {  	v58 =	vperm.xlane v22, v8;
	v23 =	vadd.s32 v1, v23;
	_ =	sdelay $0x1  }
0x56: {  	v59 =	vperm.xlane v22, v9;
	v24 =	vadd.s32 v1, v58;
	_ =	sdelay $0x1  }
0x57: {  	s8 =	simm.s32 $0x11780;
	v60 =	vperm.xlane v22, v10;
	v25 =	vadd.s32 v1, v59  }
0x58: {  	[tilespmem:s8], [sflag:$0x2] =	stream.indirect_vreg.gather [hbm4b:s14+s5], $0x80, v23, vm1, $0x2000b8;
	[tilespmem:$0x1D788] =	vst v63  }
0x59: {  	s13 =	simm.s32 $0x11800;
	v61 =	vperm.xlane v22, v11;
	v23 =	vadd.s32 v1, v60  }
0x5a: {  	[tilespmem:s13], [sflag:$0x2] =	stream.indirect_vreg.gather [hbm4b:s14+s5], $0x80, v24, vm1, $0x2000b8;
	[tilespmem:$0x1D788] =	vst v63  }
0x5b: {  	s15 =	simm.s32 $0x11880;
	v63 =	vperm.xlane v22, v12;
	v62 =	vadd.s32 v1, v61  }
0x5c: {  	[tilespmem:s15], [sflag:$0x2] =	stream.indirect_vreg.gather [hbm4b:s14+s5], $0x80, v25, vm1, $0x2000b8;
	[tilespmem:$0x1D788] =	vst v63  }
0x5d: {  	s16 =	simm.s32 $0x11900;
	v29 =	vperm.xlane v22, v13;
	v28 =	vadd.s32 v1, v63  }
0x5e: {  	[tilespmem:s16], [sflag:$0x2] =	stream.indirect_vreg.gather [hbm4b:s14+s5], $0x80, v23, vm1, $0x2000b8;
	[tilespmem:$0x1D788] =	vst v63  }
0x5f: {  	s17 =	simm.s32 $0x11980;
	v30 =	vperm.xlane v22, v7;
	v23 =	vadd.s32 v1, v29  }
0x60: {  	[tilespmem:s17], [sflag:$0x2] =	stream.indirect_vreg.gather [hbm4b:s14+s5], $0x80, v62, vm1, $0x2000b8;
	[tilespmem:$0x1D788] =	vst v63  }
0x61: {  	s18 =	simm.s32 $0x11A00;
	v32 =	vperm.xlane v22, v14;
	v31 =	vadd.s32 v1, v30  }
0x62: {  	[tilespmem:s18], [sflag:$0x2] =	stream.indirect_vreg.gather [hbm4b:s14+s5], $0x80, v28, vm1, $0x2000b8;
	[tilespmem:$0x1D788] =	vst v63  }
0x63: {  	s19 =	simm.s32 $0x11A80;
	v34 =	vperm.xlane v22, v15;
	v33 =	vadd.s32 v1, v32  }
0x64: {  	[tilespmem:s19], [sflag:$0x2] =	stream.indirect_vreg.gather [hbm4b:s14+s5], $0x80, v23, vm1, $0x2000b8;
	[tilespmem:$0x1D788] =	vst v63  }
0x65: {  	s20 =	simm.s32 $0x11B00;
	v35 =	vperm.xlane v22, v16;
	v23 =	vadd.s32 v1, v34  }
0x66: {  	[tilespmem:s20], [sflag:$0x2] =	stream.indirect_vreg.gather [hbm4b:s14+s5], $0x80, v31, vm1, $0x2000b8;
	[tilespmem:$0x1D788] =	vst v63  }
0x67: {  	s21 =	simm.s32 $0x11B80;
	v37 =	vperm.xlane v22, v17;
	v36 =	vadd.s32 v1, v35  }
0x68: {  	[tilespmem:s21], [sflag:$0x2] =	stream.indirect_vreg.gather [hbm4b:s14+s5], $0x80, v33, vm1, $0x2000b8;
	[tilespmem:$0x1D788] =	vst v63  }
0x69: {  	s23 =	simm.s32 $0x11C00;
	v39 =	vperm.xlane v22, v18;
	v38 =	vadd.s32 v1, v37  }
0x6a: {  	[tilespmem:s23], [sflag:$0x2] =	stream.indirect_vreg.gather [hbm4b:s14+s5], $0x80, v23, vm1, $0x2000b8;
	[tilespmem:$0x1D788] =	vst v63  }
0x6b: {  	s24 =	simm.s32 $0x11C80;
	v40 =	vperm.xlane v22, v19;
	v23 =	vadd.s32 v1, v39  }
0x6c: {  	[tilespmem:s24], [sflag:$0x2] =	stream.indirect_vreg.gather [hbm4b:s14+s5], $0x80, v36, vm1, $0x2000b8;
	[tilespmem:$0x1D788] =	vst v63  }
0x6d: {  	s25 =	simm.s32 $0x11D00;
	v42 =	vperm.xlane v22, v20;
	v41 =	vadd.s32 v1, v40  }
0x6e: {  	[tilespmem:s25], [sflag:$0x2] =	stream.indirect_vreg.gather [hbm4b:s14+s5], $0x80, v38, vm1, $0x2000b8;
	[tilespmem:$0x1D788] =	vst v63  }
0x6f: {  	s30 =	simm.s32 $0x11D80;
	v22 =	vperm.xlane v22, v21;
	v43 =	vadd.s32 v1, v42  }
0x70: {  	[tilespmem:s30], [sflag:$0x2] =	stream.indirect_vreg.gather [hbm4b:s14+s5], $0x80, v23, vm1, $0x2000b8;
	[tilespmem:$0x1D788] =	vst v63  }
0x71: {  	s4 =	simm.s32 $0x11E00;
	v22 =	vadd.s32 v1, v22  }
0x72: {  	[tilespmem:s4], [sflag:$0x2] =	stream.indirect_vreg.gather [hbm4b:s14+s5], $0x80, v41, vm1, $0x2000b8;
	[tilespmem:$0x1D788] =	vst v63  }
0x73: {  	s8 =	simm.s32 $0x11E80  }
0x74: {  	[tilespmem:s8], [sflag:$0x2] =	stream.indirect_vreg.gather [hbm4b:s14+s5], $0x80, v43, vm1, $0x2000b8;
	[tilespmem:$0x1D788] =	vst v63  }
0x75: {  	s13 =	simm.s32 $0x11F00  }
0x76: {  	[tilespmem:s13], [sflag:$0x2] =	stream.indirect_vreg.gather [hbm4b:s14+s5], $0x80, v22, vm1, $0x2000b8;
	[tilespmem:$0x1D788] =	vst v63  }
0x77: {  	v22 =	vld [tilespmem:s7+$0x20];
	_ =	sdelay $0x4  }
0x78: {  	v23 =	vshll.u32 v22, $0x1  }
0x79: {  	v22 =	vand.u32 $0x7, v22;
	v23 =	vand.u32 $0xFFFFFFF0, v23  }
0x7a: {  	v22 =	vor.u32 v22, v23  }
0x7b: {  	v23 =	vperm.xlane v22, v5;
	_ =	sdelay $0x1  }
0x7c: {  	v44 =	vperm.xlane v22, v8;
	v23 =	vadd.s32 v1, v23;
	_ =	sdelay $0x1  }
0x7d: {  	v45 =	vperm.xlane v22, v9;
	v24 =	vadd.s32 v1, v44;
	_ =	sdelay $0x1  }
0x7e: {  	s15 =	simm.s32 $0x11F80;
	v46 =	vperm.xlane v22, v10;
	v25 =	vadd.s32 v1, v45  }
0x7f: {  	[tilespmem:s15], [sflag:$0x2] =	stream.indirect_vreg.gather [hbm4b:s14+s5], $0x80, v23, vm1, $0x2000b8;
	[tilespmem:$0x1D788] =	vst v63  }
0x80: {  	s16 =	simm.s32 $0x12000;
	v47 =	vperm.xlane v22, v11;
	v23 =	vadd.s32 v1, v46  }
0x81: {  	[tilespmem:s16], [sflag:$0x2] =	stream.indirect_vreg.gather [hbm4b:s14+s5], $0x80, v24, vm1, $0x2000b8;
	[tilespmem:$0x1D788] =	vst v63  }
0x82: {  	s17 =	simm.s32 $0x12080;
	v49 =	vperm.xlane v22, v12;
	v48 =	vadd.s32 v1, v47  }
0x83: {  	[tilespmem:s17], [sflag:$0x2] =	stream.indirect_vreg.gather [hbm4b:s14+s5], $0x80, v25, vm1, $0x2000b8;
	[tilespmem:$0x1D788] =	vst v63  }
0x84: {  	s18 =	simm.s32 $0x12100;
	v51 =	vperm.xlane v22, v13;
	v50 =	vadd.s32 v1, v49  }
0x85: {  	[tilespmem:s18], [sflag:$0x2] =	stream.indirect_vreg.gather [hbm4b:s14+s5], $0x80, v23, vm1, $0x2000b8;
	[tilespmem:$0x1D788] =	vst v63  }
0x86: {  	s19 =	simm.s32 $0x12180;
	v52 =	vperm.xlane v22, v7;
	v23 =	vadd.s32 v1, v51  }
0x87: {  	[tilespmem:s19], [sflag:$0x2] =	stream.indirect_vreg.gather [hbm4b:s14+s5], $0x80, v48, vm1, $0x2000b8;
	[tilespmem:$0x1D788] =	vst v63  }
0x88: {  	s20 =	simm.s32 $0x12200;
	v54 =	vperm.xlane v22, v14;
	v53 =	vadd.s32 v1, v52  }
0x89: {  	[tilespmem:s20], [sflag:$0x2] =	stream.indirect_vreg.gather [hbm4b:s14+s5], $0x80, v50, vm1, $0x2000b8;
	[tilespmem:$0x1D788] =	vst v63  }
0x8a: {  	s21 =	simm.s32 $0x12280;
	v56 =	vperm.xlane v22, v15;
	v55 =	vadd.s32 v1, v54  }
0x8b: {  	[tilespmem:s21], [sflag:$0x2] =	stream.indirect_vreg.gather [hbm4b:s14+s5], $0x80, v23, vm1, $0x2000b8;
	[tilespmem:$0x1D788] =	vst v63  }
0x8c: {  	s23 =	simm.s32 $0x12300;
	v57 =	vperm.xlane v22, v16;
	v23 =	vadd.s32 v1, v56  }
0x8d: {  	[tilespmem:s23], [sflag:$0x2] =	stream.indirect_vreg.gather [hbm4b:s14+s5], $0x80, v53, vm1, $0x2000b8;
	[tilespmem:$0x1D788] =	vst v63  }
0x8e: {  	s24 =	simm.s32 $0x12380;
	v59 =	vperm.xlane v22, v17;
	v58 =	vadd.s32 v1, v57  }
0x8f: {  	[tilespmem:s24], [sflag:$0x2] =	stream.indirect_vreg.gather [hbm4b:s14+s5], $0x80, v55, vm1, $0x2000b8;
	[tilespmem:$0x1D788] =	vst v63  }
0x90: {  	s25 =	simm.s32 $0x12400;
	v61 =	vperm.xlane v22, v18;
	v60 =	vadd.s32 v1, v59  }
0x91: {  	[tilespmem:s25], [sflag:$0x2] =	stream.indirect_vreg.gather [hbm4b:s14+s5], $0x80, v23, vm1, $0x2000b8;
	[tilespmem:$0x1D788] =	vst v63  }
0x92: {  	s30 =	simm.s32 $0x12480;
	v62 =	vperm.xlane v22, v19;
	v23 =	vadd.s32 v1, v61  }
0x93: {  	[tilespmem:s30], [sflag:$0x2] =	stream.indirect_vreg.gather [hbm4b:s14+s5], $0x80, v58, vm1, $0x2000b8;
	[tilespmem:$0x1D788] =	vst v63  }
0x94: {  	s4 =	simm.s32 $0x12500;
	v28 =	vperm.xlane v22, v20;
	v63 =	vadd.s32 v1, v62  }
0x95: {  	[tilespmem:s4], [sflag:$0x2] =	stream.indirect_vreg.gather [hbm4b:s14+s5], $0x80, v60, vm1, $0x2000b8;
	[tilespmem:$0x1D788] =	vst v63  }
0x96: {  	s8 =	simm.s32 $0x12580;
	v22 =	vperm.xlane v22, v21;
	v29 =	vadd.s32 v1, v28  }
0x97: {  	[tilespmem:s8], [sflag:$0x2] =	stream.indirect_vreg.gather [hbm4b:s14+s5], $0x80, v23, vm1, $0x2000b8;
	[tilespmem:$0x1D788] =	vst v63  }
0x98: {  	s13 =	simm.s32 $0x12600;
	v22 =	vadd.s32 v1, v22  }
0x99: {  	[tilespmem:s13], [sflag:$0x2] =	stream.indirect_vreg.gather [hbm4b:s14+s5], $0x80, v63, vm1, $0x2000b8;
	[tilespmem:$0x1D788] =	vst v63  }
0x9a: {  	s8 =	simm.s32 $0x12680  }
0x9b: {  	[tilespmem:s8], [sflag:$0x2] =	stream.indirect_vreg.gather [hbm4b:s14+s5], $0x80, v29, vm1, $0x2000b8;
	[tilespmem:$0x1D788] =	vst v63  }
0x9c: {  	s15 =	simm.s32 $0x12700  }
0x9d: {  	[tilespmem:s15], [sflag:$0x2] =	stream.indirect_vreg.gather [hbm4b:s14+s5], $0x80, v22, vm1, $0x2000b8;
	[tilespmem:$0x1D788] =	vst v63  }
0x9e: {  	v22 =	vld [tilespmem:s7+$0x30];
	_ =	sdelay $0x4  }
0x9f: {  	v23 =	vshll.u32 v22, $0x1  }
0xa0: {  	v22 =	vand.u32 $0x7, v22;
	v23 =	vand.u32 $0xFFFFFFF0, v23  }
0xa1: {  	v22 =	vor.u32 v22, v23  }
0xa2: {  	v23 =	vperm.xlane v22, v5;
	_ =	sdelay $0x1  }
0xa3: {  	v30 =	vperm.xlane v22, v8;
	v23 =	vadd.s32 v1, v23;
	_ =	sdelay $0x1  }
0xa4: {  	v31 =	vperm.xlane v22, v9;
	v24 =	vadd.s32 v1, v30;
	_ =	sdelay $0x1  }
0xa5: {  	s16 =	simm.s32 $0x12780;
	v32 =	vperm.xlane v22, v10;
	v25 =	vadd.s32 v1, v31  }
0xa6: {  	[tilespmem:s16], [sflag:$0x2] =	stream.indirect_vreg.gather [hbm4b:s14+s5], $0x80, v23, vm1, $0x2000b8;
	[tilespmem:$0x1D788] =	vst v63  }
0xa7: {  	s17 =	simm.s32 $0x12800;
	v33 =	vperm.xlane v22, v11;
	v23 =	vadd.s32 v1, v32  }
0xa8: {  	[tilespmem:s17], [sflag:$0x2] =	stream.indirect_vreg.gather [hbm4b:s14+s5], $0x80, v24, vm1, $0x2000b8;
	[tilespmem:$0x1D788] =	vst v63  }
0xa9: {  	s18 =	simm.s32 $0x12880;
	v35 =	vperm.xlane v22, v12;
	v34 =	vadd.s32 v1, v33  }
0xaa: {  	[tilespmem:s18], [sflag:$0x2] =	stream.indirect_vreg.gather [hbm4b:s14+s5], $0x80, v25, vm1, $0x2000b8;
	[tilespmem:$0x1D788] =	vst v63  }
0xab: {  	s19 =	simm.s32 $0x12900;
	v37 =	vperm.xlane v22, v13;
	v36 =	vadd.s32 v1, v35  }
0xac: {  	[tilespmem:s19], [sflag:$0x2] =	stream.indirect_vreg.gather [hbm4b:s14+s5], $0x80, v23, vm1, $0x2000b8;
	[tilespmem:$0x1D788] =	vst v63  }
0xad: {  	s20 =	simm.s32 $0x12980;
	v38 =	vperm.xlane v22, v7;
	v23 =	vadd.s32 v1, v37  }
0xae: {  	[tilespmem:s20], [sflag:$0x2] =	stream.indirect_vreg.gather [hbm4b:s14+s5], $0x80, v34, vm1, $0x2000b8;
	[tilespmem:$0x1D788] =	vst v63  }
0xaf: {  	s21 =	simm.s32 $0x12A00;
	v40 =	vperm.xlane v22, v14;
	v39 =	vadd.s32 v1, v38  }
0xb0: {  	[tilespmem:s21], [sflag:$0x2] =	stream.indirect_vreg.gather [hbm4b:s14+s5], $0x80, v36, vm1, $0x2000b8;
	[tilespmem:$0x1D788] =	vst v63  }
0xb1: {  	s23 =	simm.s32 $0x12A80;
	v42 =	vperm.xlane v22, v15;
	v41 =	vadd.s32 v1, v40  }
0xb2: {  	[tilespmem:s23], [sflag:$0x2] =	stream.indirect_vreg.gather [hbm4b:s14+s5], $0x80, v23, vm1, $0x2000b8;
	[tilespmem:$0x1D788] =	vst v63  }
0xb3: {  	s24 =	simm.s32 $0x12B00;
	v43 =	vperm.xlane v22, v16;
	v23 =	vadd.s32 v1, v42  }
0xb4: {  	[tilespmem:s24], [sflag:$0x2] =	stream.indirect_vreg.gather [hbm4b:s14+s5], $0x80, v39, vm1, $0x2000b8;
	[tilespmem:$0x1D788] =	vst v63  }
0xb5: {  	s25 =	simm.s32 $0x12B80;
	v45 =	vperm.xlane v22, v17;
	v44 =	vadd.s32 v1, v43  }
0xb6: {  	[tilespmem:s25], [sflag:$0x2] =	stream.indirect_vreg.gather [hbm4b:s14+s5], $0x80, v41, vm1, $0x2000b8;
	[tilespmem:$0x1D788] =	vst v63  }
0xb7: {  	s30 =	simm.s32 $0x12C00;
	v47 =	vperm.xlane v22, v18;
	v46 =	vadd.s32 v1, v45  }
0xb8: {  	[tilespmem:s30], [sflag:$0x2] =	stream.indirect_vreg.gather [hbm4b:s14+s5], $0x80, v23, vm1, $0x2000b8;
	[tilespmem:$0x1D788] =	vst v63  }
0xb9: {  	s4 =	simm.s32 $0x12C80;
	v48 =	vperm.xlane v22, v19;
	v23 =	vadd.s32 v1, v47  }
0xba: {  	[tilespmem:s4], [sflag:$0x2] =	stream.indirect_vreg.gather [hbm4b:s14+s5], $0x80, v44, vm1, $0x2000b8;
	[tilespmem:$0x1D788] =	vst v63  }
0xbb: {  	s13 =	simm.s32 $0x12D00;
	v50 =	vperm.xlane v22, v20;
	v49 =	vadd.s32 v1, v48  }
0xbc: {  	[tilespmem:s13], [sflag:$0x2] =	stream.indirect_vreg.gather [hbm4b:s14+s5], $0x80, v46, vm1, $0x2000b8;
	[tilespmem:$0x1D788] =	vst v63  }
0xbd: {  	s15 =	simm.s32 $0x12D80;
	v22 =	vperm.xlane v22, v21;
	v51 =	vadd.s32 v1, v50  }
0xbe: {  	[tilespmem:s15], [sflag:$0x2] =	stream.indirect_vreg.gather [hbm4b:s14+s5], $0x80, v23, vm1, $0x2000b8;
	[tilespmem:$0x1D788] =	vst v63  }
0xbf: {  	v22 =	vadd.s32 v1, v22;
	s16 =	simm.s32 $0x12E00  }
0xc0: {  	[tilespmem:s16], [sflag:$0x2] =	stream.indirect_vreg.gather [hbm4b:s14+s5], $0x80, v49, vm1, $0x2000b8;
	[tilespmem:$0x1D788] =	vst v63  }
0xc1: {  	s17 =	simm.s32 $0x12E80  }
0xc2: {  	[tilespmem:s17], [sflag:$0x2] =	stream.indirect_vreg.gather [hbm4b:s14+s5], $0x80, v51, vm1, $0x2000b8;
	[tilespmem:$0x1D788] =	vst v63  }
0xc3: {  	s18 =	simm.s32 $0x12F00  }
0xc4: {  	[tilespmem:s18], [sflag:$0x2] =	stream.indirect_vreg.gather [hbm4b:s14+s5], $0x80, v22, vm1, $0x2000b8;
	[tilespmem:$0x1D788] =	vst v63  }
0xc5: {  	v22 =	vld [tilespmem:s7+$0x40];
	_ =	sdelay $0x4  }
0xc6: {  	v23 =	vshll.u32 v22, $0x1  }
0xc7: {  	v22 =	vand.u32 $0x7, v22;
	v23 =	vand.u32 $0xFFFFFFF0, v23  }
0xc8: {  	v22 =	vor.u32 v22, v23  }
0xc9: {  	v23 =	vperm.xlane v22, v5;
	_ =	sdelay $0x1  }
0xca: {  	v52 =	vperm.xlane v22, v8;
	v23 =	vadd.s32 v1, v23;
	_ =	sdelay $0x1  }
0xcb: {  	v53 =	vperm.xlane v22, v9;
	v24 =	vadd.s32 v1, v52;
	_ =	sdelay $0x1  }
0xcc: {  	s19 =	simm.s32 $0x12F80;
	v54 =	vperm.xlane v22, v10;
	v25 =	vadd.s32 v1, v53  }
0xcd: {  	[tilespmem:s19], [sflag:$0x2] =	stream.indirect_vreg.gather [hbm4b:s14+s5], $0x80, v23, vm1, $0x2000b8;
	[tilespmem:$0x1D788] =	vst v63  }
0xce: {  	s20 =	simm.s32 $0x13000;
	v55 =	vperm.xlane v22, v11;
	v23 =	vadd.s32 v1, v54  }
0xcf: {  	[tilespmem:s20], [sflag:$0x2] =	stream.indirect_vreg.gather [hbm4b:s14+s5], $0x80, v24, vm1, $0x2000b8;
	[tilespmem:$0x1D788] =	vst v63  }
0xd0: {  	s21 =	simm.s32 $0x13080;
	v57 =	vperm.xlane v22, v12;
	v56 =	vadd.s32 v1, v55  }
0xd1: {  	[tilespmem:s21], [sflag:$0x2] =	stream.indirect_vreg.gather [hbm4b:s14+s5], $0x80, v25, vm1, $0x2000b8;
	[tilespmem:$0x1D788] =	vst v63  }
0xd2: {  	s23 =	simm.s32 $0x13100;
	v59 =	vperm.xlane v22, v13;
	v58 =	vadd.s32 v1, v57  }
0xd3: {  	[tilespmem:s23], [sflag:$0x2] =	stream.indirect_vreg.gather [hbm4b:s14+s5], $0x80, v23, vm1, $0x2000b8;
	[tilespmem:$0x1D788] =	vst v63  }
0xd4: {  	s24 =	simm.s32 $0x13180;
	v60 =	vperm.xlane v22, v7;
	v23 =	vadd.s32 v1, v59  }
0xd5: {  	[tilespmem:s24], [sflag:$0x2] =	stream.indirect_vreg.gather [hbm4b:s14+s5], $0x80, v56, vm1, $0x2000b8;
	[tilespmem:$0x1D788] =	vst v63  }
0xd6: {  	s25 =	simm.s32 $0x13200;
	v62 =	vperm.xlane v22, v14;
	v61 =	vadd.s32 v1, v60  }
0xd7: {  	[tilespmem:s25], [sflag:$0x2] =	stream.indirect_vreg.gather [hbm4b:s14+s5], $0x80, v58, vm1, $0x2000b8;
	[tilespmem:$0x1D788] =	vst v63  }
0xd8: {  	s30 =	simm.s32 $0x13280;
	v28 =	vperm.xlane v22, v15;
	v63 =	vadd.s32 v1, v62  }
0xd9: {  	[tilespmem:s30], [sflag:$0x2] =	stream.indirect_vreg.gather [hbm4b:s14+s5], $0x80, v23, vm1, $0x2000b8;
	[tilespmem:$0x1D788] =	vst v63  }
0xda: {  	s4 =	simm.s32 $0x13300;
	v29 =	vperm.xlane v22, v16;
	v23 =	vadd.s32 v1, v28  }
0xdb: {  	[tilespmem:s4], [sflag:$0x2] =	stream.indirect_vreg.gather [hbm4b:s14+s5], $0x80, v61, vm1, $0x2000b8;
	[tilespmem:$0x1D788] =	vst v63  }
0xdc: {  	s13 =	simm.s32 $0x13380;
	v31 =	vperm.xlane v22, v17;
	v30 =	vadd.s32 v1, v29  }
0xdd: {  	[tilespmem:s13], [sflag:$0x2] =	stream.indirect_vreg.gather [hbm4b:s14+s5], $0x80, v63, vm1, $0x2000b8;
	[tilespmem:$0x1D788] =	vst v63  }
0xde: {  	s15 =	simm.s32 $0x13400;
	v33 =	vperm.xlane v22, v18;
	v32 =	vadd.s32 v1, v31  }
0xdf: {  	[tilespmem:s15], [sflag:$0x2] =	stream.indirect_vreg.gather [hbm4b:s14+s5], $0x80, v23, vm1, $0x2000b8;
	[tilespmem:$0x1D788] =	vst v63  }
0xe0: {  	s16 =	simm.s32 $0x13480;
	v34 =	vperm.xlane v22, v19;
	v23 =	vadd.s32 v1, v33  }
0xe1: {  	[tilespmem:s16], [sflag:$0x2] =	stream.indirect_vreg.gather [hbm4b:s14+s5], $0x80, v30, vm1, $0x2000b8;
	[tilespmem:$0x1D788] =	vst v63  }
0xe2: {  	s17 =	simm.s32 $0x13500;
	v36 =	vperm.xlane v22, v20;
	v35 =	vadd.s32 v1, v34  }
0xe3: {  	[tilespmem:s17], [sflag:$0x2] =	stream.indirect_vreg.gather [hbm4b:s14+s5], $0x80, v32, vm1, $0x2000b8;
	[tilespmem:$0x1D788] =	vst v63  }
0xe4: {  	s18 =	simm.s32 $0x13580;
	v22 =	vperm.xlane v22, v21;
	v37 =	vadd.s32 v1, v36  }
0xe5: {  	[tilespmem:s18], [sflag:$0x2] =	stream.indirect_vreg.gather [hbm4b:s14+s5], $0x80, v23, vm1, $0x2000b8;
	[tilespmem:$0x1D788] =	vst v63  }
0xe6: {  	v22 =	vadd.s32 v1, v22;
	s19 =	simm.s32 $0x13600  }
0xe7: {  	[tilespmem:s19], [sflag:$0x2] =	stream.indirect_vreg.gather [hbm4b:s14+s5], $0x80, v35, vm1, $0x2000b8;
	[tilespmem:$0x1D788] =	vst v63  }
0xe8: {  	s20 =	simm.s32 $0x13680  }
0xe9: {  	[tilespmem:s20], [sflag:$0x2] =	stream.indirect_vreg.gather [hbm4b:s14+s5], $0x80, v37, vm1, $0x2000b8;
	[tilespmem:$0x1D788] =	vst v63  }
0xea: {  	s21 =	simm.s32 $0x13700  }
0xeb: {  	[tilespmem:s21], [sflag:$0x2] =	stream.indirect_vreg.gather [hbm4b:s14+s5], $0x80, v22, vm1, $0x2000b8;
	[tilespmem:$0x1D788] =	vst v63  }
0xec: {  	v22 =	vld [tilespmem:s7+$0x50];
	_ =	sdelay $0x4  }
0xed: {  	v23 =	vshll.u32 v22, $0x1  }
0xee: {  	v22 =	vand.u32 $0x7, v22;
	v23 =	vand.u32 $0xFFFFFFF0, v23  }
0xef: {  	v22 =	vor.u32 v22, v23  }
0xf0: {  	v23 =	vperm.xlane v22, v5;
	_ =	sdelay $0x1  }
0xf1: {  	v38 =	vperm.xlane v22, v8;
	v23 =	vadd.s32 v1, v23;
	_ =	sdelay $0x1  }
0xf2: {  	v39 =	vperm.xlane v22, v9;
	v24 =	vadd.s32 v1, v38;
	_ =	sdelay $0x1  }
0xf3: {  	s23 =	simm.s32 $0x13780;
	v40 =	vperm.xlane v22, v10;
	v25 =	vadd.s32 v1, v39  }
0xf4: {  	[tilespmem:s23], [sflag:$0x2] =	stream.indirect_vreg.gather [hbm4b:s14+s5], $0x80, v23, vm1, $0x2000b8;
	[tilespmem:$0x1D788] =	vst v63  }
0xf5: {  	s24 =	simm.s32 $0x13800;
	v41 =	vperm.xlane v22, v11;
	v23 =	vadd.s32 v1, v40  }
0xf6: {  	[tilespmem:s24], [sflag:$0x2] =	stream.indirect_vreg.gather [hbm4b:s14+s5], $0x80, v24, vm1, $0x2000b8;
	[tilespmem:$0x1D788] =	vst v63  }
0xf7: {  	s25 =	simm.s32 $0x13880;
	v43 =	vperm.xlane v22, v12;
	v42 =	vadd.s32 v1, v41  }
0xf8: {  	[tilespmem:s25], [sflag:$0x2] =	stream.indirect_vreg.gather [hbm4b:s14+s5], $0x80, v25, vm1, $0x2000b8;
	[tilespmem:$0x1D788] =	vst v63  }
0xf9: {  	s30 =	simm.s32 $0x13900;
	v45 =	vperm.xlane v22, v13;
	v44 =	vadd.s32 v1, v43  }
0xfa: {  	[tilespmem:s30], [sflag:$0x2] =	stream.indirect_vreg.gather [hbm4b:s14+s5], $0x80, v23, vm1, $0x2000b8;
	[tilespmem:$0x1D788] =	vst v63  }
0xfb: {  	s4 =	simm.s32 $0x13980;
	v46 =	vperm.xlane v22, v7;
	v23 =	vadd.s32 v1, v45  }
0xfc: {  	[tilespmem:s4], [sflag:$0x2] =	stream.indirect_vreg.gather [hbm4b:s14+s5], $0x80, v42, vm1, $0x2000b8;
	[tilespmem:$0x1D788] =	vst v63  }
0xfd: {  	s13 =	simm.s32 $0x13A00;
	v48 =	vperm.xlane v22, v14;
	v47 =	vadd.s32 v1, v46  }
0xfe: {  	[tilespmem:s13], [sflag:$0x2] =	stream.indirect_vreg.gather [hbm4b:s14+s5], $0x80, v44, vm1, $0x2000b8;
	[tilespmem:$0x1D788] =	vst v63  }
0xff: {  	s15 =	simm.s32 $0x13A80;
	v50 =	vperm.xlane v22, v15;
	v49 =	vadd.s32 v1, v48  }
0x100: {  	[tilespmem:s15], [sflag:$0x2] =	stream.indirect_vreg.gather [hbm4b:s14+s5], $0x80, v23, vm1, $0x2000b8;
	[tilespmem:$0x1D788] =	vst v63  }
0x101: {  	s16 =	simm.s32 $0x13B00;
	v51 =	vperm.xlane v22, v16;
	v23 =	vadd.s32 v1, v50  }
0x102: {  	[tilespmem:s16], [sflag:$0x2] =	stream.indirect_vreg.gather [hbm4b:s14+s5], $0x80, v47, vm1, $0x2000b8;
	[tilespmem:$0x1D788] =	vst v63  }
0x103: {  	s17 =	simm.s32 $0x13B80;
	v53 =	vperm.xlane v22, v17;
	v52 =	vadd.s32 v1, v51  }
0x104: {  	[tilespmem:s17], [sflag:$0x2] =	stream.indirect_vreg.gather [hbm4b:s14+s5], $0x80, v49, vm1, $0x2000b8;
	[tilespmem:$0x1D788] =	vst v63  }
0x105: {  	s18 =	simm.s32 $0x13C00;
	v55 =	vperm.xlane v22, v18;
	v54 =	vadd.s32 v1, v53  }
0x106: {  	[tilespmem:s18], [sflag:$0x2] =	stream.indirect_vreg.gather [hbm4b:s14+s5], $0x80, v23, vm1, $0x2000b8;
	[tilespmem:$0x1D788] =	vst v63  }
0x107: {  	s19 =	simm.s32 $0x13C80;
	v56 =	vperm.xlane v22, v19;
	v23 =	vadd.s32 v1, v55  }
0x108: {  	[tilespmem:s19], [sflag:$0x2] =	stream.indirect_vreg.gather [hbm4b:s14+s5], $0x80, v52, vm1, $0x2000b8;
	[tilespmem:$0x1D788] =	vst v63  }
0x109: {  	s20 =	simm.s32 $0x13D00;
	v58 =	vperm.xlane v22, v20;
	v57 =	vadd.s32 v1, v56  }
0x10a: {  	[tilespmem:s20], [sflag:$0x2] =	stream.indirect_vreg.gather [hbm4b:s14+s5], $0x80, v54, vm1, $0x2000b8;
	[tilespmem:$0x1D788] =	vst v63  }
0x10b: {  	s21 =	simm.s32 $0x13D80;
	v22 =	vperm.xlane v22, v21;
	v59 =	vadd.s32 v1, v58  }
0x10c: {  	[tilespmem:s21], [sflag:$0x2] =	stream.indirect_vreg.gather [hbm4b:s14+s5], $0x80, v23, vm1, $0x2000b8;
	[tilespmem:$0x1D788] =	vst v63  }
0x10d: {  	v22 =	vadd.s32 v1, v22;
	s23 =	simm.s32 $0x13E00  }
0x10e: {  	[tilespmem:s23], [sflag:$0x2] =	stream.indirect_vreg.gather [hbm4b:s14+s5], $0x80, v57, vm1, $0x2000b8;
	[tilespmem:$0x1D788] =	vst v63  }
0x10f: {  	s24 =	simm.s32 $0x13E80  }
0x110: {  	[tilespmem:s24], [sflag:$0x2] =	stream.indirect_vreg.gather [hbm4b:s14+s5], $0x80, v59, vm1, $0x2000b8;
	[tilespmem:$0x1D788] =	vst v63  }
0x111: {  	s25 =	simm.s32 $0x13F00  }
0x112: {  	[tilespmem:s25], [sflag:$0x2] =	stream.indirect_vreg.gather [hbm4b:s14+s5], $0x80, v22, vm1, $0x2000b8;
	[tilespmem:$0x1D788] =	vst v63  }
0x113: {  	v22 =	vld [tilespmem:s7+$0x60];
	_ =	sdelay $0x4  }
0x114: {  	v23 =	vshll.u32 v22, $0x1  }
0x115: {  	v22 =	vand.u32 $0x7, v22;
	v23 =	vand.u32 $0xFFFFFFF0, v23  }
0x116: {  	v22 =	vor.u32 v22, v23  }
0x117: {  	v23 =	vperm.xlane v22, v5;
	_ =	sdelay $0x1  }
0x118: {  	v60 =	vperm.xlane v22, v8;
	v23 =	vadd.s32 v1, v23;
	_ =	sdelay $0x1  }
0x119: {  	v61 =	vperm.xlane v22, v9;
	v24 =	vadd.s32 v1, v60;
	_ =	sdelay $0x1  }
0x11a: {  	s30 =	simm.s32 $0x13F80;
	v62 =	vperm.xlane v22, v10;
	v25 =	vadd.s32 v1, v61  }
0x11b: {  	[tilespmem:s30], [sflag:$0x2] =	stream.indirect_vreg.gather [hbm4b:s14+s5], $0x80, v23, vm1, $0x2000b8;
	[tilespmem:$0x1D788] =	vst v63  }
0x11c: {  	s4 =	simm.s32 $0x14000;
	v63 =	vperm.xlane v22, v11;
	v23 =	vadd.s32 v1, v62  }
0x11d: {  	[tilespmem:s4], [sflag:$0x2] =	stream.indirect_vreg.gather [hbm4b:s14+s5], $0x80, v24, vm1, $0x2000b8;
	[tilespmem:$0x1D788] =	vst v63  }
0x11e: {  	s13 =	simm.s32 $0x14080;
	v29 =	vperm.xlane v22, v12;
	v28 =	vadd.s32 v1, v63  }
0x11f: {  	[tilespmem:s13], [sflag:$0x2] =	stream.indirect_vreg.gather [hbm4b:s14+s5], $0x80, v25, vm1, $0x2000b8;
	[tilespmem:$0x1D788] =	vst v63  }
0x120: {  	s24 =	simm.s32 $0x14100;
	v31 =	vperm.xlane v22, v13;
	v30 =	vadd.s32 v1, v29  }
0x121: {  	[tilespmem:s24], [sflag:$0x2] =	stream.indirect_vreg.gather [hbm4b:s14+s5], $0x80, v23, vm1, $0x2000b8;
	[tilespmem:$0x1D788] =	vst v63  }
0x122: {  	s15 =	simm.s32 $0x14180;
	v32 =	vperm.xlane v22, v7;
	v23 =	vadd.s32 v1, v31  }
0x123: {  	[tilespmem:s15], [sflag:$0x2] =	stream.indirect_vreg.gather [hbm4b:s14+s5], $0x80, v28, vm1, $0x2000b8;
	[tilespmem:$0x1D788] =	vst v63  }
0x124: {  	s16 =	simm.s32 $0x14200;
	v34 =	vperm.xlane v22, v14;
	v33 =	vadd.s32 v1, v32  }
0x125: {  	[tilespmem:s16], [sflag:$0x2] =	stream.indirect_vreg.gather [hbm4b:s14+s5], $0x80, v30, vm1, $0x2000b8;
	[tilespmem:$0x1D788] =	vst v63  }
0x126: {  	s17 =	simm.s32 $0x14280;
	v36 =	vperm.xlane v22, v15;
	v35 =	vadd.s32 v1, v34  }
0x127: {  	[tilespmem:s17], [sflag:$0x2] =	stream.indirect_vreg.gather [hbm4b:s14+s5], $0x80, v23, vm1, $0x2000b8;
	[tilespmem:$0x1D788] =	vst v63  }
0x128: {  	s18 =	simm.s32 $0x14300;
	v37 =	vperm.xlane v22, v16;
	v23 =	vadd.s32 v1, v36  }
0x129: {  	[tilespmem:s18], [sflag:$0x2] =	stream.indirect_vreg.gather [hbm4b:s14+s5], $0x80, v33, vm1, $0x2000b8;
	[tilespmem:$0x1D788] =	vst v63  }
0x12a: {  	s23 =	simm.s32 $0x14380;
	v39 =	vperm.xlane v22, v17;
	v38 =	vadd.s32 v1, v37  }
0x12b: {  	[tilespmem:s23], [sflag:$0x2] =	stream.indirect_vreg.gather [hbm4b:s14+s5], $0x80, v35, vm1, $0x2000b8;
	[tilespmem:$0x1D788] =	vst v63  }
0x12c: {  	s19 =	simm.s32 $0x14400;
	v41 =	vperm.xlane v22, v18;
	v40 =	vadd.s32 v1, v39  }
0x12d: {  	[tilespmem:s19], [sflag:$0x2] =	stream.indirect_vreg.gather [hbm4b:s14+s5], $0x80, v23, vm1, $0x2000b8;
	[tilespmem:$0x1D788] =	vst v63  }
0x12e: {  	s25 =	simm.s32 $0x14480;
	v42 =	vperm.xlane v22, v19;
	v23 =	vadd.s32 v1, v41  }
0x12f: {  	[tilespmem:s25], [sflag:$0x2] =	stream.indirect_vreg.gather [hbm4b:s14+s5], $0x80, v38, vm1, $0x2000b8;
	[tilespmem:$0x1D788] =	vst v63  }
0x130: {  	s20 =	simm.s32 $0x14500;
	v44 =	vperm.xlane v22, v20;
	v43 =	vadd.s32 v1, v42  }
0x131: {  	[tilespmem:s20], [sflag:$0x2] =	stream.indirect_vreg.gather [hbm4b:s14+s5], $0x80, v40, vm1, $0x2000b8;
	[tilespmem:$0x1D788] =	vst v63  }
0x132: {  	s21 =	simm.s32 $0x14580;
	v22 =	vperm.xlane v22, v21;
	v45 =	vadd.s32 v1, v44  }
0x133: {  	[tilespmem:s21], [sflag:$0x2] =	stream.indirect_vreg.gather [hbm4b:s14+s5], $0x80, v23, vm1, $0x2000b8;
	[tilespmem:$0x1D788] =	vst v63  }
0x134: {  	v22 =	vadd.s32 v1, v22;
	s30 =	simm.s32 $0x14600  }
0x135: {  	[tilespmem:s30], [sflag:$0x2] =	stream.indirect_vreg.gather [hbm4b:s14+s5], $0x80, v43, vm1, $0x2000b8;
	[tilespmem:$0x1D788] =	vst v63  }
0x136: {  	s4 =	simm.s32 $0x14680  }
0x137: {  	[tilespmem:s4], [sflag:$0x2] =	stream.indirect_vreg.gather [hbm4b:s14+s5], $0x80, v45, vm1, $0x2000b8;
	[tilespmem:$0x1D788] =	vst v63  }
0x138: {  	s13 =	simm.s32 $0x14700  }
0x139: {  	[tilespmem:s13], [sflag:$0x2] =	stream.indirect_vreg.gather [hbm4b:s14+s5], $0x80, v22, vm1, $0x2000b8;
	[tilespmem:$0x1D788] =	vst v63  }
0x13a: {  	v22 =	vld [tilespmem:s7+$0x70];
	_ =	sdelay $0x4  }
0x13b: {  	v23 =	vshll.u32 v22, $0x1  }
0x13c: {  	v22 =	vand.u32 $0x7, v22;
	v23 =	vand.u32 $0xFFFFFFF0, v23  }
0x13d: {  	v22 =	vor.u32 v22, v23  }
0x13e: {  	v23 =	vperm.xlane v22, v5;
	_ =	sdelay $0x1  }
0x13f: {  	v46 =	vperm.xlane v22, v8;
	v23 =	vadd.s32 v1, v23;
	_ =	sdelay $0x1  }
0x140: {  	v47 =	vperm.xlane v22, v9;
	v24 =	vadd.s32 v1, v46;
	_ =	sdelay $0x1  }
0x141: {  	s15 =	simm.s32 $0x14780;
	v48 =	vperm.xlane v22, v10;
	v25 =	vadd.s32 v1, v47  }
0x142: {  	[tilespmem:s15], [sflag:$0x2] =	stream.indirect_vreg.gather [hbm4b:s14+s5], $0x80, v23, vm1, $0x2000b8;
	[tilespmem:$0x1D788] =	vst v63  }
0x143: {  	s16 =	simm.s32 $0x14800;
	v49 =	vperm.xlane v22, v11;
	v23 =	vadd.s32 v1, v48  }
0x144: {  	[tilespmem:s16], [sflag:$0x2] =	stream.indirect_vreg.gather [hbm4b:s14+s5], $0x80, v24, vm1, $0x2000b8;
	[tilespmem:$0x1D788] =	vst v63  }
0x145: {  	s17 =	simm.s32 $0x14880;
	v51 =	vperm.xlane v22, v12;
	v50 =	vadd.s32 v1, v49  }
0x146: {  	[tilespmem:s17], [sflag:$0x2] =	stream.indirect_vreg.gather [hbm4b:s14+s5], $0x80, v25, vm1, $0x2000b8;
	[tilespmem:$0x1D788] =	vst v63  }
0x147: {  	s18 =	simm.s32 $0x14900;
	v53 =	vperm.xlane v22, v13;
	v52 =	vadd.s32 v1, v51  }
0x148: {  	[tilespmem:s18], [sflag:$0x2] =	stream.indirect_vreg.gather [hbm4b:s14+s5], $0x80, v23, vm1, $0x2000b8;
	[tilespmem:$0x1D788] =	vst v63  }
0x149: {  	s19 =	simm.s32 $0x14980;
	v54 =	vperm.xlane v22, v7;
	v23 =	vadd.s32 v1, v53  }
0x14a: {  	[tilespmem:s19], [sflag:$0x2] =	stream.indirect_vreg.gather [hbm4b:s14+s5], $0x80, v50, vm1, $0x2000b8;
	[tilespmem:$0x1D788] =	vst v63  }
0x14b: {  	s20 =	simm.s32 $0x14A00;
	v56 =	vperm.xlane v22, v14;
	v55 =	vadd.s32 v1, v54  }
0x14c: {  	[tilespmem:s20], [sflag:$0x2] =	stream.indirect_vreg.gather [hbm4b:s14+s5], $0x80, v52, vm1, $0x2000b8;
	[tilespmem:$0x1D788] =	vst v63  }
0x14d: {  	s21 =	simm.s32 $0x14A80;
	v58 =	vperm.xlane v22, v15;
	v57 =	vadd.s32 v1, v56  }
0x14e: {  	[tilespmem:s21], [sflag:$0x2] =	stream.indirect_vreg.gather [hbm4b:s14+s5], $0x80, v23, vm1, $0x2000b8;
	[tilespmem:$0x1D788] =	vst v63  }
0x14f: {  	s30 =	simm.s32 $0x14B00;
	v59 =	vperm.xlane v22, v16;
	v23 =	vadd.s32 v1, v58  }
0x150: {  	[tilespmem:s30], [sflag:$0x2] =	stream.indirect_vreg.gather [hbm4b:s14+s5], $0x80, v55, vm1, $0x2000b8;
	[tilespmem:$0x1D788] =	vst v63  }
0x151: {  	s13 =	simm.s32 $0x14B80;
	v61 =	vperm.xlane v22, v17;
	v60 =	vadd.s32 v1, v59  }
0x152: {  	[tilespmem:s13], [sflag:$0x2] =	stream.indirect_vreg.gather [hbm4b:s14+s5], $0x80, v57, vm1, $0x2000b8;
	[tilespmem:$0x1D788] =	vst v63  }
0x153: {  	s4 =	simm.s32 $0x14C00;
	v63 =	vperm.xlane v22, v18;
	v62 =	vadd.s32 v1, v61  }
0x154: {  	[tilespmem:s4], [sflag:$0x2] =	stream.indirect_vreg.gather [hbm4b:s14+s5], $0x80, v23, vm1, $0x2000b8;
	[tilespmem:$0x1D788] =	vst v63  }
0x155: {  	v28 =	vperm.xlane v22, v19;
	s15 =	simm.s32 $0x14C80;
	v23 =	vadd.s32 v1, v63  }
0x156: {  	[tilespmem:s15], [sflag:$0x2] =	stream.indirect_vreg.gather [hbm4b:s14+s5], $0x80, v60, vm1, $0x2000b8;
	[tilespmem:$0x1D788] =	vst v63  }
0x157: {  	v30 =	vperm.xlane v22, v20;
	v29 =	vadd.s32 v1, v28;
	s16 =	simm.s32 $0x14D00  }
0x158: {  	[tilespmem:s16], [sflag:$0x2] =	stream.indirect_vreg.gather [hbm4b:s14+s5], $0x80, v62, vm1, $0x2000b8;
	[tilespmem:$0x1D788] =	vst v63  }
0x159: {  	v22 =	vperm.xlane v22, v21;
	v31 =	vadd.s32 v1, v30;
	s17 =	simm.s32 $0x14D80  }
0x15a: {  	[tilespmem:s17], [sflag:$0x2] =	stream.indirect_vreg.gather [hbm4b:s14+s5], $0x80, v23, vm1, $0x2000b8;
	[tilespmem:$0x1D788] =	vst v63  }
0x15b: {  	s29 =	simm.s32 $0x14E00;
	v22 =	vadd.s32 v1, v22  }
0x15c: {  	[tilespmem:s29], [sflag:$0x2] =	stream.indirect_vreg.gather [hbm4b:s14+s5], $0x80, v29, vm1, $0x2000b8;
	[tilespmem:$0x1D788] =	vst v63  }
0x15d: {  	s18 =	simm.s32 $0x14E80  }
0x15e: {  	[tilespmem:s18], [sflag:$0x2] =	stream.indirect_vreg.gather [hbm4b:s14+s5], $0x80, v31, vm1, $0x2000b8;
	[tilespmem:$0x1D788] =	vst v63  }
0x15f: {  	s19 =	simm.s32 $0x14F00  }
0x160: {  	[tilespmem:s19], [sflag:$0x2] =	stream.indirect_vreg.gather [hbm4b:s14+s5], $0x80, v22, vm1, $0x2000b8;
	[tilespmem:$0x1D788] =	vst v63  }
0x161: {  	v22 =	vld [tilespmem:s7+$0x0];
	_ =	sdelay $0x7  }
0x162: {  	v22 =	vld.idx.msk [tilespmem:v22+s31+$0x0], $0xffff;
	_ =	sdelay $0x4  }
0x163: {  	[tilespmem:$0x15180] =	vst v22  }
0x164: {  	v22 =	vld [tilespmem:s7+$0x10];
	_ =	sdelay $0x7  }
0x165: {  	v22 =	vld.idx.msk [tilespmem:v22+s31+$0x0], $0xffff;
	_ =	sdelay $0x4  }
0x166: {  	[tilespmem:$0x15190] =	vst v22  }
0x167: {  	v22 =	vld [tilespmem:s7+$0x20];
	_ =	sdelay $0x7  }
0x168: {  	v22 =	vld.idx.msk [tilespmem:v22+s31+$0x0], $0xffff;
	_ =	sdelay $0x4  }
0x169: {  	[tilespmem:$0x151A0] =	vst v22  }
0x16a: {  	v22 =	vld [tilespmem:s7+$0x30];
	_ =	sdelay $0x7  }
0x16b: {  	v22 =	vld.idx.msk [tilespmem:v22+s31+$0x0], $0xffff;
	_ =	sdelay $0x4  }
0x16c: {  	[tilespmem:$0x151B0] =	vst v22  }
0x16d: {  	v22 =	vld [tilespmem:s7+$0x40];
	_ =	sdelay $0x7  }
0x16e: {  	v22 =	vld.idx.msk [tilespmem:v22+s31+$0x0], $0xffff;
	_ =	sdelay $0x4  }
0x16f: {  	[tilespmem:$0x151C0] =	vst v22  }
0x170: {  	v22 =	vld [tilespmem:s7+$0x50];
	_ =	sdelay $0x7  }
0x171: {  	v22 =	vld.idx.msk [tilespmem:v22+s31+$0x0], $0xffff;
	_ =	sdelay $0x4  }
0x172: {  	[tilespmem:$0x151D0] =	vst v22  }
0x173: {  	v22 =	vld [tilespmem:s7+$0x60];
	_ =	sdelay $0x7  }
0x174: {  	v22 =	vld.idx.msk [tilespmem:v22+s31+$0x0], $0xffff;
	_ =	sdelay $0x4  }
0x175: {  	[tilespmem:$0x151E0] =	vst v22  }
0x176: {  	v22 =	vld [tilespmem:s7+$0x70];
	_ =	sdelay $0x7  }
0x177: {  	v22 =	vld.idx.msk [tilespmem:v22+s31+$0x0], $0xffff;
	_ =	sdelay $0x4  }
0x178: {  	s20 =	simm.s32 $0x80;
	s15 =	simm.s32 $0xCF80;
	s18 =	simm.s32 $0x15180;
	[tilespmem:$0x151F0] =	vst v22  }
0x179: {  	[tilespmem:s15], [sflag:$0x5] =	stream.indirect.gather [spmem:s3], $0x80, s18, s20, $0x2000b8;
	[tilespmem:$0x1D788] =	vst v63  }
0x17a: {  	_ =	swait.ge [sflag:s28], $0x4000  }
0x17b: {  	s4 =	simm.s32 $0x400;
	[sflag:s28] =	ssyncset.done $0x0  }
0x17c: {  	s7 =	simm.s32 $0x800;
	s21 =	rddreg [dreg:$0x10];
	[sflag:s28] =	ssyncadd.s32 $0xFFFFC000  }
0x17d: {  	[hbm4b:s21+s4] =	stream.strided.scatter [tilespmem:s15], [sflag:$0x5], $0x4000, s7, s4, $0x200038;
	[tilespmem:$0x1D788] =	vst v63  }
0x17e: {  	_ =	swait.ge [sflag:s28], $0x4000  }
0x17f: {  	[sflag:s28] =	ssyncset.done $0x0  }
0x180: {  	s30 =	simm.s32 @!p0 $0x80;
	s16 =	simm.s32 @!p0 $0x5;
	[sflag:s28] =	ssyncadd.s32 $0xFFFFC000  }
0x181: {  	s17 =	simm.s32 @!p0 $0x15200;
	s19 =	simm.s32 @!p0 $0x15180;
	s21 =	rddreg [dreg:$0x6]  }
0x182: {  	[tilespmem:s17], [sflag:$0x5] =	stream.indirect.gather @!p0 [spmem:s21], $0x1, s19, s30, $0x2000b8;
	[tilespmem:$0x1D788] =	vst v63  }
0x183: {  	_ =	swait.ge @!p0 [sflag:s16], $0x80  }
0x184: {  	[sflag:s16] =	ssyncset.done @!p0 $0x0  }
0x185: {  	s20 =	simm.s32 @!p0 $0x0;
	s0 =	rddreg [dreg:$0xe];
	[sflag:s16] =	ssyncadd.s32 @!p0 $0xFFFFFF80  }
0x186: {  	[hbm4b:s0+s20] =	stream.linear.scatter @!p0 [tilespmem:s17], [sflag:$0x5], $0x80, $0x200038;
	[tilespmem:$0x1D788] =	vst v63  }
0x187: {  	_ =	swait.ge @!p0 [sflag:s16], $0x80  }
0x188: {  	[sflag:s16] =	ssyncset.done @!p0 $0x0  }
0x189: {  	[sflag:s16] =	ssyncadd.s32 @!p0 $0xFFFFFF80  }
0x18a: {  	_ =	swait.ge [sflag:s11], $0x4000  }
0x18b: {  	[sflag:s11] =	ssyncset.done $0x0  }
0x18c: {  	s2 =	simm.s32 $0x10F80;
	s0 =	rddreg [dreg:$0x11];
	[sflag:s11] =	ssyncadd.s32 $0xFFFFC000  }
0x18d: {  	[hbm4b:s0+s4] =	stream.strided.scatter [tilespmem:s2], [sflag:$0x5], $0x4000, s7, s4, $0x200038;
	[tilespmem:$0x1D788] =	vst v63  }
0x18e: {  	_ =	swait.ge [sflag:s28], $0x4000  }
0x18f: {  	[sflag:s28] =	ssyncset.done $0x0  }
0x190: {  	s0 =	rddreg [dreg:$0x1a];
	[sflag:s28] =	ssyncadd.s32 $0xFFFFC000  }
0x191: {  	v22 =	vld [tilespmem:s0+$0x0];
	_ =	sdelay $0x4  }
0x192: {  	v23 =	vshll.u32 v22, $0x1  }
0x193: {  	v22 =	vand.u32 $0x7, v22;
	v23 =	vand.u32 $0xFFFFFFF0, v23  }
0x194: {  	v22 =	vor.u32 v22, v23  }
0x195: {  	v23 =	vperm.xlane v22, v5;
	_ =	sdelay $0x1  }
0x196: {  	v32 =	vperm.xlane v22, v8;
	v23 =	vadd.s32 v1, v23;
	_ =	sdelay $0x1  }
0x197: {  	v33 =	vperm.xlane v22, v9;
	v24 =	vadd.s32 v1, v32;
	_ =	sdelay $0x1  }
0x198: {  	v34 =	vperm.xlane v22, v10;
	v25 =	vadd.s32 v1, v33  }
0x199: {  	[tilespmem:s2], [sflag:$0x2] =	stream.indirect_vreg.gather [hbm4b:s14+s5], $0x80, v23, vm1, $0x2000b8;
	[tilespmem:$0x1D788] =	vst v63  }
0x19a: {  	v35 =	vperm.xlane v22, v11;
	v23 =	vadd.s32 v1, v34;
	s2 =	simm.s32 $0x11000  }
0x19b: {  	[tilespmem:s2], [sflag:$0x2] =	stream.indirect_vreg.gather [hbm4b:s14+s5], $0x80, v24, vm1, $0x2000b8;
	[tilespmem:$0x1D788] =	vst v63  }
0x19c: {  	v37 =	vperm.xlane v22, v12;
	v36 =	vadd.s32 v1, v35  }
0x19d: {  	[tilespmem:s12], [sflag:$0x2] =	stream.indirect_vreg.gather [hbm4b:s14+s5], $0x80, v25, vm1, $0x2000b8;
	[tilespmem:$0x1D788] =	vst v63  }
0x19e: {  	v39 =	vperm.xlane v22, v13;
	v38 =	vadd.s32 v1, v37  }
0x19f: {  	[tilespmem:s26], [sflag:$0x2] =	stream.indirect_vreg.gather [hbm4b:s14+s5], $0x80, v23, vm1, $0x2000b8;
	[tilespmem:$0x1D788] =	vst v63  }
0x1a0: {  	v40 =	vperm.xlane v22, v7;
	s26 =	simm.s32 $0x11180;
	v23 =	vadd.s32 v1, v39  }
0x1a1: {  	[tilespmem:s26], [sflag:$0x2] =	stream.indirect_vreg.gather [hbm4b:s14+s5], $0x80, v36, vm1, $0x2000b8;
	[tilespmem:$0x1D788] =	vst v63  }
0x1a2: {  	v42 =	vperm.xlane v22, v14;
	v41 =	vadd.s32 v1, v40  }
0x1a3: {  	[tilespmem:s6], [sflag:$0x2] =	stream.indirect_vreg.gather [hbm4b:s14+s5], $0x80, v38, vm1, $0x2000b8;
	[tilespmem:$0x1D788] =	vst v63  }
0x1a4: {  	v44 =	vperm.xlane v22, v15;
	v43 =	vadd.s32 v1, v42;
	s6 =	simm.s32 $0x11280  }
0x1a5: {  	[tilespmem:s6], [sflag:$0x2] =	stream.indirect_vreg.gather [hbm4b:s14+s5], $0x80, v23, vm1, $0x2000b8;
	[tilespmem:$0x1D788] =	vst v63  }
0x1a6: {  	v45 =	vperm.xlane v22, v16;
	v23 =	vadd.s32 v1, v44  }
0x1a7: {  	[tilespmem:s9], [sflag:$0x2] =	stream.indirect_vreg.gather [hbm4b:s14+s5], $0x80, v41, vm1, $0x2000b8;
	[tilespmem:$0x1D788] =	vst v63  }
0x1a8: {  	v47 =	vperm.xlane v22, v17;
	v46 =	vadd.s32 v1, v45;
	s9 =	simm.s32 $0x11380  }
0x1a9: {  	[tilespmem:s9], [sflag:$0x2] =	stream.indirect_vreg.gather [hbm4b:s14+s5], $0x80, v43, vm1, $0x2000b8;
	[tilespmem:$0x1D788] =	vst v63  }
0x1aa: {  	v49 =	vperm.xlane v22, v18;
	v48 =	vadd.s32 v1, v47  }
0x1ab: {  	[tilespmem:s22], [sflag:$0x2] =	stream.indirect_vreg.gather [hbm4b:s14+s5], $0x80, v23, vm1, $0x2000b8;
	[tilespmem:$0x1D788] =	vst v63  }
0x1ac: {  	v50 =	vperm.xlane v22, v19;
	s12 =	simm.s32 $0x11480;
	v23 =	vadd.s32 v1, v49  }
0x1ad: {  	[tilespmem:s12], [sflag:$0x2] =	stream.indirect_vreg.gather [hbm4b:s14+s5], $0x80, v46, vm1, $0x2000b8;
	[tilespmem:$0x1D788] =	vst v63  }
0x1ae: {  	v52 =	vperm.xlane v22, v20;
	v51 =	vadd.s32 v1, v50;
	s26 =	simm.s32 $0x11500  }
0x1af: {  	[tilespmem:s26], [sflag:$0x2] =	stream.indirect_vreg.gather [hbm4b:s14+s5], $0x80, v48, vm1, $0x2000b8;
	[tilespmem:$0x1D788] =	vst v63  }
0x1b0: {  	v22 =	vperm.xlane v22, v21;
	v53 =	vadd.s32 v1, v52;
	s6 =	simm.s32 $0x11580  }
0x1b1: {  	[tilespmem:s6], [sflag:$0x2] =	stream.indirect_vreg.gather [hbm4b:s14+s5], $0x80, v23, vm1, $0x2000b8;
	[tilespmem:$0x1D788] =	vst v63  }
0x1b2: {  	v22 =	vadd.s32 v1, v22;
	s9 =	simm.s32 $0x11600  }
0x1b3: {  	[tilespmem:s9], [sflag:$0x2] =	stream.indirect_vreg.gather [hbm4b:s14+s5], $0x80, v51, vm1, $0x2000b8;
	[tilespmem:$0x1D788] =	vst v63  }
0x1b4: {  	s12 =	simm.s32 $0x11680  }
0x1b5: {  	[tilespmem:s12], [sflag:$0x2] =	stream.indirect_vreg.gather [hbm4b:s14+s5], $0x80, v53, vm1, $0x2000b8;
	[tilespmem:$0x1D788] =	vst v63  }
0x1b6: {  	s26 =	simm.s32 $0x11700  }
0x1b7: {  	[tilespmem:s26], [sflag:$0x2] =	stream.indirect_vreg.gather [hbm4b:s14+s5], $0x80, v22, vm1, $0x2000b8;
	[tilespmem:$0x1D788] =	vst v63  }
0x1b8: {  	v22 =	vld [tilespmem:s0+$0x10];
	_ =	sdelay $0x4  }
0x1b9: {  	v23 =	vshll.u32 v22, $0x1  }
0x1ba: {  	v22 =	vand.u32 $0x7, v22;
	v23 =	vand.u32 $0xFFFFFFF0, v23  }
0x1bb: {  	v22 =	vor.u32 v22, v23  }
0x1bc: {  	v23 =	vperm.xlane v22, v5;
	_ =	sdelay $0x1  }
0x1bd: {  	v54 =	vperm.xlane v22, v8;
	v23 =	vadd.s32 v1, v23;
	_ =	sdelay $0x1  }
0x1be: {  	v55 =	vperm.xlane v22, v9;
	v24 =	vadd.s32 v1, v54;
	_ =	sdelay $0x1  }
0x1bf: {  	s6 =	simm.s32 $0x11780;
	v56 =	vperm.xlane v22, v10;
	v25 =	vadd.s32 v1, v55  }
0x1c0: {  	[tilespmem:s6], [sflag:$0x2] =	stream.indirect_vreg.gather [hbm4b:s14+s5], $0x80, v23, vm1, $0x2000b8;
	[tilespmem:$0x1D788] =	vst v63  }
0x1c1: {  	s9 =	simm.s32 $0x11800;
	v57 =	vperm.xlane v22, v11;
	v23 =	vadd.s32 v1, v56  }
0x1c2: {  	[tilespmem:s9], [sflag:$0x2] =	stream.indirect_vreg.gather [hbm4b:s14+s5], $0x80, v24, vm1, $0x2000b8;
	[tilespmem:$0x1D788] =	vst v63  }
0x1c3: {  	s12 =	simm.s32 $0x11880;
	v59 =	vperm.xlane v22, v12;
	v58 =	vadd.s32 v1, v57  }
0x1c4: {  	[tilespmem:s12], [sflag:$0x2] =	stream.indirect_vreg.gather [hbm4b:s14+s5], $0x80, v25, vm1, $0x2000b8;
	[tilespmem:$0x1D788] =	vst v63  }
0x1c5: {  	s26 =	simm.s32 $0x11900;
	v61 =	vperm.xlane v22, v13;
	v60 =	vadd.s32 v1, v59  }
0x1c6: {  	[tilespmem:s26], [sflag:$0x2] =	stream.indirect_vreg.gather [hbm4b:s14+s5], $0x80, v23, vm1, $0x2000b8;
	[tilespmem:$0x1D788] =	vst v63  }
0x1c7: {  	v62 =	vperm.xlane v22, v7;
	s6 =	simm.s32 $0x11980;
	v23 =	vadd.s32 v1, v61  }
0x1c8: {  	[tilespmem:s6], [sflag:$0x2] =	stream.indirect_vreg.gather [hbm4b:s14+s5], $0x80, v58, vm1, $0x2000b8;
	[tilespmem:$0x1D788] =	vst v63  }
0x1c9: {  	v28 =	vperm.xlane v22, v14;
	v63 =	vadd.s32 v1, v62;
	s9 =	simm.s32 $0x11A00  }
0x1ca: {  	[tilespmem:s9], [sflag:$0x2] =	stream.indirect_vreg.gather [hbm4b:s14+s5], $0x80, v60, vm1, $0x2000b8;
	[tilespmem:$0x1D788] =	vst v63  }
0x1cb: {  	v30 =	vperm.xlane v22, v15;
	v29 =	vadd.s32 v1, v28;
	s12 =	simm.s32 $0x11A80  }
0x1cc: {  	[tilespmem:s12], [sflag:$0x2] =	stream.indirect_vreg.gather [hbm4b:s14+s5], $0x80, v23, vm1, $0x2000b8;
	[tilespmem:$0x1D788] =	vst v63  }
0x1cd: {  	v31 =	vperm.xlane v22, v16;
	s26 =	simm.s32 $0x11B00;
	v23 =	vadd.s32 v1, v30  }
0x1ce: {  	[tilespmem:s26], [sflag:$0x2] =	stream.indirect_vreg.gather [hbm4b:s14+s5], $0x80, v63, vm1, $0x2000b8;
	[tilespmem:$0x1D788] =	vst v63  }
0x1cf: {  	v33 =	vperm.xlane v22, v17;
	v32 =	vadd.s32 v1, v31;
	s6 =	simm.s32 $0x11B80  }
0x1d0: {  	[tilespmem:s6], [sflag:$0x2] =	stream.indirect_vreg.gather [hbm4b:s14+s5], $0x80, v29, vm1, $0x2000b8;
	[tilespmem:$0x1D788] =	vst v63  }
0x1d1: {  	v35 =	vperm.xlane v22, v18;
	v34 =	vadd.s32 v1, v33;
	s9 =	simm.s32 $0x11C00  }
0x1d2: {  	[tilespmem:s9], [sflag:$0x2] =	stream.indirect_vreg.gather [hbm4b:s14+s5], $0x80, v23, vm1, $0x2000b8;
	[tilespmem:$0x1D788] =	vst v63  }
0x1d3: {  	v36 =	vperm.xlane v22, v19;
	s12 =	simm.s32 $0x11C80;
	v23 =	vadd.s32 v1, v35  }
0x1d4: {  	[tilespmem:s12], [sflag:$0x2] =	stream.indirect_vreg.gather [hbm4b:s14+s5], $0x80, v32, vm1, $0x2000b8;
	[tilespmem:$0x1D788] =	vst v63  }
0x1d5: {  	v38 =	vperm.xlane v22, v20;
	v37 =	vadd.s32 v1, v36;
	s26 =	simm.s32 $0x11D00  }
0x1d6: {  	[tilespmem:s26], [sflag:$0x2] =	stream.indirect_vreg.gather [hbm4b:s14+s5], $0x80, v34, vm1, $0x2000b8;
	[tilespmem:$0x1D788] =	vst v63  }
0x1d7: {  	v22 =	vperm.xlane v22, v21;
	v39 =	vadd.s32 v1, v38;
	s6 =	simm.s32 $0x11D80  }
0x1d8: {  	[tilespmem:s6], [sflag:$0x2] =	stream.indirect_vreg.gather [hbm4b:s14+s5], $0x80, v23, vm1, $0x2000b8;
	[tilespmem:$0x1D788] =	vst v63  }
0x1d9: {  	v22 =	vadd.s32 v1, v22;
	s9 =	simm.s32 $0x11E00  }
0x1da: {  	[tilespmem:s9], [sflag:$0x2] =	stream.indirect_vreg.gather [hbm4b:s14+s5], $0x80, v37, vm1, $0x2000b8;
	[tilespmem:$0x1D788] =	vst v63  }
0x1db: {  	s12 =	simm.s32 $0x11E80  }
0x1dc: {  	[tilespmem:s12], [sflag:$0x2] =	stream.indirect_vreg.gather [hbm4b:s14+s5], $0x80, v39, vm1, $0x2000b8;
	[tilespmem:$0x1D788] =	vst v63  }
0x1dd: {  	s26 =	simm.s32 $0x11F00  }
0x1de: {  	[tilespmem:s26], [sflag:$0x2] =	stream.indirect_vreg.gather [hbm4b:s14+s5], $0x80, v22, vm1, $0x2000b8;
	[tilespmem:$0x1D788] =	vst v63  }
0x1df: {  	v22 =	vld [tilespmem:s0+$0x20];
	_ =	sdelay $0x4  }
0x1e0: {  	v23 =	vshll.u32 v22, $0x1  }
0x1e1: {  	v22 =	vand.u32 $0x7, v22;
	v23 =	vand.u32 $0xFFFFFFF0, v23  }
0x1e2: {  	v22 =	vor.u32 v22, v23  }
0x1e3: {  	v23 =	vperm.xlane v22, v5;
	_ =	sdelay $0x1  }
0x1e4: {  	v40 =	vperm.xlane v22, v8;
	v23 =	vadd.s32 v1, v23;
	_ =	sdelay $0x1  }
0x1e5: {  	v41 =	vperm.xlane v22, v9;
	v24 =	vadd.s32 v1, v40;
	_ =	sdelay $0x1  }
0x1e6: {  	s6 =	simm.s32 $0x11F80;
	v42 =	vperm.xlane v22, v10;
	v25 =	vadd.s32 v1, v41  }
0x1e7: {  	[tilespmem:s6], [sflag:$0x2] =	stream.indirect_vreg.gather [hbm4b:s14+s5], $0x80, v23, vm1, $0x2000b8;
	[tilespmem:$0x1D788] =	vst v63  }
0x1e8: {  	s9 =	simm.s32 $0x12000;
	v43 =	vperm.xlane v22, v11;
	v23 =	vadd.s32 v1, v42  }
0x1e9: {  	[tilespmem:s9], [sflag:$0x2] =	stream.indirect_vreg.gather [hbm4b:s14+s5], $0x80, v24, vm1, $0x2000b8;
	[tilespmem:$0x1D788] =	vst v63  }
0x1ea: {  	s12 =	simm.s32 $0x12080;
	v45 =	vperm.xlane v22, v12;
	v44 =	vadd.s32 v1, v43  }
0x1eb: {  	[tilespmem:s12], [sflag:$0x2] =	stream.indirect_vreg.gather [hbm4b:s14+s5], $0x80, v25, vm1, $0x2000b8;
	[tilespmem:$0x1D788] =	vst v63  }
0x1ec: {  	s26 =	simm.s32 $0x12100;
	v47 =	vperm.xlane v22, v13;
	v46 =	vadd.s32 v1, v45  }
0x1ed: {  	[tilespmem:s26], [sflag:$0x2] =	stream.indirect_vreg.gather [hbm4b:s14+s5], $0x80, v23, vm1, $0x2000b8;
	[tilespmem:$0x1D788] =	vst v63  }
0x1ee: {  	v48 =	vperm.xlane v22, v7;
	s6 =	simm.s32 $0x12180;
	v23 =	vadd.s32 v1, v47  }
0x1ef: {  	[tilespmem:s6], [sflag:$0x2] =	stream.indirect_vreg.gather [hbm4b:s14+s5], $0x80, v44, vm1, $0x2000b8;
	[tilespmem:$0x1D788] =	vst v63  }
0x1f0: {  	v50 =	vperm.xlane v22, v14;
	v49 =	vadd.s32 v1, v48;
	s9 =	simm.s32 $0x12200  }
0x1f1: {  	[tilespmem:s9], [sflag:$0x2] =	stream.indirect_vreg.gather [hbm4b:s14+s5], $0x80, v46, vm1, $0x2000b8;
	[tilespmem:$0x1D788] =	vst v63  }
0x1f2: {  	v52 =	vperm.xlane v22, v15;
	v51 =	vadd.s32 v1, v50;
	s12 =	simm.s32 $0x12280  }
0x1f3: {  	[tilespmem:s12], [sflag:$0x2] =	stream.indirect_vreg.gather [hbm4b:s14+s5], $0x80, v23, vm1, $0x2000b8;
	[tilespmem:$0x1D788] =	vst v63  }
0x1f4: {  	v53 =	vperm.xlane v22, v16;
	s26 =	simm.s32 $0x12300;
	v23 =	vadd.s32 v1, v52  }
0x1f5: {  	[tilespmem:s26], [sflag:$0x2] =	stream.indirect_vreg.gather [hbm4b:s14+s5], $0x80, v49, vm1, $0x2000b8;
	[tilespmem:$0x1D788] =	vst v63  }
0x1f6: {  	v55 =	vperm.xlane v22, v17;
	v54 =	vadd.s32 v1, v53;
	s6 =	simm.s32 $0x12380  }
0x1f7: {  	[tilespmem:s6], [sflag:$0x2] =	stream.indirect_vreg.gather [hbm4b:s14+s5], $0x80, v51, vm1, $0x2000b8;
	[tilespmem:$0x1D788] =	vst v63  }
0x1f8: {  	v57 =	vperm.xlane v22, v18;
	v56 =	vadd.s32 v1, v55;
	s9 =	simm.s32 $0x12400  }
0x1f9: {  	[tilespmem:s9], [sflag:$0x2] =	stream.indirect_vreg.gather [hbm4b:s14+s5], $0x80, v23, vm1, $0x2000b8;
	[tilespmem:$0x1D788] =	vst v63  }
0x1fa: {  	v58 =	vperm.xlane v22, v19;
	s12 =	simm.s32 $0x12480;
	v23 =	vadd.s32 v1, v57  }
0x1fb: {  	[tilespmem:s12], [sflag:$0x2] =	stream.indirect_vreg.gather [hbm4b:s14+s5], $0x80, v54, vm1, $0x2000b8;
	[tilespmem:$0x1D788] =	vst v63  }
0x1fc: {  	v60 =	vperm.xlane v22, v20;
	v59 =	vadd.s32 v1, v58;
	s26 =	simm.s32 $0x12500  }
0x1fd: {  	[tilespmem:s26], [sflag:$0x2] =	stream.indirect_vreg.gather [hbm4b:s14+s5], $0x80, v56, vm1, $0x2000b8;
	[tilespmem:$0x1D788] =	vst v63  }
0x1fe: {  	v22 =	vperm.xlane v22, v21;
	v61 =	vadd.s32 v1, v60;
	s6 =	simm.s32 $0x12580  }
0x1ff: {  	[tilespmem:s6], [sflag:$0x2] =	stream.indirect_vreg.gather [hbm4b:s14+s5], $0x80, v23, vm1, $0x2000b8;
	[tilespmem:$0x1D788] =	vst v63  }
0x200: {  	v22 =	vadd.s32 v1, v22;
	s9 =	simm.s32 $0x12600  }
0x201: {  	[tilespmem:s9], [sflag:$0x2] =	stream.indirect_vreg.gather [hbm4b:s14+s5], $0x80, v59, vm1, $0x2000b8;
	[tilespmem:$0x1D788] =	vst v63  }
0x202: {  	_ = 	snop  }
0x203: {  	[tilespmem:s8], [sflag:$0x2] =	stream.indirect_vreg.gather [hbm4b:s14+s5], $0x80, v61, vm1, $0x2000b8;
	[tilespmem:$0x1D788] =	vst v63  }
0x204: {  	s12 =	simm.s32 $0x12700  }
0x205: {  	[tilespmem:s12], [sflag:$0x2] =	stream.indirect_vreg.gather [hbm4b:s14+s5], $0x80, v22, vm1, $0x2000b8;
	[tilespmem:$0x1D788] =	vst v63  }
0x206: {  	v22 =	vld [tilespmem:s0+$0x30];
	_ =	sdelay $0x4  }
0x207: {  	v23 =	vshll.u32 v22, $0x1  }
0x208: {  	v22 =	vand.u32 $0x7, v22;
	v23 =	vand.u32 $0xFFFFFFF0, v23  }
0x209: {  	v22 =	vor.u32 v22, v23  }
0x20a: {  	v23 =	vperm.xlane v22, v5;
	_ =	sdelay $0x1  }
0x20b: {  	v62 =	vperm.xlane v22, v8;
	v23 =	vadd.s32 v1, v23;
	_ =	sdelay $0x1  }
0x20c: {  	v63 =	vperm.xlane v22, v9;
	v24 =	vadd.s32 v1, v62;
	_ =	sdelay $0x1  }
0x20d: {  	s26 =	simm.s32 $0x12780;
	v28 =	vperm.xlane v22, v10;
	v25 =	vadd.s32 v1, v63  }
0x20e: {  	[tilespmem:s26], [sflag:$0x2] =	stream.indirect_vreg.gather [hbm4b:s14+s5], $0x80, v23, vm1, $0x2000b8;
	[tilespmem:$0x1D788] =	vst v63  }
0x20f: {  	s6 =	simm.s32 $0x12800;
	v29 =	vperm.xlane v22, v11;
	v23 =	vadd.s32 v1, v28  }
0x210: {  	[tilespmem:s6], [sflag:$0x2] =	stream.indirect_vreg.gather [hbm4b:s14+s5], $0x80, v24, vm1, $0x2000b8;
	[tilespmem:$0x1D788] =	vst v63  }
0x211: {  	s8 =	simm.s32 $0x12880;
	v31 =	vperm.xlane v22, v12;
	v30 =	vadd.s32 v1, v29  }
0x212: {  	[tilespmem:s8], [sflag:$0x2] =	stream.indirect_vreg.gather [hbm4b:s14+s5], $0x80, v25, vm1, $0x2000b8;
	[tilespmem:$0x1D788] =	vst v63  }
0x213: {  	s9 =	simm.s32 $0x12900;
	v33 =	vperm.xlane v22, v13;
	v32 =	vadd.s32 v1, v31  }
0x214: {  	[tilespmem:s9], [sflag:$0x2] =	stream.indirect_vreg.gather [hbm4b:s14+s5], $0x80, v23, vm1, $0x2000b8;
	[tilespmem:$0x1D788] =	vst v63  }
0x215: {  	s12 =	simm.s32 $0x12980;
	v34 =	vperm.xlane v22, v7;
	v23 =	vadd.s32 v1, v33  }
0x216: {  	[tilespmem:s12], [sflag:$0x2] =	stream.indirect_vreg.gather [hbm4b:s14+s5], $0x80, v30, vm1, $0x2000b8;
	[tilespmem:$0x1D788] =	vst v63  }
0x217: {  	v36 =	vperm.xlane v22, v14;
	v35 =	vadd.s32 v1, v34;
	s26 =	simm.s32 $0x12A00  }
0x218: {  	[tilespmem:s26], [sflag:$0x2] =	stream.indirect_vreg.gather [hbm4b:s14+s5], $0x80, v32, vm1, $0x2000b8;
	[tilespmem:$0x1D788] =	vst v63  }
0x219: {  	v38 =	vperm.xlane v22, v15;
	v37 =	vadd.s32 v1, v36;
	s6 =	simm.s32 $0x12A80  }
0x21a: {  	[tilespmem:s6], [sflag:$0x2] =	stream.indirect_vreg.gather [hbm4b:s14+s5], $0x80, v23, vm1, $0x2000b8;
	[tilespmem:$0x1D788] =	vst v63  }
0x21b: {  	v39 =	vperm.xlane v22, v16;
	s8 =	simm.s32 $0x12B00;
	v23 =	vadd.s32 v1, v38  }
0x21c: {  	[tilespmem:s8], [sflag:$0x2] =	stream.indirect_vreg.gather [hbm4b:s14+s5], $0x80, v35, vm1, $0x2000b8;
	[tilespmem:$0x1D788] =	vst v63  }
0x21d: {  	v41 =	vperm.xlane v22, v17;
	v40 =	vadd.s32 v1, v39;
	s9 =	simm.s32 $0x12B80  }
0x21e: {  	[tilespmem:s9], [sflag:$0x2] =	stream.indirect_vreg.gather [hbm4b:s14+s5], $0x80, v37, vm1, $0x2000b8;
	[tilespmem:$0x1D788] =	vst v63  }
0x21f: {  	v43 =	vperm.xlane v22, v18;
	v42 =	vadd.s32 v1, v41;
	s12 =	simm.s32 $0x12C00  }
0x220: {  	[tilespmem:s12], [sflag:$0x2] =	stream.indirect_vreg.gather [hbm4b:s14+s5], $0x80, v23, vm1, $0x2000b8;
	[tilespmem:$0x1D788] =	vst v63  }
0x221: {  	v44 =	vperm.xlane v22, v19;
	s26 =	simm.s32 $0x12C80;
	v23 =	vadd.s32 v1, v43  }
0x222: {  	[tilespmem:s26], [sflag:$0x2] =	stream.indirect_vreg.gather [hbm4b:s14+s5], $0x80, v40, vm1, $0x2000b8;
	[tilespmem:$0x1D788] =	vst v63  }
0x223: {  	v46 =	vperm.xlane v22, v20;
	v45 =	vadd.s32 v1, v44;
	s6 =	simm.s32 $0x12D00  }
0x224: {  	[tilespmem:s6], [sflag:$0x2] =	stream.indirect_vreg.gather [hbm4b:s14+s5], $0x80, v42, vm1, $0x2000b8;
	[tilespmem:$0x1D788] =	vst v63  }
0x225: {  	v22 =	vperm.xlane v22, v21;
	v47 =	vadd.s32 v1, v46;
	s8 =	simm.s32 $0x12D80  }
0x226: {  	[tilespmem:s8], [sflag:$0x2] =	stream.indirect_vreg.gather [hbm4b:s14+s5], $0x80, v23, vm1, $0x2000b8;
	[tilespmem:$0x1D788] =	vst v63  }
0x227: {  	v22 =	vadd.s32 v1, v22;
	s9 =	simm.s32 $0x12E00  }
0x228: {  	[tilespmem:s9], [sflag:$0x2] =	stream.indirect_vreg.gather [hbm4b:s14+s5], $0x80, v45, vm1, $0x2000b8;
	[tilespmem:$0x1D788] =	vst v63  }
0x229: {  	s12 =	simm.s32 $0x12E80  }
0x22a: {  	[tilespmem:s12], [sflag:$0x2] =	stream.indirect_vreg.gather [hbm4b:s14+s5], $0x80, v47, vm1, $0x2000b8;
	[tilespmem:$0x1D788] =	vst v63  }
0x22b: {  	s26 =	simm.s32 $0x12F00  }
0x22c: {  	[tilespmem:s26], [sflag:$0x2] =	stream.indirect_vreg.gather [hbm4b:s14+s5], $0x80, v22, vm1, $0x2000b8;
	[tilespmem:$0x1D788] =	vst v63  }
0x22d: {  	v22 =	vld [tilespmem:s0+$0x40];
	_ =	sdelay $0x4  }
0x22e: {  	v23 =	vshll.u32 v22, $0x1  }
0x22f: {  	v22 =	vand.u32 $0x7, v22;
	v23 =	vand.u32 $0xFFFFFFF0, v23  }
0x230: {  	v22 =	vor.u32 v22, v23  }
0x231: {  	v23 =	vperm.xlane v22, v5;
	_ =	sdelay $0x1  }
0x232: {  	v48 =	vperm.xlane v22, v8;
	v23 =	vadd.s32 v1, v23;
	_ =	sdelay $0x1  }
0x233: {  	v49 =	vperm.xlane v22, v9;
	v24 =	vadd.s32 v1, v48;
	_ =	sdelay $0x1  }
0x234: {  	s6 =	simm.s32 $0x12F80;
	v50 =	vperm.xlane v22, v10;
	v25 =	vadd.s32 v1, v49  }
0x235: {  	[tilespmem:s6], [sflag:$0x2] =	stream.indirect_vreg.gather [hbm4b:s14+s5], $0x80, v23, vm1, $0x2000b8;
	[tilespmem:$0x1D788] =	vst v63  }
0x236: {  	s8 =	simm.s32 $0x13000;
	v51 =	vperm.xlane v22, v11;
	v23 =	vadd.s32 v1, v50  }
0x237: {  	[tilespmem:s8], [sflag:$0x2] =	stream.indirect_vreg.gather [hbm4b:s14+s5], $0x80, v24, vm1, $0x2000b8;
	[tilespmem:$0x1D788] =	vst v63  }
0x238: {  	s9 =	simm.s32 $0x13080;
	v53 =	vperm.xlane v22, v12;
	v52 =	vadd.s32 v1, v51  }
0x239: {  	[tilespmem:s9], [sflag:$0x2] =	stream.indirect_vreg.gather [hbm4b:s14+s5], $0x80, v25, vm1, $0x2000b8;
	[tilespmem:$0x1D788] =	vst v63  }
0x23a: {  	s12 =	simm.s32 $0x13100;
	v55 =	vperm.xlane v22, v13;
	v54 =	vadd.s32 v1, v53  }
0x23b: {  	[tilespmem:s12], [sflag:$0x2] =	stream.indirect_vreg.gather [hbm4b:s14+s5], $0x80, v23, vm1, $0x2000b8;
	[tilespmem:$0x1D788] =	vst v63  }
0x23c: {  	s26 =	simm.s32 $0x13180;
	v56 =	vperm.xlane v22, v7;
	v23 =	vadd.s32 v1, v55  }
0x23d: {  	[tilespmem:s26], [sflag:$0x2] =	stream.indirect_vreg.gather [hbm4b:s14+s5], $0x80, v52, vm1, $0x2000b8;
	[tilespmem:$0x1D788] =	vst v63  }
0x23e: {  	v58 =	vperm.xlane v22, v14;
	v57 =	vadd.s32 v1, v56;
	s6 =	simm.s32 $0x13200  }
0x23f: {  	[tilespmem:s6], [sflag:$0x2] =	stream.indirect_vreg.gather [hbm4b:s14+s5], $0x80, v54, vm1, $0x2000b8;
	[tilespmem:$0x1D788] =	vst v63  }
0x240: {  	v60 =	vperm.xlane v22, v15;
	v59 =	vadd.s32 v1, v58;
	s8 =	simm.s32 $0x13280  }
0x241: {  	[tilespmem:s8], [sflag:$0x2] =	stream.indirect_vreg.gather [hbm4b:s14+s5], $0x80, v23, vm1, $0x2000b8;
	[tilespmem:$0x1D788] =	vst v63  }
0x242: {  	v61 =	vperm.xlane v22, v16;
	s9 =	simm.s32 $0x13300;
	v23 =	vadd.s32 v1, v60  }
0x243: {  	[tilespmem:s9], [sflag:$0x2] =	stream.indirect_vreg.gather [hbm4b:s14+s5], $0x80, v57, vm1, $0x2000b8;
	[tilespmem:$0x1D788] =	vst v63  }
0x244: {  	v63 =	vperm.xlane v22, v17;
	v62 =	vadd.s32 v1, v61;
	s12 =	simm.s32 $0x13380  }
0x245: {  	[tilespmem:s12], [sflag:$0x2] =	stream.indirect_vreg.gather [hbm4b:s14+s5], $0x80, v59, vm1, $0x2000b8;
	[tilespmem:$0x1D788] =	vst v63  }
0x246: {  	v29 =	vperm.xlane v22, v18;
	v28 =	vadd.s32 v1, v63;
	s26 =	simm.s32 $0x13400  }
0x247: {  	[tilespmem:s26], [sflag:$0x2] =	stream.indirect_vreg.gather [hbm4b:s14+s5], $0x80, v23, vm1, $0x2000b8;
	[tilespmem:$0x1D788] =	vst v63  }
0x248: {  	v30 =	vperm.xlane v22, v19;
	s6 =	simm.s32 $0x13480;
	v23 =	vadd.s32 v1, v29  }
0x249: {  	[tilespmem:s6], [sflag:$0x2] =	stream.indirect_vreg.gather [hbm4b:s14+s5], $0x80, v62, vm1, $0x2000b8;
	[tilespmem:$0x1D788] =	vst v63  }
0x24a: {  	v32 =	vperm.xlane v22, v20;
	v31 =	vadd.s32 v1, v30;
	s8 =	simm.s32 $0x13500  }
0x24b: {  	[tilespmem:s8], [sflag:$0x2] =	stream.indirect_vreg.gather [hbm4b:s14+s5], $0x80, v28, vm1, $0x2000b8;
	[tilespmem:$0x1D788] =	vst v63  }
0x24c: {  	v22 =	vperm.xlane v22, v21;
	v33 =	vadd.s32 v1, v32;
	s9 =	simm.s32 $0x13580  }
0x24d: {  	[tilespmem:s9], [sflag:$0x2] =	stream.indirect_vreg.gather [hbm4b:s14+s5], $0x80, v23, vm1, $0x2000b8;
	[tilespmem:$0x1D788] =	vst v63  }
0x24e: {  	v22 =	vadd.s32 v1, v22;
	s12 =	simm.s32 $0x13600  }
0x24f: {  	[tilespmem:s12], [sflag:$0x2] =	stream.indirect_vreg.gather [hbm4b:s14+s5], $0x80, v31, vm1, $0x2000b8;
	[tilespmem:$0x1D788] =	vst v63  }
0x250: {  	s26 =	simm.s32 $0x13680  }
0x251: {  	[tilespmem:s26], [sflag:$0x2] =	stream.indirect_vreg.gather [hbm4b:s14+s5], $0x80, v33, vm1, $0x2000b8;
	[tilespmem:$0x1D788] =	vst v63  }
0x252: {  	s6 =	simm.s32 $0x13700  }
0x253: {  	[tilespmem:s6], [sflag:$0x2] =	stream.indirect_vreg.gather [hbm4b:s14+s5], $0x80, v22, vm1, $0x2000b8;
	[tilespmem:$0x1D788] =	vst v63  }
0x254: {  	v22 =	vld [tilespmem:s0+$0x50];
	_ =	sdelay $0x4  }
0x255: {  	v23 =	vshll.u32 v22, $0x1  }
0x256: {  	v22 =	vand.u32 $0x7, v22;
	v23 =	vand.u32 $0xFFFFFFF0, v23  }
0x257: {  	v22 =	vor.u32 v22, v23  }
0x258: {  	v23 =	vperm.xlane v22, v5;
	_ =	sdelay $0x1  }
0x259: {  	v34 =	vperm.xlane v22, v8;
	v23 =	vadd.s32 v1, v23;
	_ =	sdelay $0x1  }
0x25a: {  	v35 =	vperm.xlane v22, v9;
	v24 =	vadd.s32 v1, v34;
	_ =	sdelay $0x1  }
0x25b: {  	s8 =	simm.s32 $0x13780;
	v36 =	vperm.xlane v22, v10;
	v25 =	vadd.s32 v1, v35  }
0x25c: {  	[tilespmem:s8], [sflag:$0x2] =	stream.indirect_vreg.gather [hbm4b:s14+s5], $0x80, v23, vm1, $0x2000b8;
	[tilespmem:$0x1D788] =	vst v63  }
0x25d: {  	s9 =	simm.s32 $0x13800;
	v37 =	vperm.xlane v22, v11;
	v23 =	vadd.s32 v1, v36  }
0x25e: {  	[tilespmem:s9], [sflag:$0x2] =	stream.indirect_vreg.gather [hbm4b:s14+s5], $0x80, v24, vm1, $0x2000b8;
	[tilespmem:$0x1D788] =	vst v63  }
0x25f: {  	s12 =	simm.s32 $0x13880;
	v39 =	vperm.xlane v22, v12;
	v38 =	vadd.s32 v1, v37  }
0x260: {  	[tilespmem:s12], [sflag:$0x2] =	stream.indirect_vreg.gather [hbm4b:s14+s5], $0x80, v25, vm1, $0x2000b8;
	[tilespmem:$0x1D788] =	vst v63  }
0x261: {  	s26 =	simm.s32 $0x13900;
	v41 =	vperm.xlane v22, v13;
	v40 =	vadd.s32 v1, v39  }
0x262: {  	[tilespmem:s26], [sflag:$0x2] =	stream.indirect_vreg.gather [hbm4b:s14+s5], $0x80, v23, vm1, $0x2000b8;
	[tilespmem:$0x1D788] =	vst v63  }
0x263: {  	s6 =	simm.s32 $0x13980;
	v42 =	vperm.xlane v22, v7;
	v23 =	vadd.s32 v1, v41  }
0x264: {  	[tilespmem:s6], [sflag:$0x2] =	stream.indirect_vreg.gather [hbm4b:s14+s5], $0x80, v38, vm1, $0x2000b8;
	[tilespmem:$0x1D788] =	vst v63  }
0x265: {  	v44 =	vperm.xlane v22, v14;
	v43 =	vadd.s32 v1, v42;
	s8 =	simm.s32 $0x13A00  }
0x266: {  	[tilespmem:s8], [sflag:$0x2] =	stream.indirect_vreg.gather [hbm4b:s14+s5], $0x80, v40, vm1, $0x2000b8;
	[tilespmem:$0x1D788] =	vst v63  }
0x267: {  	v46 =	vperm.xlane v22, v15;
	v45 =	vadd.s32 v1, v44;
	s9 =	simm.s32 $0x13A80  }
0x268: {  	[tilespmem:s9], [sflag:$0x2] =	stream.indirect_vreg.gather [hbm4b:s14+s5], $0x80, v23, vm1, $0x2000b8;
	[tilespmem:$0x1D788] =	vst v63  }
0x269: {  	v47 =	vperm.xlane v22, v16;
	s12 =	simm.s32 $0x13B00;
	v23 =	vadd.s32 v1, v46  }
0x26a: {  	[tilespmem:s12], [sflag:$0x2] =	stream.indirect_vreg.gather [hbm4b:s14+s5], $0x80, v43, vm1, $0x2000b8;
	[tilespmem:$0x1D788] =	vst v63  }
0x26b: {  	v49 =	vperm.xlane v22, v17;
	v48 =	vadd.s32 v1, v47;
	s26 =	simm.s32 $0x13B80  }
0x26c: {  	[tilespmem:s26], [sflag:$0x2] =	stream.indirect_vreg.gather [hbm4b:s14+s5], $0x80, v45, vm1, $0x2000b8;
	[tilespmem:$0x1D788] =	vst v63  }
0x26d: {  	v51 =	vperm.xlane v22, v18;
	v50 =	vadd.s32 v1, v49;
	s6 =	simm.s32 $0x13C00  }
0x26e: {  	[tilespmem:s6], [sflag:$0x2] =	stream.indirect_vreg.gather [hbm4b:s14+s5], $0x80, v23, vm1, $0x2000b8;
	[tilespmem:$0x1D788] =	vst v63  }
0x26f: {  	v52 =	vperm.xlane v22, v19;
	s8 =	simm.s32 $0x13C80;
	v23 =	vadd.s32 v1, v51  }
0x270: {  	[tilespmem:s8], [sflag:$0x2] =	stream.indirect_vreg.gather [hbm4b:s14+s5], $0x80, v48, vm1, $0x2000b8;
	[tilespmem:$0x1D788] =	vst v63  }
0x271: {  	v54 =	vperm.xlane v22, v20;
	v53 =	vadd.s32 v1, v52;
	s9 =	simm.s32 $0x13D00  }
0x272: {  	[tilespmem:s9], [sflag:$0x2] =	stream.indirect_vreg.gather [hbm4b:s14+s5], $0x80, v50, vm1, $0x2000b8;
	[tilespmem:$0x1D788] =	vst v63  }
0x273: {  	v22 =	vperm.xlane v22, v21;
	v55 =	vadd.s32 v1, v54;
	s12 =	simm.s32 $0x13D80  }
0x274: {  	[tilespmem:s12], [sflag:$0x2] =	stream.indirect_vreg.gather [hbm4b:s14+s5], $0x80, v23, vm1, $0x2000b8;
	[tilespmem:$0x1D788] =	vst v63  }
0x275: {  	v22 =	vadd.s32 v1, v22;
	s26 =	simm.s32 $0x13E00  }
0x276: {  	[tilespmem:s26], [sflag:$0x2] =	stream.indirect_vreg.gather [hbm4b:s14+s5], $0x80, v53, vm1, $0x2000b8;
	[tilespmem:$0x1D788] =	vst v63  }
0x277: {  	s6 =	simm.s32 $0x13E80  }
0x278: {  	[tilespmem:s6], [sflag:$0x2] =	stream.indirect_vreg.gather [hbm4b:s14+s5], $0x80, v55, vm1, $0x2000b8;
	[tilespmem:$0x1D788] =	vst v63  }
0x279: {  	s8 =	simm.s32 $0x13F00  }
0x27a: {  	[tilespmem:s8], [sflag:$0x2] =	stream.indirect_vreg.gather [hbm4b:s14+s5], $0x80, v22, vm1, $0x2000b8;
	[tilespmem:$0x1D788] =	vst v63  }
0x27b: {  	v22 =	vld [tilespmem:s0+$0x60];
	_ =	sdelay $0x4  }
0x27c: {  	v23 =	vshll.u32 v22, $0x1  }
0x27d: {  	v22 =	vand.u32 $0x7, v22;
	v23 =	vand.u32 $0xFFFFFFF0, v23  }
0x27e: {  	v22 =	vor.u32 v22, v23  }
0x27f: {  	v23 =	vperm.xlane v22, v5;
	_ =	sdelay $0x1  }
0x280: {  	v56 =	vperm.xlane v22, v8;
	v23 =	vadd.s32 v1, v23;
	_ =	sdelay $0x1  }
0x281: {  	v57 =	vperm.xlane v22, v9;
	v24 =	vadd.s32 v1, v56;
	_ =	sdelay $0x1  }
0x282: {  	s9 =	simm.s32 $0x13F80;
	v58 =	vperm.xlane v22, v10;
	v25 =	vadd.s32 v1, v57  }
0x283: {  	[tilespmem:s9], [sflag:$0x2] =	stream.indirect_vreg.gather [hbm4b:s14+s5], $0x80, v23, vm1, $0x2000b8;
	[tilespmem:$0x1D788] =	vst v63  }
0x284: {  	s12 =	simm.s32 $0x14000;
	v59 =	vperm.xlane v22, v11;
	v23 =	vadd.s32 v1, v58  }
0x285: {  	[tilespmem:s12], [sflag:$0x2] =	stream.indirect_vreg.gather [hbm4b:s14+s5], $0x80, v24, vm1, $0x2000b8;
	[tilespmem:$0x1D788] =	vst v63  }
0x286: {  	s26 =	simm.s32 $0x14080;
	v61 =	vperm.xlane v22, v12;
	v60 =	vadd.s32 v1, v59  }
0x287: {  	[tilespmem:s26], [sflag:$0x2] =	stream.indirect_vreg.gather [hbm4b:s14+s5], $0x80, v25, vm1, $0x2000b8;
	[tilespmem:$0x1D788] =	vst v63  }
0x288: {  	v63 =	vperm.xlane v22, v13;
	v62 =	vadd.s32 v1, v61  }
0x289: {  	[tilespmem:s24], [sflag:$0x2] =	stream.indirect_vreg.gather [hbm4b:s14+s5], $0x80, v23, vm1, $0x2000b8;
	[tilespmem:$0x1D788] =	vst v63  }
0x28a: {  	s6 =	simm.s32 $0x14180;
	v28 =	vperm.xlane v22, v7;
	v23 =	vadd.s32 v1, v63  }
0x28b: {  	[tilespmem:s6], [sflag:$0x2] =	stream.indirect_vreg.gather [hbm4b:s14+s5], $0x80, v60, vm1, $0x2000b8;
	[tilespmem:$0x1D788] =	vst v63  }
0x28c: {  	s8 =	simm.s32 $0x14200;
	v30 =	vperm.xlane v22, v14;
	v29 =	vadd.s32 v1, v28  }
0x28d: {  	[tilespmem:s8], [sflag:$0x2] =	stream.indirect_vreg.gather [hbm4b:s14+s5], $0x80, v62, vm1, $0x2000b8;
	[tilespmem:$0x1D788] =	vst v63  }
0x28e: {  	v32 =	vperm.xlane v22, v15;
	v31 =	vadd.s32 v1, v30;
	s9 =	simm.s32 $0x14280  }
0x28f: {  	[tilespmem:s9], [sflag:$0x2] =	stream.indirect_vreg.gather [hbm4b:s14+s5], $0x80, v23, vm1, $0x2000b8;
	[tilespmem:$0x1D788] =	vst v63  }
0x290: {  	v33 =	vperm.xlane v22, v16;
	s12 =	simm.s32 $0x14300;
	v23 =	vadd.s32 v1, v32  }
0x291: {  	[tilespmem:s12], [sflag:$0x2] =	stream.indirect_vreg.gather [hbm4b:s14+s5], $0x80, v29, vm1, $0x2000b8;
	[tilespmem:$0x1D788] =	vst v63  }
0x292: {  	v35 =	vperm.xlane v22, v17;
	v34 =	vadd.s32 v1, v33  }
0x293: {  	[tilespmem:s23], [sflag:$0x2] =	stream.indirect_vreg.gather [hbm4b:s14+s5], $0x80, v31, vm1, $0x2000b8;
	[tilespmem:$0x1D788] =	vst v63  }
0x294: {  	v37 =	vperm.xlane v22, v18;
	v36 =	vadd.s32 v1, v35;
	s24 =	simm.s32 $0x14400  }
0x295: {  	[tilespmem:s24], [sflag:$0x2] =	stream.indirect_vreg.gather [hbm4b:s14+s5], $0x80, v23, vm1, $0x2000b8;
	[tilespmem:$0x1D788] =	vst v63  }
0x296: {  	v38 =	vperm.xlane v22, v19;
	v23 =	vadd.s32 v1, v37  }
0x297: {  	[tilespmem:s25], [sflag:$0x2] =	stream.indirect_vreg.gather [hbm4b:s14+s5], $0x80, v34, vm1, $0x2000b8;
	[tilespmem:$0x1D788] =	vst v63  }
0x298: {  	v40 =	vperm.xlane v22, v20;
	v39 =	vadd.s32 v1, v38;
	s26 =	simm.s32 $0x14500  }
0x299: {  	[tilespmem:s26], [sflag:$0x2] =	stream.indirect_vreg.gather [hbm4b:s14+s5], $0x80, v36, vm1, $0x2000b8;
	[tilespmem:$0x1D788] =	vst v63  }
0x29a: {  	v22 =	vperm.xlane v22, v21;
	v41 =	vadd.s32 v1, v40;
	s6 =	simm.s32 $0x14580  }
0x29b: {  	[tilespmem:s6], [sflag:$0x2] =	stream.indirect_vreg.gather [hbm4b:s14+s5], $0x80, v23, vm1, $0x2000b8;
	[tilespmem:$0x1D788] =	vst v63  }
0x29c: {  	v22 =	vadd.s32 v1, v22;
	s8 =	simm.s32 $0x14600  }
0x29d: {  	[tilespmem:s8], [sflag:$0x2] =	stream.indirect_vreg.gather [hbm4b:s14+s5], $0x80, v39, vm1, $0x2000b8;
	[tilespmem:$0x1D788] =	vst v63  }
0x29e: {  	s9 =	simm.s32 $0x14680  }
0x29f: {  	[tilespmem:s9], [sflag:$0x2] =	stream.indirect_vreg.gather [hbm4b:s14+s5], $0x80, v41, vm1, $0x2000b8;
	[tilespmem:$0x1D788] =	vst v63  }
0x2a0: {  	s12 =	simm.s32 $0x14700  }
0x2a1: {  	[tilespmem:s12], [sflag:$0x2] =	stream.indirect_vreg.gather [hbm4b:s14+s5], $0x80, v22, vm1, $0x2000b8;
	[tilespmem:$0x1D788] =	vst v63  }
0x2a2: {  	v22 =	vld [tilespmem:s0+$0x70];
	_ =	sdelay $0x4  }
0x2a3: {  	v23 =	vshll.u32 v22, $0x1  }
0x2a4: {  	v22 =	vand.u32 $0x7, v22;
	v23 =	vand.u32 $0xFFFFFFF0, v23  }
0x2a5: {  	v22 =	vor.u32 v22, v23  }
0x2a6: {  	v23 =	vperm.xlane v22, v5;
	_ =	sdelay $0x1  }
0x2a7: {  	v42 =	vperm.xlane v22, v8;
	v23 =	vadd.s32 v1, v23;
	_ =	sdelay $0x1  }
0x2a8: {  	v43 =	vperm.xlane v22, v9;
	v24 =	vadd.s32 v1, v42;
	_ =	sdelay $0x1  }
0x2a9: {  	s23 =	simm.s32 $0x14780;
	v44 =	vperm.xlane v22, v10;
	v25 =	vadd.s32 v1, v43  }
0x2aa: {  	[tilespmem:s23], [sflag:$0x2] =	stream.indirect_vreg.gather [hbm4b:s14+s5], $0x80, v23, vm1, $0x2000b8;
	[tilespmem:$0x1D788] =	vst v63  }
0x2ab: {  	s24 =	simm.s32 $0x14800;
	v45 =	vperm.xlane v22, v11;
	v23 =	vadd.s32 v1, v44  }
0x2ac: {  	[tilespmem:s24], [sflag:$0x2] =	stream.indirect_vreg.gather [hbm4b:s14+s5], $0x80, v24, vm1, $0x2000b8;
	[tilespmem:$0x1D788] =	vst v63  }
0x2ad: {  	s25 =	simm.s32 $0x14880;
	v47 =	vperm.xlane v22, v12;
	v46 =	vadd.s32 v1, v45  }
0x2ae: {  	[tilespmem:s25], [sflag:$0x2] =	stream.indirect_vreg.gather [hbm4b:s14+s5], $0x80, v25, vm1, $0x2000b8;
	[tilespmem:$0x1D788] =	vst v63  }
0x2af: {  	s26 =	simm.s32 $0x14900;
	v49 =	vperm.xlane v22, v13;
	v48 =	vadd.s32 v1, v47  }
0x2b0: {  	[tilespmem:s26], [sflag:$0x2] =	stream.indirect_vreg.gather [hbm4b:s14+s5], $0x80, v23, vm1, $0x2000b8;
	[tilespmem:$0x1D788] =	vst v63  }
0x2b1: {  	s8 =	simm.s32 $0x14980;
	v50 =	vperm.xlane v22, v7;
	v23 =	vadd.s32 v1, v49  }
0x2b2: {  	[tilespmem:s8], [sflag:$0x2] =	stream.indirect_vreg.gather [hbm4b:s14+s5], $0x80, v46, vm1, $0x2000b8;
	[tilespmem:$0x1D788] =	vst v63  }
0x2b3: {  	v52 =	vperm.xlane v22, v14;
	v51 =	vadd.s32 v1, v50;
	s23 =	simm.s32 $0x14A00  }
0x2b4: {  	[tilespmem:s23], [sflag:$0x2] =	stream.indirect_vreg.gather [hbm4b:s14+s5], $0x80, v48, vm1, $0x2000b8;
	[tilespmem:$0x1D788] =	vst v63  }
0x2b5: {  	v54 =	vperm.xlane v22, v15;
	v53 =	vadd.s32 v1, v52;
	s24 =	simm.s32 $0x14A80  }
0x2b6: {  	[tilespmem:s24], [sflag:$0x2] =	stream.indirect_vreg.gather [hbm4b:s14+s5], $0x80, v23, vm1, $0x2000b8;
	[tilespmem:$0x1D788] =	vst v63  }
0x2b7: {  	v55 =	vperm.xlane v22, v16;
	s25 =	simm.s32 $0x14B00;
	v23 =	vadd.s32 v1, v54  }
0x2b8: {  	[tilespmem:s25], [sflag:$0x2] =	stream.indirect_vreg.gather [hbm4b:s14+s5], $0x80, v51, vm1, $0x2000b8;
	[tilespmem:$0x1D788] =	vst v63  }
0x2b9: {  	v57 =	vperm.xlane v22, v17;
	v56 =	vadd.s32 v1, v55  }
0x2ba: {  	[tilespmem:s13], [sflag:$0x2] =	stream.indirect_vreg.gather [hbm4b:s14+s5], $0x80, v53, vm1, $0x2000b8;
	[tilespmem:$0x1D788] =	vst v63  }
0x2bb: {  	v59 =	vperm.xlane v22, v18;
	v58 =	vadd.s32 v1, v57;
	s26 =	simm.s32 $0x14C00  }
0x2bc: {  	[tilespmem:s26], [sflag:$0x2] =	stream.indirect_vreg.gather [hbm4b:s14+s5], $0x80, v23, vm1, $0x2000b8;
	[tilespmem:$0x1D788] =	vst v63  }
0x2bd: {  	v60 =	vperm.xlane v22, v19;
	s23 =	simm.s32 $0x14C80;
	v23 =	vadd.s32 v1, v59  }
0x2be: {  	[tilespmem:s23], [sflag:$0x2] =	stream.indirect_vreg.gather [hbm4b:s14+s5], $0x80, v56, vm1, $0x2000b8;
	[tilespmem:$0x1D788] =	vst v63  }
0x2bf: {  	v62 =	vperm.xlane v22, v20;
	v61 =	vadd.s32 v1, v60;
	s24 =	simm.s32 $0x14D00  }
0x2c0: {  	[tilespmem:s24], [sflag:$0x2] =	stream.indirect_vreg.gather [hbm4b:s14+s5], $0x80, v58, vm1, $0x2000b8;
	[tilespmem:$0x1D788] =	vst v63  }
0x2c1: {  	v22 =	vperm.xlane v22, v21;
	v63 =	vadd.s32 v1, v62;
	s26 =	simm.s32 $0x14D80  }
0x2c2: {  	[tilespmem:s26], [sflag:$0x2] =	stream.indirect_vreg.gather [hbm4b:s14+s5], $0x80, v23, vm1, $0x2000b8;
	[tilespmem:$0x1D788] =	vst v63  }
0x2c3: {  	v22 =	vadd.s32 v1, v22  }
0x2c4: {  	[tilespmem:s29], [sflag:$0x2] =	stream.indirect_vreg.gather [hbm4b:s14+s5], $0x80, v61, vm1, $0x2000b8;
	[tilespmem:$0x1D788] =	vst v63  }
0x2c5: {  	s24 =	simm.s32 $0x14E80  }
0x2c6: {  	[tilespmem:s24], [sflag:$0x2] =	stream.indirect_vreg.gather [hbm4b:s14+s5], $0x80, v63, vm1, $0x2000b8;
	[tilespmem:$0x1D788] =	vst v63  }
0x2c7: {  	s29 =	simm.s32 $0x14F00  }
0x2c8: {  	[tilespmem:s29], [sflag:$0x2] =	stream.indirect_vreg.gather [hbm4b:s14+s5], $0x80, v22, vm1, $0x2000b8;
	[tilespmem:$0x1D788] =	vst v63  }
0x2c9: {  	v22 =	vld [tilespmem:s0+$0x0];
	_ =	sdelay $0x7  }
0x2ca: {  	v22 =	vld.idx.msk [tilespmem:v22+s31+$0x0], $0xffff;
	_ =	sdelay $0x4  }
0x2cb: {  	[tilespmem:$0x15180] =	vst v22  }
0x2cc: {  	v22 =	vld [tilespmem:s0+$0x10];
	_ =	sdelay $0x7  }
0x2cd: {  	v22 =	vld.idx.msk [tilespmem:v22+s31+$0x0], $0xffff;
	_ =	sdelay $0x4  }
0x2ce: {  	[tilespmem:$0x15190] =	vst v22  }
0x2cf: {  	v22 =	vld [tilespmem:s0+$0x20];
	_ =	sdelay $0x7  }
0x2d0: {  	v22 =	vld.idx.msk [tilespmem:v22+s31+$0x0], $0xffff;
	_ =	sdelay $0x4  }
0x2d1: {  	[tilespmem:$0x151A0] =	vst v22  }
0x2d2: {  	v22 =	vld [tilespmem:s0+$0x30];
	_ =	sdelay $0x7  }
0x2d3: {  	v22 =	vld.idx.msk [tilespmem:v22+s31+$0x0], $0xffff;
	_ =	sdelay $0x4  }
0x2d4: {  	[tilespmem:$0x151B0] =	vst v22  }
0x2d5: {  	v22 =	vld [tilespmem:s0+$0x40];
	_ =	sdelay $0x7  }
0x2d6: {  	v22 =	vld.idx.msk [tilespmem:v22+s31+$0x0], $0xffff;
	_ =	sdelay $0x4  }
0x2d7: {  	[tilespmem:$0x151C0] =	vst v22  }
0x2d8: {  	v22 =	vld [tilespmem:s0+$0x50];
	_ =	sdelay $0x7  }
0x2d9: {  	v22 =	vld.idx.msk [tilespmem:v22+s31+$0x0], $0xffff;
	_ =	sdelay $0x4  }
0x2da: {  	[tilespmem:$0x151D0] =	vst v22  }
0x2db: {  	v22 =	vld [tilespmem:s0+$0x60];
	_ =	sdelay $0x7  }
0x2dc: {  	v22 =	vld.idx.msk [tilespmem:v22+s31+$0x0], $0xffff;
	_ =	sdelay $0x4  }
0x2dd: {  	[tilespmem:$0x151E0] =	vst v22  }
0x2de: {  	v22 =	vld [tilespmem:s0+$0x70];
	_ =	sdelay $0x7  }
0x2df: {  	v22 =	vld.idx.msk [tilespmem:v22+s31+$0x0], $0xffff;
	_ =	sdelay $0x4  }
0x2e0: {  	s0 =	simm.s32 $0x80;
	[tilespmem:$0x151F0] =	vst v22  }
0x2e1: {  	[tilespmem:s15], [sflag:$0x5] =	stream.indirect.gather [spmem:s3], $0x80, s18, s0, $0x2000b8;
	[tilespmem:$0x1D788] =	vst v63  }
0x2e2: {  	_ =	swait.ge [sflag:s28], $0x4000  }
0x2e3: {  	[sflag:s28] =	ssyncset.done $0x0  }
0x2e4: {  	s18 =	rddreg [dreg:$0x12];
	[sflag:s28] =	ssyncadd.s32 $0xFFFFC000  }
0x2e5: {  	[hbm4b:s18+s4] =	stream.strided.scatter [tilespmem:s15], [sflag:$0x5], $0x4000, s7, s4, $0x200038;
	[tilespmem:$0x1D788] =	vst v63  }
0x2e6: {  	_ =	swait.ge [sflag:s28], $0x4000  }
0x2e7: {  	[sflag:s28] =	ssyncset.done $0x0  }
0x2e8: {  	[sflag:s28] =	ssyncadd.s32 $0xFFFFC000  }
0x2e9: {  	[tilespmem:s17], [sflag:$0x5] =	stream.indirect.gather @!p0 [spmem:s21], $0x1, s19, s30, $0x2000b8;
	[tilespmem:$0x1D788] =	vst v63  }
0x2ea: {  	_ =	swait.ge @!p0 [sflag:s16], $0x80  }
0x2eb: {  	[sflag:s16] =	ssyncset.done @!p0 $0x0  }
0x2ec: {  	s0 =	rddreg [dreg:$0xf];
	[sflag:s16] =	ssyncadd.s32 @!p0 $0xFFFFFF80  }
0x2ed: {  	[hbm4b:s0+s20] =	stream.linear.scatter @!p0 [tilespmem:s17], [sflag:$0x5], $0x80, $0x200038;
	[tilespmem:$0x1D788] =	vst v63  }
0x2ee: {  	_ =	swait.ge @!p0 [sflag:s16], $0x80  }
0x2ef: {  	[sflag:s16] =	ssyncset.done @!p0 $0x0  }
0x2f0: {  	[sflag:s16] =	ssyncadd.s32 @!p0 $0xFFFFFF80  }
0x2f1: {  	_ =	swait.ge [sflag:s11], $0x4000  }
0x2f2: {  	[sflag:s11] =	ssyncset.done $0x0  }
0x2f3: {  	s22 =	simm.s32 $0x10F80;
	s20 =	rddreg [dreg:$0x13];
	[sflag:s11] =	ssyncadd.s32 $0xFFFFC000  }
0x2f4: {  	[hbm4b:s20+s4] =	stream.strided.scatter [tilespmem:s22], [sflag:$0x5], $0x4000, s7, s4, $0x200038;
	[tilespmem:$0x1D788] =	vst v63  }
0x2f5: {  	_ =	swait.ge [sflag:s28], $0x4000  }
0x2f6: {  	s21 =	rddreg [dreg:$0x1b]  }
0x2f7: {  	s30 =	rddreg [dreg:$0x18];
	s4 =	sadd.s32 $0x1, s21  }
0x2f8: {  	p1 =	sne.s32 s4, s30  }
.Ltmp1:
0x2f9: {  	s2 =	simm.s32 $0x14D80;
	s6 =	simm.s32 $0x14880;
	(pc) =	sbr.rel @!p1 .LBB2_34-.Ltmp1, $4  }
0x2fa: {  	s9 =	simm.s32 $0x14980;
	s12 =	simm.s32 $0x14800;
	s8 =	simm.s32 $0x14B80  }
0x2fb: {  	s25 =	simm.s32 $0x14D00;
	s13 =	simm.s32 $0x14C00;
	[sflag:s28] =	ssyncset.done $0x0  }
0x2fc: {  	s23 =	simm.s32 $0x14E80;
	s26 =	simm.s32 $0x14E00;
	[sflag:s28] =	ssyncadd.s32 $0xFFFFC000  }
0x2fd: {  	s24 =	simm.s32 $0x14F00;
	s29 =	simm.s32 $0x80;
	_ =	strace $0x9000004B  }
.LBB2_1:
0x2fe: {  	[dreg:$0x1b] =	wrdreg s4  }
0x2ff: {  	_ =	strace $0x80000048  }
0x300: {  	s16 =	simm.s32 $0x3780;
	s0 =	rddreg [dreg:$0x8]  }
0x301: {  	[tilespmem:s16], [sflag:$0x3] =	stream.linear.gather [hbm4b:s0+s5], $0x1000, $0x200038;
	[tilespmem:$0x1D788] =	vst v63  }
0x302: {  	s30 =	rddreg [dreg:$0x2]  }
0x303: {  	[tilespmem:s5], [sflag:$0x5] =	stream.linear.gather [hbm4b:s30+s5], $0x1000, $0x200038;
	[tilespmem:$0x1D788] =	vst v63  }
0x304: {  	_ =	swait.ge [sflag:s28], $0x1000  }
0x305: {  	[sflag:s28] =	ssyncset.done $0x0  }
0x306: {  	s0 =	simm.s32 $0x0;
	s16 =	simm.s32 $0x200;
	[sflag:s28] =	ssyncadd.s32 $0xFFFFF000  }
.LBB2_2:
0x307: {  	p1 =	sne.s32 s16, $0xFE00;
	[tilespmem:s0+$0xCFF0] =	vst v2  }
0x308: {  	[tilespmem:s0+$0xCF80] =	vst v2  }
0x309: {  	[tilespmem:s0+$0xCF90] =	vst v2  }
.Ltmp2:
0x30a: {  	[tilespmem:s0+$0xCFA0] =	vst v2;
	(pc) =	sbr.rel @p1 .LBB2_2-.Ltmp2, $4  }
0x30b: {  	[tilespmem:s0+$0xCFB0] =	vst v2  }
0x30c: {  	[tilespmem:s0+$0xCFC0] =	vst v2  }
0x30d: {  	[tilespmem:s0+$0xCFD0] =	vst v2  }
0x30e: {  	[tilespmem:s0+$0xCFE0] =	vst v2;
	s0 =	sshra.s32 s16, $0x2;
	s16 =	sadd.s32 $0x200, s16  }
0x30f: {  	[tilespmem:s0+$0xCFF0] =	vst v2  }
0x310: {  	[tilespmem:s0+$0xCF80] =	vst v2  }
0x311: {  	[tilespmem:s0+$0xCF90] =	vst v2  }
0x312: {  	[tilespmem:s0+$0xCFA0] =	vst v2  }
0x313: {  	[tilespmem:s0+$0xCFB0] =	vst v2  }
0x314: {  	[tilespmem:s0+$0xCFC0] =	vst v2  }
0x315: {  	[tilespmem:s0+$0xCFD0] =	vst v2  }
0x316: {  	[tilespmem:s0+$0xCFE0] =	vst v2  }
0x317: {  	[tilespmem:$0x14F80] =	vst v3  }
0x318: {  	[tilespmem:$0x15200] =	vst v2  }
0x319: {  	[tilespmem:$0x14F90] =	vst v3  }
0x31a: {  	[tilespmem:$0x15210] =	vst v2  }
0x31b: {  	[tilespmem:$0x14FA0] =	vst v3  }
0x31c: {  	[tilespmem:$0x15220] =	vst v2  }
0x31d: {  	[tilespmem:$0x14FB0] =	vst v3  }
0x31e: {  	[tilespmem:$0x15230] =	vst v2  }
0x31f: {  	[tilespmem:$0x14FC0] =	vst v3  }
0x320: {  	[tilespmem:$0x15240] =	vst v2  }
0x321: {  	[tilespmem:$0x14FD0] =	vst v3  }
0x322: {  	[tilespmem:$0x15250] =	vst v2  }
0x323: {  	[tilespmem:$0x14FE0] =	vst v3  }
0x324: {  	[tilespmem:$0x15260] =	vst v2  }
0x325: {  	[tilespmem:$0x14FF0] =	vst v3  }
0x326: {  	[tilespmem:$0x15270] =	vst v2  }
0x327: {  	[tilespmem:$0x15000] =	vst v2  }
0x328: {  	[tilespmem:$0x15010] =	vst v2  }
0x329: {  	[tilespmem:$0x15020] =	vst v2  }
0x32a: {  	[tilespmem:$0x15030] =	vst v2  }
0x32b: {  	[tilespmem:$0x15040] =	vst v2  }
0x32c: {  	[tilespmem:$0x15050] =	vst v2  }
0x32d: {  	[tilespmem:$0x15060] =	vst v2  }
0x32e: {  	[tilespmem:$0x15070] =	vst v2  }
0x32f: {  	[tilespmem:$0x15080] =	vst v2  }
0x330: {  	[tilespmem:$0x15090] =	vst v2  }
0x331: {  	[tilespmem:$0x150A0] =	vst v2  }
0x332: {  	[tilespmem:$0x150B0] =	vst v2  }
0x333: {  	[tilespmem:$0x150C0] =	vst v2  }
0x334: {  	[tilespmem:$0x150D0] =	vst v2  }
0x335: {  	[tilespmem:$0x150E0] =	vst v2  }
0x336: {  	[tilespmem:$0x150F0] =	vst v2  }
0x337: {  	s19 =	rddreg [dreg:$0x9];
	s15 =	simm.s32 $0xCF80;
	[tilespmem:$0x15100] =	vst v2  }
0x338: {  	[spmem:s19] =	stream.linear.scatter [tilespmem:s15], [sflag:$0x5], $0x4000, $0x200038;
	[tilespmem:$0x1D788] =	vst v63  }
0x339: {  	_ =	swait.ge [sflag:s28], $0x4000  }
0x33a: {  	[sflag:s28] =	ssyncset.done $0x0  }
0x33b: {  	s20 =	rddreg [dreg:$0xa];
	[sflag:s28] =	ssyncadd.s32 $0xFFFFC000  }
0x33c: {  	[spmem:s20] =	stream.linear.scatter [tilespmem:s15], [sflag:$0x5], $0x4000, $0x200038;
	[tilespmem:$0x1D788] =	vst v63  }
0x33d: {  	_ =	swait.ge [sflag:s28], $0x4000  }
0x33e: {  	[sflag:s28] =	ssyncset.done $0x0  }
0x33f: {  	s21 =	rddreg [dreg:$0xb];
	[sflag:s28] =	ssyncadd.s32 $0xFFFFC000  }
0x340: {  	[spmem:s21] =	stream.linear.scatter [tilespmem:s15], [sflag:$0x5], $0x400, $0x200038;
	[tilespmem:$0x1D788] =	vst v63  }
0x341: {  	_ =	swait.ge [sflag:s28], $0x400  }
0x342: {  	[sflag:s28] =	ssyncset.done $0x0  }
0x343: {  	s16 =	simm.s32 $0x15000;
	s30 =	rddreg [dreg:$0xc];
	[sflag:s28] =	ssyncadd.s32 $0xFFFFFC00  }
0x344: {  	[spmem:s30] =	stream.linear.scatter [tilespmem:s16], [sflag:$0x5], $0x108, $0x200038;
	[tilespmem:$0x1D788] =	vst v63  }
0x345: {  	_ =	swait.ge [sflag:s28], $0x108  }
0x346: {  	s4 =	simm.s32 $0xCF80;
	s0 =	simm.s32 $0x0;
	[sflag:s28] =	ssyncset.done $0x0  }
0x347: {  	s17 =	simm.s32 $0x140;
	s16 =	simm.s32 $0x0;
	[sflag:s28] =	ssyncadd.s32 $0xFFFFFEF8  }
.LBB2_4:
0x348: {  	p1 =	sne.s32 s17, $0x9B00;
	[tilespmem:s16+$0x1040] =	vst v4;
	s18 =	smov.u32 s17;
	s17 =	sadd.s32 $0x140, s17  }
.Ltmp3:
0x349: {  	[tilespmem:s16+$0x1030] =	vst v4;
	(pc) =	sbr.rel @p1 .LBB2_4-.Ltmp3, $4  }
0x34a: {  	[tilespmem:s16+$0x1020] =	vst v4  }
0x34b: {  	[tilespmem:s16+$0x1000] =	vst v4  }
0x34c: {  	[tilespmem:s16+$0x1010] =	vst v4  }
0x34d: {  	s16 =	sshra.s32 s18, $0x2  }
0x34e: {  	[tilespmem:s16+$0x1040] =	vst v4  }
0x34f: {  	[tilespmem:s16+$0x1030] =	vst v4  }
0x350: {  	[tilespmem:s16+$0x1020] =	vst v4  }
0x351: {  	[tilespmem:s16+$0x1000] =	vst v4  }
0x352: {  	[tilespmem:s16+$0x1010] =	vst v4;
	s16 =	simm.s32 $0x20  }
.LBB2_6:
0x353: {  	v22 =	vld [tilespmem:s16+$0xFFFFFFE0];
	_ =	sdelay $0x6  }
0x354: {  	v23 =	vor.u32 s0, v0  }
0x355: {  	[tilespmem:v22+s31+$0x0] =	vst.idx.msk $0xffff, v23  }
0x356: {  	v22 =	vld [tilespmem:s16+$0xFFFFFFF0];
	_ =	sdelay $0x5  }
0x357: {  	s17 =	sadd.s32 $0x10, s0  }
0x358: {  	v23 =	vor.u32 s17, v0  }
0x359: {  	[tilespmem:v22+s31+$0x0] =	vst.idx.msk $0xffff, v23  }
0x35a: {  	v22 =	vld [tilespmem:s16+$0x0];
	_ =	sdelay $0x5  }
0x35b: {  	s21 =	sadd.s32 $0x20, s0  }
0x35c: {  	v23 =	vor.u32 s21, v0  }
0x35d: {  	[tilespmem:v22+s31+$0x0] =	vst.idx.msk $0xffff, v23  }
0x35e: {  	v22 =	vld [tilespmem:s16+$0x10];
	_ =	sdelay $0x2  }
0x35f: {  	p1 =	sne.s32 s0, $0xFC0  }
.Ltmp4:
0x360: {  	_ = 	snop;
	(pc) =	sbr.rel @p1 .LBB2_6-.Ltmp4, $4  }
0x361: {  	_ = 	snop  }
0x362: {  	s30 =	sadd.s32 $0x30, s0  }
0x363: {  	v23 =	vor.u32 s30, v0  }
0x364: {  	s0 =	sadd.s32 $0x40, s0;
	s16 =	sadd.s32 $0x40, s16;
	[tilespmem:v22+s31+$0x0] =	vst.idx.msk $0xffff, v23  }
0x365: {  	[bflag:$0x0] =	sbarrier.arrive $0xFFFF  }
0x366: {  	_ =	strace $0x90000048  }
0x367: {  	s0 =	simm.s32 $0x3;
	_ =	strace $0x80000049  }
0x368: {  	_ =	swait.ge [sflag:s0], $0x1000  }
0x369: {  	s20 =	simm.s32 $0x0;
	[sflag:s0] =	ssyncset.done $0x0  }
0x36a: {  	s17 =	simm.s32 $0x4780;
	s16 =	rddreg [dreg:$0xd];
	[sflag:s0] =	ssyncadd.s32 $0xFFFFF000  }
0x36b: {  	[tilespmem:s17], [sflag:$0x4] =	stream.linear.gather [hbm4b:s16+s20], $0x1000, $0x200038;
	[tilespmem:$0x1D788] =	vst v63  }
0x36c: {  	p1 =	por $0x0, $0x0;
	s16 =	simm.s32 $0x1  }
0x36d: {  	s16 =	simm.s32 @!p1 $0x0  }
0x36e: {  	s16 =	sshll.u32 s16, $0x6  }
0x36f: {  	s16 =	sadd.s32 $0x0, s16  }
0x370: {  	s21 =	sor.u32 $0x80, s16  }
0x371: {  	v22 =	vld [tilespmem:s21+$0x3780];
	_ =	sdelay $0x6  }
0x372: {  	s7 =	sand.u32 $0x40, s20;
	s18 =	sand.u32 $0xF00, s20  }
0x373: {  	s17 =	sor.u32 s7, s18;
	v22 =	vld.idx.msk [tilespmem:v22+s31+$0x0], $0xffff  }
0x374: {  	v23 =	vld [tilespmem:s17+$0x3780];
	_ =	sdelay $0x3  }
0x375: {  	vm1 =	vgt.s32 v22, $0xFFFFFFFF  }
0x376: {  	s15 =	sadd.s32 $0x10, s16;
	[tilespmem:s20+$0x5780] =	vst.msk vm1, v23;
	v23 =	vsel vm1, $0x1, v5  }
0x377: {  	s19 =	sor.u32 $0x80, s15;
	[tilespmem:s20+$0x7F80] =	vst.msk vm1, v22;
	(xrf0) =	vadd.scan.msk.s32 $0xffff, v23  }
0x378: {  	v22 =	vld [tilespmem:s19+$0x3780];
	_ =	sdelay $0x4  }
0x379: {  	v23, _, _ =	vpop (xrf0)  }
0x37a: {  	(v2sf) =	vpush v23, $0xF;
	_ =	sdelay $0x1  }
0x37b: {  	v22 =	vld.idx.msk [tilespmem:v22+s31+$0x0], $0xffff;
	_ =	sdelay $0x4  }
0x37c: {  	vm1 =	vgt.s32 v22, $0xFFFFFFFF  }
0x37d: {  	v23 =	vsel vm1, $0x1, v5  }
0x37e: {  	(xrf0) =	vadd.scan.msk.s32 $0xffff, v23;
	_ =	sdelay $0x2  }
0x37f: {  	v23 =	vld [tilespmem:s17+$0x3790];
	_ =	sdelay $0x2  }
0x380: {  	s20 =	spop (v2sf);
	v24, _, _ =	vpop (xrf0)  }
0x381: {  	s0 =	sadd.s32 $0x0, s20;
	(v2sf) =	vpush v24, $0xF  }
0x382: {  	s21 =	sadd.s32 $0x20, s16;
	[tilespmem:s0+$0x5780] =	vst.msk vm1, v23  }
0x383: {  	s18 =	sor.u32 $0x80, s21;
	[tilespmem:s0+$0x7F80] =	vst.msk vm1, v22  }
0x384: {  	v22 =	vld [tilespmem:s18+$0x3780];
	_ =	sdelay $0x7  }
0x385: {  	v22 =	vld.idx.msk [tilespmem:v22+s31+$0x0], $0xffff  }
0x386: {  	v23 =	vld [tilespmem:s17+$0x37A0];
	_ =	sdelay $0x2  }
0x387: {  	s7 =	spop (v2sf)  }
0x388: {  	s0 =	sadd.s32 s0, s7;
	vm1 =	vgt.s32 v22, $0xFFFFFFFF  }
0x389: {  	s16 =	sadd.s32 $0x30, s16;
	[tilespmem:s0+$0x5780] =	vst.msk vm1, v23  }
0x38a: {  	s16 =	sor.u32 $0x80, s16;
	v23 =	vsel vm1, $0x1, v5;
	[tilespmem:s0+$0x7F80] =	vst.msk vm1, v22  }
0x38b: {  	(xrf0) =	vadd.scan.msk.s32 $0xffff, v23;
	v22 =	vld [tilespmem:s16+$0x3780];
	_ =	sdelay $0x5  }
0x38c: {  	v23, _, _ =	vpop (xrf0)  }
0x38d: {  	(v2sf) =	vpush v23, $0xF  }
0x38e: {  	v22 =	vld.idx.msk [tilespmem:v22+s31+$0x0], $0xffff;
	_ =	sdelay $0x4  }
0x38f: {  	vm1 =	vgt.s32 v22, $0xFFFFFFFF  }
0x390: {  	v23 =	vsel vm1, $0x1, v5  }
0x391: {  	(xrf0) =	vadd.scan.msk.s32 $0xffff, v23;
	_ =	sdelay $0x3  }
0x392: {  	v23 =	vld [tilespmem:s17+$0x37B0];
	_ =	sdelay $0x1  }
0x393: {  	p1 =	por !p1, !p1;
	s16 =	simm.s32 $0x1;
	v63, _, _ =	vpop (xrf0)  }
0x394: {  	s16 =	simm.s32 @!p1 $0x0;
	s15 =	spop (v2sf);
	(v2sf) =	vpush v63, $0xF  }
0x395: {  	s16 =	sshll.u32 s16, $0x6;
	s30 =	sadd.s32 s0, s15  }
0x396: {  	s19 =	sadd.s32 $0x80, s16;
	[tilespmem:s30+$0x5780] =	vst.msk vm1, v23  }
0x397: {  	s18 =	sor.u32 $0x80, s19;
	[tilespmem:s30+$0x7F80] =	vst.msk vm1, v22  }
0x398: {  	v22 =	vld [tilespmem:s18+$0x3780];
	_ =	sdelay $0x5  }
0x399: {  	s20 =	simm.s32 $0x40;
	s16 =	simm.s32 $0x80  }
0x39a: {  	s21 =	sand.u32 $0x40, s20;
	s20 =	sand.u32 $0xF00, s16  }
0x39b: {  	s18 =	sor.u32 s21, s20;
	v22 =	vld.idx.msk [tilespmem:v22+s31+$0x0], $0xffff  }
0x39c: {  	v23 =	vld [tilespmem:s18+$0x3780]  }
0x39d: {  	s17 =	simm.s32 $0x80;
	s0 =	sadd.s32 $0x10, s19  }
0x39e: {  	s21 =	sadd.s32 $0x20, s19;
	s20 =	sadd.s32 $0x30, s19;
	s19 =	spop (v2sf)  }
.LBB2_8:
0x39f: {  	p2 =	sne.s32 s17, $0x7C0  }
0x3a0: {  	vm1 =	vgt.s32 v22, $0xFFFFFFFF;
	s30 =	sadd.s32 s30, s19;
	s19 =	smov.u32 s17;
	s17 =	sadd.s32 $0x40, s17  }
0x3a1: {  	[tilespmem:s30+$0x5780] =	vst.msk vm1, v23;
	v23 =	vsel vm1, $0x1, v5  }
0x3a2: {  	s0 =	sor.u32 $0x80, s0;
	[tilespmem:s30+$0x7F80] =	vst.msk vm1, v22;
	(xrf0) =	vadd.scan.msk.s32 $0xffff, v23  }
0x3a3: {  	v22 =	vld [tilespmem:s0+$0x3780];
	_ =	sdelay $0x4  }
0x3a4: {  	v23, _, _ =	vpop (xrf0)  }
0x3a5: {  	(v2sf) =	vpush v23, $0xF;
	_ =	sdelay $0x1  }
0x3a6: {  	v22 =	vld.idx.msk [tilespmem:v22+s31+$0x0], $0xffff;
	_ =	sdelay $0x5  }
0x3a7: {  	vm1 =	vgt.s32 v22, $0xFFFFFFFF  }
0x3a8: {  	v23 =	vsel vm1, $0x1, v5  }
0x3a9: {  	(xrf0) =	vadd.scan.msk.s32 $0xffff, v23;
	_ =	sdelay $0x1  }
0x3aa: {  	v23 =	vld [tilespmem:s18+$0x3790];
	_ =	sdelay $0x2  }
0x3ab: {  	s0 =	spop (v2sf)  }
0x3ac: {  	s0 =	sadd.s32 s30, s0;
	v24, _, _ =	vpop (xrf0)  }
0x3ad: {  	[tilespmem:s0+$0x5780] =	vst.msk vm1, v23;
	(v2sf) =	vpush v24, $0xF  }
0x3ae: {  	s21 =	sor.u32 $0x80, s21;
	[tilespmem:s0+$0x7F80] =	vst.msk vm1, v22  }
0x3af: {  	v22 =	vld [tilespmem:s21+$0x3780];
	_ =	sdelay $0x7  }
0x3b0: {  	v22 =	vld.idx.msk [tilespmem:v22+s31+$0x0], $0xffff;
	_ =	sdelay $0x1  }
0x3b1: {  	v23 =	vld [tilespmem:s18+$0x37A0];
	_ =	sdelay $0x2  }
0x3b2: {  	s21 =	spop (v2sf)  }
0x3b3: {  	vm1 =	vgt.s32 v22, $0xFFFFFFFF;
	s0 =	sadd.s32 s0, s21  }
0x3b4: {  	[tilespmem:s0+$0x5780] =	vst.msk vm1, v23;
	v23 =	vsel vm1, $0x1, v5  }
0x3b5: {  	s20 =	sor.u32 $0x80, s20;
	[tilespmem:s0+$0x7F80] =	vst.msk vm1, v22;
	(xrf0) =	vadd.scan.msk.s32 $0xffff, v23  }
0x3b6: {  	v22 =	vld [tilespmem:s20+$0x3780]  }
0x3b7: {  	v23 =	vld [tilespmem:s18+$0x37B0];
	_ =	sdelay $0x3  }
0x3b8: {  	v24, _, _ =	vpop (xrf0)  }
0x3b9: {  	(v2sf) =	vpush v24, $0xF;
	_ =	sdelay $0x1  }
0x3ba: {  	v22 =	vld.idx.msk [tilespmem:v22+s31+$0x0], $0xffff;
	_ =	sdelay $0x5  }
0x3bb: {  	vm1 =	vgt.s32 v22, $0xFFFFFFFF  }
0x3bc: {  	v24 =	vsel vm1, $0x1, v5  }
0x3bd: {  	(xrf0) =	vadd.scan.msk.s32 $0xffff, v24;
	_ =	sdelay $0x3  }
0x3be: {  	p1 =	por !p1, !p1;
	s18 =	simm.s32 $0x1  }
0x3bf: {  	s18 =	simm.s32 @!p1 $0x0;
	s20 =	spop (v2sf)  }
0x3c0: {  	s16 =	sadd.s32 $0x80, s16;
	s18 =	sshll.u32 s18, $0x6;
	s30 =	sadd.s32 s0, s20;
	v24, _, _ =	vpop (xrf0)  }
0x3c1: {  	s18 =	sadd.s32 s18, s16;
	[tilespmem:s30+$0x5780] =	vst.msk vm1, v23;
	(v2sf) =	vpush v24, $0xF  }
0x3c2: {  	s21 =	sadd.s32 $0x20, s18;
	s20 =	sor.u32 $0x80, s18;
	s0 =	sadd.s32 $0x10, s18;
	[tilespmem:s30+$0x7F80] =	vst.msk vm1, v22  }
0x3c3: {  	v22 =	vld [tilespmem:s20+$0x3780];
	s20 =	sadd.s32 $0x30, s18;
	_ =	sdelay $0x7  }
0x3c4: {  	s18 =	sand.u32 $0x40, s19;
	s19 =	sand.u32 $0xF00, s16;
	v22 =	vld.idx.msk [tilespmem:v22+s31+$0x0], $0xffff  }
.Ltmp5:
0x3c5: {  	s18 =	sor.u32 s18, s19;
	(pc) =	sbr.rel @p2 .LBB2_8-.Ltmp5, $2  }
0x3c6: {  	v23 =	vld [tilespmem:s18+$0x3780];
	_ =	sdelay $0x2  }
0x3c7: {  	s19 =	spop (v2sf)  }
0x3c8: {  	vm1 =	vgt.s32 v22, $0xFFFFFFFF;
	s16 =	sadd.s32 s30, s19  }
0x3c9: {  	[tilespmem:s16+$0x5780] =	vst.msk vm1, v23;
	v23 =	vsel vm1, $0x1, v5  }
0x3ca: {  	s0 =	sor.u32 $0x80, s0;
	[tilespmem:s16+$0x7F80] =	vst.msk vm1, v22;
	(xrf0) =	vadd.scan.msk.s32 $0xffff, v23  }
0x3cb: {  	v22 =	vld [tilespmem:s0+$0x3780];
	_ =	sdelay $0x4  }
0x3cc: {  	v23, _, _ =	vpop (xrf0)  }
0x3cd: {  	(v2sf) =	vpush v23, $0xF;
	_ =	sdelay $0x1  }
0x3ce: {  	v22 =	vld.idx.msk [tilespmem:v22+s31+$0x0], $0xffff;
	_ =	sdelay $0x4  }
0x3cf: {  	vm1 =	vgt.s32 v22, $0xFFFFFFFF  }
0x3d0: {  	v23 =	vsel vm1, $0x1, v5  }
0x3d1: {  	(xrf0) =	vadd.scan.msk.s32 $0xffff, v23;
	_ =	sdelay $0x2  }
0x3d2: {  	v23 =	vld [tilespmem:s18+$0x3790];
	_ =	sdelay $0x2  }
0x3d3: {  	s15 =	spop (v2sf);
	v24, _, _ =	vpop (xrf0)  }
0x3d4: {  	s0 =	sadd.s32 s16, s15;
	(v2sf) =	vpush v24, $0xF  }
0x3d5: {  	[tilespmem:s0+$0x5780] =	vst.msk vm1, v23  }
0x3d6: {  	s17 =	sor.u32 $0x80, s21;
	[tilespmem:s0+$0x7F80] =	vst.msk vm1, v22  }
0x3d7: {  	v22 =	vld [tilespmem:s17+$0x3780];
	_ =	sdelay $0x7  }
0x3d8: {  	v22 =	vld.idx.msk [tilespmem:v22+s31+$0x0], $0xffff  }
0x3d9: {  	v23 =	vld [tilespmem:s18+$0x37A0];
	_ =	sdelay $0x2  }
0x3da: {  	s19 =	spop (v2sf)  }
0x3db: {  	s0 =	sadd.s32 s0, s19;
	vm1 =	vgt.s32 v22, $0xFFFFFFFF  }
0x3dc: {  	[tilespmem:s0+$0x5780] =	vst.msk vm1, v23  }
0x3dd: {  	s20 =	sor.u32 $0x80, s20;
	[tilespmem:s0+$0x7F80] =	vst.msk vm1, v22  }
0x3de: {  	v22 =	vld [tilespmem:s20+$0x3780];
	_ =	sdelay $0x7  }
0x3df: {  	v22 =	vld.idx.msk [tilespmem:v22+s31+$0x0], $0xffff;
	_ =	sdelay $0x2  }
0x3e0: {  	v23 =	vsel vm1, $0x1, v5  }
0x3e1: {  	(xrf0) =	vadd.scan.msk.s32 $0xffff, v23  }
0x3e2: {  	vm1 =	vgt.s32 v22, $0xFFFFFFFF  }
0x3e3: {  	v23 =	vsel vm1, $0x1, v5  }
0x3e4: {  	(xrf0) =	vadd.scan.msk.s32 $0xffff, v23;
	_ =	sdelay $0x2  }
0x3e5: {  	v23, _, _ =	vpop (xrf0)  }
0x3e6: {  	(v2sf) =	vpush v23, $0xF;
	_ =	sdelay $0x1  }
0x3e7: {  	v23, _, _ =	vpop (xrf0)  }
0x3e8: {  	(v2sf) =	vpush v23, $0xF;
	_ =	sdelay $0x8  }
0x3e9: {  	v23 =	vld [tilespmem:s18+$0x37B0];
	_ =	sdelay $0x2  }
0x3ea: {  	s21 =	spop (v2sf)  }
0x3eb: {  	p1 =	por $0x0, $0x0;
	s18 =	simm.s32 $0x1;
	s0 =	sadd.s32 s0, s21  }
0x3ec: {  	s18 =	simm.s32 @!p1 $0x0;
	[tilespmem:s0+$0x5780] =	vst.msk vm1, v23  }
0x3ed: {  	s17 =	simm.s32 $0x4;
	s18 =	sshll.u32 s18, $0x6;
	[tilespmem:s0+$0x7F80] =	vst.msk vm1, v22;
	s16 =	spop (v2sf)  }
0x3ee: {  	s18 =	sadd.s32 $0x0, s18;
	_ =	swait.ge [sflag:s17], $0x1000  }
0x3ef: {  	s15 =	simm.s32 $0x3780;
	s20 =	sor.u32 $0x80, s18;
	[sflag:s17] =	ssyncset.done $0x0  }
0x3f0: {  	s7 =	rddreg [dreg:$0x14];
	[sflag:s17] =	ssyncadd.s32 $0xFFFFF000;
	s17 =	simm.s32 $0x0  }
0x3f1: {  	[tilespmem:s15], [sflag:$0x3] =	stream.linear.gather [hbm4b:s7+s17], $0x1000, $0x200038;
	[tilespmem:$0x1D788] =	vst v63  }
0x3f2: {  	v22 =	vld [tilespmem:s20+$0x4780];
	_ =	sdelay $0x6  }
0x3f3: {  	s21 =	sand.u32 $0x40, s17;
	s17 =	sand.u32 $0xF00, s17  }
0x3f4: {  	s17 =	sor.u32 s21, s17;
	v22 =	vld.idx.msk [tilespmem:v22+s31+$0x0], $0xffff  }
0x3f5: {  	v23 =	vld [tilespmem:s17+$0x4780];
	_ =	sdelay $0x3  }
0x3f6: {  	s0 =	sadd.s32 s0, s16;
	vm1 =	vgt.s32 v22, $0xFFFFFFFF  }
0x3f7: {  	s7 =	sadd.s32 $0x10, s18;
	[tilespmem:s0+$0x5780] =	vst.msk vm1, v23;
	v23 =	vsel vm1, $0x1, v5  }
0x3f8: {  	s16 =	sor.u32 $0x80, s7;
	[tilespmem:s0+$0x7F80] =	vst.msk vm1, v22;
	(xrf0) =	vadd.scan.msk.s32 $0xffff, v23  }
0x3f9: {  	v22 =	vld [tilespmem:s16+$0x4780];
	_ =	sdelay $0x4  }
0x3fa: {  	v23, _, _ =	vpop (xrf0)  }
0x3fb: {  	(v2sf) =	vpush v23, $0xF;
	_ =	sdelay $0x1  }
0x3fc: {  	v22 =	vld.idx.msk [tilespmem:v22+s31+$0x0], $0xffff;
	_ =	sdelay $0x4  }
0x3fd: {  	vm1 =	vgt.s32 v22, $0xFFFFFFFF  }
0x3fe: {  	v23 =	vsel vm1, $0x1, v5  }
0x3ff: {  	(xrf0) =	vadd.scan.msk.s32 $0xffff, v23;
	_ =	sdelay $0x2  }
0x400: {  	v23 =	vld [tilespmem:s17+$0x4790];
	_ =	sdelay $0x2  }
0x401: {  	s15 =	spop (v2sf);
	v62, _, _ =	vpop (xrf0)  }
0x402: {  	s0 =	sadd.s32 s0, s15;
	(v2sf) =	vpush v62, $0xF  }
0x403: {  	s19 =	sadd.s32 $0x20, s18;
	[tilespmem:s0+$0x5780] =	vst.msk vm1, v23  }
0x404: {  	s16 =	sor.u32 $0x80, s19;
	[tilespmem:s0+$0x7F80] =	vst.msk vm1, v22  }
0x405: {  	v22 =	vld [tilespmem:s16+$0x4780];
	_ =	sdelay $0x7  }
0x406: {  	v22 =	vld.idx.msk [tilespmem:v22+s31+$0x0], $0xffff  }
0x407: {  	v23 =	vld [tilespmem:s17+$0x47A0];
	_ =	sdelay $0x2  }
0x408: {  	s20 =	spop (v2sf)  }
0x409: {  	s0 =	sadd.s32 s0, s20;
	vm1 =	vgt.s32 v22, $0xFFFFFFFF  }
0x40a: {  	s21 =	sadd.s32 $0x30, s18;
	[tilespmem:s0+$0x5780] =	vst.msk vm1, v23  }
0x40b: {  	s16 =	sor.u32 $0x80, s21;
	v23 =	vsel vm1, $0x1, v5;
	[tilespmem:s0+$0x7F80] =	vst.msk vm1, v22  }
0x40c: {  	(xrf0) =	vadd.scan.msk.s32 $0xffff, v23;
	v22 =	vld [tilespmem:s16+$0x4780];
	_ =	sdelay $0x5  }
0x40d: {  	v23, _, _ =	vpop (xrf0)  }
0x40e: {  	(v2sf) =	vpush v23, $0xF  }
0x40f: {  	v22 =	vld.idx.msk [tilespmem:v22+s31+$0x0], $0xffff;
	_ =	sdelay $0x4  }
0x410: {  	vm1 =	vgt.s32 v22, $0xFFFFFFFF  }
0x411: {  	v23 =	vsel vm1, $0x1, v5  }
0x412: {  	(xrf0) =	vadd.scan.msk.s32 $0xffff, v23;
	_ =	sdelay $0x3  }
0x413: {  	v23 =	vld [tilespmem:s17+$0x47B0];
	_ =	sdelay $0x1  }
0x414: {  	p1 =	por !p1, !p1;
	s16 =	simm.s32 $0x1;
	v63, _, _ =	vpop (xrf0)  }
0x415: {  	s16 =	simm.s32 @!p1 $0x0;
	s7 =	spop (v2sf);
	(v2sf) =	vpush v63, $0xF  }
0x416: {  	s16 =	sshll.u32 s16, $0x6;
	s30 =	sadd.s32 s0, s7  }
0x417: {  	s15 =	sadd.s32 $0x80, s16;
	[tilespmem:s30+$0x5780] =	vst.msk vm1, v23  }
0x418: {  	s17 =	sor.u32 $0x80, s15;
	[tilespmem:s30+$0x7F80] =	vst.msk vm1, v22  }
0x419: {  	v22 =	vld [tilespmem:s17+$0x4780];
	_ =	sdelay $0x5  }
0x41a: {  	s18 =	simm.s32 $0x40;
	s16 =	simm.s32 $0x80  }
0x41b: {  	s20 =	sand.u32 $0x40, s18;
	s21 =	sand.u32 $0xF00, s16  }
0x41c: {  	s18 =	sor.u32 s20, s21;
	v22 =	vld.idx.msk [tilespmem:v22+s31+$0x0], $0xffff  }
0x41d: {  	v23 =	vld [tilespmem:s18+$0x4780]  }
0x41e: {  	s21 =	sadd.s32 $0x20, s15;
	s20 =	sadd.s32 $0x30, s15  }
0x41f: {  	s0 =	sadd.s32 $0x10, s15;
	s17 =	simm.s32 $0x80;
	s19 =	spop (v2sf)  }
.LBB2_10:
0x420: {  	p2 =	sne.s32 s17, $0x7C0  }
0x421: {  	vm1 =	vgt.s32 v22, $0xFFFFFFFF;
	s30 =	sadd.s32 s30, s19;
	s19 =	smov.u32 s17;
	s17 =	sadd.s32 $0x40, s17  }
0x422: {  	[tilespmem:s30+$0x5780] =	vst.msk vm1, v23;
	v23 =	vsel vm1, $0x1, v5  }
0x423: {  	s0 =	sor.u32 $0x80, s0;
	[tilespmem:s30+$0x7F80] =	vst.msk vm1, v22;
	(xrf0) =	vadd.scan.msk.s32 $0xffff, v23  }
0x424: {  	v22 =	vld [tilespmem:s0+$0x4780];
	_ =	sdelay $0x4  }
0x425: {  	v23, _, _ =	vpop (xrf0)  }
0x426: {  	(v2sf) =	vpush v23, $0xF;
	_ =	sdelay $0x1  }
0x427: {  	v22 =	vld.idx.msk [tilespmem:v22+s31+$0x0], $0xffff;
	_ =	sdelay $0x5  }
0x428: {  	vm1 =	vgt.s32 v22, $0xFFFFFFFF  }
0x429: {  	v23 =	vsel vm1, $0x1, v5  }
0x42a: {  	(xrf0) =	vadd.scan.msk.s32 $0xffff, v23;
	_ =	sdelay $0x1  }
0x42b: {  	v23 =	vld [tilespmem:s18+$0x4790];
	_ =	sdelay $0x2  }
0x42c: {  	s0 =	spop (v2sf)  }
0x42d: {  	s0 =	sadd.s32 s30, s0;
	v24, _, _ =	vpop (xrf0)  }
0x42e: {  	[tilespmem:s0+$0x5780] =	vst.msk vm1, v23;
	(v2sf) =	vpush v24, $0xF  }
0x42f: {  	s21 =	sor.u32 $0x80, s21;
	[tilespmem:s0+$0x7F80] =	vst.msk vm1, v22  }
0x430: {  	v22 =	vld [tilespmem:s21+$0x4780];
	_ =	sdelay $0x7  }
0x431: {  	v22 =	vld.idx.msk [tilespmem:v22+s31+$0x0], $0xffff;
	_ =	sdelay $0x1  }
0x432: {  	v23 =	vld [tilespmem:s18+$0x47A0];
	_ =	sdelay $0x2  }
0x433: {  	s21 =	spop (v2sf)  }
0x434: {  	vm1 =	vgt.s32 v22, $0xFFFFFFFF;
	s0 =	sadd.s32 s0, s21  }
0x435: {  	[tilespmem:s0+$0x5780] =	vst.msk vm1, v23;
	v23 =	vsel vm1, $0x1, v5  }
0x436: {  	s20 =	sor.u32 $0x80, s20;
	[tilespmem:s0+$0x7F80] =	vst.msk vm1, v22;
	(xrf0) =	vadd.scan.msk.s32 $0xffff, v23  }
0x437: {  	v22 =	vld [tilespmem:s20+$0x4780]  }
0x438: {  	v23 =	vld [tilespmem:s18+$0x47B0];
	_ =	sdelay $0x3  }
0x439: {  	v24, _, _ =	vpop (xrf0)  }
0x43a: {  	(v2sf) =	vpush v24, $0xF;
	_ =	sdelay $0x1  }
0x43b: {  	v22 =	vld.idx.msk [tilespmem:v22+s31+$0x0], $0xffff;
	_ =	sdelay $0x5  }
0x43c: {  	vm1 =	vgt.s32 v22, $0xFFFFFFFF  }
0x43d: {  	v24 =	vsel vm1, $0x1, v5  }
0x43e: {  	(xrf0) =	vadd.scan.msk.s32 $0xffff, v24;
	_ =	sdelay $0x3  }
0x43f: {  	p1 =	por !p1, !p1;
	s18 =	simm.s32 $0x1  }
0x440: {  	s18 =	simm.s32 @!p1 $0x0;
	s20 =	spop (v2sf)  }
0x441: {  	s16 =	sadd.s32 $0x80, s16;
	s18 =	sshll.u32 s18, $0x6;
	s30 =	sadd.s32 s0, s20;
	v24, _, _ =	vpop (xrf0)  }
0x442: {  	s18 =	sadd.s32 s18, s16;
	[tilespmem:s30+$0x5780] =	vst.msk vm1, v23;
	(v2sf) =	vpush v24, $0xF  }
0x443: {  	s21 =	sadd.s32 $0x20, s18;
	s20 =	sor.u32 $0x80, s18;
	s0 =	sadd.s32 $0x10, s18;
	[tilespmem:s30+$0x7F80] =	vst.msk vm1, v22  }
0x444: {  	v22 =	vld [tilespmem:s20+$0x4780];
	s20 =	sadd.s32 $0x30, s18;
	_ =	sdelay $0x7  }
0x445: {  	s18 =	sand.u32 $0x40, s19;
	s19 =	sand.u32 $0xF00, s16;
	v22 =	vld.idx.msk [tilespmem:v22+s31+$0x0], $0xffff  }
.Ltmp6:
0x446: {  	s18 =	sor.u32 s18, s19;
	(pc) =	sbr.rel @p2 .LBB2_10-.Ltmp6, $2  }
0x447: {  	v23 =	vld [tilespmem:s18+$0x4780];
	_ =	sdelay $0x2  }
0x448: {  	s19 =	spop (v2sf)  }
0x449: {  	vm1 =	vgt.s32 v22, $0xFFFFFFFF;
	s16 =	sadd.s32 s30, s19  }
0x44a: {  	[tilespmem:s16+$0x5780] =	vst.msk vm1, v23;
	v23 =	vsel vm1, $0x1, v5  }
0x44b: {  	s0 =	sor.u32 $0x80, s0;
	[tilespmem:s16+$0x7F80] =	vst.msk vm1, v22;
	(xrf0) =	vadd.scan.msk.s32 $0xffff, v23  }
0x44c: {  	v22 =	vld [tilespmem:s0+$0x4780];
	_ =	sdelay $0x4  }
0x44d: {  	v23, _, _ =	vpop (xrf0)  }
0x44e: {  	(v2sf) =	vpush v23, $0xF;
	_ =	sdelay $0x1  }
0x44f: {  	v22 =	vld.idx.msk [tilespmem:v22+s31+$0x0], $0xffff;
	_ =	sdelay $0x4  }
0x450: {  	vm1 =	vgt.s32 v22, $0xFFFFFFFF  }
0x451: {  	v23 =	vsel vm1, $0x1, v5  }
0x452: {  	(xrf0) =	vadd.scan.msk.s32 $0xffff, v23;
	_ =	sdelay $0x2  }
0x453: {  	v23 =	vld [tilespmem:s18+$0x4790];
	_ =	sdelay $0x2  }
0x454: {  	s15 =	spop (v2sf);
	v24, _, _ =	vpop (xrf0)  }
0x455: {  	s0 =	sadd.s32 s16, s15;
	(v2sf) =	vpush v24, $0xF  }
0x456: {  	[tilespmem:s0+$0x5780] =	vst.msk vm1, v23  }
0x457: {  	s17 =	sor.u32 $0x80, s21;
	[tilespmem:s0+$0x7F80] =	vst.msk vm1, v22  }
0x458: {  	v22 =	vld [tilespmem:s17+$0x4780];
	_ =	sdelay $0x7  }
0x459: {  	v22 =	vld.idx.msk [tilespmem:v22+s31+$0x0], $0xffff  }
0x45a: {  	v23 =	vld [tilespmem:s18+$0x47A0];
	_ =	sdelay $0x2  }
0x45b: {  	s19 =	spop (v2sf)  }
0x45c: {  	s0 =	sadd.s32 s0, s19;
	vm1 =	vgt.s32 v22, $0xFFFFFFFF  }
0x45d: {  	[tilespmem:s0+$0x5780] =	vst.msk vm1, v23  }
0x45e: {  	s20 =	sor.u32 $0x80, s20;
	[tilespmem:s0+$0x7F80] =	vst.msk vm1, v22  }
0x45f: {  	v22 =	vld [tilespmem:s20+$0x4780];
	_ =	sdelay $0x7  }
0x460: {  	v22 =	vld.idx.msk [tilespmem:v22+s31+$0x0], $0xffff;
	_ =	sdelay $0x2  }
0x461: {  	v23 =	vsel vm1, $0x1, v5  }
0x462: {  	(xrf0) =	vadd.scan.msk.s32 $0xffff, v23  }
0x463: {  	vm1 =	vgt.s32 v22, $0xFFFFFFFF  }
0x464: {  	v23 =	vsel vm1, $0x1, v5  }
0x465: {  	(xrf0) =	vadd.scan.msk.s32 $0xffff, v23;
	_ =	sdelay $0x2  }
0x466: {  	v23, _, _ =	vpop (xrf0)  }
0x467: {  	(v2sf) =	vpush v23, $0xF;
	_ =	sdelay $0x1  }
0x468: {  	v23, _, _ =	vpop (xrf0)  }
0x469: {  	(v2sf) =	vpush v23, $0xF;
	_ =	sdelay $0x8  }
0x46a: {  	v23 =	vld [tilespmem:s18+$0x47B0];
	_ =	sdelay $0x2  }
0x46b: {  	s21 =	spop (v2sf)  }
0x46c: {  	p1 =	por $0x0, $0x0;
	s18 =	simm.s32 $0x1;
	s0 =	sadd.s32 s0, s21  }
0x46d: {  	s18 =	simm.s32 @!p1 $0x0;
	[tilespmem:s0+$0x5780] =	vst.msk vm1, v23  }
0x46e: {  	s17 =	simm.s32 $0x3;
	s18 =	sshll.u32 s18, $0x6;
	[tilespmem:s0+$0x7F80] =	vst.msk vm1, v22;
	s16 =	spop (v2sf)  }
0x46f: {  	s18 =	sadd.s32 $0x0, s18;
	_ =	swait.ge [sflag:s17], $0x1000  }
0x470: {  	s15 =	simm.s32 $0x4780;
	s20 =	sor.u32 $0x80, s18;
	[sflag:s17] =	ssyncset.done $0x0  }
0x471: {  	s7 =	rddreg [dreg:$0x15];
	[sflag:s17] =	ssyncadd.s32 $0xFFFFF000;
	s17 =	simm.s32 $0x0  }
0x472: {  	[tilespmem:s15], [sflag:$0x4] =	stream.linear.gather [hbm4b:s7+s17], $0x1000, $0x200038;
	[tilespmem:$0x1D788] =	vst v63  }
0x473: {  	v22 =	vld [tilespmem:s20+$0x3780];
	_ =	sdelay $0x6  }
0x474: {  	s21 =	sand.u32 $0x40, s17;
	s17 =	sand.u32 $0xF00, s17  }
0x475: {  	s17 =	sor.u32 s21, s17;
	v22 =	vld.idx.msk [tilespmem:v22+s31+$0x0], $0xffff  }
0x476: {  	v23 =	vld [tilespmem:s17+$0x3780];
	_ =	sdelay $0x3  }
0x477: {  	s0 =	sadd.s32 s0, s16;
	vm1 =	vgt.s32 v22, $0xFFFFFFFF  }
0x478: {  	s7 =	sadd.s32 $0x10, s18;
	[tilespmem:s0+$0x5780] =	vst.msk vm1, v23;
	v23 =	vsel vm1, $0x1, v5  }
0x479: {  	s16 =	sor.u32 $0x80, s7;
	[tilespmem:s0+$0x7F80] =	vst.msk vm1, v22;
	(xrf0) =	vadd.scan.msk.s32 $0xffff, v23  }
0x47a: {  	v22 =	vld [tilespmem:s16+$0x3780];
	_ =	sdelay $0x4  }
0x47b: {  	v23, _, _ =	vpop (xrf0)  }
0x47c: {  	(v2sf) =	vpush v23, $0xF;
	_ =	sdelay $0x1  }
0x47d: {  	v22 =	vld.idx.msk [tilespmem:v22+s31+$0x0], $0xffff;
	_ =	sdelay $0x4  }
0x47e: {  	vm1 =	vgt.s32 v22, $0xFFFFFFFF  }
0x47f: {  	v23 =	vsel vm1, $0x1, v5  }
0x480: {  	(xrf0) =	vadd.scan.msk.s32 $0xffff, v23;
	_ =	sdelay $0x2  }
0x481: {  	v23 =	vld [tilespmem:s17+$0x3790];
	_ =	sdelay $0x2  }
0x482: {  	s15 =	spop (v2sf);
	v62, _, _ =	vpop (xrf0)  }
0x483: {  	s0 =	sadd.s32 s0, s15;
	(v2sf) =	vpush v62, $0xF  }
0x484: {  	s19 =	sadd.s32 $0x20, s18;
	[tilespmem:s0+$0x5780] =	vst.msk vm1, v23  }
0x485: {  	s16 =	sor.u32 $0x80, s19;
	[tilespmem:s0+$0x7F80] =	vst.msk vm1, v22  }
0x486: {  	v22 =	vld [tilespmem:s16+$0x3780];
	_ =	sdelay $0x7  }
0x487: {  	v22 =	vld.idx.msk [tilespmem:v22+s31+$0x0], $0xffff  }
0x488: {  	v23 =	vld [tilespmem:s17+$0x37A0];
	_ =	sdelay $0x2  }
0x489: {  	s20 =	spop (v2sf)  }
0x48a: {  	s0 =	sadd.s32 s0, s20;
	vm1 =	vgt.s32 v22, $0xFFFFFFFF  }
0x48b: {  	s21 =	sadd.s32 $0x30, s18;
	[tilespmem:s0+$0x5780] =	vst.msk vm1, v23  }
0x48c: {  	s16 =	sor.u32 $0x80, s21;
	v23 =	vsel vm1, $0x1, v5;
	[tilespmem:s0+$0x7F80] =	vst.msk vm1, v22  }
0x48d: {  	(xrf0) =	vadd.scan.msk.s32 $0xffff, v23;
	v22 =	vld [tilespmem:s16+$0x3780];
	_ =	sdelay $0x5  }
0x48e: {  	v23, _, _ =	vpop (xrf0)  }
0x48f: {  	(v2sf) =	vpush v23, $0xF  }
0x490: {  	v22 =	vld.idx.msk [tilespmem:v22+s31+$0x0], $0xffff;
	_ =	sdelay $0x4  }
0x491: {  	vm1 =	vgt.s32 v22, $0xFFFFFFFF  }
0x492: {  	v23 =	vsel vm1, $0x1, v5  }
0x493: {  	(xrf0) =	vadd.scan.msk.s32 $0xffff, v23;
	_ =	sdelay $0x3  }
0x494: {  	v23 =	vld [tilespmem:s17+$0x37B0];
	_ =	sdelay $0x1  }
0x495: {  	p1 =	por !p1, !p1;
	s16 =	simm.s32 $0x1;
	v63, _, _ =	vpop (xrf0)  }
0x496: {  	s16 =	simm.s32 @!p1 $0x0;
	s7 =	spop (v2sf);
	(v2sf) =	vpush v63, $0xF  }
0x497: {  	s16 =	sshll.u32 s16, $0x6;
	s30 =	sadd.s32 s0, s7  }
0x498: {  	s15 =	sadd.s32 $0x80, s16;
	[tilespmem:s30+$0x5780] =	vst.msk vm1, v23  }
0x499: {  	s17 =	sor.u32 $0x80, s15;
	[tilespmem:s30+$0x7F80] =	vst.msk vm1, v22  }
0x49a: {  	v22 =	vld [tilespmem:s17+$0x3780];
	_ =	sdelay $0x5  }
0x49b: {  	s18 =	simm.s32 $0x40;
	s16 =	simm.s32 $0x80  }
0x49c: {  	s20 =	sand.u32 $0x40, s18;
	s21 =	sand.u32 $0xF00, s16  }
0x49d: {  	s18 =	sor.u32 s20, s21;
	v22 =	vld.idx.msk [tilespmem:v22+s31+$0x0], $0xffff  }
0x49e: {  	v23 =	vld [tilespmem:s18+$0x3780]  }
0x49f: {  	s21 =	sadd.s32 $0x20, s15;
	s20 =	sadd.s32 $0x30, s15  }
0x4a0: {  	s0 =	sadd.s32 $0x10, s15;
	s17 =	simm.s32 $0x80;
	s19 =	spop (v2sf)  }
.LBB2_12:
0x4a1: {  	p2 =	sne.s32 s17, $0x7C0  }
0x4a2: {  	vm1 =	vgt.s32 v22, $0xFFFFFFFF;
	s30 =	sadd.s32 s30, s19;
	s19 =	smov.u32 s17;
	s17 =	sadd.s32 $0x40, s17  }
0x4a3: {  	[tilespmem:s30+$0x5780] =	vst.msk vm1, v23;
	v23 =	vsel vm1, $0x1, v5  }
0x4a4: {  	s0 =	sor.u32 $0x80, s0;
	[tilespmem:s30+$0x7F80] =	vst.msk vm1, v22;
	(xrf0) =	vadd.scan.msk.s32 $0xffff, v23  }
0x4a5: {  	v22 =	vld [tilespmem:s0+$0x3780];
	_ =	sdelay $0x4  }
0x4a6: {  	v23, _, _ =	vpop (xrf0)  }
0x4a7: {  	(v2sf) =	vpush v23, $0xF;
	_ =	sdelay $0x1  }
0x4a8: {  	v22 =	vld.idx.msk [tilespmem:v22+s31+$0x0], $0xffff;
	_ =	sdelay $0x5  }
0x4a9: {  	vm1 =	vgt.s32 v22, $0xFFFFFFFF  }
0x4aa: {  	v23 =	vsel vm1, $0x1, v5  }
0x4ab: {  	(xrf0) =	vadd.scan.msk.s32 $0xffff, v23;
	_ =	sdelay $0x1  }
0x4ac: {  	v23 =	vld [tilespmem:s18+$0x3790];
	_ =	sdelay $0x2  }
0x4ad: {  	s0 =	spop (v2sf)  }
0x4ae: {  	s0 =	sadd.s32 s30, s0;
	v24, _, _ =	vpop (xrf0)  }
0x4af: {  	[tilespmem:s0+$0x5780] =	vst.msk vm1, v23;
	(v2sf) =	vpush v24, $0xF  }
0x4b0: {  	s21 =	sor.u32 $0x80, s21;
	[tilespmem:s0+$0x7F80] =	vst.msk vm1, v22  }
0x4b1: {  	v22 =	vld [tilespmem:s21+$0x3780];
	_ =	sdelay $0x7  }
0x4b2: {  	v22 =	vld.idx.msk [tilespmem:v22+s31+$0x0], $0xffff;
	_ =	sdelay $0x1  }
0x4b3: {  	v23 =	vld [tilespmem:s18+$0x37A0];
	_ =	sdelay $0x2  }
0x4b4: {  	s21 =	spop (v2sf)  }
0x4b5: {  	vm1 =	vgt.s32 v22, $0xFFFFFFFF;
	s0 =	sadd.s32 s0, s21  }
0x4b6: {  	[tilespmem:s0+$0x5780] =	vst.msk vm1, v23;
	v23 =	vsel vm1, $0x1, v5  }
0x4b7: {  	s20 =	sor.u32 $0x80, s20;
	[tilespmem:s0+$0x7F80] =	vst.msk vm1, v22;
	(xrf0) =	vadd.scan.msk.s32 $0xffff, v23  }
0x4b8: {  	v22 =	vld [tilespmem:s20+$0x3780]  }
0x4b9: {  	v23 =	vld [tilespmem:s18+$0x37B0];
	_ =	sdelay $0x3  }
0x4ba: {  	v24, _, _ =	vpop (xrf0)  }
0x4bb: {  	(v2sf) =	vpush v24, $0xF;
	_ =	sdelay $0x1  }
0x4bc: {  	v22 =	vld.idx.msk [tilespmem:v22+s31+$0x0], $0xffff;
	_ =	sdelay $0x5  }
0x4bd: {  	vm1 =	vgt.s32 v22, $0xFFFFFFFF  }
0x4be: {  	v24 =	vsel vm1, $0x1, v5  }
0x4bf: {  	(xrf0) =	vadd.scan.msk.s32 $0xffff, v24;
	_ =	sdelay $0x3  }
0x4c0: {  	p1 =	por !p1, !p1;
	s18 =	simm.s32 $0x1  }
0x4c1: {  	s18 =	simm.s32 @!p1 $0x0;
	s20 =	spop (v2sf)  }
0x4c2: {  	s16 =	sadd.s32 $0x80, s16;
	s18 =	sshll.u32 s18, $0x6;
	s30 =	sadd.s32 s0, s20;
	v24, _, _ =	vpop (xrf0)  }
0x4c3: {  	s18 =	sadd.s32 s18, s16;
	[tilespmem:s30+$0x5780] =	vst.msk vm1, v23;
	(v2sf) =	vpush v24, $0xF  }
0x4c4: {  	s21 =	sadd.s32 $0x20, s18;
	s20 =	sor.u32 $0x80, s18;
	s0 =	sadd.s32 $0x10, s18;
	[tilespmem:s30+$0x7F80] =	vst.msk vm1, v22  }
0x4c5: {  	v22 =	vld [tilespmem:s20+$0x3780];
	s20 =	sadd.s32 $0x30, s18;
	_ =	sdelay $0x7  }
0x4c6: {  	s18 =	sand.u32 $0x40, s19;
	s19 =	sand.u32 $0xF00, s16;
	v22 =	vld.idx.msk [tilespmem:v22+s31+$0x0], $0xffff  }
.Ltmp7:
0x4c7: {  	s18 =	sor.u32 s18, s19;
	(pc) =	sbr.rel @p2 .LBB2_12-.Ltmp7, $2  }
0x4c8: {  	v23 =	vld [tilespmem:s18+$0x3780];
	_ =	sdelay $0x2  }
0x4c9: {  	s19 =	spop (v2sf)  }
0x4ca: {  	vm1 =	vgt.s32 v22, $0xFFFFFFFF;
	s16 =	sadd.s32 s30, s19  }
0x4cb: {  	[tilespmem:s16+$0x5780] =	vst.msk vm1, v23;
	v23 =	vsel vm1, $0x1, v5  }
0x4cc: {  	s0 =	sor.u32 $0x80, s0;
	[tilespmem:s16+$0x7F80] =	vst.msk vm1, v22;
	(xrf0) =	vadd.scan.msk.s32 $0xffff, v23  }
0x4cd: {  	v22 =	vld [tilespmem:s0+$0x3780];
	_ =	sdelay $0x4  }
0x4ce: {  	v23, _, _ =	vpop (xrf0)  }
0x4cf: {  	(v2sf) =	vpush v23, $0xF;
	_ =	sdelay $0x1  }
0x4d0: {  	v22 =	vld.idx.msk [tilespmem:v22+s31+$0x0], $0xffff;
	_ =	sdelay $0x4  }
0x4d1: {  	vm1 =	vgt.s32 v22, $0xFFFFFFFF  }
0x4d2: {  	v23 =	vsel vm1, $0x1, v5  }
0x4d3: {  	(xrf0) =	vadd.scan.msk.s32 $0xffff, v23;
	_ =	sdelay $0x2  }
0x4d4: {  	v23 =	vld [tilespmem:s18+$0x3790];
	_ =	sdelay $0x2  }
0x4d5: {  	s15 =	spop (v2sf);
	v24, _, _ =	vpop (xrf0)  }
0x4d6: {  	s0 =	sadd.s32 s16, s15;
	(v2sf) =	vpush v24, $0xF  }
0x4d7: {  	[tilespmem:s0+$0x5780] =	vst.msk vm1, v23  }
0x4d8: {  	s17 =	sor.u32 $0x80, s21;
	[tilespmem:s0+$0x7F80] =	vst.msk vm1, v22  }
0x4d9: {  	v22 =	vld [tilespmem:s17+$0x3780];
	_ =	sdelay $0x7  }
0x4da: {  	v22 =	vld.idx.msk [tilespmem:v22+s31+$0x0], $0xffff  }
0x4db: {  	v23 =	vld [tilespmem:s18+$0x37A0];
	_ =	sdelay $0x2  }
0x4dc: {  	s19 =	spop (v2sf)  }
0x4dd: {  	s0 =	sadd.s32 s0, s19;
	vm1 =	vgt.s32 v22, $0xFFFFFFFF  }
0x4de: {  	[tilespmem:s0+$0x5780] =	vst.msk vm1, v23  }
0x4df: {  	s20 =	sor.u32 $0x80, s20;
	[tilespmem:s0+$0x7F80] =	vst.msk vm1, v22  }
0x4e0: {  	v22 =	vld [tilespmem:s20+$0x3780];
	_ =	sdelay $0x7  }
0x4e1: {  	v22 =	vld.idx.msk [tilespmem:v22+s31+$0x0], $0xffff;
	_ =	sdelay $0x2  }
0x4e2: {  	v23 =	vsel vm1, $0x1, v5  }
0x4e3: {  	(xrf0) =	vadd.scan.msk.s32 $0xffff, v23  }
0x4e4: {  	vm1 =	vgt.s32 v22, $0xFFFFFFFF  }
0x4e5: {  	v23 =	vsel vm1, $0x1, v5  }
0x4e6: {  	(xrf0) =	vadd.scan.msk.s32 $0xffff, v23;
	_ =	sdelay $0x2  }
0x4e7: {  	v23, _, _ =	vpop (xrf0)  }
0x4e8: {  	(v2sf) =	vpush v23, $0xF;
	_ =	sdelay $0x1  }
0x4e9: {  	v23, _, _ =	vpop (xrf0)  }
0x4ea: {  	(v2sf) =	vpush v23, $0xF;
	_ =	sdelay $0x8  }
0x4eb: {  	v23 =	vld [tilespmem:s18+$0x37B0];
	_ =	sdelay $0x2  }
0x4ec: {  	s21 =	spop (v2sf)  }
0x4ed: {  	p1 =	por $0x0, $0x0;
	s18 =	simm.s32 $0x1;
	s0 =	sadd.s32 s0, s21  }
0x4ee: {  	s18 =	simm.s32 @!p1 $0x0;
	[tilespmem:s0+$0x5780] =	vst.msk vm1, v23  }
0x4ef: {  	s17 =	simm.s32 $0x4;
	s18 =	sshll.u32 s18, $0x6;
	[tilespmem:s0+$0x7F80] =	vst.msk vm1, v22;
	s16 =	spop (v2sf)  }
0x4f0: {  	s18 =	sadd.s32 $0x0, s18;
	_ =	swait.ge [sflag:s17], $0x1000  }
0x4f1: {  	s15 =	simm.s32 $0x3780;
	s20 =	sor.u32 $0x80, s18;
	[sflag:s17] =	ssyncset.done $0x0  }
0x4f2: {  	s7 =	rddreg [dreg:$0x16];
	[sflag:s17] =	ssyncadd.s32 $0xFFFFF000;
	s17 =	simm.s32 $0x0  }
0x4f3: {  	[tilespmem:s15], [sflag:$0x3] =	stream.linear.gather [hbm4b:s7+s17], $0x1000, $0x200038;
	[tilespmem:$0x1D788] =	vst v63  }
0x4f4: {  	v22 =	vld [tilespmem:s20+$0x4780];
	_ =	sdelay $0x6  }
0x4f5: {  	s21 =	sand.u32 $0x40, s17;
	s17 =	sand.u32 $0xF00, s17  }
0x4f6: {  	s17 =	sor.u32 s21, s17;
	v22 =	vld.idx.msk [tilespmem:v22+s31+$0x0], $0xffff  }
0x4f7: {  	v23 =	vld [tilespmem:s17+$0x4780];
	_ =	sdelay $0x3  }
0x4f8: {  	s0 =	sadd.s32 s0, s16;
	vm1 =	vgt.s32 v22, $0xFFFFFFFF  }
0x4f9: {  	s7 =	sadd.s32 $0x10, s18;
	[tilespmem:s0+$0x5780] =	vst.msk vm1, v23;
	v23 =	vsel vm1, $0x1, v5  }
0x4fa: {  	s16 =	sor.u32 $0x80, s7;
	[tilespmem:s0+$0x7F80] =	vst.msk vm1, v22;
	(xrf0) =	vadd.scan.msk.s32 $0xffff, v23  }
0x4fb: {  	v22 =	vld [tilespmem:s16+$0x4780];
	_ =	sdelay $0x4  }
0x4fc: {  	v23, _, _ =	vpop (xrf0)  }
0x4fd: {  	(v2sf) =	vpush v23, $0xF;
	_ =	sdelay $0x1  }
0x4fe: {  	v22 =	vld.idx.msk [tilespmem:v22+s31+$0x0], $0xffff;
	_ =	sdelay $0x4  }
0x4ff: {  	vm1 =	vgt.s32 v22, $0xFFFFFFFF  }
0x500: {  	v23 =	vsel vm1, $0x1, v5  }
0x501: {  	(xrf0) =	vadd.scan.msk.s32 $0xffff, v23;
	_ =	sdelay $0x2  }
0x502: {  	v23 =	vld [tilespmem:s17+$0x4790];
	_ =	sdelay $0x2  }
0x503: {  	s15 =	spop (v2sf);
	v62, _, _ =	vpop (xrf0)  }
0x504: {  	s0 =	sadd.s32 s0, s15;
	(v2sf) =	vpush v62, $0xF  }
0x505: {  	s19 =	sadd.s32 $0x20, s18;
	[tilespmem:s0+$0x5780] =	vst.msk vm1, v23  }
0x506: {  	s16 =	sor.u32 $0x80, s19;
	[tilespmem:s0+$0x7F80] =	vst.msk vm1, v22  }
0x507: {  	v22 =	vld [tilespmem:s16+$0x4780];
	_ =	sdelay $0x7  }
0x508: {  	v22 =	vld.idx.msk [tilespmem:v22+s31+$0x0], $0xffff  }
0x509: {  	v23 =	vld [tilespmem:s17+$0x47A0];
	_ =	sdelay $0x2  }
0x50a: {  	s20 =	spop (v2sf)  }
0x50b: {  	s0 =	sadd.s32 s0, s20;
	vm1 =	vgt.s32 v22, $0xFFFFFFFF  }
0x50c: {  	s21 =	sadd.s32 $0x30, s18;
	[tilespmem:s0+$0x5780] =	vst.msk vm1, v23  }
0x50d: {  	s16 =	sor.u32 $0x80, s21;
	v23 =	vsel vm1, $0x1, v5;
	[tilespmem:s0+$0x7F80] =	vst.msk vm1, v22  }
0x50e: {  	(xrf0) =	vadd.scan.msk.s32 $0xffff, v23;
	v22 =	vld [tilespmem:s16+$0x4780];
	_ =	sdelay $0x5  }
0x50f: {  	v23, _, _ =	vpop (xrf0)  }
0x510: {  	(v2sf) =	vpush v23, $0xF  }
0x511: {  	v22 =	vld.idx.msk [tilespmem:v22+s31+$0x0], $0xffff;
	_ =	sdelay $0x4  }
0x512: {  	vm1 =	vgt.s32 v22, $0xFFFFFFFF  }
0x513: {  	v23 =	vsel vm1, $0x1, v5  }
0x514: {  	(xrf0) =	vadd.scan.msk.s32 $0xffff, v23;
	_ =	sdelay $0x3  }
0x515: {  	v23 =	vld [tilespmem:s17+$0x47B0];
	_ =	sdelay $0x1  }
0x516: {  	p1 =	por !p1, !p1;
	s16 =	simm.s32 $0x1;
	v63, _, _ =	vpop (xrf0)  }
0x517: {  	s16 =	simm.s32 @!p1 $0x0;
	s7 =	spop (v2sf);
	(v2sf) =	vpush v63, $0xF  }
0x518: {  	s16 =	sshll.u32 s16, $0x6;
	s30 =	sadd.s32 s0, s7  }
0x519: {  	s15 =	sadd.s32 $0x80, s16;
	[tilespmem:s30+$0x5780] =	vst.msk vm1, v23  }
0x51a: {  	s17 =	sor.u32 $0x80, s15;
	[tilespmem:s30+$0x7F80] =	vst.msk vm1, v22  }
0x51b: {  	v22 =	vld [tilespmem:s17+$0x4780];
	_ =	sdelay $0x5  }
0x51c: {  	s18 =	simm.s32 $0x40;
	s16 =	simm.s32 $0x80  }
0x51d: {  	s20 =	sand.u32 $0x40, s18;
	s21 =	sand.u32 $0xF00, s16  }
0x51e: {  	s18 =	sor.u32 s20, s21;
	v22 =	vld.idx.msk [tilespmem:v22+s31+$0x0], $0xffff  }
0x51f: {  	v23 =	vld [tilespmem:s18+$0x4780]  }
0x520: {  	s21 =	sadd.s32 $0x20, s15;
	s20 =	sadd.s32 $0x30, s15  }
0x521: {  	s0 =	sadd.s32 $0x10, s15;
	s17 =	simm.s32 $0x80;
	s19 =	spop (v2sf)  }
.LBB2_14:
0x522: {  	p2 =	sne.s32 s17, $0x7C0  }
0x523: {  	vm1 =	vgt.s32 v22, $0xFFFFFFFF;
	s30 =	sadd.s32 s30, s19;
	s19 =	smov.u32 s17;
	s17 =	sadd.s32 $0x40, s17  }
0x524: {  	[tilespmem:s30+$0x5780] =	vst.msk vm1, v23;
	v23 =	vsel vm1, $0x1, v5  }
0x525: {  	s0 =	sor.u32 $0x80, s0;
	[tilespmem:s30+$0x7F80] =	vst.msk vm1, v22;
	(xrf0) =	vadd.scan.msk.s32 $0xffff, v23  }
0x526: {  	v22 =	vld [tilespmem:s0+$0x4780];
	_ =	sdelay $0x4  }
0x527: {  	v23, _, _ =	vpop (xrf0)  }
0x528: {  	(v2sf) =	vpush v23, $0xF;
	_ =	sdelay $0x1  }
0x529: {  	v22 =	vld.idx.msk [tilespmem:v22+s31+$0x0], $0xffff;
	_ =	sdelay $0x5  }
0x52a: {  	vm1 =	vgt.s32 v22, $0xFFFFFFFF  }
0x52b: {  	v23 =	vsel vm1, $0x1, v5  }
0x52c: {  	(xrf0) =	vadd.scan.msk.s32 $0xffff, v23;
	_ =	sdelay $0x1  }
0x52d: {  	v23 =	vld [tilespmem:s18+$0x4790];
	_ =	sdelay $0x2  }
0x52e: {  	s0 =	spop (v2sf)  }
0x52f: {  	s0 =	sadd.s32 s30, s0;
	v24, _, _ =	vpop (xrf0)  }
0x530: {  	[tilespmem:s0+$0x5780] =	vst.msk vm1, v23;
	(v2sf) =	vpush v24, $0xF  }
0x531: {  	s21 =	sor.u32 $0x80, s21;
	[tilespmem:s0+$0x7F80] =	vst.msk vm1, v22  }
0x532: {  	v22 =	vld [tilespmem:s21+$0x4780];
	_ =	sdelay $0x7  }
0x533: {  	v22 =	vld.idx.msk [tilespmem:v22+s31+$0x0], $0xffff;
	_ =	sdelay $0x1  }
0x534: {  	v23 =	vld [tilespmem:s18+$0x47A0];
	_ =	sdelay $0x2  }
0x535: {  	s21 =	spop (v2sf)  }
0x536: {  	vm1 =	vgt.s32 v22, $0xFFFFFFFF;
	s0 =	sadd.s32 s0, s21  }
0x537: {  	[tilespmem:s0+$0x5780] =	vst.msk vm1, v23;
	v23 =	vsel vm1, $0x1, v5  }
0x538: {  	s20 =	sor.u32 $0x80, s20;
	[tilespmem:s0+$0x7F80] =	vst.msk vm1, v22;
	(xrf0) =	vadd.scan.msk.s32 $0xffff, v23  }
0x539: {  	v22 =	vld [tilespmem:s20+$0x4780]  }
0x53a: {  	v23 =	vld [tilespmem:s18+$0x47B0];
	_ =	sdelay $0x3  }
0x53b: {  	v24, _, _ =	vpop (xrf0)  }
0x53c: {  	(v2sf) =	vpush v24, $0xF;
	_ =	sdelay $0x1  }
0x53d: {  	v22 =	vld.idx.msk [tilespmem:v22+s31+$0x0], $0xffff;
	_ =	sdelay $0x5  }
0x53e: {  	vm1 =	vgt.s32 v22, $0xFFFFFFFF  }
0x53f: {  	v24 =	vsel vm1, $0x1, v5  }
0x540: {  	(xrf0) =	vadd.scan.msk.s32 $0xffff, v24;
	_ =	sdelay $0x3  }
0x541: {  	p1 =	por !p1, !p1;
	s18 =	simm.s32 $0x1  }
0x542: {  	s18 =	simm.s32 @!p1 $0x0;
	s20 =	spop (v2sf)  }
0x543: {  	s16 =	sadd.s32 $0x80, s16;
	s18 =	sshll.u32 s18, $0x6;
	s30 =	sadd.s32 s0, s20;
	v24, _, _ =	vpop (xrf0)  }
0x544: {  	s18 =	sadd.s32 s18, s16;
	[tilespmem:s30+$0x5780] =	vst.msk vm1, v23;
	(v2sf) =	vpush v24, $0xF  }
0x545: {  	s21 =	sadd.s32 $0x20, s18;
	s20 =	sor.u32 $0x80, s18;
	s0 =	sadd.s32 $0x10, s18;
	[tilespmem:s30+$0x7F80] =	vst.msk vm1, v22  }
0x546: {  	v22 =	vld [tilespmem:s20+$0x4780];
	s20 =	sadd.s32 $0x30, s18;
	_ =	sdelay $0x7  }
0x547: {  	s18 =	sand.u32 $0x40, s19;
	s19 =	sand.u32 $0xF00, s16;
	v22 =	vld.idx.msk [tilespmem:v22+s31+$0x0], $0xffff  }
.Ltmp8:
0x548: {  	s18 =	sor.u32 s18, s19;
	(pc) =	sbr.rel @p2 .LBB2_14-.Ltmp8, $2  }
0x549: {  	v23 =	vld [tilespmem:s18+$0x4780];
	_ =	sdelay $0x2  }
0x54a: {  	s19 =	spop (v2sf)  }
0x54b: {  	vm1 =	vgt.s32 v22, $0xFFFFFFFF;
	s16 =	sadd.s32 s30, s19  }
0x54c: {  	[tilespmem:s16+$0x5780] =	vst.msk vm1, v23;
	v23 =	vsel vm1, $0x1, v5  }
0x54d: {  	s0 =	sor.u32 $0x80, s0;
	[tilespmem:s16+$0x7F80] =	vst.msk vm1, v22;
	(xrf0) =	vadd.scan.msk.s32 $0xffff, v23  }
0x54e: {  	v22 =	vld [tilespmem:s0+$0x4780];
	_ =	sdelay $0x4  }
0x54f: {  	v23, _, _ =	vpop (xrf0)  }
0x550: {  	(v2sf) =	vpush v23, $0xF;
	_ =	sdelay $0x1  }
0x551: {  	v22 =	vld.idx.msk [tilespmem:v22+s31+$0x0], $0xffff;
	_ =	sdelay $0x4  }
0x552: {  	vm1 =	vgt.s32 v22, $0xFFFFFFFF  }
0x553: {  	v23 =	vsel vm1, $0x1, v5  }
0x554: {  	(xrf0) =	vadd.scan.msk.s32 $0xffff, v23;
	_ =	sdelay $0x2  }
0x555: {  	v23 =	vld [tilespmem:s18+$0x4790];
	_ =	sdelay $0x2  }
0x556: {  	s19 =	spop (v2sf);
	v24, _, _ =	vpop (xrf0)  }
0x557: {  	s0 =	sadd.s32 s16, s19;
	(v2sf) =	vpush v24, $0xF  }
0x558: {  	[tilespmem:s0+$0x5780] =	vst.msk vm1, v23  }
0x559: {  	s7 =	sor.u32 $0x80, s21;
	[tilespmem:s0+$0x7F80] =	vst.msk vm1, v22  }
0x55a: {  	v22 =	vld [tilespmem:s7+$0x4780];
	_ =	sdelay $0x7  }
0x55b: {  	v22 =	vld.idx.msk [tilespmem:v22+s31+$0x0], $0xffff  }
0x55c: {  	v23 =	vld [tilespmem:s18+$0x47A0];
	_ =	sdelay $0x2  }
0x55d: {  	s15 =	spop (v2sf)  }
0x55e: {  	s0 =	sadd.s32 s0, s15;
	vm1 =	vgt.s32 v22, $0xFFFFFFFF  }
0x55f: {  	[tilespmem:s0+$0x5780] =	vst.msk vm1, v23  }
0x560: {  	s17 =	sor.u32 $0x80, s20;
	[tilespmem:s0+$0x7F80] =	vst.msk vm1, v22  }
0x561: {  	v22 =	vld [tilespmem:s17+$0x4780];
	_ =	sdelay $0x7  }
0x562: {  	v22 =	vld.idx.msk [tilespmem:v22+s31+$0x0], $0xffff;
	_ =	sdelay $0x2  }
0x563: {  	v23 =	vsel vm1, $0x1, v5  }
0x564: {  	(xrf0) =	vadd.scan.msk.s32 $0xffff, v23  }
0x565: {  	vm1 =	vgt.s32 v22, $0xFFFFFFFF  }
0x566: {  	v23 =	vsel vm1, $0x1, v5  }
0x567: {  	(xrf0) =	vadd.scan.msk.s32 $0xffff, v23;
	_ =	sdelay $0x2  }
0x568: {  	v23, _, _ =	vpop (xrf0)  }
0x569: {  	(v2sf) =	vpush v23, $0xF;
	_ =	sdelay $0x1  }
0x56a: {  	v23, _, _ =	vpop (xrf0)  }
0x56b: {  	(v2sf) =	vpush v23, $0xF;
	_ =	sdelay $0x8  }
0x56c: {  	v23 =	vld [tilespmem:s18+$0x47B0];
	_ =	sdelay $0x2  }
0x56d: {  	s18 =	spop (v2sf)  }
0x56e: {  	s0 =	sadd.s32 s0, s18  }
0x56f: {  	p1 =	por $0x0, $0x0;
	s16 =	simm.s32 $0x1;
	[tilespmem:s0+$0x5780] =	vst.msk vm1, v23  }
0x570: {  	s19 =	simm.s32 $0x3;
	s16 =	simm.s32 @!p1 $0x0;
	[tilespmem:s0+$0x7F80] =	vst.msk vm1, v22;
	s17 =	spop (v2sf)  }
0x571: {  	s16 =	sshll.u32 s16, $0x6;
	_ =	swait.ge [sflag:s19], $0x1000  }
0x572: {  	s16 =	sadd.s32 $0x0, s16;
	[sflag:s19] =	ssyncset.done $0x0  }
0x573: {  	s20 =	sor.u32 $0x80, s16;
	[sflag:s19] =	ssyncadd.s32 $0xFFFFF000  }
0x574: {  	v22 =	vld [tilespmem:s20+$0x3780];
	_ =	sdelay $0x5  }
0x575: {  	s21 =	simm.s32 $0x0  }
0x576: {  	s7 =	sand.u32 $0x40, s21;
	s18 =	sand.u32 $0xF00, s21  }
0x577: {  	s18 =	sor.u32 s7, s18;
	v22 =	vld.idx.msk [tilespmem:v22+s31+$0x0], $0xffff  }
0x578: {  	v23 =	vld [tilespmem:s18+$0x3780];
	_ =	sdelay $0x3  }
0x579: {  	s0 =	sadd.s32 s0, s17;
	vm1 =	vgt.s32 v22, $0xFFFFFFFF  }
0x57a: {  	s15 =	sadd.s32 $0x10, s16;
	[tilespmem:s0+$0x5780] =	vst.msk vm1, v23;
	v23 =	vsel vm1, $0x1, v5  }
0x57b: {  	s17 =	sor.u32 $0x80, s15;
	[tilespmem:s0+$0x7F80] =	vst.msk vm1, v22;
	(xrf0) =	vadd.scan.msk.s32 $0xffff, v23  }
0x57c: {  	v22 =	vld [tilespmem:s17+$0x3780];
	_ =	sdelay $0x4  }
0x57d: {  	v23, _, _ =	vpop (xrf0)  }
0x57e: {  	(v2sf) =	vpush v23, $0xF;
	_ =	sdelay $0x1  }
0x57f: {  	v22 =	vld.idx.msk [tilespmem:v22+s31+$0x0], $0xffff;
	_ =	sdelay $0x4  }
0x580: {  	vm1 =	vgt.s32 v22, $0xFFFFFFFF  }
0x581: {  	v23 =	vsel vm1, $0x1, v5  }
0x582: {  	(xrf0) =	vadd.scan.msk.s32 $0xffff, v23;
	_ =	sdelay $0x2  }
0x583: {  	v23 =	vld [tilespmem:s18+$0x3790];
	_ =	sdelay $0x2  }
0x584: {  	s19 =	spop (v2sf);
	v62, _, _ =	vpop (xrf0)  }
0x585: {  	s0 =	sadd.s32 s0, s19;
	(v2sf) =	vpush v62, $0xF  }
0x586: {  	s20 =	sadd.s32 $0x20, s16;
	[tilespmem:s0+$0x5780] =	vst.msk vm1, v23  }
0x587: {  	s17 =	sor.u32 $0x80, s20;
	[tilespmem:s0+$0x7F80] =	vst.msk vm1, v22  }
0x588: {  	v22 =	vld [tilespmem:s17+$0x3780];
	_ =	sdelay $0x7  }
0x589: {  	v22 =	vld.idx.msk [tilespmem:v22+s31+$0x0], $0xffff  }
0x58a: {  	v23 =	vld [tilespmem:s18+$0x37A0];
	_ =	sdelay $0x2  }
0x58b: {  	s21 =	spop (v2sf)  }
0x58c: {  	s0 =	sadd.s32 s0, s21;
	vm1 =	vgt.s32 v22, $0xFFFFFFFF  }
0x58d: {  	s16 =	sadd.s32 $0x30, s16;
	[tilespmem:s0+$0x5780] =	vst.msk vm1, v23  }
0x58e: {  	s16 =	sor.u32 $0x80, s16;
	v23 =	vsel vm1, $0x1, v5;
	[tilespmem:s0+$0x7F80] =	vst.msk vm1, v22  }
0x58f: {  	(xrf0) =	vadd.scan.msk.s32 $0xffff, v23;
	v22 =	vld [tilespmem:s16+$0x3780];
	_ =	sdelay $0x5  }
0x590: {  	v23, _, _ =	vpop (xrf0)  }
0x591: {  	(v2sf) =	vpush v23, $0xF  }
0x592: {  	v22 =	vld.idx.msk [tilespmem:v22+s31+$0x0], $0xffff;
	_ =	sdelay $0x4  }
0x593: {  	vm1 =	vgt.s32 v22, $0xFFFFFFFF  }
0x594: {  	v23 =	vsel vm1, $0x1, v5  }
0x595: {  	(xrf0) =	vadd.scan.msk.s32 $0xffff, v23;
	_ =	sdelay $0x3  }
0x596: {  	v23 =	vld [tilespmem:s18+$0x37B0];
	_ =	sdelay $0x1  }
0x597: {  	p1 =	por !p1, !p1;
	s16 =	simm.s32 $0x1;
	v63, _, _ =	vpop (xrf0)  }
0x598: {  	s16 =	simm.s32 @!p1 $0x0;
	s7 =	spop (v2sf);
	(v2sf) =	vpush v63, $0xF  }
0x599: {  	s16 =	sshll.u32 s16, $0x6;
	s30 =	sadd.s32 s0, s7  }
0x59a: {  	s15 =	sadd.s32 $0x80, s16;
	[tilespmem:s30+$0x5780] =	vst.msk vm1, v23  }
0x59b: {  	s17 =	sor.u32 $0x80, s15;
	[tilespmem:s30+$0x7F80] =	vst.msk vm1, v22  }
0x59c: {  	v22 =	vld [tilespmem:s17+$0x3780];
	_ =	sdelay $0x5  }
0x59d: {  	s16 =	simm.s32 $0x80;
	s18 =	simm.s32 $0x40  }
0x59e: {  	s21 =	sand.u32 $0xF00, s16;
	s20 =	sand.u32 $0x40, s18  }
0x59f: {  	s18 =	sor.u32 s20, s21;
	v22 =	vld.idx.msk [tilespmem:v22+s31+$0x0], $0xffff  }
0x5a0: {  	v23 =	vld [tilespmem:s18+$0x3780]  }
0x5a1: {  	s21 =	sadd.s32 $0x20, s15;
	s20 =	sadd.s32 $0x30, s15  }
0x5a2: {  	s0 =	sadd.s32 $0x10, s15;
	s17 =	simm.s32 $0x80;
	s19 =	spop (v2sf)  }
.LBB2_16:
0x5a3: {  	p2 =	sne.s32 s17, $0x6C0  }
0x5a4: {  	vm1 =	vgt.s32 v22, $0xFFFFFFFF;
	s30 =	sadd.s32 s30, s19;
	s19 =	smov.u32 s17;
	s17 =	sadd.s32 $0x40, s17  }
0x5a5: {  	[tilespmem:s30+$0x5780] =	vst.msk vm1, v23;
	v23 =	vsel vm1, $0x1, v5  }
0x5a6: {  	s0 =	sor.u32 $0x80, s0;
	[tilespmem:s30+$0x7F80] =	vst.msk vm1, v22;
	(xrf0) =	vadd.scan.msk.s32 $0xffff, v23  }
0x5a7: {  	v22 =	vld [tilespmem:s0+$0x3780];
	_ =	sdelay $0x4  }
0x5a8: {  	v23, _, _ =	vpop (xrf0)  }
0x5a9: {  	(v2sf) =	vpush v23, $0xF;
	_ =	sdelay $0x1  }
0x5aa: {  	v22 =	vld.idx.msk [tilespmem:v22+s31+$0x0], $0xffff;
	_ =	sdelay $0x5  }
0x5ab: {  	vm1 =	vgt.s32 v22, $0xFFFFFFFF  }
0x5ac: {  	v23 =	vsel vm1, $0x1, v5  }
0x5ad: {  	(xrf0) =	vadd.scan.msk.s32 $0xffff, v23;
	_ =	sdelay $0x1  }
0x5ae: {  	v23 =	vld [tilespmem:s18+$0x3790];
	_ =	sdelay $0x2  }
0x5af: {  	s0 =	spop (v2sf)  }
0x5b0: {  	s0 =	sadd.s32 s30, s0;
	v24, _, _ =	vpop (xrf0)  }
0x5b1: {  	[tilespmem:s0+$0x5780] =	vst.msk vm1, v23;
	(v2sf) =	vpush v24, $0xF  }
0x5b2: {  	s21 =	sor.u32 $0x80, s21;
	[tilespmem:s0+$0x7F80] =	vst.msk vm1, v22  }
0x5b3: {  	v22 =	vld [tilespmem:s21+$0x3780];
	_ =	sdelay $0x7  }
0x5b4: {  	v22 =	vld.idx.msk [tilespmem:v22+s31+$0x0], $0xffff;
	_ =	sdelay $0x1  }
0x5b5: {  	v23 =	vld [tilespmem:s18+$0x37A0];
	_ =	sdelay $0x2  }
0x5b6: {  	s21 =	spop (v2sf)  }
0x5b7: {  	vm1 =	vgt.s32 v22, $0xFFFFFFFF;
	s0 =	sadd.s32 s0, s21  }
0x5b8: {  	[tilespmem:s0+$0x5780] =	vst.msk vm1, v23;
	v23 =	vsel vm1, $0x1, v5  }
0x5b9: {  	s20 =	sor.u32 $0x80, s20;
	[tilespmem:s0+$0x7F80] =	vst.msk vm1, v22;
	(xrf0) =	vadd.scan.msk.s32 $0xffff, v23  }
0x5ba: {  	v22 =	vld [tilespmem:s20+$0x3780]  }
0x5bb: {  	v23 =	vld [tilespmem:s18+$0x37B0];
	_ =	sdelay $0x3  }
0x5bc: {  	v24, _, _ =	vpop (xrf0)  }
0x5bd: {  	(v2sf) =	vpush v24, $0xF;
	_ =	sdelay $0x1  }
0x5be: {  	v22 =	vld.idx.msk [tilespmem:v22+s31+$0x0], $0xffff;
	_ =	sdelay $0x5  }
0x5bf: {  	vm1 =	vgt.s32 v22, $0xFFFFFFFF  }
0x5c0: {  	v24 =	vsel vm1, $0x1, v5  }
0x5c1: {  	(xrf0) =	vadd.scan.msk.s32 $0xffff, v24;
	_ =	sdelay $0x3  }
0x5c2: {  	p1 =	por !p1, !p1;
	s18 =	simm.s32 $0x1  }
0x5c3: {  	s18 =	simm.s32 @!p1 $0x0;
	s20 =	spop (v2sf)  }
0x5c4: {  	s16 =	sadd.s32 $0x80, s16;
	s18 =	sshll.u32 s18, $0x6;
	s30 =	sadd.s32 s0, s20;
	v24, _, _ =	vpop (xrf0)  }
0x5c5: {  	s18 =	sadd.s32 s18, s16;
	[tilespmem:s30+$0x5780] =	vst.msk vm1, v23;
	(v2sf) =	vpush v24, $0xF  }
0x5c6: {  	s21 =	sadd.s32 $0x20, s18;
	s20 =	sor.u32 $0x80, s18;
	s0 =	sadd.s32 $0x10, s18;
	[tilespmem:s30+$0x7F80] =	vst.msk vm1, v22  }
0x5c7: {  	v22 =	vld [tilespmem:s20+$0x3780];
	s20 =	sadd.s32 $0x30, s18;
	_ =	sdelay $0x7  }
0x5c8: {  	s18 =	sand.u32 $0x40, s19;
	s19 =	sand.u32 $0xF00, s16;
	v22 =	vld.idx.msk [tilespmem:v22+s31+$0x0], $0xffff  }
.Ltmp9:
0x5c9: {  	s18 =	sor.u32 s18, s19;
	(pc) =	sbr.rel @p2 .LBB2_16-.Ltmp9, $2  }
0x5ca: {  	v23 =	vld [tilespmem:s18+$0x3780];
	_ =	sdelay $0x2  }
0x5cb: {  	s19 =	spop (v2sf)  }
0x5cc: {  	vm1 =	vgt.s32 v22, $0xFFFFFFFF;
	s16 =	sadd.s32 s30, s19  }
0x5cd: {  	[tilespmem:s16+$0x5780] =	vst.msk vm1, v23;
	v23 =	vsel vm1, $0x1, v5  }
0x5ce: {  	s0 =	sor.u32 $0x80, s0;
	[tilespmem:s16+$0x7F80] =	vst.msk vm1, v22;
	(xrf0) =	vadd.scan.msk.s32 $0xffff, v23  }
0x5cf: {  	v22 =	vld [tilespmem:s0+$0x3780];
	_ =	sdelay $0x4  }
0x5d0: {  	v23, _, _ =	vpop (xrf0)  }
0x5d1: {  	(v2sf) =	vpush v23, $0xF;
	_ =	sdelay $0x1  }
0x5d2: {  	v22 =	vld.idx.msk [tilespmem:v22+s31+$0x0], $0xffff;
	_ =	sdelay $0x4  }
0x5d3: {  	vm1 =	vgt.s32 v22, $0xFFFFFFFF  }
0x5d4: {  	v23 =	vsel vm1, $0x1, v5  }
0x5d5: {  	(xrf0) =	vadd.scan.msk.s32 $0xffff, v23;
	_ =	sdelay $0x2  }
0x5d6: {  	v23 =	vld [tilespmem:s18+$0x3790];
	_ =	sdelay $0x2  }
0x5d7: {  	s17 =	spop (v2sf);
	v24, _, _ =	vpop (xrf0)  }
0x5d8: {  	s0 =	sadd.s32 s16, s17;
	(v2sf) =	vpush v24, $0xF  }
0x5d9: {  	[tilespmem:s0+$0x5780] =	vst.msk vm1, v23  }
0x5da: {  	s19 =	sor.u32 $0x80, s21;
	[tilespmem:s0+$0x7F80] =	vst.msk vm1, v22  }
0x5db: {  	v22 =	vld [tilespmem:s19+$0x3780];
	_ =	sdelay $0x7  }
0x5dc: {  	v22 =	vld.idx.msk [tilespmem:v22+s31+$0x0], $0xffff  }
0x5dd: {  	v23 =	vld [tilespmem:s18+$0x37A0];
	_ =	sdelay $0x2  }
0x5de: {  	s21 =	spop (v2sf)  }
0x5df: {  	s0 =	sadd.s32 s0, s21;
	vm1 =	vgt.s32 v22, $0xFFFFFFFF  }
0x5e0: {  	[tilespmem:s0+$0x5780] =	vst.msk vm1, v23  }
0x5e1: {  	s30 =	sor.u32 $0x80, s20;
	[tilespmem:s0+$0x7F80] =	vst.msk vm1, v22  }
0x5e2: {  	v22 =	vld [tilespmem:s30+$0x3780];
	_ =	sdelay $0x7  }
0x5e3: {  	v22 =	vld.idx.msk [tilespmem:v22+s31+$0x0], $0xffff;
	_ =	sdelay $0x2  }
0x5e4: {  	v23 =	vsel vm1, $0x1, v5  }
0x5e5: {  	(xrf0) =	vadd.scan.msk.s32 $0xffff, v23  }
0x5e6: {  	vm1 =	vgt.s32 v22, $0xFFFFFFFF  }
0x5e7: {  	v23 =	vsel vm1, $0x1, v5  }
0x5e8: {  	(xrf0) =	vadd.scan.msk.s32 $0xffff, v23;
	_ =	sdelay $0x2  }
0x5e9: {  	v23, _, _ =	vpop (xrf0)  }
0x5ea: {  	(v2sf) =	vpush v23, $0xF;
	_ =	sdelay $0x1  }
0x5eb: {  	v23, _, _ =	vpop (xrf0)  }
0x5ec: {  	(v2sf) =	vpush v23, $0xF;
	_ =	sdelay $0x8  }
0x5ed: {  	v23 =	vld [tilespmem:s18+$0x37B0];
	_ =	sdelay $0x2  }
0x5ee: {  	s7 =	spop (v2sf)  }
0x5ef: {  	s0 =	sadd.s32 s0, s7  }
0x5f0: {  	[tilespmem:s0+$0x5780] =	vst.msk vm1, v23  }
0x5f1: {  	s17 =	rddreg [dreg:$0x17];
	s19 =	simm.s32 $0x3780;
	[tilespmem:s0+$0x7F80] =	vst.msk vm1, v22;
	s15 =	spop (v2sf)  }
0x5f2: {  	[tilespmem:s19], [sflag:$0x5] =	stream.linear.gather [hbm4b:s17+s5], $0x100, $0x200038;
	[tilespmem:$0x1D788] =	vst v63  }
0x5f3: {  	_ =	swait.ge [sflag:s28], $0x100  }
0x5f4: {  	[sflag:s28] =	ssyncset.done $0x0  }
0x5f5: {  	[sflag:s28] =	ssyncadd.s32 $0xFFFFFF00  }
0x5f6: {  	v22 =	vld [tilespmem:$0x3800];
	_ =	sdelay $0x7  }
0x5f7: {  	v22 =	vld.idx.msk [tilespmem:v22+s31+$0x0], $0xffff;
	_ =	sdelay $0x1  }
0x5f8: {  	v23 =	vld [tilespmem:$0x3780];
	_ =	sdelay $0x2  }
0x5f9: {  	vm1 =	vgt.s32 v22, $0xFFFFFFFF  }
0x5fa: {  	s0 =	sadd.s32 s0, s15;
	vm1 =	vmand vm0, vm1  }
0x5fb: {  	[tilespmem:s0+$0x5780] =	vst.msk vm1, v23;
	v23 =	vsel vm1, $0x1, v5  }
0x5fc: {  	[tilespmem:s0+$0x7F80] =	vst.msk vm1, v22;
	(xrf0) =	vadd.scan.msk.s32 $0xffff, v23  }
0x5fd: {  	v22 =	vld [tilespmem:$0x3810];
	_ =	sdelay $0x4  }
0x5fe: {  	v23, _, _ =	vpop (xrf0)  }
0x5ff: {  	(v2sf) =	vpush v23, $0xF;
	_ =	sdelay $0x1  }
0x600: {  	v22 =	vld.idx.msk [tilespmem:v22+s31+$0x0], $0xffff;
	_ =	sdelay $0x4  }
0x601: {  	vm1 =	vgt.s32 v22, $0xFFFFFFFF  }
0x602: {  	vm1 =	vmand vm0, vm1  }
0x603: {  	v23 =	vsel vm1, $0x1, v5  }
0x604: {  	(xrf0) =	vadd.scan.msk.s32 $0xffff, v23;
	_ =	sdelay $0x1  }
0x605: {  	v23 =	vld [tilespmem:$0x3790];
	_ =	sdelay $0x2  }
0x606: {  	s20 =	spop (v2sf)  }
0x607: {  	s0 =	sadd.s32 s0, s20;
	v61, _, _ =	vpop (xrf0)  }
0x608: {  	[tilespmem:s0+$0x5780] =	vst.msk vm1, v23;
	(v2sf) =	vpush v61, $0xF  }
0x609: {  	[tilespmem:s0+$0x7F80] =	vst.msk vm1, v22  }
0x60a: {  	v22 =	vld [tilespmem:$0x3820];
	_ =	sdelay $0x7  }
0x60b: {  	v22 =	vld.idx.msk [tilespmem:v22+s31+$0x0], $0xffff;
	_ =	sdelay $0x1  }
0x60c: {  	v23 =	vld [tilespmem:$0x37A0];
	_ =	sdelay $0x2  }
0x60d: {  	s21 =	spop (v2sf);
	vm1 =	vgt.s32 v22, $0xFFFFFFFF  }
0x60e: {  	s0 =	sadd.s32 s0, s21;
	vm1 =	vmand vm0, vm1  }
0x60f: {  	[tilespmem:s0+$0x5780] =	vst.msk vm1, v23;
	v23 =	vsel vm1, $0x1, v5  }
0x610: {  	[tilespmem:s0+$0x7F80] =	vst.msk vm1, v22;
	(xrf0) =	vadd.scan.msk.s32 $0xffff, v23  }
0x611: {  	v22 =	vld [tilespmem:$0x3830];
	_ =	sdelay $0x4  }
0x612: {  	v23, _, _ =	vpop (xrf0)  }
0x613: {  	(v2sf) =	vpush v23, $0xF;
	_ =	sdelay $0x1  }
0x614: {  	v22 =	vld.idx.msk [tilespmem:v22+s31+$0x0], $0xffff;
	_ =	sdelay $0x4  }
0x615: {  	vm1 =	vgt.s32 v22, $0xFFFFFFFF  }
0x616: {  	vm1 =	vmand vm0, vm1  }
0x617: {  	v23 =	vsel vm1, $0x1, v5  }
0x618: {  	(xrf0) =	vadd.scan.msk.s32 $0xffff, v23;
	_ =	sdelay $0x1  }
0x619: {  	v23 =	vld [tilespmem:$0x37B0];
	_ =	sdelay $0x2  }
0x61a: {  	s30 =	spop (v2sf)  }
0x61b: {  	s0 =	sadd.s32 s0, s30;
	v62, _, _ =	vpop (xrf0)  }
0x61c: {  	[tilespmem:s0+$0x5780] =	vst.msk vm1, v23;
	(v2sf) =	vpush v62, $0xF  }
0x61d: {  	[tilespmem:s0+$0x7F80] =	vst.msk vm1, v22  }
0x61e: {  	v22 =	vld [tilespmem:$0x3840];
	_ =	sdelay $0x7  }
0x61f: {  	v22 =	vld.idx.msk [tilespmem:v22+s31+$0x0], $0xffff;
	_ =	sdelay $0x1  }
0x620: {  	v23 =	vld [tilespmem:$0x37C0];
	_ =	sdelay $0x2  }
0x621: {  	s7 =	spop (v2sf);
	vm1 =	vgt.s32 v22, $0xFFFFFFFF  }
0x622: {  	s0 =	sadd.s32 s0, s7;
	vm1 =	vmand vm0, vm1  }
0x623: {  	[tilespmem:s0+$0x5780] =	vst.msk vm1, v23;
	v23 =	vsel vm1, $0x1, v5  }
0x624: {  	[tilespmem:s0+$0x7F80] =	vst.msk vm1, v22;
	(xrf0) =	vadd.scan.msk.s32 $0xffff, v23  }
0x625: {  	v22 =	vld [tilespmem:$0x3850];
	_ =	sdelay $0x4  }
0x626: {  	v23, _, _ =	vpop (xrf0)  }
0x627: {  	(v2sf) =	vpush v23, $0xF;
	_ =	sdelay $0x1  }
0x628: {  	v22 =	vld.idx.msk [tilespmem:v22+s31+$0x0], $0xffff;
	_ =	sdelay $0x4  }
0x629: {  	vm1 =	vgt.s32 v22, $0xFFFFFFFF  }
0x62a: {  	vm1 =	vmand vm0, vm1  }
0x62b: {  	v23 =	vsel vm1, $0x1, v5  }
0x62c: {  	(xrf0) =	vadd.scan.msk.s32 $0xffff, v23;
	_ =	sdelay $0x1  }
0x62d: {  	v23 =	vld [tilespmem:$0x37D0];
	_ =	sdelay $0x2  }
0x62e: {  	s15 =	spop (v2sf)  }
0x62f: {  	s0 =	sadd.s32 s0, s15;
	v63, _, _ =	vpop (xrf0)  }
0x630: {  	[tilespmem:s0+$0x5780] =	vst.msk vm1, v23;
	(v2sf) =	vpush v63, $0xF  }
0x631: {  	[tilespmem:s0+$0x7F80] =	vst.msk vm1, v22  }
0x632: {  	v22 =	vld [tilespmem:$0x3860];
	_ =	sdelay $0x7  }
0x633: {  	v22 =	vld.idx.msk [tilespmem:v22+s31+$0x0], $0xffff;
	_ =	sdelay $0x1  }
0x634: {  	v23 =	vld [tilespmem:$0x37E0];
	_ =	sdelay $0x2  }
0x635: {  	s17 =	spop (v2sf);
	vm1 =	vgt.s32 v22, $0xFFFFFFFF  }
0x636: {  	s0 =	sadd.s32 s0, s17;
	vm1 =	vmand vm0, vm1  }
0x637: {  	[tilespmem:s0+$0x5780] =	vst.msk vm1, v23  }
0x638: {  	[tilespmem:s0+$0x7F80] =	vst.msk vm1, v22  }
0x639: {  	v22 =	vld [tilespmem:$0x3870];
	_ =	sdelay $0x7  }
0x63a: {  	v22 =	vld.idx.msk [tilespmem:v22+s31+$0x0], $0xffff;
	_ =	sdelay $0x4  }
0x63b: {  	v23 =	vsel vm1, $0x1, v5;
	vm1 =	vgt.s32 v22, $0xFFFFFFFF  }
0x63c: {  	(xrf0) =	vadd.scan.msk.s32 $0xffff, v23;
	vm1 =	vmand vm0, vm1  }
0x63d: {  	v23 =	vsel vm1, $0x1, v5  }
0x63e: {  	(xrf0) =	vadd.scan.msk.s32 $0xffff, v23;
	_ =	sdelay $0x3  }
0x63f: {  	v23, _, _ =	vpop (xrf0)  }
0x640: {  	(v2sf) =	vpush v23, $0xF  }
0x641: {  	v23, _, _ =	vpop (xrf0)  }
0x642: {  	(v2sf) =	vpush v23, $0xF;
	_ =	sdelay $0x9  }
0x643: {  	v23 =	vld [tilespmem:$0x37F0];
	_ =	sdelay $0x2  }
0x644: {  	s18 =	spop (v2sf)  }
0x645: {  	s0 =	sadd.s32 s0, s18  }
0x646: {  	[tilespmem:s0+$0x5780] =	vst.msk vm1, v23;
	s19 =	spop (v2sf)  }
0x647: {  	[tilespmem:s0+$0x7F80] =	vst.msk vm1, v22;
	s0 =	sadd.s32 s0, s19  }
0x648: {  	[tilespmem:s0+$0x5780] =	vst v0  }
0x649: {  	[tilespmem:s0+$0x7F80] =	vst v6  }
0x64a: {  	[tilespmem:s0+$0x5790] =	vst v0  }
0x64b: {  	[tilespmem:s0+$0x7F90] =	vst v6;
	s16 =	sadd.s32 $0x7F, s0  }
0x64c: {  	[tilespmem:s0+$0x57A0] =	vst v0;
	s20 =	sand.u32 $0x7F, s16  }
0x64d: {  	[tilespmem:s0+$0x7FA0] =	vst v6;
	s21 =	sshra.s32 s16, $0x1F;
	p1 =	slt.s32 s16, $0x1;
	p2 =	sne.s32 s20, $0x0  }
0x64e: {  	[tilespmem:s0+$0x57B0] =	vst v0;
	s30 =	sshrl.u32 s21, $0x19;
	p1 =	por !p1, !p2  }
0x64f: {  	s17 =	simm.s32 $0x1;
	[tilespmem:s0+$0x7FB0] =	vst v6;
	s16 =	sadd.s32 s30, s16;
	p1 =	por !p1, !p1  }
0x650: {  	[tilespmem:s0+$0x57C0] =	vst v0;
	s16 =	sshra.s32 s16, $0x7;
	s17 =	simm.s32 @!p1 $0x0  }
0x651: {  	[tilespmem:s0+$0x7FC0] =	vst v6;
	s16 =	ssub.s32 s16, s17  }
0x652: {  	[tilespmem:s0+$0x57D0] =	vst v0;
	p1 =	slt.s32 s16, $0x1  }
.Ltmp10:
0x653: {  	[tilespmem:s0+$0x7FD0] =	vst v6;
	(pc) =	sbr.rel @p1 .LBB2_35-.Ltmp10, $4  }
0x654: {  	[tilespmem:s0+$0x57E0] =	vst v0  }
0x655: {  	[tilespmem:s0+$0x7FE0] =	vst v6  }
0x656: {  	[tilespmem:s0+$0x57F0] =	vst v0  }
0x657: {  	[tilespmem:s0+$0x7FF0] =	vst v6  }
0x658: {  	p2 =	seq.s32 s16, $0x1  }
.Ltmp11:
0x659: {  	_ = 	snop;
	(pc) =	sbr.rel @p2 .LBB2_19-.Ltmp11, $3  }
0x65a: {  	_ =	sdelay $0x1  }
0x65b: {  	s18 =	simm.s32 $0x7FC0;
	s17 =	simm.s32 $0xA7C0  }
0x65c: {  	s0 =	sadd.s32 $0xFFFFFFFF, s16;
	p1 =	por $0x0, $0x0;
	s30 =	smov.u32 s3;
	v22 =	vld [tilespmem:s18+$0xFFFFFFC0]  }
0x65d: {  	_ =	sdelay $0x3  }
0x65e: {  	[tilespmem:s17+$0xFFFFFFC0] =	vst v22  }
0x65f: {  	v22 =	vld [tilespmem:s18+$0xFFFFFFD0];
	_ =	sdelay $0x4  }
0x660: {  	[tilespmem:s17+$0xFFFFFFD0] =	vst v22  }
0x661: {  	v22 =	vld [tilespmem:s18+$0xFFFFFFE0];
	_ =	sdelay $0x4  }
0x662: {  	[tilespmem:s17+$0xFFFFFFE0] =	vst v22  }
0x663: {  	v22 =	vld [tilespmem:s18+$0xFFFFFFF0];
	_ =	sdelay $0x4  }
0x664: {  	[tilespmem:s17+$0xFFFFFFF0] =	vst v22  }
0x665: {  	v22 =	vld [tilespmem:s18+$0x0];
	_ =	sdelay $0x4  }
0x666: {  	[tilespmem:s17+$0x0] =	vst v22  }
0x667: {  	v22 =	vld [tilespmem:s18+$0x10];
	_ =	sdelay $0x4  }
0x668: {  	[tilespmem:s17+$0x10] =	vst v22  }
0x669: {  	v22 =	vld [tilespmem:s18+$0x20];
	_ =	sdelay $0x4  }
0x66a: {  	[tilespmem:s17+$0x20] =	vst v22  }
0x66b: {  	v22 =	vld [tilespmem:s18+$0x30]  }
0x66c: {  	p2 =	seq.s32 s0, $0x1  }
.Ltmp12:
0x66d: {  	_ = 	snop;
	(pc) =	sbr.rel @p2 .LBB2_21-.Ltmp12, $3  }
0x66e: {  	_ =	sdelay $0x1  }
0x66f: {  	s18 =	simm.s32 $0x8040;
	[tilespmem:s17+$0x30] =	vst v22  }
0x670: {  	s20 =	sadd.s32 $0xFFFFFFFF, s0;
	p1 =	por $0x1, $0x1;
	s19 =	simm.s32 $0xA7C0;
	v22 =	vld [tilespmem:s18+$0xFFFFFFC0]  }
.LBB2_22:
0x671: {  	p2 =	seq.s32 s20, $0x1;
	_ =	sdelay $0x2  }
0x672: {  	s19 =	sadd.s32 $0x80, s19  }
0x673: {  	[tilespmem:s19+$0xFFFFFFC0] =	vst v22  }
0x674: {  	v22 =	vld [tilespmem:s18+$0xFFFFFFD0];
	_ =	sdelay $0x4  }
0x675: {  	[tilespmem:s19+$0xFFFFFFD0] =	vst v22  }
0x676: {  	v22 =	vld [tilespmem:s18+$0xFFFFFFE0];
	_ =	sdelay $0x4  }
0x677: {  	[tilespmem:s19+$0xFFFFFFE0] =	vst v22  }
0x678: {  	v22 =	vld [tilespmem:s18+$0xFFFFFFF0];
	_ =	sdelay $0x4  }
0x679: {  	[tilespmem:s19+$0xFFFFFFF0] =	vst v22  }
0x67a: {  	v22 =	vld [tilespmem:s18+$0x0];
	_ =	sdelay $0x4  }
0x67b: {  	[tilespmem:s19+$0x0] =	vst v22  }
0x67c: {  	v22 =	vld [tilespmem:s18+$0x10];
	_ =	sdelay $0x4  }
0x67d: {  	[tilespmem:s19+$0x10] =	vst v22  }
0x67e: {  	v22 =	vld [tilespmem:s18+$0x20];
	_ =	sdelay $0x4  }
0x67f: {  	[tilespmem:s19+$0x20] =	vst v22  }
0x680: {  	v22 =	vld [tilespmem:s18+$0x30];
	_ =	sdelay $0x1  }
.Ltmp13:
0x681: {  	(pc) =	sbr.rel @!p2 .LBB2_22-.Ltmp13, $3  }
0x682: {  	_ =	sdelay $0x1  }
0x683: {  	s18 =	sadd.s32 $0x80, s18;
	[tilespmem:s19+$0x30] =	vst v22  }
0x684: {  	s20 =	sadd.s32 $0xFFFFFFFF, s20;
	v22 =	vld [tilespmem:s18+$0xFFFFFFC0]  }
.LBB2_23:
0x685: {  	_ =	sdelay $0x1  }
0x686: {  	s0 =	sadd.s32 @p1 $0x80, s19  }
0x687: {  	s17 =	smov.u32 @p1 s0  }
0x688: {  	[tilespmem:s17+$0xFFFFFFC0] =	vst v22  }
0x689: {  	v22 =	vld [tilespmem:s18+$0xFFFFFFD0];
	_ =	sdelay $0x4  }
0x68a: {  	[tilespmem:s17+$0xFFFFFFD0] =	vst v22  }
0x68b: {  	v22 =	vld [tilespmem:s18+$0xFFFFFFE0];
	_ =	sdelay $0x4  }
0x68c: {  	[tilespmem:s17+$0xFFFFFFE0] =	vst v22  }
0x68d: {  	v22 =	vld [tilespmem:s18+$0xFFFFFFF0];
	_ =	sdelay $0x4  }
0x68e: {  	[tilespmem:s17+$0xFFFFFFF0] =	vst v22  }
0x68f: {  	v22 =	vld [tilespmem:s18+$0x0];
	_ =	sdelay $0x4  }
0x690: {  	[tilespmem:s17+$0x0] =	vst v22  }
0x691: {  	v22 =	vld [tilespmem:s18+$0x10];
	_ =	sdelay $0x4  }
0x692: {  	[tilespmem:s17+$0x10] =	vst v22  }
0x693: {  	v22 =	vld [tilespmem:s18+$0x20];
	_ =	sdelay $0x4  }
0x694: {  	[tilespmem:s17+$0x20] =	vst v22  }
0x695: {  	v22 =	vld [tilespmem:s18+$0x30];
	_ =	sdelay $0x4  }
0x696: {  	[tilespmem:s17+$0x30] =	vst v22  }
0x697: {  	_ =	strace $0x90000049  }
0x698: {  	_ =	strace $0x8000004A  }
0x699: {  	v22 =	vld [tilespmem:$0x5780];
	_ =	sdelay $0x4  }
0x69a: {  	v23 =	vshll.u32 v22, $0x1  }
0x69b: {  	v22 =	vand.u32 $0x7, v22;
	v23 =	vand.u32 $0xFFFFFFF0, v23  }
0x69c: {  	v22 =	vor.u32 v22, v23  }
0x69d: {  	v23 =	vperm.xlane v22, v5;
	_ =	sdelay $0x1  }
0x69e: {  	v24 =	vperm.xlane v22, v8;
	v23 =	vadd.s32 v1, v23;
	_ =	sdelay $0x1  }
0x69f: {  	v25 =	vperm.xlane v22, v9;
	v24 =	vadd.s32 v1, v24;
	_ =	sdelay $0x1  }
0x6a0: {  	vm1 =	vmmov $0x1;
	v26 =	vperm.xlane v22, v10;
	v25 =	vadd.s32 v1, v25  }
0x6a1: {  	[tilespmem:s4], [sflag:$0x1] =	stream.indirect_vreg.gather [hbm4b:s14+s5], $0x80, v23, vm1, $0x2000b8;
	[tilespmem:$0x1D788] =	vst v63  }
0x6a2: {  	s21 =	simm.s32 $0xD000;
	v35 =	vperm.xlane v22, v11;
	v23 =	vadd.s32 v1, v26  }
0x6a3: {  	[tilespmem:s21], [sflag:$0x1] =	stream.indirect_vreg.gather [hbm4b:s14+s5], $0x80, v24, vm1, $0x2000b8;
	[tilespmem:$0x1D788] =	vst v63  }
0x6a4: {  	s7 =	simm.s32 $0xD080;
	v37 =	vperm.xlane v22, v12;
	v36 =	vadd.s32 v1, v35  }
0x6a5: {  	[tilespmem:s7], [sflag:$0x1] =	stream.indirect_vreg.gather [hbm4b:s14+s5], $0x80, v25, vm1, $0x2000b8;
	[tilespmem:$0x1D788] =	vst v63  }
0x6a6: {  	s15 =	simm.s32 $0xD100;
	v39 =	vperm.xlane v22, v13;
	v38 =	vadd.s32 v1, v37  }
0x6a7: {  	[tilespmem:s15], [sflag:$0x1] =	stream.indirect_vreg.gather [hbm4b:s14+s5], $0x80, v23, vm1, $0x2000b8;
	[tilespmem:$0x1D788] =	vst v63  }
0x6a8: {  	s17 =	simm.s32 $0xD180;
	v40 =	vperm.xlane v22, v7;
	v23 =	vadd.s32 v1, v39  }
0x6a9: {  	[tilespmem:s17], [sflag:$0x1] =	stream.indirect_vreg.gather [hbm4b:s14+s5], $0x80, v36, vm1, $0x2000b8;
	[tilespmem:$0x1D788] =	vst v63  }
0x6aa: {  	s18 =	simm.s32 $0xD200;
	v42 =	vperm.xlane v22, v14;
	v41 =	vadd.s32 v1, v40  }
0x6ab: {  	[tilespmem:s18], [sflag:$0x1] =	stream.indirect_vreg.gather [hbm4b:s14+s5], $0x80, v38, vm1, $0x2000b8;
	[tilespmem:$0x1D788] =	vst v63  }
0x6ac: {  	s19 =	simm.s32 $0xD280;
	v44 =	vperm.xlane v22, v15;
	v43 =	vadd.s32 v1, v42  }
0x6ad: {  	[tilespmem:s19], [sflag:$0x1] =	stream.indirect_vreg.gather [hbm4b:s14+s5], $0x80, v23, vm1, $0x2000b8;
	[tilespmem:$0x1D788] =	vst v63  }
0x6ae: {  	s20 =	simm.s32 $0xD300;
	v45 =	vperm.xlane v22, v16;
	v23 =	vadd.s32 v1, v44  }
0x6af: {  	[tilespmem:s20], [sflag:$0x1] =	stream.indirect_vreg.gather [hbm4b:s14+s5], $0x80, v41, vm1, $0x2000b8;
	[tilespmem:$0x1D788] =	vst v63  }
0x6b0: {  	v47 =	vperm.xlane v22, v17;
	v46 =	vadd.s32 v1, v45;
	s21 =	simm.s32 $0xD380  }
0x6b1: {  	[tilespmem:s21], [sflag:$0x1] =	stream.indirect_vreg.gather [hbm4b:s14+s5], $0x80, v43, vm1, $0x2000b8;
	[tilespmem:$0x1D788] =	vst v63  }
0x6b2: {  	v49 =	vperm.xlane v22, v18;
	v48 =	vadd.s32 v1, v47;
	s7 =	simm.s32 $0xD400  }
0x6b3: {  	[tilespmem:s7], [sflag:$0x1] =	stream.indirect_vreg.gather [hbm4b:s14+s5], $0x80, v23, vm1, $0x2000b8;
	[tilespmem:$0x1D788] =	vst v63  }
0x6b4: {  	v50 =	vperm.xlane v22, v19;
	s15 =	simm.s32 $0xD480;
	v23 =	vadd.s32 v1, v49  }
0x6b5: {  	[tilespmem:s15], [sflag:$0x1] =	stream.indirect_vreg.gather [hbm4b:s14+s5], $0x80, v46, vm1, $0x2000b8;
	[tilespmem:$0x1D788] =	vst v63  }
0x6b6: {  	v52 =	vperm.xlane v22, v20;
	v51 =	vadd.s32 v1, v50;
	s17 =	simm.s32 $0xD500  }
0x6b7: {  	[tilespmem:s17], [sflag:$0x1] =	stream.indirect_vreg.gather [hbm4b:s14+s5], $0x80, v48, vm1, $0x2000b8;
	[tilespmem:$0x1D788] =	vst v63  }
0x6b8: {  	v22 =	vperm.xlane v22, v21;
	v53 =	vadd.s32 v1, v52;
	s18 =	simm.s32 $0xD580  }
0x6b9: {  	[tilespmem:s18], [sflag:$0x1] =	stream.indirect_vreg.gather [hbm4b:s14+s5], $0x80, v23, vm1, $0x2000b8;
	[tilespmem:$0x1D788] =	vst v63  }
0x6ba: {  	v22 =	vadd.s32 v1, v22;
	s19 =	simm.s32 $0xD600  }
0x6bb: {  	[tilespmem:s19], [sflag:$0x1] =	stream.indirect_vreg.gather [hbm4b:s14+s5], $0x80, v51, vm1, $0x2000b8;
	[tilespmem:$0x1D788] =	vst v63  }
0x6bc: {  	s20 =	simm.s32 $0xD680  }
0x6bd: {  	[tilespmem:s20], [sflag:$0x1] =	stream.indirect_vreg.gather [hbm4b:s14+s5], $0x80, v53, vm1, $0x2000b8;
	[tilespmem:$0x1D788] =	vst v63  }
0x6be: {  	s21 =	simm.s32 $0xD700  }
0x6bf: {  	[tilespmem:s21], [sflag:$0x1] =	stream.indirect_vreg.gather [hbm4b:s14+s5], $0x80, v22, vm1, $0x2000b8;
	[tilespmem:$0x1D788] =	vst v63  }
0x6c0: {  	v22 =	vld [tilespmem:$0x5790];
	_ =	sdelay $0x4  }
0x6c1: {  	v23 =	vshll.u32 v22, $0x1  }
0x6c2: {  	v22 =	vand.u32 $0x7, v22;
	v23 =	vand.u32 $0xFFFFFFF0, v23  }
0x6c3: {  	v22 =	vor.u32 v22, v23  }
0x6c4: {  	v23 =	vperm.xlane v22, v5;
	_ =	sdelay $0x1  }
0x6c5: {  	v54 =	vperm.xlane v22, v8;
	v23 =	vadd.s32 v1, v23;
	_ =	sdelay $0x1  }
0x6c6: {  	v55 =	vperm.xlane v22, v9;
	v24 =	vadd.s32 v1, v54;
	_ =	sdelay $0x1  }
0x6c7: {  	s7 =	simm.s32 $0xD780;
	v56 =	vperm.xlane v22, v10;
	v25 =	vadd.s32 v1, v55  }
0x6c8: {  	[tilespmem:s7], [sflag:$0x1] =	stream.indirect_vreg.gather [hbm4b:s14+s5], $0x80, v23, vm1, $0x2000b8;
	[tilespmem:$0x1D788] =	vst v63  }
0x6c9: {  	s15 =	simm.s32 $0xD800;
	v57 =	vperm.xlane v22, v11;
	v23 =	vadd.s32 v1, v56  }
0x6ca: {  	[tilespmem:s15], [sflag:$0x1] =	stream.indirect_vreg.gather [hbm4b:s14+s5], $0x80, v24, vm1, $0x2000b8;
	[tilespmem:$0x1D788] =	vst v63  }
0x6cb: {  	s17 =	simm.s32 $0xD880;
	v59 =	vperm.xlane v22, v12;
	v58 =	vadd.s32 v1, v57  }
0x6cc: {  	[tilespmem:s17], [sflag:$0x1] =	stream.indirect_vreg.gather [hbm4b:s14+s5], $0x80, v25, vm1, $0x2000b8;
	[tilespmem:$0x1D788] =	vst v63  }
0x6cd: {  	s18 =	simm.s32 $0xD900;
	v61 =	vperm.xlane v22, v13;
	v60 =	vadd.s32 v1, v59  }
0x6ce: {  	[tilespmem:s18], [sflag:$0x1] =	stream.indirect_vreg.gather [hbm4b:s14+s5], $0x80, v23, vm1, $0x2000b8;
	[tilespmem:$0x1D788] =	vst v63  }
0x6cf: {  	s19 =	simm.s32 $0xD980;
	v62 =	vperm.xlane v22, v7;
	v23 =	vadd.s32 v1, v61  }
0x6d0: {  	[tilespmem:s19], [sflag:$0x1] =	stream.indirect_vreg.gather [hbm4b:s14+s5], $0x80, v58, vm1, $0x2000b8;
	[tilespmem:$0x1D788] =	vst v63  }
0x6d1: {  	s20 =	simm.s32 $0xDA00;
	v28 =	vperm.xlane v22, v14;
	v63 =	vadd.s32 v1, v62  }
0x6d2: {  	[tilespmem:s20], [sflag:$0x1] =	stream.indirect_vreg.gather [hbm4b:s14+s5], $0x80, v60, vm1, $0x2000b8;
	[tilespmem:$0x1D788] =	vst v63  }
0x6d3: {  	s21 =	simm.s32 $0xDA80;
	v30 =	vperm.xlane v22, v15;
	v29 =	vadd.s32 v1, v28  }
0x6d4: {  	[tilespmem:s21], [sflag:$0x1] =	stream.indirect_vreg.gather [hbm4b:s14+s5], $0x80, v23, vm1, $0x2000b8;
	[tilespmem:$0x1D788] =	vst v63  }
0x6d5: {  	v31 =	vperm.xlane v22, v16;
	s7 =	simm.s32 $0xDB00;
	v23 =	vadd.s32 v1, v30  }
0x6d6: {  	[tilespmem:s7], [sflag:$0x1] =	stream.indirect_vreg.gather [hbm4b:s14+s5], $0x80, v63, vm1, $0x2000b8;
	[tilespmem:$0x1D788] =	vst v63  }
0x6d7: {  	v33 =	vperm.xlane v22, v17;
	v32 =	vadd.s32 v1, v31;
	s15 =	simm.s32 $0xDB80  }
0x6d8: {  	[tilespmem:s15], [sflag:$0x1] =	stream.indirect_vreg.gather [hbm4b:s14+s5], $0x80, v29, vm1, $0x2000b8;
	[tilespmem:$0x1D788] =	vst v63  }
0x6d9: {  	v35 =	vperm.xlane v22, v18;
	v34 =	vadd.s32 v1, v33;
	s17 =	simm.s32 $0xDC00  }
0x6da: {  	[tilespmem:s17], [sflag:$0x1] =	stream.indirect_vreg.gather [hbm4b:s14+s5], $0x80, v23, vm1, $0x2000b8;
	[tilespmem:$0x1D788] =	vst v63  }
0x6db: {  	v36 =	vperm.xlane v22, v19;
	s18 =	simm.s32 $0xDC80;
	v23 =	vadd.s32 v1, v35  }
0x6dc: {  	[tilespmem:s18], [sflag:$0x1] =	stream.indirect_vreg.gather [hbm4b:s14+s5], $0x80, v32, vm1, $0x2000b8;
	[tilespmem:$0x1D788] =	vst v63  }
0x6dd: {  	v38 =	vperm.xlane v22, v20;
	v37 =	vadd.s32 v1, v36;
	s19 =	simm.s32 $0xDD00  }
0x6de: {  	[tilespmem:s19], [sflag:$0x1] =	stream.indirect_vreg.gather [hbm4b:s14+s5], $0x80, v34, vm1, $0x2000b8;
	[tilespmem:$0x1D788] =	vst v63  }
0x6df: {  	v22 =	vperm.xlane v22, v21;
	v39 =	vadd.s32 v1, v38;
	s20 =	simm.s32 $0xDD80  }
0x6e0: {  	[tilespmem:s20], [sflag:$0x1] =	stream.indirect_vreg.gather [hbm4b:s14+s5], $0x80, v23, vm1, $0x2000b8;
	[tilespmem:$0x1D788] =	vst v63  }
0x6e1: {  	v22 =	vadd.s32 v1, v22;
	s21 =	simm.s32 $0xDE00  }
0x6e2: {  	[tilespmem:s21], [sflag:$0x1] =	stream.indirect_vreg.gather [hbm4b:s14+s5], $0x80, v37, vm1, $0x2000b8;
	[tilespmem:$0x1D788] =	vst v63  }
0x6e3: {  	s7 =	simm.s32 $0xDE80  }
0x6e4: {  	[tilespmem:s7], [sflag:$0x1] =	stream.indirect_vreg.gather [hbm4b:s14+s5], $0x80, v39, vm1, $0x2000b8;
	[tilespmem:$0x1D788] =	vst v63  }
0x6e5: {  	s15 =	simm.s32 $0xDF00  }
0x6e6: {  	[tilespmem:s15], [sflag:$0x1] =	stream.indirect_vreg.gather [hbm4b:s14+s5], $0x80, v22, vm1, $0x2000b8;
	[tilespmem:$0x1D788] =	vst v63  }
0x6e7: {  	v22 =	vld [tilespmem:$0x57A0];
	_ =	sdelay $0x4  }
0x6e8: {  	v23 =	vshll.u32 v22, $0x1  }
0x6e9: {  	v22 =	vand.u32 $0x7, v22;
	v23 =	vand.u32 $0xFFFFFFF0, v23  }
0x6ea: {  	v22 =	vor.u32 v22, v23  }
0x6eb: {  	v23 =	vperm.xlane v22, v5;
	_ =	sdelay $0x1  }
0x6ec: {  	v40 =	vperm.xlane v22, v8;
	v23 =	vadd.s32 v1, v23;
	_ =	sdelay $0x1  }
0x6ed: {  	v41 =	vperm.xlane v22, v9;
	v24 =	vadd.s32 v1, v40;
	_ =	sdelay $0x1  }
0x6ee: {  	s17 =	simm.s32 $0xDF80;
	v42 =	vperm.xlane v22, v10;
	v25 =	vadd.s32 v1, v41  }
0x6ef: {  	[tilespmem:s17], [sflag:$0x1] =	stream.indirect_vreg.gather [hbm4b:s14+s5], $0x80, v23, vm1, $0x2000b8;
	[tilespmem:$0x1D788] =	vst v63  }
0x6f0: {  	s18 =	simm.s32 $0xE000;
	v43 =	vperm.xlane v22, v11;
	v23 =	vadd.s32 v1, v42  }
0x6f1: {  	[tilespmem:s18], [sflag:$0x1] =	stream.indirect_vreg.gather [hbm4b:s14+s5], $0x80, v24, vm1, $0x2000b8;
	[tilespmem:$0x1D788] =	vst v63  }
0x6f2: {  	s19 =	simm.s32 $0xE080;
	v45 =	vperm.xlane v22, v12;
	v44 =	vadd.s32 v1, v43  }
0x6f3: {  	[tilespmem:s19], [sflag:$0x1] =	stream.indirect_vreg.gather [hbm4b:s14+s5], $0x80, v25, vm1, $0x2000b8;
	[tilespmem:$0x1D788] =	vst v63  }
0x6f4: {  	s20 =	simm.s32 $0xE100;
	v47 =	vperm.xlane v22, v13;
	v46 =	vadd.s32 v1, v45  }
0x6f5: {  	[tilespmem:s20], [sflag:$0x1] =	stream.indirect_vreg.gather [hbm4b:s14+s5], $0x80, v23, vm1, $0x2000b8;
	[tilespmem:$0x1D788] =	vst v63  }
0x6f6: {  	s21 =	simm.s32 $0xE180;
	v48 =	vperm.xlane v22, v7;
	v23 =	vadd.s32 v1, v47  }
0x6f7: {  	[tilespmem:s21], [sflag:$0x1] =	stream.indirect_vreg.gather [hbm4b:s14+s5], $0x80, v44, vm1, $0x2000b8;
	[tilespmem:$0x1D788] =	vst v63  }
0x6f8: {  	s7 =	simm.s32 $0xE200;
	v50 =	vperm.xlane v22, v14;
	v49 =	vadd.s32 v1, v48  }
0x6f9: {  	[tilespmem:s7], [sflag:$0x1] =	stream.indirect_vreg.gather [hbm4b:s14+s5], $0x80, v46, vm1, $0x2000b8;
	[tilespmem:$0x1D788] =	vst v63  }
0x6fa: {  	s15 =	simm.s32 $0xE280;
	v52 =	vperm.xlane v22, v15;
	v51 =	vadd.s32 v1, v50  }
0x6fb: {  	[tilespmem:s15], [sflag:$0x1] =	stream.indirect_vreg.gather [hbm4b:s14+s5], $0x80, v23, vm1, $0x2000b8;
	[tilespmem:$0x1D788] =	vst v63  }
0x6fc: {  	v53 =	vperm.xlane v22, v16;
	s17 =	simm.s32 $0xE300;
	v23 =	vadd.s32 v1, v52  }
0x6fd: {  	[tilespmem:s17], [sflag:$0x1] =	stream.indirect_vreg.gather [hbm4b:s14+s5], $0x80, v49, vm1, $0x2000b8;
	[tilespmem:$0x1D788] =	vst v63  }
0x6fe: {  	v55 =	vperm.xlane v22, v17;
	v54 =	vadd.s32 v1, v53;
	s18 =	simm.s32 $0xE380  }
0x6ff: {  	[tilespmem:s18], [sflag:$0x1] =	stream.indirect_vreg.gather [hbm4b:s14+s5], $0x80, v51, vm1, $0x2000b8;
	[tilespmem:$0x1D788] =	vst v63  }
0x700: {  	v57 =	vperm.xlane v22, v18;
	v56 =	vadd.s32 v1, v55;
	s19 =	simm.s32 $0xE400  }
0x701: {  	[tilespmem:s19], [sflag:$0x1] =	stream.indirect_vreg.gather [hbm4b:s14+s5], $0x80, v23, vm1, $0x2000b8;
	[tilespmem:$0x1D788] =	vst v63  }
0x702: {  	v58 =	vperm.xlane v22, v19;
	s20 =	simm.s32 $0xE480;
	v23 =	vadd.s32 v1, v57  }
0x703: {  	[tilespmem:s20], [sflag:$0x1] =	stream.indirect_vreg.gather [hbm4b:s14+s5], $0x80, v54, vm1, $0x2000b8;
	[tilespmem:$0x1D788] =	vst v63  }
0x704: {  	v60 =	vperm.xlane v22, v20;
	v59 =	vadd.s32 v1, v58;
	s21 =	simm.s32 $0xE500  }
0x705: {  	[tilespmem:s21], [sflag:$0x1] =	stream.indirect_vreg.gather [hbm4b:s14+s5], $0x80, v56, vm1, $0x2000b8;
	[tilespmem:$0x1D788] =	vst v63  }
0x706: {  	v22 =	vperm.xlane v22, v21;
	v61 =	vadd.s32 v1, v60;
	s7 =	simm.s32 $0xE580  }
0x707: {  	[tilespmem:s7], [sflag:$0x1] =	stream.indirect_vreg.gather [hbm4b:s14+s5], $0x80, v23, vm1, $0x2000b8;
	[tilespmem:$0x1D788] =	vst v63  }
0x708: {  	v22 =	vadd.s32 v1, v22;
	s15 =	simm.s32 $0xE600  }
0x709: {  	[tilespmem:s15], [sflag:$0x1] =	stream.indirect_vreg.gather [hbm4b:s14+s5], $0x80, v59, vm1, $0x2000b8;
	[tilespmem:$0x1D788] =	vst v63  }
0x70a: {  	s17 =	simm.s32 $0xE680  }
0x70b: {  	[tilespmem:s17], [sflag:$0x1] =	stream.indirect_vreg.gather [hbm4b:s14+s5], $0x80, v61, vm1, $0x2000b8;
	[tilespmem:$0x1D788] =	vst v63  }
0x70c: {  	s18 =	simm.s32 $0xE700  }
0x70d: {  	[tilespmem:s18], [sflag:$0x1] =	stream.indirect_vreg.gather [hbm4b:s14+s5], $0x80, v22, vm1, $0x2000b8;
	[tilespmem:$0x1D788] =	vst v63  }
0x70e: {  	v22 =	vld [tilespmem:$0x57B0];
	_ =	sdelay $0x4  }
0x70f: {  	v23 =	vshll.u32 v22, $0x1  }
0x710: {  	v22 =	vand.u32 $0x7, v22;
	v23 =	vand.u32 $0xFFFFFFF0, v23  }
0x711: {  	v22 =	vor.u32 v22, v23  }
0x712: {  	v23 =	vperm.xlane v22, v5;
	_ =	sdelay $0x1  }
0x713: {  	v62 =	vperm.xlane v22, v8;
	v23 =	vadd.s32 v1, v23;
	_ =	sdelay $0x1  }
0x714: {  	v63 =	vperm.xlane v22, v9;
	v24 =	vadd.s32 v1, v62;
	_ =	sdelay $0x1  }
0x715: {  	s19 =	simm.s32 $0xE780;
	v28 =	vperm.xlane v22, v10;
	v25 =	vadd.s32 v1, v63  }
0x716: {  	[tilespmem:s19], [sflag:$0x1] =	stream.indirect_vreg.gather [hbm4b:s14+s5], $0x80, v23, vm1, $0x2000b8;
	[tilespmem:$0x1D788] =	vst v63  }
0x717: {  	s20 =	simm.s32 $0xE800;
	v29 =	vperm.xlane v22, v11;
	v23 =	vadd.s32 v1, v28  }
0x718: {  	[tilespmem:s20], [sflag:$0x1] =	stream.indirect_vreg.gather [hbm4b:s14+s5], $0x80, v24, vm1, $0x2000b8;
	[tilespmem:$0x1D788] =	vst v63  }
0x719: {  	s21 =	simm.s32 $0xE880;
	v31 =	vperm.xlane v22, v12;
	v30 =	vadd.s32 v1, v29  }
0x71a: {  	[tilespmem:s21], [sflag:$0x1] =	stream.indirect_vreg.gather [hbm4b:s14+s5], $0x80, v25, vm1, $0x2000b8;
	[tilespmem:$0x1D788] =	vst v63  }
0x71b: {  	s7 =	simm.s32 $0xE900;
	v33 =	vperm.xlane v22, v13;
	v32 =	vadd.s32 v1, v31  }
0x71c: {  	[tilespmem:s7], [sflag:$0x1] =	stream.indirect_vreg.gather [hbm4b:s14+s5], $0x80, v23, vm1, $0x2000b8;
	[tilespmem:$0x1D788] =	vst v63  }
0x71d: {  	s15 =	simm.s32 $0xE980;
	v34 =	vperm.xlane v22, v7;
	v23 =	vadd.s32 v1, v33  }
0x71e: {  	[tilespmem:s15], [sflag:$0x1] =	stream.indirect_vreg.gather [hbm4b:s14+s5], $0x80, v30, vm1, $0x2000b8;
	[tilespmem:$0x1D788] =	vst v63  }
0x71f: {  	s17 =	simm.s32 $0xEA00;
	v36 =	vperm.xlane v22, v14;
	v35 =	vadd.s32 v1, v34  }
0x720: {  	[tilespmem:s17], [sflag:$0x1] =	stream.indirect_vreg.gather [hbm4b:s14+s5], $0x80, v32, vm1, $0x2000b8;
	[tilespmem:$0x1D788] =	vst v63  }
0x721: {  	s18 =	simm.s32 $0xEA80;
	v38 =	vperm.xlane v22, v15;
	v37 =	vadd.s32 v1, v36  }
0x722: {  	[tilespmem:s18], [sflag:$0x1] =	stream.indirect_vreg.gather [hbm4b:s14+s5], $0x80, v23, vm1, $0x2000b8;
	[tilespmem:$0x1D788] =	vst v63  }
0x723: {  	v39 =	vperm.xlane v22, v16;
	s19 =	simm.s32 $0xEB00;
	v23 =	vadd.s32 v1, v38  }
0x724: {  	[tilespmem:s19], [sflag:$0x1] =	stream.indirect_vreg.gather [hbm4b:s14+s5], $0x80, v35, vm1, $0x2000b8;
	[tilespmem:$0x1D788] =	vst v63  }
0x725: {  	v41 =	vperm.xlane v22, v17;
	v40 =	vadd.s32 v1, v39;
	s20 =	simm.s32 $0xEB80  }
0x726: {  	[tilespmem:s20], [sflag:$0x1] =	stream.indirect_vreg.gather [hbm4b:s14+s5], $0x80, v37, vm1, $0x2000b8;
	[tilespmem:$0x1D788] =	vst v63  }
0x727: {  	v43 =	vperm.xlane v22, v18;
	v42 =	vadd.s32 v1, v41;
	s21 =	simm.s32 $0xEC00  }
0x728: {  	[tilespmem:s21], [sflag:$0x1] =	stream.indirect_vreg.gather [hbm4b:s14+s5], $0x80, v23, vm1, $0x2000b8;
	[tilespmem:$0x1D788] =	vst v63  }
0x729: {  	v44 =	vperm.xlane v22, v19;
	s7 =	simm.s32 $0xEC80;
	v23 =	vadd.s32 v1, v43  }
0x72a: {  	[tilespmem:s7], [sflag:$0x1] =	stream.indirect_vreg.gather [hbm4b:s14+s5], $0x80, v40, vm1, $0x2000b8;
	[tilespmem:$0x1D788] =	vst v63  }
0x72b: {  	v46 =	vperm.xlane v22, v20;
	v45 =	vadd.s32 v1, v44;
	s15 =	simm.s32 $0xED00  }
0x72c: {  	[tilespmem:s15], [sflag:$0x1] =	stream.indirect_vreg.gather [hbm4b:s14+s5], $0x80, v42, vm1, $0x2000b8;
	[tilespmem:$0x1D788] =	vst v63  }
0x72d: {  	v22 =	vperm.xlane v22, v21;
	v47 =	vadd.s32 v1, v46;
	s17 =	simm.s32 $0xED80  }
0x72e: {  	[tilespmem:s17], [sflag:$0x1] =	stream.indirect_vreg.gather [hbm4b:s14+s5], $0x80, v23, vm1, $0x2000b8;
	[tilespmem:$0x1D788] =	vst v63  }
0x72f: {  	v22 =	vadd.s32 v1, v22;
	s18 =	simm.s32 $0xEE00  }
0x730: {  	[tilespmem:s18], [sflag:$0x1] =	stream.indirect_vreg.gather [hbm4b:s14+s5], $0x80, v45, vm1, $0x2000b8;
	[tilespmem:$0x1D788] =	vst v63  }
0x731: {  	s19 =	simm.s32 $0xEE80  }
0x732: {  	[tilespmem:s19], [sflag:$0x1] =	stream.indirect_vreg.gather [hbm4b:s14+s5], $0x80, v47, vm1, $0x2000b8;
	[tilespmem:$0x1D788] =	vst v63  }
0x733: {  	s20 =	simm.s32 $0xEF00  }
0x734: {  	[tilespmem:s20], [sflag:$0x1] =	stream.indirect_vreg.gather [hbm4b:s14+s5], $0x80, v22, vm1, $0x2000b8;
	[tilespmem:$0x1D788] =	vst v63  }
0x735: {  	v22 =	vld [tilespmem:$0x57C0];
	_ =	sdelay $0x4  }
0x736: {  	v23 =	vshll.u32 v22, $0x1  }
0x737: {  	v22 =	vand.u32 $0x7, v22;
	v23 =	vand.u32 $0xFFFFFFF0, v23  }
0x738: {  	v22 =	vor.u32 v22, v23  }
0x739: {  	v23 =	vperm.xlane v22, v5;
	_ =	sdelay $0x1  }
0x73a: {  	v48 =	vperm.xlane v22, v8;
	v23 =	vadd.s32 v1, v23;
	_ =	sdelay $0x1  }
0x73b: {  	v49 =	vperm.xlane v22, v9;
	v24 =	vadd.s32 v1, v48;
	_ =	sdelay $0x1  }
0x73c: {  	s21 =	simm.s32 $0xEF80;
	v50 =	vperm.xlane v22, v10;
	v25 =	vadd.s32 v1, v49  }
0x73d: {  	[tilespmem:s21], [sflag:$0x1] =	stream.indirect_vreg.gather [hbm4b:s14+s5], $0x80, v23, vm1, $0x2000b8;
	[tilespmem:$0x1D788] =	vst v63  }
0x73e: {  	s7 =	simm.s32 $0xF000;
	v51 =	vperm.xlane v22, v11;
	v23 =	vadd.s32 v1, v50  }
0x73f: {  	[tilespmem:s7], [sflag:$0x1] =	stream.indirect_vreg.gather [hbm4b:s14+s5], $0x80, v24, vm1, $0x2000b8;
	[tilespmem:$0x1D788] =	vst v63  }
0x740: {  	s15 =	simm.s32 $0xF080;
	v53 =	vperm.xlane v22, v12;
	v52 =	vadd.s32 v1, v51  }
0x741: {  	[tilespmem:s15], [sflag:$0x1] =	stream.indirect_vreg.gather [hbm4b:s14+s5], $0x80, v25, vm1, $0x2000b8;
	[tilespmem:$0x1D788] =	vst v63  }
0x742: {  	s17 =	simm.s32 $0xF100;
	v55 =	vperm.xlane v22, v13;
	v54 =	vadd.s32 v1, v53  }
0x743: {  	[tilespmem:s17], [sflag:$0x1] =	stream.indirect_vreg.gather [hbm4b:s14+s5], $0x80, v23, vm1, $0x2000b8;
	[tilespmem:$0x1D788] =	vst v63  }
0x744: {  	s18 =	simm.s32 $0xF180;
	v56 =	vperm.xlane v22, v7;
	v23 =	vadd.s32 v1, v55  }
0x745: {  	[tilespmem:s18], [sflag:$0x1] =	stream.indirect_vreg.gather [hbm4b:s14+s5], $0x80, v52, vm1, $0x2000b8;
	[tilespmem:$0x1D788] =	vst v63  }
0x746: {  	s19 =	simm.s32 $0xF200;
	v58 =	vperm.xlane v22, v14;
	v57 =	vadd.s32 v1, v56  }
0x747: {  	[tilespmem:s19], [sflag:$0x1] =	stream.indirect_vreg.gather [hbm4b:s14+s5], $0x80, v54, vm1, $0x2000b8;
	[tilespmem:$0x1D788] =	vst v63  }
0x748: {  	s20 =	simm.s32 $0xF280;
	v60 =	vperm.xlane v22, v15;
	v59 =	vadd.s32 v1, v58  }
0x749: {  	[tilespmem:s20], [sflag:$0x1] =	stream.indirect_vreg.gather [hbm4b:s14+s5], $0x80, v23, vm1, $0x2000b8;
	[tilespmem:$0x1D788] =	vst v63  }
0x74a: {  	v61 =	vperm.xlane v22, v16;
	s21 =	simm.s32 $0xF300;
	v23 =	vadd.s32 v1, v60  }
0x74b: {  	[tilespmem:s21], [sflag:$0x1] =	stream.indirect_vreg.gather [hbm4b:s14+s5], $0x80, v57, vm1, $0x2000b8;
	[tilespmem:$0x1D788] =	vst v63  }
0x74c: {  	v63 =	vperm.xlane v22, v17;
	v62 =	vadd.s32 v1, v61;
	s7 =	simm.s32 $0xF380  }
0x74d: {  	[tilespmem:s7], [sflag:$0x1] =	stream.indirect_vreg.gather [hbm4b:s14+s5], $0x80, v59, vm1, $0x2000b8;
	[tilespmem:$0x1D788] =	vst v63  }
0x74e: {  	v29 =	vperm.xlane v22, v18;
	v28 =	vadd.s32 v1, v63;
	s15 =	simm.s32 $0xF400  }
0x74f: {  	[tilespmem:s15], [sflag:$0x1] =	stream.indirect_vreg.gather [hbm4b:s14+s5], $0x80, v23, vm1, $0x2000b8;
	[tilespmem:$0x1D788] =	vst v63  }
0x750: {  	v30 =	vperm.xlane v22, v19;
	s17 =	simm.s32 $0xF480;
	v23 =	vadd.s32 v1, v29  }
0x751: {  	[tilespmem:s17], [sflag:$0x1] =	stream.indirect_vreg.gather [hbm4b:s14+s5], $0x80, v62, vm1, $0x2000b8;
	[tilespmem:$0x1D788] =	vst v63  }
0x752: {  	v32 =	vperm.xlane v22, v20;
	v31 =	vadd.s32 v1, v30;
	s18 =	simm.s32 $0xF500  }
0x753: {  	[tilespmem:s18], [sflag:$0x1] =	stream.indirect_vreg.gather [hbm4b:s14+s5], $0x80, v28, vm1, $0x2000b8;
	[tilespmem:$0x1D788] =	vst v63  }
0x754: {  	v22 =	vperm.xlane v22, v21;
	v33 =	vadd.s32 v1, v32;
	s19 =	simm.s32 $0xF580  }
0x755: {  	[tilespmem:s19], [sflag:$0x1] =	stream.indirect_vreg.gather [hbm4b:s14+s5], $0x80, v23, vm1, $0x2000b8;
	[tilespmem:$0x1D788] =	vst v63  }
0x756: {  	v22 =	vadd.s32 v1, v22;
	s20 =	simm.s32 $0xF600  }
0x757: {  	[tilespmem:s20], [sflag:$0x1] =	stream.indirect_vreg.gather [hbm4b:s14+s5], $0x80, v31, vm1, $0x2000b8;
	[tilespmem:$0x1D788] =	vst v63  }
0x758: {  	s21 =	simm.s32 $0xF680  }
0x759: {  	[tilespmem:s21], [sflag:$0x1] =	stream.indirect_vreg.gather [hbm4b:s14+s5], $0x80, v33, vm1, $0x2000b8;
	[tilespmem:$0x1D788] =	vst v63  }
0x75a: {  	s7 =	simm.s32 $0xF700  }
0x75b: {  	[tilespmem:s7], [sflag:$0x1] =	stream.indirect_vreg.gather [hbm4b:s14+s5], $0x80, v22, vm1, $0x2000b8;
	[tilespmem:$0x1D788] =	vst v63  }
0x75c: {  	v22 =	vld [tilespmem:$0x57D0];
	_ =	sdelay $0x4  }
0x75d: {  	v23 =	vshll.u32 v22, $0x1  }
0x75e: {  	v22 =	vand.u32 $0x7, v22;
	v23 =	vand.u32 $0xFFFFFFF0, v23  }
0x75f: {  	v22 =	vor.u32 v22, v23  }
0x760: {  	v23 =	vperm.xlane v22, v5;
	_ =	sdelay $0x1  }
0x761: {  	v34 =	vperm.xlane v22, v8;
	v23 =	vadd.s32 v1, v23;
	_ =	sdelay $0x1  }
0x762: {  	v35 =	vperm.xlane v22, v9;
	v24 =	vadd.s32 v1, v34;
	_ =	sdelay $0x1  }
0x763: {  	s15 =	simm.s32 $0xF780;
	v36 =	vperm.xlane v22, v10;
	v25 =	vadd.s32 v1, v35  }
0x764: {  	[tilespmem:s15], [sflag:$0x1] =	stream.indirect_vreg.gather [hbm4b:s14+s5], $0x80, v23, vm1, $0x2000b8;
	[tilespmem:$0x1D788] =	vst v63  }
0x765: {  	s17 =	simm.s32 $0xF800;
	v37 =	vperm.xlane v22, v11;
	v23 =	vadd.s32 v1, v36  }
0x766: {  	[tilespmem:s17], [sflag:$0x1] =	stream.indirect_vreg.gather [hbm4b:s14+s5], $0x80, v24, vm1, $0x2000b8;
	[tilespmem:$0x1D788] =	vst v63  }
0x767: {  	s18 =	simm.s32 $0xF880;
	v39 =	vperm.xlane v22, v12;
	v38 =	vadd.s32 v1, v37  }
0x768: {  	[tilespmem:s18], [sflag:$0x1] =	stream.indirect_vreg.gather [hbm4b:s14+s5], $0x80, v25, vm1, $0x2000b8;
	[tilespmem:$0x1D788] =	vst v63  }
0x769: {  	s19 =	simm.s32 $0xF900;
	v41 =	vperm.xlane v22, v13;
	v40 =	vadd.s32 v1, v39  }
0x76a: {  	[tilespmem:s19], [sflag:$0x1] =	stream.indirect_vreg.gather [hbm4b:s14+s5], $0x80, v23, vm1, $0x2000b8;
	[tilespmem:$0x1D788] =	vst v63  }
0x76b: {  	s20 =	simm.s32 $0xF980;
	v42 =	vperm.xlane v22, v7;
	v23 =	vadd.s32 v1, v41  }
0x76c: {  	[tilespmem:s20], [sflag:$0x1] =	stream.indirect_vreg.gather [hbm4b:s14+s5], $0x80, v38, vm1, $0x2000b8;
	[tilespmem:$0x1D788] =	vst v63  }
0x76d: {  	s21 =	simm.s32 $0xFA00;
	v44 =	vperm.xlane v22, v14;
	v43 =	vadd.s32 v1, v42  }
0x76e: {  	[tilespmem:s21], [sflag:$0x1] =	stream.indirect_vreg.gather [hbm4b:s14+s5], $0x80, v40, vm1, $0x2000b8;
	[tilespmem:$0x1D788] =	vst v63  }
0x76f: {  	s7 =	simm.s32 $0xFA80;
	v46 =	vperm.xlane v22, v15;
	v45 =	vadd.s32 v1, v44  }
0x770: {  	[tilespmem:s7], [sflag:$0x1] =	stream.indirect_vreg.gather [hbm4b:s14+s5], $0x80, v23, vm1, $0x2000b8;
	[tilespmem:$0x1D788] =	vst v63  }
0x771: {  	v47 =	vperm.xlane v22, v16;
	s15 =	simm.s32 $0xFB00;
	v23 =	vadd.s32 v1, v46  }
0x772: {  	[tilespmem:s15], [sflag:$0x1] =	stream.indirect_vreg.gather [hbm4b:s14+s5], $0x80, v43, vm1, $0x2000b8;
	[tilespmem:$0x1D788] =	vst v63  }
0x773: {  	v49 =	vperm.xlane v22, v17;
	v48 =	vadd.s32 v1, v47;
	s17 =	simm.s32 $0xFB80  }
0x774: {  	[tilespmem:s17], [sflag:$0x1] =	stream.indirect_vreg.gather [hbm4b:s14+s5], $0x80, v45, vm1, $0x2000b8;
	[tilespmem:$0x1D788] =	vst v63  }
0x775: {  	v51 =	vperm.xlane v22, v18;
	v50 =	vadd.s32 v1, v49;
	s18 =	simm.s32 $0xFC00  }
0x776: {  	[tilespmem:s18], [sflag:$0x1] =	stream.indirect_vreg.gather [hbm4b:s14+s5], $0x80, v23, vm1, $0x2000b8;
	[tilespmem:$0x1D788] =	vst v63  }
0x777: {  	v52 =	vperm.xlane v22, v19;
	s19 =	simm.s32 $0xFC80;
	v23 =	vadd.s32 v1, v51  }
0x778: {  	[tilespmem:s19], [sflag:$0x1] =	stream.indirect_vreg.gather [hbm4b:s14+s5], $0x80, v48, vm1, $0x2000b8;
	[tilespmem:$0x1D788] =	vst v63  }
0x779: {  	v54 =	vperm.xlane v22, v20;
	v53 =	vadd.s32 v1, v52;
	s20 =	simm.s32 $0xFD00  }
0x77a: {  	[tilespmem:s20], [sflag:$0x1] =	stream.indirect_vreg.gather [hbm4b:s14+s5], $0x80, v50, vm1, $0x2000b8;
	[tilespmem:$0x1D788] =	vst v63  }
0x77b: {  	v22 =	vperm.xlane v22, v21;
	v55 =	vadd.s32 v1, v54;
	s21 =	simm.s32 $0xFD80  }
0x77c: {  	[tilespmem:s21], [sflag:$0x1] =	stream.indirect_vreg.gather [hbm4b:s14+s5], $0x80, v23, vm1, $0x2000b8;
	[tilespmem:$0x1D788] =	vst v63  }
0x77d: {  	v22 =	vadd.s32 v1, v22;
	s7 =	simm.s32 $0xFE00  }
0x77e: {  	[tilespmem:s7], [sflag:$0x1] =	stream.indirect_vreg.gather [hbm4b:s14+s5], $0x80, v53, vm1, $0x2000b8;
	[tilespmem:$0x1D788] =	vst v63  }
0x77f: {  	s15 =	simm.s32 $0xFE80  }
0x780: {  	[tilespmem:s15], [sflag:$0x1] =	stream.indirect_vreg.gather [hbm4b:s14+s5], $0x80, v55, vm1, $0x2000b8;
	[tilespmem:$0x1D788] =	vst v63  }
0x781: {  	s17 =	simm.s32 $0xFF00  }
0x782: {  	[tilespmem:s17], [sflag:$0x1] =	stream.indirect_vreg.gather [hbm4b:s14+s5], $0x80, v22, vm1, $0x2000b8;
	[tilespmem:$0x1D788] =	vst v63  }
0x783: {  	v22 =	vld [tilespmem:$0x57E0];
	_ =	sdelay $0x4  }
0x784: {  	v23 =	vshll.u32 v22, $0x1  }
0x785: {  	v22 =	vand.u32 $0x7, v22;
	v23 =	vand.u32 $0xFFFFFFF0, v23  }
0x786: {  	v22 =	vor.u32 v22, v23  }
0x787: {  	v23 =	vperm.xlane v22, v5;
	_ =	sdelay $0x1  }
0x788: {  	v56 =	vperm.xlane v22, v8;
	v23 =	vadd.s32 v1, v23;
	_ =	sdelay $0x1  }
0x789: {  	v57 =	vperm.xlane v22, v9;
	v24 =	vadd.s32 v1, v56;
	_ =	sdelay $0x1  }
0x78a: {  	s18 =	simm.s32 $0xFF80;
	v58 =	vperm.xlane v22, v10;
	v25 =	vadd.s32 v1, v57  }
0x78b: {  	[tilespmem:s18], [sflag:$0x1] =	stream.indirect_vreg.gather [hbm4b:s14+s5], $0x80, v23, vm1, $0x2000b8;
	[tilespmem:$0x1D788] =	vst v63  }
0x78c: {  	s19 =	simm.s32 $0x10000;
	v59 =	vperm.xlane v22, v11;
	v23 =	vadd.s32 v1, v58  }
0x78d: {  	[tilespmem:s19], [sflag:$0x1] =	stream.indirect_vreg.gather [hbm4b:s14+s5], $0x80, v24, vm1, $0x2000b8;
	[tilespmem:$0x1D788] =	vst v63  }
0x78e: {  	s20 =	simm.s32 $0x10080;
	v61 =	vperm.xlane v22, v12;
	v60 =	vadd.s32 v1, v59  }
0x78f: {  	[tilespmem:s20], [sflag:$0x1] =	stream.indirect_vreg.gather [hbm4b:s14+s5], $0x80, v25, vm1, $0x2000b8;
	[tilespmem:$0x1D788] =	vst v63  }
0x790: {  	s21 =	simm.s32 $0x10100;
	v63 =	vperm.xlane v22, v13;
	v62 =	vadd.s32 v1, v61  }
0x791: {  	[tilespmem:s21], [sflag:$0x1] =	stream.indirect_vreg.gather [hbm4b:s14+s5], $0x80, v23, vm1, $0x2000b8;
	[tilespmem:$0x1D788] =	vst v63  }
0x792: {  	s7 =	simm.s32 $0x10180;
	v28 =	vperm.xlane v22, v7;
	v23 =	vadd.s32 v1, v63  }
0x793: {  	[tilespmem:s7], [sflag:$0x1] =	stream.indirect_vreg.gather [hbm4b:s14+s5], $0x80, v60, vm1, $0x2000b8;
	[tilespmem:$0x1D788] =	vst v63  }
0x794: {  	s15 =	simm.s32 $0x10200;
	v30 =	vperm.xlane v22, v14;
	v29 =	vadd.s32 v1, v28  }
0x795: {  	[tilespmem:s15], [sflag:$0x1] =	stream.indirect_vreg.gather [hbm4b:s14+s5], $0x80, v62, vm1, $0x2000b8;
	[tilespmem:$0x1D788] =	vst v63  }
0x796: {  	s17 =	simm.s32 $0x10280;
	v32 =	vperm.xlane v22, v15;
	v31 =	vadd.s32 v1, v30  }
0x797: {  	[tilespmem:s17], [sflag:$0x1] =	stream.indirect_vreg.gather [hbm4b:s14+s5], $0x80, v23, vm1, $0x2000b8;
	[tilespmem:$0x1D788] =	vst v63  }
0x798: {  	v33 =	vperm.xlane v22, v16;
	s18 =	simm.s32 $0x10300;
	v23 =	vadd.s32 v1, v32  }
0x799: {  	[tilespmem:s18], [sflag:$0x1] =	stream.indirect_vreg.gather [hbm4b:s14+s5], $0x80, v29, vm1, $0x2000b8;
	[tilespmem:$0x1D788] =	vst v63  }
0x79a: {  	v35 =	vperm.xlane v22, v17;
	v34 =	vadd.s32 v1, v33;
	s19 =	simm.s32 $0x10380  }
0x79b: {  	[tilespmem:s19], [sflag:$0x1] =	stream.indirect_vreg.gather [hbm4b:s14+s5], $0x80, v31, vm1, $0x2000b8;
	[tilespmem:$0x1D788] =	vst v63  }
0x79c: {  	v37 =	vperm.xlane v22, v18;
	v36 =	vadd.s32 v1, v35;
	s20 =	simm.s32 $0x10400  }
0x79d: {  	[tilespmem:s20], [sflag:$0x1] =	stream.indirect_vreg.gather [hbm4b:s14+s5], $0x80, v23, vm1, $0x2000b8;
	[tilespmem:$0x1D788] =	vst v63  }
0x79e: {  	v38 =	vperm.xlane v22, v19;
	s21 =	simm.s32 $0x10480;
	v23 =	vadd.s32 v1, v37  }
0x79f: {  	[tilespmem:s21], [sflag:$0x1] =	stream.indirect_vreg.gather [hbm4b:s14+s5], $0x80, v34, vm1, $0x2000b8;
	[tilespmem:$0x1D788] =	vst v63  }
0x7a0: {  	v40 =	vperm.xlane v22, v20;
	v39 =	vadd.s32 v1, v38;
	s7 =	simm.s32 $0x10500  }
0x7a1: {  	[tilespmem:s7], [sflag:$0x1] =	stream.indirect_vreg.gather [hbm4b:s14+s5], $0x80, v36, vm1, $0x2000b8;
	[tilespmem:$0x1D788] =	vst v63  }
0x7a2: {  	v22 =	vperm.xlane v22, v21;
	v41 =	vadd.s32 v1, v40;
	s15 =	simm.s32 $0x10580  }
0x7a3: {  	[tilespmem:s15], [sflag:$0x1] =	stream.indirect_vreg.gather [hbm4b:s14+s5], $0x80, v23, vm1, $0x2000b8;
	[tilespmem:$0x1D788] =	vst v63  }
0x7a4: {  	v22 =	vadd.s32 v1, v22;
	s17 =	simm.s32 $0x10600  }
0x7a5: {  	[tilespmem:s17], [sflag:$0x1] =	stream.indirect_vreg.gather [hbm4b:s14+s5], $0x80, v39, vm1, $0x2000b8;
	[tilespmem:$0x1D788] =	vst v63  }
0x7a6: {  	s18 =	simm.s32 $0x10680  }
0x7a7: {  	[tilespmem:s18], [sflag:$0x1] =	stream.indirect_vreg.gather [hbm4b:s14+s5], $0x80, v41, vm1, $0x2000b8;
	[tilespmem:$0x1D788] =	vst v63  }
0x7a8: {  	s19 =	simm.s32 $0x10700  }
0x7a9: {  	[tilespmem:s19], [sflag:$0x1] =	stream.indirect_vreg.gather [hbm4b:s14+s5], $0x80, v22, vm1, $0x2000b8;
	[tilespmem:$0x1D788] =	vst v63  }
0x7aa: {  	v22 =	vld [tilespmem:$0x57F0];
	_ =	sdelay $0x4  }
0x7ab: {  	v23 =	vshll.u32 v22, $0x1  }
0x7ac: {  	v22 =	vand.u32 $0x7, v22;
	v23 =	vand.u32 $0xFFFFFFF0, v23  }
0x7ad: {  	v22 =	vor.u32 v22, v23  }
0x7ae: {  	v23 =	vperm.xlane v22, v5;
	_ =	sdelay $0x1  }
0x7af: {  	v42 =	vperm.xlane v22, v8;
	v23 =	vadd.s32 v1, v23;
	_ =	sdelay $0x1  }
0x7b0: {  	v43 =	vperm.xlane v22, v9;
	v24 =	vadd.s32 v1, v42;
	_ =	sdelay $0x1  }
0x7b1: {  	s20 =	simm.s32 $0x10780;
	v44 =	vperm.xlane v22, v10;
	v25 =	vadd.s32 v1, v43  }
0x7b2: {  	[tilespmem:s20], [sflag:$0x1] =	stream.indirect_vreg.gather [hbm4b:s14+s5], $0x80, v23, vm1, $0x2000b8;
	[tilespmem:$0x1D788] =	vst v63  }
0x7b3: {  	s21 =	simm.s32 $0x10800;
	v45 =	vperm.xlane v22, v11;
	v23 =	vadd.s32 v1, v44  }
0x7b4: {  	[tilespmem:s21], [sflag:$0x1] =	stream.indirect_vreg.gather [hbm4b:s14+s5], $0x80, v24, vm1, $0x2000b8;
	[tilespmem:$0x1D788] =	vst v63  }
0x7b5: {  	s7 =	simm.s32 $0x10880;
	v47 =	vperm.xlane v22, v12;
	v46 =	vadd.s32 v1, v45  }
0x7b6: {  	[tilespmem:s7], [sflag:$0x1] =	stream.indirect_vreg.gather [hbm4b:s14+s5], $0x80, v25, vm1, $0x2000b8;
	[tilespmem:$0x1D788] =	vst v63  }
0x7b7: {  	s15 =	simm.s32 $0x10900;
	v49 =	vperm.xlane v22, v13;
	v48 =	vadd.s32 v1, v47  }
0x7b8: {  	[tilespmem:s15], [sflag:$0x1] =	stream.indirect_vreg.gather [hbm4b:s14+s5], $0x80, v23, vm1, $0x2000b8;
	[tilespmem:$0x1D788] =	vst v63  }
0x7b9: {  	s17 =	simm.s32 $0x10980;
	v50 =	vperm.xlane v22, v7;
	v23 =	vadd.s32 v1, v49  }
0x7ba: {  	[tilespmem:s17], [sflag:$0x1] =	stream.indirect_vreg.gather [hbm4b:s14+s5], $0x80, v46, vm1, $0x2000b8;
	[tilespmem:$0x1D788] =	vst v63  }
0x7bb: {  	s18 =	simm.s32 $0x10A00;
	v52 =	vperm.xlane v22, v14;
	v51 =	vadd.s32 v1, v50  }
0x7bc: {  	[tilespmem:s18], [sflag:$0x1] =	stream.indirect_vreg.gather [hbm4b:s14+s5], $0x80, v48, vm1, $0x2000b8;
	[tilespmem:$0x1D788] =	vst v63  }
0x7bd: {  	s19 =	simm.s32 $0x10A80;
	v54 =	vperm.xlane v22, v15;
	v53 =	vadd.s32 v1, v52  }
0x7be: {  	[tilespmem:s19], [sflag:$0x1] =	stream.indirect_vreg.gather [hbm4b:s14+s5], $0x80, v23, vm1, $0x2000b8;
	[tilespmem:$0x1D788] =	vst v63  }
0x7bf: {  	v55 =	vperm.xlane v22, v16;
	s20 =	simm.s32 $0x10B00;
	v23 =	vadd.s32 v1, v54  }
0x7c0: {  	[tilespmem:s20], [sflag:$0x1] =	stream.indirect_vreg.gather [hbm4b:s14+s5], $0x80, v51, vm1, $0x2000b8;
	[tilespmem:$0x1D788] =	vst v63  }
0x7c1: {  	v57 =	vperm.xlane v22, v17;
	v56 =	vadd.s32 v1, v55;
	s21 =	simm.s32 $0x10B80  }
0x7c2: {  	[tilespmem:s21], [sflag:$0x1] =	stream.indirect_vreg.gather [hbm4b:s14+s5], $0x80, v53, vm1, $0x2000b8;
	[tilespmem:$0x1D788] =	vst v63  }
0x7c3: {  	v59 =	vperm.xlane v22, v18;
	v58 =	vadd.s32 v1, v57;
	s7 =	simm.s32 $0x10C00  }
0x7c4: {  	[tilespmem:s7], [sflag:$0x1] =	stream.indirect_vreg.gather [hbm4b:s14+s5], $0x80, v23, vm1, $0x2000b8;
	[tilespmem:$0x1D788] =	vst v63  }
0x7c5: {  	v60 =	vperm.xlane v22, v19;
	s15 =	simm.s32 $0x10C80;
	v23 =	vadd.s32 v1, v59  }
0x7c6: {  	[tilespmem:s15], [sflag:$0x1] =	stream.indirect_vreg.gather [hbm4b:s14+s5], $0x80, v56, vm1, $0x2000b8;
	[tilespmem:$0x1D788] =	vst v63  }
0x7c7: {  	v61 =	vadd.s32 v1, v60;
	s17 =	simm.s32 $0x10D00  }
0x7c8: {  	v62 =	vperm.xlane v22, v20;
	[tilespmem:s17], [sflag:$0x1] =	stream.indirect_vreg.gather [hbm4b:s14+s5], $0x80, v58, vm1, $0x2000b8;
	[tilespmem:$0x1D788] =	vst v63  }
0x7c9: {  	s18 =	simm.s32 $0x10D80  }
0x7ca: {  	v22 =	vperm.xlane v22, v21;
	v63 =	vadd.s32 v1, v62;
	[tilespmem:s18], [sflag:$0x1] =	stream.indirect_vreg.gather [hbm4b:s14+s5], $0x80, v23, vm1, $0x2000b8;
	[tilespmem:$0x1D788] =	vst v63  }
0x7cb: {  	s19 =	simm.s32 $0x10E00  }
0x7cc: {  	v22 =	vadd.s32 v1, v22;
	[tilespmem:s19], [sflag:$0x1] =	stream.indirect_vreg.gather [hbm4b:s14+s5], $0x80, v61, vm1, $0x2000b8;
	[tilespmem:$0x1D788] =	vst v63  }
.Ltmp14:
0x7cd: {  	_ = 	snop;
	(pc) =	sbr.rel .LBB2_24-.Ltmp14, $4  }
0x7ce: {  	s20 =	simm.s32 $0x10E80  }
0x7cf: {  	[tilespmem:s20], [sflag:$0x1] =	stream.indirect_vreg.gather [hbm4b:s14+s5], $0x80, v63, vm1, $0x2000b8;
	[tilespmem:$0x1D788] =	vst v63  }
0x7d0: {  	s21 =	simm.s32 $0x10F00  }
0x7d1: {  	[tilespmem:s21], [sflag:$0x1] =	stream.indirect_vreg.gather [hbm4b:s14+s5], $0x80, v22, vm1, $0x2000b8;
	[tilespmem:$0x1D788] =	vst v63  }
.LBB2_35:
0x7d2: {  	_ =	strace $0x90000049  }
0x7d3: {  	s30 =	smov.u32 s3;
	_ =	strace $0x8000004A  }
.LBB2_24:
0x7d4: {  	s0 =	sadd.s32 $0x1, s16  }
0x7d5: {  	s17 =	sand.u32 $0x1, s0  }
0x7d6: {  	p1 =	slt.s32 s16, $0x0;
	p2 =	seq.s32 s17, $0x1  }
0x7d7: {  	s21 =	sshrl.u32 s0, $0x1F;
	p1 =	por !p1, !p2  }
0x7d8: {  	s0 =	sadd.s32 s21, s0;
	s17 =	simm.s32 $0x1;
	p1 =	por !p1, !p1  }
0x7d9: {  	s0 =	sshra.s32 s0, $0x1;
	s17 =	simm.s32 @!p1 $0x0  }
0x7da: {  	s17 =	ssub.s32 s0, s17  }
0x7db: {  	p1 =	slt.s32 s17, $0x1  }
.Ltmp15:
0x7dc: {  	_ = 	snop;
	(pc) =	sbr.rel @p1 .LBB2_33-.Ltmp15, $1  }
0x7dd: {  	_ =	sdelay $0x3  }
.Ltmp16:
0x7de: {  	(pc) =	sbr.rel .LBB2_26-.Ltmp16, $2  }
0x7df: {  	_ =	sdelay $0x2  }
0x7e0: {  	s18 =	simm.s32 $0xA780;
	s19 =	simm.s32 $0x2;
	s20 =	simm.s32 $0x5840  }
.LBB2_31:
0x7e1: {  	_ =	swait.ge [sflag:s11], $0x4000  }
0x7e2: {  	[sflag:s11] =	ssyncset.done $0x0  }
0x7e3: {  	s0 =	sadd.s32 $0x80, s18;
	[sflag:s11] =	ssyncadd.s32 $0xFFFFC000  }
0x7e4: {  	[spmem:s30] =	stream.indirect.scatter.add.f32 [tilespmem:s22], [sflag:$0x6], $0x80, s0, s29, $0x2000b8;
	[tilespmem:$0x1D788] =	vst v63  }
0x7e5: {  	_ =	swait.ge [sflag:s10], $0x4000  }
0x7e6: {  	[sflag:s10] =	ssyncset.done $0x0  }
0x7e7: {  	[sflag:s10] =	ssyncadd.s32 $0xFFFFC000  }
0x7e8: {  	s21 =	simm.s32 @!p0 $0x80;
	s30 =	simm.s32 @!p0 $0x14F80;
	s15 =	rddreg [dreg:$0x6]  }
0x7e9: {  	[spmem:s15] =	stream.indirect.scatter.add.f32 @!p0 [tilespmem:s30], [sflag:$0x5], $0x1, s0, s21, $0x2000b8;
	[tilespmem:$0x1D788] =	vst v63  }
0x7ea: {  	s0 =	simm.s32 @!p0 $0x5  }
0x7eb: {  	_ =	swait.ge @!p0 [sflag:s0], $0x80  }
0x7ec: {  	[sflag:s0] =	ssyncset.done @!p0 $0x0  }
0x7ed: {  	s30 =	smov.u32 s3;
	[sflag:s0] =	ssyncadd.s32 @!p0 $0xFFFFFF80  }
.LBB2_32:
0x7ee: {  	s17 =	sadd.s32 $0xFFFFFFFF, s17  }
0x7ef: {  	p1 =	sne.s32 s17, $0x0  }
.Ltmp17:
0x7f0: {  	_ = 	snop;
	(pc) =	sbr.rel @!p1 .LBB2_33-.Ltmp17, $2  }
0x7f1: {  	_ =	sdelay $0x2  }
0x7f2: {  	s18 =	sadd.s32 $0x100, s18;
	s19 =	sadd.s32 $0x2, s19;
	s20 =	sadd.s32 $0x100, s20  }
.LBB2_26:
0x7f3: {  	s0 =	sadd.s32 $0xFFFFFFFF, s19  }
0x7f4: {  	p1 =	sge.s32 s0, s16  }
.Ltmp18:
0x7f5: {  	_ = 	snop;
	(pc) =	sbr.rel @p1 .LBB2_28-.Ltmp18, $1  }
0x7f6: {  	_ =	sdelay $0x3  }
0x7f7: {  	v22 =	vld [tilespmem:s20+$0xFFFFFFC0];
	_ =	sdelay $0x4  }
0x7f8: {  	v23 =	vshll.u32 v22, $0x1  }
0x7f9: {  	v22 =	vand.u32 $0x7, v22;
	v23 =	vand.u32 $0xFFFFFFF0, v23  }
0x7fa: {  	v22 =	vor.u32 v22, v23  }
0x7fb: {  	v23 =	vperm.xlane v22, v5;
	_ =	sdelay $0x1  }
0x7fc: {  	v24 =	vperm.xlane v22, v8;
	v23 =	vadd.s32 v1, v23;
	_ =	sdelay $0x1  }
0x7fd: {  	v25 =	vperm.xlane v22, v9;
	v24 =	vadd.s32 v1, v24;
	_ =	sdelay $0x1  }
0x7fe: {  	vm1 =	vmmov $0x1;
	v26 =	vperm.xlane v22, v10;
	v25 =	vadd.s32 v1, v25  }
0x7ff: {  	[tilespmem:s22], [sflag:$0x2] =	stream.indirect_vreg.gather [hbm4b:s14+s5], $0x80, v23, vm1, $0x2000b8;
	[tilespmem:$0x1D788] =	vst v63  }
0x800: {  	s0 =	simm.s32 $0x11000;
	v35 =	vperm.xlane v22, v11;
	v23 =	vadd.s32 v1, v26  }
0x801: {  	[tilespmem:s0], [sflag:$0x2] =	stream.indirect_vreg.gather [hbm4b:s14+s5], $0x80, v24, vm1, $0x2000b8;
	[tilespmem:$0x1D788] =	vst v63  }
0x802: {  	s15 =	simm.s32 $0x11080;
	v37 =	vperm.xlane v22, v12;
	v36 =	vadd.s32 v1, v35  }
0x803: {  	[tilespmem:s15], [sflag:$0x2] =	stream.indirect_vreg.gather [hbm4b:s14+s5], $0x80, v25, vm1, $0x2000b8;
	[tilespmem:$0x1D788] =	vst v63  }
0x804: {  	s21 =	simm.s32 $0x11100;
	v39 =	vperm.xlane v22, v13;
	v38 =	vadd.s32 v1, v37  }
0x805: {  	[tilespmem:s21], [sflag:$0x2] =	stream.indirect_vreg.gather [hbm4b:s14+s5], $0x80, v23, vm1, $0x2000b8;
	[tilespmem:$0x1D788] =	vst v63  }
0x806: {  	s7 =	simm.s32 $0x11180;
	v40 =	vperm.xlane v22, v7;
	v23 =	vadd.s32 v1, v39  }
0x807: {  	[tilespmem:s7], [sflag:$0x2] =	stream.indirect_vreg.gather [hbm4b:s14+s5], $0x80, v36, vm1, $0x2000b8;
	[tilespmem:$0x1D788] =	vst v63  }
0x808: {  	v42 =	vperm.xlane v22, v14;
	v41 =	vadd.s32 v1, v40;
	s15 =	simm.s32 $0x11200  }
0x809: {  	[tilespmem:s15], [sflag:$0x2] =	stream.indirect_vreg.gather [hbm4b:s14+s5], $0x80, v38, vm1, $0x2000b8;
	[tilespmem:$0x1D788] =	vst v63  }
0x80a: {  	v44 =	vperm.xlane v22, v15;
	v43 =	vadd.s32 v1, v42;
	s21 =	simm.s32 $0x11280  }
0x80b: {  	[tilespmem:s21], [sflag:$0x2] =	stream.indirect_vreg.gather [hbm4b:s14+s5], $0x80, v23, vm1, $0x2000b8;
	[tilespmem:$0x1D788] =	vst v63  }
0x80c: {  	v45 =	vperm.xlane v22, v16;
	s7 =	simm.s32 $0x11300;
	v23 =	vadd.s32 v1, v44  }
0x80d: {  	[tilespmem:s7], [sflag:$0x2] =	stream.indirect_vreg.gather [hbm4b:s14+s5], $0x80, v41, vm1, $0x2000b8;
	[tilespmem:$0x1D788] =	vst v63  }
0x80e: {  	v47 =	vperm.xlane v22, v17;
	v46 =	vadd.s32 v1, v45;
	s15 =	simm.s32 $0x11380  }
0x80f: {  	[tilespmem:s15], [sflag:$0x2] =	stream.indirect_vreg.gather [hbm4b:s14+s5], $0x80, v43, vm1, $0x2000b8;
	[tilespmem:$0x1D788] =	vst v63  }
0x810: {  	v49 =	vperm.xlane v22, v18;
	v48 =	vadd.s32 v1, v47;
	s21 =	simm.s32 $0x11400  }
0x811: {  	[tilespmem:s21], [sflag:$0x2] =	stream.indirect_vreg.gather [hbm4b:s14+s5], $0x80, v23, vm1, $0x2000b8;
	[tilespmem:$0x1D788] =	vst v63  }
0x812: {  	v50 =	vperm.xlane v22, v19;
	s7 =	simm.s32 $0x11480;
	v23 =	vadd.s32 v1, v49  }
0x813: {  	[tilespmem:s7], [sflag:$0x2] =	stream.indirect_vreg.gather [hbm4b:s14+s5], $0x80, v46, vm1, $0x2000b8;
	[tilespmem:$0x1D788] =	vst v63  }
0x814: {  	v52 =	vperm.xlane v22, v20;
	v51 =	vadd.s32 v1, v50;
	s15 =	simm.s32 $0x11500  }
0x815: {  	[tilespmem:s15], [sflag:$0x2] =	stream.indirect_vreg.gather [hbm4b:s14+s5], $0x80, v48, vm1, $0x2000b8;
	[tilespmem:$0x1D788] =	vst v63  }
0x816: {  	v22 =	vperm.xlane v22, v21;
	v53 =	vadd.s32 v1, v52;
	s21 =	simm.s32 $0x11580  }
0x817: {  	[tilespmem:s21], [sflag:$0x2] =	stream.indirect_vreg.gather [hbm4b:s14+s5], $0x80, v23, vm1, $0x2000b8;
	[tilespmem:$0x1D788] =	vst v63  }
0x818: {  	v22 =	vadd.s32 v1, v22;
	s7 =	simm.s32 $0x11600  }
0x819: {  	[tilespmem:s7], [sflag:$0x2] =	stream.indirect_vreg.gather [hbm4b:s14+s5], $0x80, v51, vm1, $0x2000b8;
	[tilespmem:$0x1D788] =	vst v63  }
0x81a: {  	s15 =	simm.s32 $0x11680  }
0x81b: {  	[tilespmem:s15], [sflag:$0x2] =	stream.indirect_vreg.gather [hbm4b:s14+s5], $0x80, v53, vm1, $0x2000b8;
	[tilespmem:$0x1D788] =	vst v63  }
0x81c: {  	s21 =	simm.s32 $0x11700  }
0x81d: {  	[tilespmem:s21], [sflag:$0x2] =	stream.indirect_vreg.gather [hbm4b:s14+s5], $0x80, v22, vm1, $0x2000b8;
	[tilespmem:$0x1D788] =	vst v63  }
0x81e: {  	v22 =	vld [tilespmem:s20+$0xFFFFFFD0];
	_ =	sdelay $0x4  }
0x81f: {  	v23 =	vshll.u32 v22, $0x1  }
0x820: {  	v22 =	vand.u32 $0x7, v22;
	v23 =	vand.u32 $0xFFFFFFF0, v23  }
0x821: {  	v22 =	vor.u32 v22, v23  }
0x822: {  	v23 =	vperm.xlane v22, v5;
	_ =	sdelay $0x1  }
0x823: {  	v54 =	vperm.xlane v22, v8;
	v23 =	vadd.s32 v1, v23;
	_ =	sdelay $0x1  }
0x824: {  	v55 =	vperm.xlane v22, v9;
	v24 =	vadd.s32 v1, v54;
	_ =	sdelay $0x1  }
0x825: {  	s7 =	simm.s32 $0x11780;
	v56 =	vperm.xlane v22, v10;
	v25 =	vadd.s32 v1, v55  }
0x826: {  	[tilespmem:s7], [sflag:$0x2] =	stream.indirect_vreg.gather [hbm4b:s14+s5], $0x80, v23, vm1, $0x2000b8;
	[tilespmem:$0x1D788] =	vst v63  }
0x827: {  	s15 =	simm.s32 $0x11800;
	v57 =	vperm.xlane v22, v11;
	v23 =	vadd.s32 v1, v56  }
0x828: {  	[tilespmem:s15], [sflag:$0x2] =	stream.indirect_vreg.gather [hbm4b:s14+s5], $0x80, v24, vm1, $0x2000b8;
	[tilespmem:$0x1D788] =	vst v63  }
0x829: {  	s21 =	simm.s32 $0x11880;
	v59 =	vperm.xlane v22, v12;
	v58 =	vadd.s32 v1, v57  }
0x82a: {  	[tilespmem:s21], [sflag:$0x2] =	stream.indirect_vreg.gather [hbm4b:s14+s5], $0x80, v25, vm1, $0x2000b8;
	[tilespmem:$0x1D788] =	vst v63  }
0x82b: {  	v61 =	vperm.xlane v22, v13;
	v60 =	vadd.s32 v1, v59;
	s7 =	simm.s32 $0x11900  }
0x82c: {  	[tilespmem:s7], [sflag:$0x2] =	stream.indirect_vreg.gather [hbm4b:s14+s5], $0x80, v23, vm1, $0x2000b8;
	[tilespmem:$0x1D788] =	vst v63  }
0x82d: {  	v62 =	vperm.xlane v22, v7;
	s15 =	simm.s32 $0x11980;
	v23 =	vadd.s32 v1, v61  }
0x82e: {  	[tilespmem:s15], [sflag:$0x2] =	stream.indirect_vreg.gather [hbm4b:s14+s5], $0x80, v58, vm1, $0x2000b8;
	[tilespmem:$0x1D788] =	vst v63  }
0x82f: {  	v28 =	vperm.xlane v22, v14;
	v63 =	vadd.s32 v1, v62;
	s21 =	simm.s32 $0x11A00  }
0x830: {  	[tilespmem:s21], [sflag:$0x2] =	stream.indirect_vreg.gather [hbm4b:s14+s5], $0x80, v60, vm1, $0x2000b8;
	[tilespmem:$0x1D788] =	vst v63  }
0x831: {  	v30 =	vperm.xlane v22, v15;
	v29 =	vadd.s32 v1, v28;
	s7 =	simm.s32 $0x11A80  }
0x832: {  	[tilespmem:s7], [sflag:$0x2] =	stream.indirect_vreg.gather [hbm4b:s14+s5], $0x80, v23, vm1, $0x2000b8;
	[tilespmem:$0x1D788] =	vst v63  }
0x833: {  	v31 =	vperm.xlane v22, v16;
	s15 =	simm.s32 $0x11B00;
	v23 =	vadd.s32 v1, v30  }
0x834: {  	[tilespmem:s15], [sflag:$0x2] =	stream.indirect_vreg.gather [hbm4b:s14+s5], $0x80, v63, vm1, $0x2000b8;
	[tilespmem:$0x1D788] =	vst v63  }
0x835: {  	v33 =	vperm.xlane v22, v17;
	v32 =	vadd.s32 v1, v31;
	s21 =	simm.s32 $0x11B80  }
0x836: {  	[tilespmem:s21], [sflag:$0x2] =	stream.indirect_vreg.gather [hbm4b:s14+s5], $0x80, v29, vm1, $0x2000b8;
	[tilespmem:$0x1D788] =	vst v63  }
0x837: {  	v35 =	vperm.xlane v22, v18;
	v34 =	vadd.s32 v1, v33;
	s7 =	simm.s32 $0x11C00  }
0x838: {  	[tilespmem:s7], [sflag:$0x2] =	stream.indirect_vreg.gather [hbm4b:s14+s5], $0x80, v23, vm1, $0x2000b8;
	[tilespmem:$0x1D788] =	vst v63  }
0x839: {  	v36 =	vperm.xlane v22, v19;
	s15 =	simm.s32 $0x11C80;
	v23 =	vadd.s32 v1, v35  }
0x83a: {  	[tilespmem:s15], [sflag:$0x2] =	stream.indirect_vreg.gather [hbm4b:s14+s5], $0x80, v32, vm1, $0x2000b8;
	[tilespmem:$0x1D788] =	vst v63  }
0x83b: {  	v38 =	vperm.xlane v22, v20;
	v37 =	vadd.s32 v1, v36;
	s21 =	simm.s32 $0x11D00  }
0x83c: {  	[tilespmem:s21], [sflag:$0x2] =	stream.indirect_vreg.gather [hbm4b:s14+s5], $0x80, v34, vm1, $0x2000b8;
	[tilespmem:$0x1D788] =	vst v63  }
0x83d: {  	v22 =	vperm.xlane v22, v21;
	v39 =	vadd.s32 v1, v38;
	s7 =	simm.s32 $0x11D80  }
0x83e: {  	[tilespmem:s7], [sflag:$0x2] =	stream.indirect_vreg.gather [hbm4b:s14+s5], $0x80, v23, vm1, $0x2000b8;
	[tilespmem:$0x1D788] =	vst v63  }
0x83f: {  	v22 =	vadd.s32 v1, v22;
	s15 =	simm.s32 $0x11E00  }
0x840: {  	[tilespmem:s15], [sflag:$0x2] =	stream.indirect_vreg.gather [hbm4b:s14+s5], $0x80, v37, vm1, $0x2000b8;
	[tilespmem:$0x1D788] =	vst v63  }
0x841: {  	s21 =	simm.s32 $0x11E80  }
0x842: {  	[tilespmem:s21], [sflag:$0x2] =	stream.indirect_vreg.gather [hbm4b:s14+s5], $0x80, v39, vm1, $0x2000b8;
	[tilespmem:$0x1D788] =	vst v63  }
0x843: {  	s7 =	simm.s32 $0x11F00  }
0x844: {  	[tilespmem:s7], [sflag:$0x2] =	stream.indirect_vreg.gather [hbm4b:s14+s5], $0x80, v22, vm1, $0x2000b8;
	[tilespmem:$0x1D788] =	vst v63  }
0x845: {  	v22 =	vld [tilespmem:s20+$0xFFFFFFE0];
	_ =	sdelay $0x4  }
0x846: {  	v23 =	vshll.u32 v22, $0x1  }
0x847: {  	v22 =	vand.u32 $0x7, v22;
	v23 =	vand.u32 $0xFFFFFFF0, v23  }
0x848: {  	v22 =	vor.u32 v22, v23  }
0x849: {  	v23 =	vperm.xlane v22, v5;
	_ =	sdelay $0x1  }
0x84a: {  	v40 =	vperm.xlane v22, v8;
	v23 =	vadd.s32 v1, v23;
	_ =	sdelay $0x1  }
0x84b: {  	v41 =	vperm.xlane v22, v9;
	v24 =	vadd.s32 v1, v40;
	_ =	sdelay $0x1  }
0x84c: {  	s15 =	simm.s32 $0x11F80;
	v42 =	vperm.xlane v22, v10;
	v25 =	vadd.s32 v1, v41  }
0x84d: {  	[tilespmem:s15], [sflag:$0x2] =	stream.indirect_vreg.gather [hbm4b:s14+s5], $0x80, v23, vm1, $0x2000b8;
	[tilespmem:$0x1D788] =	vst v63  }
0x84e: {  	s21 =	simm.s32 $0x12000;
	v43 =	vperm.xlane v22, v11;
	v23 =	vadd.s32 v1, v42  }
0x84f: {  	[tilespmem:s21], [sflag:$0x2] =	stream.indirect_vreg.gather [hbm4b:s14+s5], $0x80, v24, vm1, $0x2000b8;
	[tilespmem:$0x1D788] =	vst v63  }
0x850: {  	s7 =	simm.s32 $0x12080;
	v45 =	vperm.xlane v22, v12;
	v44 =	vadd.s32 v1, v43  }
0x851: {  	[tilespmem:s7], [sflag:$0x2] =	stream.indirect_vreg.gather [hbm4b:s14+s5], $0x80, v25, vm1, $0x2000b8;
	[tilespmem:$0x1D788] =	vst v63  }
0x852: {  	v47 =	vperm.xlane v22, v13;
	v46 =	vadd.s32 v1, v45;
	s15 =	simm.s32 $0x12100  }
0x853: {  	[tilespmem:s15], [sflag:$0x2] =	stream.indirect_vreg.gather [hbm4b:s14+s5], $0x80, v23, vm1, $0x2000b8;
	[tilespmem:$0x1D788] =	vst v63  }
0x854: {  	v48 =	vperm.xlane v22, v7;
	s21 =	simm.s32 $0x12180;
	v23 =	vadd.s32 v1, v47  }
0x855: {  	[tilespmem:s21], [sflag:$0x2] =	stream.indirect_vreg.gather [hbm4b:s14+s5], $0x80, v44, vm1, $0x2000b8;
	[tilespmem:$0x1D788] =	vst v63  }
0x856: {  	v50 =	vperm.xlane v22, v14;
	v49 =	vadd.s32 v1, v48;
	s7 =	simm.s32 $0x12200  }
0x857: {  	[tilespmem:s7], [sflag:$0x2] =	stream.indirect_vreg.gather [hbm4b:s14+s5], $0x80, v46, vm1, $0x2000b8;
	[tilespmem:$0x1D788] =	vst v63  }
0x858: {  	v52 =	vperm.xlane v22, v15;
	v51 =	vadd.s32 v1, v50;
	s15 =	simm.s32 $0x12280  }
0x859: {  	[tilespmem:s15], [sflag:$0x2] =	stream.indirect_vreg.gather [hbm4b:s14+s5], $0x80, v23, vm1, $0x2000b8;
	[tilespmem:$0x1D788] =	vst v63  }
0x85a: {  	v53 =	vperm.xlane v22, v16;
	s21 =	simm.s32 $0x12300;
	v23 =	vadd.s32 v1, v52  }
0x85b: {  	[tilespmem:s21], [sflag:$0x2] =	stream.indirect_vreg.gather [hbm4b:s14+s5], $0x80, v49, vm1, $0x2000b8;
	[tilespmem:$0x1D788] =	vst v63  }
0x85c: {  	v55 =	vperm.xlane v22, v17;
	v54 =	vadd.s32 v1, v53;
	s7 =	simm.s32 $0x12380  }
0x85d: {  	[tilespmem:s7], [sflag:$0x2] =	stream.indirect_vreg.gather [hbm4b:s14+s5], $0x80, v51, vm1, $0x2000b8;
	[tilespmem:$0x1D788] =	vst v63  }
0x85e: {  	v57 =	vperm.xlane v22, v18;
	v56 =	vadd.s32 v1, v55;
	s15 =	simm.s32 $0x12400  }
0x85f: {  	[tilespmem:s15], [sflag:$0x2] =	stream.indirect_vreg.gather [hbm4b:s14+s5], $0x80, v23, vm1, $0x2000b8;
	[tilespmem:$0x1D788] =	vst v63  }
0x860: {  	v58 =	vperm.xlane v22, v19;
	s21 =	simm.s32 $0x12480;
	v23 =	vadd.s32 v1, v57  }
0x861: {  	[tilespmem:s21], [sflag:$0x2] =	stream.indirect_vreg.gather [hbm4b:s14+s5], $0x80, v54, vm1, $0x2000b8;
	[tilespmem:$0x1D788] =	vst v63  }
0x862: {  	v60 =	vperm.xlane v22, v20;
	v59 =	vadd.s32 v1, v58;
	s7 =	simm.s32 $0x12500  }
0x863: {  	[tilespmem:s7], [sflag:$0x2] =	stream.indirect_vreg.gather [hbm4b:s14+s5], $0x80, v56, vm1, $0x2000b8;
	[tilespmem:$0x1D788] =	vst v63  }
0x864: {  	v22 =	vperm.xlane v22, v21;
	v61 =	vadd.s32 v1, v60;
	s15 =	simm.s32 $0x12580  }
0x865: {  	[tilespmem:s15], [sflag:$0x2] =	stream.indirect_vreg.gather [hbm4b:s14+s5], $0x80, v23, vm1, $0x2000b8;
	[tilespmem:$0x1D788] =	vst v63  }
0x866: {  	v22 =	vadd.s32 v1, v22;
	s21 =	simm.s32 $0x12600  }
0x867: {  	[tilespmem:s21], [sflag:$0x2] =	stream.indirect_vreg.gather [hbm4b:s14+s5], $0x80, v59, vm1, $0x2000b8;
	[tilespmem:$0x1D788] =	vst v63  }
0x868: {  	s7 =	simm.s32 $0x12680  }
0x869: {  	[tilespmem:s7], [sflag:$0x2] =	stream.indirect_vreg.gather [hbm4b:s14+s5], $0x80, v61, vm1, $0x2000b8;
	[tilespmem:$0x1D788] =	vst v63  }
0x86a: {  	s15 =	simm.s32 $0x12700  }
0x86b: {  	[tilespmem:s15], [sflag:$0x2] =	stream.indirect_vreg.gather [hbm4b:s14+s5], $0x80, v22, vm1, $0x2000b8;
	[tilespmem:$0x1D788] =	vst v63  }
0x86c: {  	v22 =	vld [tilespmem:s20+$0xFFFFFFF0];
	_ =	sdelay $0x4  }
0x86d: {  	v23 =	vshll.u32 v22, $0x1  }
0x86e: {  	v22 =	vand.u32 $0x7, v22;
	v23 =	vand.u32 $0xFFFFFFF0, v23  }
0x86f: {  	v22 =	vor.u32 v22, v23  }
0x870: {  	v23 =	vperm.xlane v22, v5;
	_ =	sdelay $0x1  }
0x871: {  	v62 =	vperm.xlane v22, v8;
	v23 =	vadd.s32 v1, v23;
	_ =	sdelay $0x1  }
0x872: {  	v63 =	vperm.xlane v22, v9;
	v24 =	vadd.s32 v1, v62;
	_ =	sdelay $0x1  }
0x873: {  	s21 =	simm.s32 $0x12780;
	v28 =	vperm.xlane v22, v10;
	v25 =	vadd.s32 v1, v63  }
0x874: {  	[tilespmem:s21], [sflag:$0x2] =	stream.indirect_vreg.gather [hbm4b:s14+s5], $0x80, v23, vm1, $0x2000b8;
	[tilespmem:$0x1D788] =	vst v63  }
0x875: {  	s7 =	simm.s32 $0x12800;
	v29 =	vperm.xlane v22, v11;
	v23 =	vadd.s32 v1, v28  }
0x876: {  	[tilespmem:s7], [sflag:$0x2] =	stream.indirect_vreg.gather [hbm4b:s14+s5], $0x80, v24, vm1, $0x2000b8;
	[tilespmem:$0x1D788] =	vst v63  }
0x877: {  	s15 =	simm.s32 $0x12880;
	v31 =	vperm.xlane v22, v12;
	v30 =	vadd.s32 v1, v29  }
0x878: {  	[tilespmem:s15], [sflag:$0x2] =	stream.indirect_vreg.gather [hbm4b:s14+s5], $0x80, v25, vm1, $0x2000b8;
	[tilespmem:$0x1D788] =	vst v63  }
0x879: {  	v33 =	vperm.xlane v22, v13;
	v32 =	vadd.s32 v1, v31;
	s21 =	simm.s32 $0x12900  }
0x87a: {  	[tilespmem:s21], [sflag:$0x2] =	stream.indirect_vreg.gather [hbm4b:s14+s5], $0x80, v23, vm1, $0x2000b8;
	[tilespmem:$0x1D788] =	vst v63  }
0x87b: {  	v34 =	vperm.xlane v22, v7;
	s7 =	simm.s32 $0x12980;
	v23 =	vadd.s32 v1, v33  }
0x87c: {  	[tilespmem:s7], [sflag:$0x2] =	stream.indirect_vreg.gather [hbm4b:s14+s5], $0x80, v30, vm1, $0x2000b8;
	[tilespmem:$0x1D788] =	vst v63  }
0x87d: {  	v36 =	vperm.xlane v22, v14;
	v35 =	vadd.s32 v1, v34;
	s15 =	simm.s32 $0x12A00  }
0x87e: {  	[tilespmem:s15], [sflag:$0x2] =	stream.indirect_vreg.gather [hbm4b:s14+s5], $0x80, v32, vm1, $0x2000b8;
	[tilespmem:$0x1D788] =	vst v63  }
0x87f: {  	v38 =	vperm.xlane v22, v15;
	v37 =	vadd.s32 v1, v36;
	s21 =	simm.s32 $0x12A80  }
0x880: {  	[tilespmem:s21], [sflag:$0x2] =	stream.indirect_vreg.gather [hbm4b:s14+s5], $0x80, v23, vm1, $0x2000b8;
	[tilespmem:$0x1D788] =	vst v63  }
0x881: {  	v39 =	vperm.xlane v22, v16;
	s7 =	simm.s32 $0x12B00;
	v23 =	vadd.s32 v1, v38  }
0x882: {  	[tilespmem:s7], [sflag:$0x2] =	stream.indirect_vreg.gather [hbm4b:s14+s5], $0x80, v35, vm1, $0x2000b8;
	[tilespmem:$0x1D788] =	vst v63  }
0x883: {  	v41 =	vperm.xlane v22, v17;
	v40 =	vadd.s32 v1, v39;
	s15 =	simm.s32 $0x12B80  }
0x884: {  	[tilespmem:s15], [sflag:$0x2] =	stream.indirect_vreg.gather [hbm4b:s14+s5], $0x80, v37, vm1, $0x2000b8;
	[tilespmem:$0x1D788] =	vst v63  }
0x885: {  	v43 =	vperm.xlane v22, v18;
	v42 =	vadd.s32 v1, v41;
	s21 =	simm.s32 $0x12C00  }
0x886: {  	[tilespmem:s21], [sflag:$0x2] =	stream.indirect_vreg.gather [hbm4b:s14+s5], $0x80, v23, vm1, $0x2000b8;
	[tilespmem:$0x1D788] =	vst v63  }
0x887: {  	v44 =	vperm.xlane v22, v19;
	s7 =	simm.s32 $0x12C80;
	v23 =	vadd.s32 v1, v43  }
0x888: {  	[tilespmem:s7], [sflag:$0x2] =	stream.indirect_vreg.gather [hbm4b:s14+s5], $0x80, v40, vm1, $0x2000b8;
	[tilespmem:$0x1D788] =	vst v63  }
0x889: {  	v46 =	vperm.xlane v22, v20;
	v45 =	vadd.s32 v1, v44;
	s15 =	simm.s32 $0x12D00  }
0x88a: {  	[tilespmem:s15], [sflag:$0x2] =	stream.indirect_vreg.gather [hbm4b:s14+s5], $0x80, v42, vm1, $0x2000b8;
	[tilespmem:$0x1D788] =	vst v63  }
0x88b: {  	v22 =	vperm.xlane v22, v21;
	v47 =	vadd.s32 v1, v46;
	s21 =	simm.s32 $0x12D80  }
0x88c: {  	[tilespmem:s21], [sflag:$0x2] =	stream.indirect_vreg.gather [hbm4b:s14+s5], $0x80, v23, vm1, $0x2000b8;
	[tilespmem:$0x1D788] =	vst v63  }
0x88d: {  	v22 =	vadd.s32 v1, v22;
	s7 =	simm.s32 $0x12E00  }
0x88e: {  	[tilespmem:s7], [sflag:$0x2] =	stream.indirect_vreg.gather [hbm4b:s14+s5], $0x80, v45, vm1, $0x2000b8;
	[tilespmem:$0x1D788] =	vst v63  }
0x88f: {  	s15 =	simm.s32 $0x12E80  }
0x890: {  	[tilespmem:s15], [sflag:$0x2] =	stream.indirect_vreg.gather [hbm4b:s14+s5], $0x80, v47, vm1, $0x2000b8;
	[tilespmem:$0x1D788] =	vst v63  }
0x891: {  	s21 =	simm.s32 $0x12F00  }
0x892: {  	[tilespmem:s21], [sflag:$0x2] =	stream.indirect_vreg.gather [hbm4b:s14+s5], $0x80, v22, vm1, $0x2000b8;
	[tilespmem:$0x1D788] =	vst v63  }
0x893: {  	v22 =	vld [tilespmem:s20+$0x0];
	_ =	sdelay $0x4  }
0x894: {  	v23 =	vshll.u32 v22, $0x1  }
0x895: {  	v22 =	vand.u32 $0x7, v22;
	v23 =	vand.u32 $0xFFFFFFF0, v23  }
0x896: {  	v22 =	vor.u32 v22, v23  }
0x897: {  	v23 =	vperm.xlane v22, v5;
	_ =	sdelay $0x1  }
0x898: {  	v48 =	vperm.xlane v22, v8;
	v23 =	vadd.s32 v1, v23;
	_ =	sdelay $0x1  }
0x899: {  	v49 =	vperm.xlane v22, v9;
	v24 =	vadd.s32 v1, v48;
	_ =	sdelay $0x1  }
0x89a: {  	s7 =	simm.s32 $0x12F80;
	v50 =	vperm.xlane v22, v10;
	v25 =	vadd.s32 v1, v49  }
0x89b: {  	[tilespmem:s7], [sflag:$0x2] =	stream.indirect_vreg.gather [hbm4b:s14+s5], $0x80, v23, vm1, $0x2000b8;
	[tilespmem:$0x1D788] =	vst v63  }
0x89c: {  	s15 =	simm.s32 $0x13000;
	v51 =	vperm.xlane v22, v11;
	v23 =	vadd.s32 v1, v50  }
0x89d: {  	[tilespmem:s15], [sflag:$0x2] =	stream.indirect_vreg.gather [hbm4b:s14+s5], $0x80, v24, vm1, $0x2000b8;
	[tilespmem:$0x1D788] =	vst v63  }
0x89e: {  	s21 =	simm.s32 $0x13080;
	v53 =	vperm.xlane v22, v12;
	v52 =	vadd.s32 v1, v51  }
0x89f: {  	[tilespmem:s21], [sflag:$0x2] =	stream.indirect_vreg.gather [hbm4b:s14+s5], $0x80, v25, vm1, $0x2000b8;
	[tilespmem:$0x1D788] =	vst v63  }
0x8a0: {  	v55 =	vperm.xlane v22, v13;
	v54 =	vadd.s32 v1, v53;
	s7 =	simm.s32 $0x13100  }
0x8a1: {  	[tilespmem:s7], [sflag:$0x2] =	stream.indirect_vreg.gather [hbm4b:s14+s5], $0x80, v23, vm1, $0x2000b8;
	[tilespmem:$0x1D788] =	vst v63  }
0x8a2: {  	v56 =	vperm.xlane v22, v7;
	s15 =	simm.s32 $0x13180;
	v23 =	vadd.s32 v1, v55  }
0x8a3: {  	[tilespmem:s15], [sflag:$0x2] =	stream.indirect_vreg.gather [hbm4b:s14+s5], $0x80, v52, vm1, $0x2000b8;
	[tilespmem:$0x1D788] =	vst v63  }
0x8a4: {  	v58 =	vperm.xlane v22, v14;
	v57 =	vadd.s32 v1, v56;
	s21 =	simm.s32 $0x13200  }
0x8a5: {  	[tilespmem:s21], [sflag:$0x2] =	stream.indirect_vreg.gather [hbm4b:s14+s5], $0x80, v54, vm1, $0x2000b8;
	[tilespmem:$0x1D788] =	vst v63  }
0x8a6: {  	v60 =	vperm.xlane v22, v15;
	v59 =	vadd.s32 v1, v58;
	s7 =	simm.s32 $0x13280  }
0x8a7: {  	[tilespmem:s7], [sflag:$0x2] =	stream.indirect_vreg.gather [hbm4b:s14+s5], $0x80, v23, vm1, $0x2000b8;
	[tilespmem:$0x1D788] =	vst v63  }
0x8a8: {  	v61 =	vperm.xlane v22, v16;
	s15 =	simm.s32 $0x13300;
	v23 =	vadd.s32 v1, v60  }
0x8a9: {  	[tilespmem:s15], [sflag:$0x2] =	stream.indirect_vreg.gather [hbm4b:s14+s5], $0x80, v57, vm1, $0x2000b8;
	[tilespmem:$0x1D788] =	vst v63  }
0x8aa: {  	v63 =	vperm.xlane v22, v17;
	v62 =	vadd.s32 v1, v61;
	s21 =	simm.s32 $0x13380  }
0x8ab: {  	[tilespmem:s21], [sflag:$0x2] =	stream.indirect_vreg.gather [hbm4b:s14+s5], $0x80, v59, vm1, $0x2000b8;
	[tilespmem:$0x1D788] =	vst v63  }
0x8ac: {  	v29 =	vperm.xlane v22, v18;
	v28 =	vadd.s32 v1, v63;
	s7 =	simm.s32 $0x13400  }
0x8ad: {  	[tilespmem:s7], [sflag:$0x2] =	stream.indirect_vreg.gather [hbm4b:s14+s5], $0x80, v23, vm1, $0x2000b8;
	[tilespmem:$0x1D788] =	vst v63  }
0x8ae: {  	v30 =	vperm.xlane v22, v19;
	s15 =	simm.s32 $0x13480;
	v23 =	vadd.s32 v1, v29  }
0x8af: {  	[tilespmem:s15], [sflag:$0x2] =	stream.indirect_vreg.gather [hbm4b:s14+s5], $0x80, v62, vm1, $0x2000b8;
	[tilespmem:$0x1D788] =	vst v63  }
0x8b0: {  	v32 =	vperm.xlane v22, v20;
	v31 =	vadd.s32 v1, v30;
	s21 =	simm.s32 $0x13500  }
0x8b1: {  	[tilespmem:s21], [sflag:$0x2] =	stream.indirect_vreg.gather [hbm4b:s14+s5], $0x80, v28, vm1, $0x2000b8;
	[tilespmem:$0x1D788] =	vst v63  }
0x8b2: {  	v22 =	vperm.xlane v22, v21;
	v33 =	vadd.s32 v1, v32;
	s7 =	simm.s32 $0x13580  }
0x8b3: {  	[tilespmem:s7], [sflag:$0x2] =	stream.indirect_vreg.gather [hbm4b:s14+s5], $0x80, v23, vm1, $0x2000b8;
	[tilespmem:$0x1D788] =	vst v63  }
0x8b4: {  	v22 =	vadd.s32 v1, v22;
	s15 =	simm.s32 $0x13600  }
0x8b5: {  	[tilespmem:s15], [sflag:$0x2] =	stream.indirect_vreg.gather [hbm4b:s14+s5], $0x80, v31, vm1, $0x2000b8;
	[tilespmem:$0x1D788] =	vst v63  }
0x8b6: {  	s21 =	simm.s32 $0x13680  }
0x8b7: {  	[tilespmem:s21], [sflag:$0x2] =	stream.indirect_vreg.gather [hbm4b:s14+s5], $0x80, v33, vm1, $0x2000b8;
	[tilespmem:$0x1D788] =	vst v63  }
0x8b8: {  	s7 =	simm.s32 $0x13700  }
0x8b9: {  	[tilespmem:s7], [sflag:$0x2] =	stream.indirect_vreg.gather [hbm4b:s14+s5], $0x80, v22, vm1, $0x2000b8;
	[tilespmem:$0x1D788] =	vst v63  }
0x8ba: {  	v22 =	vld [tilespmem:s20+$0x10];
	_ =	sdelay $0x4  }
0x8bb: {  	v23 =	vshll.u32 v22, $0x1  }
0x8bc: {  	v22 =	vand.u32 $0x7, v22;
	v23 =	vand.u32 $0xFFFFFFF0, v23  }
0x8bd: {  	v22 =	vor.u32 v22, v23  }
0x8be: {  	v23 =	vperm.xlane v22, v5;
	_ =	sdelay $0x1  }
0x8bf: {  	v34 =	vperm.xlane v22, v8;
	v23 =	vadd.s32 v1, v23;
	_ =	sdelay $0x1  }
0x8c0: {  	v35 =	vperm.xlane v22, v9;
	v24 =	vadd.s32 v1, v34;
	_ =	sdelay $0x1  }
0x8c1: {  	s15 =	simm.s32 $0x13780;
	v36 =	vperm.xlane v22, v10;
	v25 =	vadd.s32 v1, v35  }
0x8c2: {  	[tilespmem:s15], [sflag:$0x2] =	stream.indirect_vreg.gather [hbm4b:s14+s5], $0x80, v23, vm1, $0x2000b8;
	[tilespmem:$0x1D788] =	vst v63  }
0x8c3: {  	s21 =	simm.s32 $0x13800;
	v37 =	vperm.xlane v22, v11;
	v23 =	vadd.s32 v1, v36  }
0x8c4: {  	[tilespmem:s21], [sflag:$0x2] =	stream.indirect_vreg.gather [hbm4b:s14+s5], $0x80, v24, vm1, $0x2000b8;
	[tilespmem:$0x1D788] =	vst v63  }
0x8c5: {  	s7 =	simm.s32 $0x13880;
	v39 =	vperm.xlane v22, v12;
	v38 =	vadd.s32 v1, v37  }
0x8c6: {  	[tilespmem:s7], [sflag:$0x2] =	stream.indirect_vreg.gather [hbm4b:s14+s5], $0x80, v25, vm1, $0x2000b8;
	[tilespmem:$0x1D788] =	vst v63  }
0x8c7: {  	v41 =	vperm.xlane v22, v13;
	v40 =	vadd.s32 v1, v39;
	s15 =	simm.s32 $0x13900  }
0x8c8: {  	[tilespmem:s15], [sflag:$0x2] =	stream.indirect_vreg.gather [hbm4b:s14+s5], $0x80, v23, vm1, $0x2000b8;
	[tilespmem:$0x1D788] =	vst v63  }
0x8c9: {  	v42 =	vperm.xlane v22, v7;
	s21 =	simm.s32 $0x13980;
	v23 =	vadd.s32 v1, v41  }
0x8ca: {  	[tilespmem:s21], [sflag:$0x2] =	stream.indirect_vreg.gather [hbm4b:s14+s5], $0x80, v38, vm1, $0x2000b8;
	[tilespmem:$0x1D788] =	vst v63  }
0x8cb: {  	v44 =	vperm.xlane v22, v14;
	v43 =	vadd.s32 v1, v42;
	s7 =	simm.s32 $0x13A00  }
0x8cc: {  	[tilespmem:s7], [sflag:$0x2] =	stream.indirect_vreg.gather [hbm4b:s14+s5], $0x80, v40, vm1, $0x2000b8;
	[tilespmem:$0x1D788] =	vst v63  }
0x8cd: {  	v46 =	vperm.xlane v22, v15;
	v45 =	vadd.s32 v1, v44;
	s15 =	simm.s32 $0x13A80  }
0x8ce: {  	[tilespmem:s15], [sflag:$0x2] =	stream.indirect_vreg.gather [hbm4b:s14+s5], $0x80, v23, vm1, $0x2000b8;
	[tilespmem:$0x1D788] =	vst v63  }
0x8cf: {  	v47 =	vperm.xlane v22, v16;
	s21 =	simm.s32 $0x13B00;
	v23 =	vadd.s32 v1, v46  }
0x8d0: {  	[tilespmem:s21], [sflag:$0x2] =	stream.indirect_vreg.gather [hbm4b:s14+s5], $0x80, v43, vm1, $0x2000b8;
	[tilespmem:$0x1D788] =	vst v63  }
0x8d1: {  	v49 =	vperm.xlane v22, v17;
	v48 =	vadd.s32 v1, v47;
	s7 =	simm.s32 $0x13B80  }
0x8d2: {  	[tilespmem:s7], [sflag:$0x2] =	stream.indirect_vreg.gather [hbm4b:s14+s5], $0x80, v45, vm1, $0x2000b8;
	[tilespmem:$0x1D788] =	vst v63  }
0x8d3: {  	v51 =	vperm.xlane v22, v18;
	v50 =	vadd.s32 v1, v49;
	s15 =	simm.s32 $0x13C00  }
0x8d4: {  	[tilespmem:s15], [sflag:$0x2] =	stream.indirect_vreg.gather [hbm4b:s14+s5], $0x80, v23, vm1, $0x2000b8;
	[tilespmem:$0x1D788] =	vst v63  }
0x8d5: {  	v52 =	vperm.xlane v22, v19;
	s21 =	simm.s32 $0x13C80;
	v23 =	vadd.s32 v1, v51  }
0x8d6: {  	[tilespmem:s21], [sflag:$0x2] =	stream.indirect_vreg.gather [hbm4b:s14+s5], $0x80, v48, vm1, $0x2000b8;
	[tilespmem:$0x1D788] =	vst v63  }
0x8d7: {  	v54 =	vperm.xlane v22, v20;
	v53 =	vadd.s32 v1, v52;
	s7 =	simm.s32 $0x13D00  }
0x8d8: {  	[tilespmem:s7], [sflag:$0x2] =	stream.indirect_vreg.gather [hbm4b:s14+s5], $0x80, v50, vm1, $0x2000b8;
	[tilespmem:$0x1D788] =	vst v63  }
0x8d9: {  	v22 =	vperm.xlane v22, v21;
	v55 =	vadd.s32 v1, v54;
	s15 =	simm.s32 $0x13D80  }
0x8da: {  	[tilespmem:s15], [sflag:$0x2] =	stream.indirect_vreg.gather [hbm4b:s14+s5], $0x80, v23, vm1, $0x2000b8;
	[tilespmem:$0x1D788] =	vst v63  }
0x8db: {  	v22 =	vadd.s32 v1, v22;
	s21 =	simm.s32 $0x13E00  }
0x8dc: {  	[tilespmem:s21], [sflag:$0x2] =	stream.indirect_vreg.gather [hbm4b:s14+s5], $0x80, v53, vm1, $0x2000b8;
	[tilespmem:$0x1D788] =	vst v63  }
0x8dd: {  	s7 =	simm.s32 $0x13E80  }
0x8de: {  	[tilespmem:s7], [sflag:$0x2] =	stream.indirect_vreg.gather [hbm4b:s14+s5], $0x80, v55, vm1, $0x2000b8;
	[tilespmem:$0x1D788] =	vst v63  }
0x8df: {  	s15 =	simm.s32 $0x13F00  }
0x8e0: {  	[tilespmem:s15], [sflag:$0x2] =	stream.indirect_vreg.gather [hbm4b:s14+s5], $0x80, v22, vm1, $0x2000b8;
	[tilespmem:$0x1D788] =	vst v63  }
0x8e1: {  	v22 =	vld [tilespmem:s20+$0x20];
	_ =	sdelay $0x4  }
0x8e2: {  	v23 =	vshll.u32 v22, $0x1  }
0x8e3: {  	v22 =	vand.u32 $0x7, v22;
	v23 =	vand.u32 $0xFFFFFFF0, v23  }
0x8e4: {  	v22 =	vor.u32 v22, v23  }
0x8e5: {  	v23 =	vperm.xlane v22, v5;
	_ =	sdelay $0x1  }
0x8e6: {  	v56 =	vperm.xlane v22, v8;
	v23 =	vadd.s32 v1, v23;
	_ =	sdelay $0x1  }
0x8e7: {  	v57 =	vperm.xlane v22, v9;
	v24 =	vadd.s32 v1, v56;
	_ =	sdelay $0x1  }
0x8e8: {  	s21 =	simm.s32 $0x13F80;
	v58 =	vperm.xlane v22, v10;
	v25 =	vadd.s32 v1, v57  }
0x8e9: {  	[tilespmem:s21], [sflag:$0x2] =	stream.indirect_vreg.gather [hbm4b:s14+s5], $0x80, v23, vm1, $0x2000b8;
	[tilespmem:$0x1D788] =	vst v63  }
0x8ea: {  	s7 =	simm.s32 $0x14000;
	v59 =	vperm.xlane v22, v11;
	v23 =	vadd.s32 v1, v58  }
0x8eb: {  	[tilespmem:s7], [sflag:$0x2] =	stream.indirect_vreg.gather [hbm4b:s14+s5], $0x80, v24, vm1, $0x2000b8;
	[tilespmem:$0x1D788] =	vst v63  }
0x8ec: {  	s15 =	simm.s32 $0x14080;
	v61 =	vperm.xlane v22, v12;
	v60 =	vadd.s32 v1, v59  }
0x8ed: {  	[tilespmem:s15], [sflag:$0x2] =	stream.indirect_vreg.gather [hbm4b:s14+s5], $0x80, v25, vm1, $0x2000b8;
	[tilespmem:$0x1D788] =	vst v63  }
0x8ee: {  	v63 =	vperm.xlane v22, v13;
	v62 =	vadd.s32 v1, v61;
	s21 =	simm.s32 $0x14100  }
0x8ef: {  	[tilespmem:s21], [sflag:$0x2] =	stream.indirect_vreg.gather [hbm4b:s14+s5], $0x80, v23, vm1, $0x2000b8;
	[tilespmem:$0x1D788] =	vst v63  }
0x8f0: {  	v28 =	vperm.xlane v22, v7;
	s7 =	simm.s32 $0x14180;
	v23 =	vadd.s32 v1, v63  }
0x8f1: {  	[tilespmem:s7], [sflag:$0x2] =	stream.indirect_vreg.gather [hbm4b:s14+s5], $0x80, v60, vm1, $0x2000b8;
	[tilespmem:$0x1D788] =	vst v63  }
0x8f2: {  	v30 =	vperm.xlane v22, v14;
	v29 =	vadd.s32 v1, v28;
	s15 =	simm.s32 $0x14200  }
0x8f3: {  	[tilespmem:s15], [sflag:$0x2] =	stream.indirect_vreg.gather [hbm4b:s14+s5], $0x80, v62, vm1, $0x2000b8;
	[tilespmem:$0x1D788] =	vst v63  }
0x8f4: {  	v32 =	vperm.xlane v22, v15;
	v31 =	vadd.s32 v1, v30;
	s21 =	simm.s32 $0x14280  }
0x8f5: {  	[tilespmem:s21], [sflag:$0x2] =	stream.indirect_vreg.gather [hbm4b:s14+s5], $0x80, v23, vm1, $0x2000b8;
	[tilespmem:$0x1D788] =	vst v63  }
0x8f6: {  	v33 =	vperm.xlane v22, v16;
	s7 =	simm.s32 $0x14300;
	v23 =	vadd.s32 v1, v32  }
0x8f7: {  	[tilespmem:s7], [sflag:$0x2] =	stream.indirect_vreg.gather [hbm4b:s14+s5], $0x80, v29, vm1, $0x2000b8;
	[tilespmem:$0x1D788] =	vst v63  }
0x8f8: {  	v35 =	vperm.xlane v22, v17;
	v34 =	vadd.s32 v1, v33;
	s15 =	simm.s32 $0x14380  }
0x8f9: {  	[tilespmem:s15], [sflag:$0x2] =	stream.indirect_vreg.gather [hbm4b:s14+s5], $0x80, v31, vm1, $0x2000b8;
	[tilespmem:$0x1D788] =	vst v63  }
0x8fa: {  	v37 =	vperm.xlane v22, v18;
	v36 =	vadd.s32 v1, v35;
	s21 =	simm.s32 $0x14400  }
0x8fb: {  	[tilespmem:s21], [sflag:$0x2] =	stream.indirect_vreg.gather [hbm4b:s14+s5], $0x80, v23, vm1, $0x2000b8;
	[tilespmem:$0x1D788] =	vst v63  }
0x8fc: {  	v38 =	vperm.xlane v22, v19;
	s7 =	simm.s32 $0x14480;
	v23 =	vadd.s32 v1, v37  }
0x8fd: {  	[tilespmem:s7], [sflag:$0x2] =	stream.indirect_vreg.gather [hbm4b:s14+s5], $0x80, v34, vm1, $0x2000b8;
	[tilespmem:$0x1D788] =	vst v63  }
0x8fe: {  	v40 =	vperm.xlane v22, v20;
	v39 =	vadd.s32 v1, v38;
	s15 =	simm.s32 $0x14500  }
0x8ff: {  	[tilespmem:s15], [sflag:$0x2] =	stream.indirect_vreg.gather [hbm4b:s14+s5], $0x80, v36, vm1, $0x2000b8;
	[tilespmem:$0x1D788] =	vst v63  }
0x900: {  	v22 =	vperm.xlane v22, v21;
	v41 =	vadd.s32 v1, v40;
	s21 =	simm.s32 $0x14580  }
0x901: {  	[tilespmem:s21], [sflag:$0x2] =	stream.indirect_vreg.gather [hbm4b:s14+s5], $0x80, v23, vm1, $0x2000b8;
	[tilespmem:$0x1D788] =	vst v63  }
0x902: {  	v22 =	vadd.s32 v1, v22;
	s7 =	simm.s32 $0x14600  }
0x903: {  	[tilespmem:s7], [sflag:$0x2] =	stream.indirect_vreg.gather [hbm4b:s14+s5], $0x80, v39, vm1, $0x2000b8;
	[tilespmem:$0x1D788] =	vst v63  }
0x904: {  	s15 =	simm.s32 $0x14680  }
0x905: {  	[tilespmem:s15], [sflag:$0x2] =	stream.indirect_vreg.gather [hbm4b:s14+s5], $0x80, v41, vm1, $0x2000b8;
	[tilespmem:$0x1D788] =	vst v63  }
0x906: {  	s21 =	simm.s32 $0x14700  }
0x907: {  	[tilespmem:s21], [sflag:$0x2] =	stream.indirect_vreg.gather [hbm4b:s14+s5], $0x80, v22, vm1, $0x2000b8;
	[tilespmem:$0x1D788] =	vst v63  }
0x908: {  	v22 =	vld [tilespmem:s20+$0x30];
	_ =	sdelay $0x4  }
0x909: {  	v23 =	vshll.u32 v22, $0x1  }
0x90a: {  	v22 =	vand.u32 $0x7, v22;
	v23 =	vand.u32 $0xFFFFFFF0, v23  }
0x90b: {  	v22 =	vor.u32 v22, v23  }
0x90c: {  	v23 =	vperm.xlane v22, v5;
	_ =	sdelay $0x1  }
0x90d: {  	v42 =	vperm.xlane v22, v8;
	v23 =	vadd.s32 v1, v23;
	_ =	sdelay $0x1  }
0x90e: {  	v43 =	vperm.xlane v22, v9;
	v24 =	vadd.s32 v1, v42;
	_ =	sdelay $0x1  }
0x90f: {  	s7 =	simm.s32 $0x14780;
	v44 =	vperm.xlane v22, v10;
	v25 =	vadd.s32 v1, v43  }
0x910: {  	[tilespmem:s7], [sflag:$0x2] =	stream.indirect_vreg.gather [hbm4b:s14+s5], $0x80, v23, vm1, $0x2000b8;
	[tilespmem:$0x1D788] =	vst v63  }
0x911: {  	v45 =	vperm.xlane v22, v11;
	v23 =	vadd.s32 v1, v44  }
0x912: {  	[tilespmem:s12], [sflag:$0x2] =	stream.indirect_vreg.gather [hbm4b:s14+s5], $0x80, v24, vm1, $0x2000b8;
	[tilespmem:$0x1D788] =	vst v63  }
0x913: {  	v47 =	vperm.xlane v22, v12;
	v46 =	vadd.s32 v1, v45  }
0x914: {  	[tilespmem:s6], [sflag:$0x2] =	stream.indirect_vreg.gather [hbm4b:s14+s5], $0x80, v25, vm1, $0x2000b8;
	[tilespmem:$0x1D788] =	vst v63  }
0x915: {  	s15 =	simm.s32 $0x14900;
	v49 =	vperm.xlane v22, v13;
	v48 =	vadd.s32 v1, v47  }
0x916: {  	[tilespmem:s15], [sflag:$0x2] =	stream.indirect_vreg.gather [hbm4b:s14+s5], $0x80, v23, vm1, $0x2000b8;
	[tilespmem:$0x1D788] =	vst v63  }
0x917: {  	v50 =	vperm.xlane v22, v7;
	v23 =	vadd.s32 v1, v49  }
0x918: {  	[tilespmem:s9], [sflag:$0x2] =	stream.indirect_vreg.gather [hbm4b:s14+s5], $0x80, v46, vm1, $0x2000b8;
	[tilespmem:$0x1D788] =	vst v63  }
0x919: {  	s21 =	simm.s32 $0x14A00;
	v52 =	vperm.xlane v22, v14;
	v51 =	vadd.s32 v1, v50  }
0x91a: {  	[tilespmem:s21], [sflag:$0x2] =	stream.indirect_vreg.gather [hbm4b:s14+s5], $0x80, v48, vm1, $0x2000b8;
	[tilespmem:$0x1D788] =	vst v63  }
0x91b: {  	v54 =	vperm.xlane v22, v15;
	v53 =	vadd.s32 v1, v52;
	s7 =	simm.s32 $0x14A80  }
0x91c: {  	[tilespmem:s7], [sflag:$0x2] =	stream.indirect_vreg.gather [hbm4b:s14+s5], $0x80, v23, vm1, $0x2000b8;
	[tilespmem:$0x1D788] =	vst v63  }
0x91d: {  	v55 =	vperm.xlane v22, v16;
	s15 =	simm.s32 $0x14B00;
	v23 =	vadd.s32 v1, v54  }
0x91e: {  	[tilespmem:s15], [sflag:$0x2] =	stream.indirect_vreg.gather [hbm4b:s14+s5], $0x80, v51, vm1, $0x2000b8;
	[tilespmem:$0x1D788] =	vst v63  }
0x91f: {  	v57 =	vperm.xlane v22, v17;
	v56 =	vadd.s32 v1, v55  }
0x920: {  	[tilespmem:s8], [sflag:$0x2] =	stream.indirect_vreg.gather [hbm4b:s14+s5], $0x80, v53, vm1, $0x2000b8;
	[tilespmem:$0x1D788] =	vst v63  }
0x921: {  	v59 =	vperm.xlane v22, v18;
	v58 =	vadd.s32 v1, v57  }
0x922: {  	[tilespmem:s13], [sflag:$0x2] =	stream.indirect_vreg.gather [hbm4b:s14+s5], $0x80, v23, vm1, $0x2000b8;
	[tilespmem:$0x1D788] =	vst v63  }
0x923: {  	v60 =	vperm.xlane v22, v19;
	s21 =	simm.s32 $0x14C80;
	v23 =	vadd.s32 v1, v59  }
0x924: {  	[tilespmem:s21], [sflag:$0x2] =	stream.indirect_vreg.gather [hbm4b:s14+s5], $0x80, v56, vm1, $0x2000b8;
	[tilespmem:$0x1D788] =	vst v63  }
0x925: {  	v62 =	vperm.xlane v22, v20;
	v61 =	vadd.s32 v1, v60  }
0x926: {  	[tilespmem:s25], [sflag:$0x2] =	stream.indirect_vreg.gather [hbm4b:s14+s5], $0x80, v58, vm1, $0x2000b8;
	[tilespmem:$0x1D788] =	vst v63  }
0x927: {  	v22 =	vperm.xlane v22, v21;
	v63 =	vadd.s32 v1, v62  }
0x928: {  	[tilespmem:s2], [sflag:$0x2] =	stream.indirect_vreg.gather [hbm4b:s14+s5], $0x80, v23, vm1, $0x2000b8;
	[tilespmem:$0x1D788] =	vst v63  }
0x929: {  	v22 =	vadd.s32 v1, v22  }
0x92a: {  	[tilespmem:s26], [sflag:$0x2] =	stream.indirect_vreg.gather [hbm4b:s14+s5], $0x80, v61, vm1, $0x2000b8;
	[tilespmem:$0x1D788] =	vst v63  }
0x92b: {  	_ = 	snop  }
0x92c: {  	[tilespmem:s23], [sflag:$0x2] =	stream.indirect_vreg.gather [hbm4b:s14+s5], $0x80, v63, vm1, $0x2000b8;
	[tilespmem:$0x1D788] =	vst v63  }
0x92d: {  	_ = 	snop  }
0x92e: {  	[tilespmem:s24], [sflag:$0x2] =	stream.indirect_vreg.gather [hbm4b:s14+s5], $0x80, v22, vm1, $0x2000b8;
	[tilespmem:$0x1D788] =	vst v63  }
.LBB2_28:
0x92f: {  	_ =	swait.ge [sflag:s1], $0x4000  }
0x930: {  	[sflag:s1] =	ssyncset.done $0x0  }
0x931: {  	[sflag:s1] =	ssyncadd.s32 $0xFFFFC000  }
0x932: {  	[spmem:s30] =	stream.indirect.scatter.add.f32 [tilespmem:s4], [sflag:$0x6], $0x80, s18, s29, $0x2000b8;
	[tilespmem:$0x1D788] =	vst v63  }
0x933: {  	_ =	swait.ge [sflag:s10], $0x4000  }
0x934: {  	[sflag:s10] =	ssyncset.done $0x0  }
0x935: {  	[sflag:s10] =	ssyncadd.s32 $0xFFFFC000  }
0x936: {  	s0 =	simm.s32 @!p0 $0x80;
	s21 =	simm.s32 @!p0 $0x14F80;
	s15 =	rddreg [dreg:$0x6]  }
0x937: {  	[spmem:s15] =	stream.indirect.scatter.add.f32 @!p0 [tilespmem:s21], [sflag:$0x6], $0x1, s18, s0, $0x2000b8;
	[tilespmem:$0x1D788] =	vst v63  }
.Ltmp19:
0x938: {  	_ = 	snop;
	(pc) =	sbr.rel @p1 .LBB2_32-.Ltmp19, $4  }
0x939: {  	s0 =	simm.s32 @!p0 $0x6  }
0x93a: {  	_ =	swait.ge @!p0 [sflag:s0], $0x80  }
0x93b: {  	[sflag:s0] =	ssyncset.done @!p0 $0x0  }
0x93c: {  	[sflag:s0] =	ssyncadd.s32 @!p0 $0xFFFFFF80  }
0x93d: {  	p1 =	sge.s32 s19, s16  }
.Ltmp20:
0x93e: {  	_ = 	snop;
	(pc) =	sbr.rel @p1 .LBB2_31-.Ltmp20, $1  }
0x93f: {  	_ =	sdelay $0x3  }
0x940: {  	v22 =	vld [tilespmem:s20+$0x40];
	_ =	sdelay $0x4  }
0x941: {  	v23 =	vshll.u32 v22, $0x1  }
0x942: {  	v22 =	vand.u32 $0x7, v22;
	v23 =	vand.u32 $0xFFFFFFF0, v23  }
0x943: {  	v22 =	vor.u32 v22, v23  }
0x944: {  	v23 =	vperm.xlane v22, v5;
	_ =	sdelay $0x1  }
0x945: {  	v24 =	vperm.xlane v22, v8;
	v23 =	vadd.s32 v1, v23;
	_ =	sdelay $0x1  }
0x946: {  	v25 =	vperm.xlane v22, v9;
	v24 =	vadd.s32 v1, v24;
	_ =	sdelay $0x1  }
0x947: {  	vm1 =	vmmov $0x1;
	v26 =	vperm.xlane v22, v10;
	v25 =	vadd.s32 v1, v25  }
0x948: {  	[tilespmem:s4], [sflag:$0x1] =	stream.indirect_vreg.gather [hbm4b:s14+s5], $0x80, v23, vm1, $0x2000b8;
	[tilespmem:$0x1D788] =	vst v63  }
0x949: {  	s0 =	simm.s32 $0xD000;
	v35 =	vperm.xlane v22, v11;
	v23 =	vadd.s32 v1, v26  }
0x94a: {  	[tilespmem:s0], [sflag:$0x1] =	stream.indirect_vreg.gather [hbm4b:s14+s5], $0x80, v24, vm1, $0x2000b8;
	[tilespmem:$0x1D788] =	vst v63  }
0x94b: {  	s7 =	simm.s32 $0xD080;
	v37 =	vperm.xlane v22, v12;
	v36 =	vadd.s32 v1, v35  }
0x94c: {  	[tilespmem:s7], [sflag:$0x1] =	stream.indirect_vreg.gather [hbm4b:s14+s5], $0x80, v25, vm1, $0x2000b8;
	[tilespmem:$0x1D788] =	vst v63  }
0x94d: {  	s15 =	simm.s32 $0xD100;
	v39 =	vperm.xlane v22, v13;
	v38 =	vadd.s32 v1, v37  }
0x94e: {  	[tilespmem:s15], [sflag:$0x1] =	stream.indirect_vreg.gather [hbm4b:s14+s5], $0x80, v23, vm1, $0x2000b8;
	[tilespmem:$0x1D788] =	vst v63  }
0x94f: {  	s21 =	simm.s32 $0xD180;
	v40 =	vperm.xlane v22, v7;
	v23 =	vadd.s32 v1, v39  }
0x950: {  	[tilespmem:s21], [sflag:$0x1] =	stream.indirect_vreg.gather [hbm4b:s14+s5], $0x80, v36, vm1, $0x2000b8;
	[tilespmem:$0x1D788] =	vst v63  }
0x951: {  	v42 =	vperm.xlane v22, v14;
	v41 =	vadd.s32 v1, v40;
	s7 =	simm.s32 $0xD200  }
0x952: {  	[tilespmem:s7], [sflag:$0x1] =	stream.indirect_vreg.gather [hbm4b:s14+s5], $0x80, v38, vm1, $0x2000b8;
	[tilespmem:$0x1D788] =	vst v63  }
0x953: {  	v44 =	vperm.xlane v22, v15;
	v43 =	vadd.s32 v1, v42;
	s15 =	simm.s32 $0xD280  }
0x954: {  	[tilespmem:s15], [sflag:$0x1] =	stream.indirect_vreg.gather [hbm4b:s14+s5], $0x80, v23, vm1, $0x2000b8;
	[tilespmem:$0x1D788] =	vst v63  }
0x955: {  	v45 =	vperm.xlane v22, v16;
	s21 =	simm.s32 $0xD300;
	v23 =	vadd.s32 v1, v44  }
0x956: {  	[tilespmem:s21], [sflag:$0x1] =	stream.indirect_vreg.gather [hbm4b:s14+s5], $0x80, v41, vm1, $0x2000b8;
	[tilespmem:$0x1D788] =	vst v63  }
0x957: {  	v47 =	vperm.xlane v22, v17;
	v46 =	vadd.s32 v1, v45;
	s7 =	simm.s32 $0xD380  }
0x958: {  	[tilespmem:s7], [sflag:$0x1] =	stream.indirect_vreg.gather [hbm4b:s14+s5], $0x80, v43, vm1, $0x2000b8;
	[tilespmem:$0x1D788] =	vst v63  }
0x959: {  	v49 =	vperm.xlane v22, v18;
	v48 =	vadd.s32 v1, v47;
	s15 =	simm.s32 $0xD400  }
0x95a: {  	[tilespmem:s15], [sflag:$0x1] =	stream.indirect_vreg.gather [hbm4b:s14+s5], $0x80, v23, vm1, $0x2000b8;
	[tilespmem:$0x1D788] =	vst v63  }
0x95b: {  	v50 =	vperm.xlane v22, v19;
	s21 =	simm.s32 $0xD480;
	v23 =	vadd.s32 v1, v49  }
0x95c: {  	[tilespmem:s21], [sflag:$0x1] =	stream.indirect_vreg.gather [hbm4b:s14+s5], $0x80, v46, vm1, $0x2000b8;
	[tilespmem:$0x1D788] =	vst v63  }
0x95d: {  	v52 =	vperm.xlane v22, v20;
	v51 =	vadd.s32 v1, v50;
	s7 =	simm.s32 $0xD500  }
0x95e: {  	[tilespmem:s7], [sflag:$0x1] =	stream.indirect_vreg.gather [hbm4b:s14+s5], $0x80, v48, vm1, $0x2000b8;
	[tilespmem:$0x1D788] =	vst v63  }
0x95f: {  	v22 =	vperm.xlane v22, v21;
	v53 =	vadd.s32 v1, v52;
	s15 =	simm.s32 $0xD580  }
0x960: {  	[tilespmem:s15], [sflag:$0x1] =	stream.indirect_vreg.gather [hbm4b:s14+s5], $0x80, v23, vm1, $0x2000b8;
	[tilespmem:$0x1D788] =	vst v63  }
0x961: {  	v22 =	vadd.s32 v1, v22;
	s21 =	simm.s32 $0xD600  }
0x962: {  	[tilespmem:s21], [sflag:$0x1] =	stream.indirect_vreg.gather [hbm4b:s14+s5], $0x80, v51, vm1, $0x2000b8;
	[tilespmem:$0x1D788] =	vst v63  }
0x963: {  	s7 =	simm.s32 $0xD680  }
0x964: {  	[tilespmem:s7], [sflag:$0x1] =	stream.indirect_vreg.gather [hbm4b:s14+s5], $0x80, v53, vm1, $0x2000b8;
	[tilespmem:$0x1D788] =	vst v63  }
0x965: {  	s15 =	simm.s32 $0xD700  }
0x966: {  	[tilespmem:s15], [sflag:$0x1] =	stream.indirect_vreg.gather [hbm4b:s14+s5], $0x80, v22, vm1, $0x2000b8;
	[tilespmem:$0x1D788] =	vst v63  }
0x967: {  	v22 =	vld [tilespmem:s20+$0x50];
	_ =	sdelay $0x4  }
0x968: {  	v23 =	vshll.u32 v22, $0x1  }
0x969: {  	v22 =	vand.u32 $0x7, v22;
	v23 =	vand.u32 $0xFFFFFFF0, v23  }
0x96a: {  	v22 =	vor.u32 v22, v23  }
0x96b: {  	v23 =	vperm.xlane v22, v5;
	_ =	sdelay $0x1  }
0x96c: {  	v54 =	vperm.xlane v22, v8;
	v23 =	vadd.s32 v1, v23;
	_ =	sdelay $0x1  }
0x96d: {  	v55 =	vperm.xlane v22, v9;
	v24 =	vadd.s32 v1, v54;
	_ =	sdelay $0x1  }
0x96e: {  	s21 =	simm.s32 $0xD780;
	v56 =	vperm.xlane v22, v10;
	v25 =	vadd.s32 v1, v55  }
0x96f: {  	[tilespmem:s21], [sflag:$0x1] =	stream.indirect_vreg.gather [hbm4b:s14+s5], $0x80, v23, vm1, $0x2000b8;
	[tilespmem:$0x1D788] =	vst v63  }
0x970: {  	s7 =	simm.s32 $0xD800;
	v57 =	vperm.xlane v22, v11;
	v23 =	vadd.s32 v1, v56  }
0x971: {  	[tilespmem:s7], [sflag:$0x1] =	stream.indirect_vreg.gather [hbm4b:s14+s5], $0x80, v24, vm1, $0x2000b8;
	[tilespmem:$0x1D788] =	vst v63  }
0x972: {  	s15 =	simm.s32 $0xD880;
	v59 =	vperm.xlane v22, v12;
	v58 =	vadd.s32 v1, v57  }
0x973: {  	[tilespmem:s15], [sflag:$0x1] =	stream.indirect_vreg.gather [hbm4b:s14+s5], $0x80, v25, vm1, $0x2000b8;
	[tilespmem:$0x1D788] =	vst v63  }
0x974: {  	v61 =	vperm.xlane v22, v13;
	v60 =	vadd.s32 v1, v59;
	s21 =	simm.s32 $0xD900  }
0x975: {  	[tilespmem:s21], [sflag:$0x1] =	stream.indirect_vreg.gather [hbm4b:s14+s5], $0x80, v23, vm1, $0x2000b8;
	[tilespmem:$0x1D788] =	vst v63  }
0x976: {  	v62 =	vperm.xlane v22, v7;
	s7 =	simm.s32 $0xD980;
	v23 =	vadd.s32 v1, v61  }
0x977: {  	[tilespmem:s7], [sflag:$0x1] =	stream.indirect_vreg.gather [hbm4b:s14+s5], $0x80, v58, vm1, $0x2000b8;
	[tilespmem:$0x1D788] =	vst v63  }
0x978: {  	v28 =	vperm.xlane v22, v14;
	v63 =	vadd.s32 v1, v62;
	s15 =	simm.s32 $0xDA00  }
0x979: {  	[tilespmem:s15], [sflag:$0x1] =	stream.indirect_vreg.gather [hbm4b:s14+s5], $0x80, v60, vm1, $0x2000b8;
	[tilespmem:$0x1D788] =	vst v63  }
0x97a: {  	v30 =	vperm.xlane v22, v15;
	v29 =	vadd.s32 v1, v28;
	s21 =	simm.s32 $0xDA80  }
0x97b: {  	[tilespmem:s21], [sflag:$0x1] =	stream.indirect_vreg.gather [hbm4b:s14+s5], $0x80, v23, vm1, $0x2000b8;
	[tilespmem:$0x1D788] =	vst v63  }
0x97c: {  	v31 =	vperm.xlane v22, v16;
	s7 =	simm.s32 $0xDB00;
	v23 =	vadd.s32 v1, v30  }
0x97d: {  	[tilespmem:s7], [sflag:$0x1] =	stream.indirect_vreg.gather [hbm4b:s14+s5], $0x80, v63, vm1, $0x2000b8;
	[tilespmem:$0x1D788] =	vst v63  }
0x97e: {  	v33 =	vperm.xlane v22, v17;
	v32 =	vadd.s32 v1, v31;
	s15 =	simm.s32 $0xDB80  }
0x97f: {  	[tilespmem:s15], [sflag:$0x1] =	stream.indirect_vreg.gather [hbm4b:s14+s5], $0x80, v29, vm1, $0x2000b8;
	[tilespmem:$0x1D788] =	vst v63  }
0x980: {  	v35 =	vperm.xlane v22, v18;
	v34 =	vadd.s32 v1, v33;
	s21 =	simm.s32 $0xDC00  }
0x981: {  	[tilespmem:s21], [sflag:$0x1] =	stream.indirect_vreg.gather [hbm4b:s14+s5], $0x80, v23, vm1, $0x2000b8;
	[tilespmem:$0x1D788] =	vst v63  }
0x982: {  	v36 =	vperm.xlane v22, v19;
	s7 =	simm.s32 $0xDC80;
	v23 =	vadd.s32 v1, v35  }
0x983: {  	[tilespmem:s7], [sflag:$0x1] =	stream.indirect_vreg.gather [hbm4b:s14+s5], $0x80, v32, vm1, $0x2000b8;
	[tilespmem:$0x1D788] =	vst v63  }
0x984: {  	v38 =	vperm.xlane v22, v20;
	v37 =	vadd.s32 v1, v36;
	s15 =	simm.s32 $0xDD00  }
0x985: {  	[tilespmem:s15], [sflag:$0x1] =	stream.indirect_vreg.gather [hbm4b:s14+s5], $0x80, v34, vm1, $0x2000b8;
	[tilespmem:$0x1D788] =	vst v63  }
0x986: {  	v22 =	vperm.xlane v22, v21;
	v39 =	vadd.s32 v1, v38;
	s21 =	simm.s32 $0xDD80  }
0x987: {  	[tilespmem:s21], [sflag:$0x1] =	stream.indirect_vreg.gather [hbm4b:s14+s5], $0x80, v23, vm1, $0x2000b8;
	[tilespmem:$0x1D788] =	vst v63  }
0x988: {  	v22 =	vadd.s32 v1, v22;
	s7 =	simm.s32 $0xDE00  }
0x989: {  	[tilespmem:s7], [sflag:$0x1] =	stream.indirect_vreg.gather [hbm4b:s14+s5], $0x80, v37, vm1, $0x2000b8;
	[tilespmem:$0x1D788] =	vst v63  }
0x98a: {  	s15 =	simm.s32 $0xDE80  }
0x98b: {  	[tilespmem:s15], [sflag:$0x1] =	stream.indirect_vreg.gather [hbm4b:s14+s5], $0x80, v39, vm1, $0x2000b8;
	[tilespmem:$0x1D788] =	vst v63  }
0x98c: {  	s21 =	simm.s32 $0xDF00  }
0x98d: {  	[tilespmem:s21], [sflag:$0x1] =	stream.indirect_vreg.gather [hbm4b:s14+s5], $0x80, v22, vm1, $0x2000b8;
	[tilespmem:$0x1D788] =	vst v63  }
0x98e: {  	v22 =	vld [tilespmem:s20+$0x60];
	_ =	sdelay $0x4  }
0x98f: {  	v23 =	vshll.u32 v22, $0x1  }
0x990: {  	v22 =	vand.u32 $0x7, v22;
	v23 =	vand.u32 $0xFFFFFFF0, v23  }
0x991: {  	v22 =	vor.u32 v22, v23  }
0x992: {  	v23 =	vperm.xlane v22, v5;
	_ =	sdelay $0x1  }
0x993: {  	v40 =	vperm.xlane v22, v8;
	v23 =	vadd.s32 v1, v23;
	_ =	sdelay $0x1  }
0x994: {  	v41 =	vperm.xlane v22, v9;
	v24 =	vadd.s32 v1, v40;
	_ =	sdelay $0x1  }
0x995: {  	s7 =	simm.s32 $0xDF80;
	v42 =	vperm.xlane v22, v10;
	v25 =	vadd.s32 v1, v41  }
0x996: {  	[tilespmem:s7], [sflag:$0x1] =	stream.indirect_vreg.gather [hbm4b:s14+s5], $0x80, v23, vm1, $0x2000b8;
	[tilespmem:$0x1D788] =	vst v63  }
0x997: {  	s15 =	simm.s32 $0xE000;
	v43 =	vperm.xlane v22, v11;
	v23 =	vadd.s32 v1, v42  }
0x998: {  	[tilespmem:s15], [sflag:$0x1] =	stream.indirect_vreg.gather [hbm4b:s14+s5], $0x80, v24, vm1, $0x2000b8;
	[tilespmem:$0x1D788] =	vst v63  }
0x999: {  	s21 =	simm.s32 $0xE080;
	v45 =	vperm.xlane v22, v12;
	v44 =	vadd.s32 v1, v43  }
0x99a: {  	[tilespmem:s21], [sflag:$0x1] =	stream.indirect_vreg.gather [hbm4b:s14+s5], $0x80, v25, vm1, $0x2000b8;
	[tilespmem:$0x1D788] =	vst v63  }
0x99b: {  	v47 =	vperm.xlane v22, v13;
	v46 =	vadd.s32 v1, v45;
	s7 =	simm.s32 $0xE100  }
0x99c: {  	[tilespmem:s7], [sflag:$0x1] =	stream.indirect_vreg.gather [hbm4b:s14+s5], $0x80, v23, vm1, $0x2000b8;
	[tilespmem:$0x1D788] =	vst v63  }
0x99d: {  	v48 =	vperm.xlane v22, v7;
	s15 =	simm.s32 $0xE180;
	v23 =	vadd.s32 v1, v47  }
0x99e: {  	[tilespmem:s15], [sflag:$0x1] =	stream.indirect_vreg.gather [hbm4b:s14+s5], $0x80, v44, vm1, $0x2000b8;
	[tilespmem:$0x1D788] =	vst v63  }
0x99f: {  	v50 =	vperm.xlane v22, v14;
	v49 =	vadd.s32 v1, v48;
	s21 =	simm.s32 $0xE200  }
0x9a0: {  	[tilespmem:s21], [sflag:$0x1] =	stream.indirect_vreg.gather [hbm4b:s14+s5], $0x80, v46, vm1, $0x2000b8;
	[tilespmem:$0x1D788] =	vst v63  }
0x9a1: {  	v52 =	vperm.xlane v22, v15;
	v51 =	vadd.s32 v1, v50;
	s7 =	simm.s32 $0xE280  }
0x9a2: {  	[tilespmem:s7], [sflag:$0x1] =	stream.indirect_vreg.gather [hbm4b:s14+s5], $0x80, v23, vm1, $0x2000b8;
	[tilespmem:$0x1D788] =	vst v63  }
0x9a3: {  	v53 =	vperm.xlane v22, v16;
	s15 =	simm.s32 $0xE300;
	v23 =	vadd.s32 v1, v52  }
0x9a4: {  	[tilespmem:s15], [sflag:$0x1] =	stream.indirect_vreg.gather [hbm4b:s14+s5], $0x80, v49, vm1, $0x2000b8;
	[tilespmem:$0x1D788] =	vst v63  }
0x9a5: {  	v55 =	vperm.xlane v22, v17;
	v54 =	vadd.s32 v1, v53;
	s21 =	simm.s32 $0xE380  }
0x9a6: {  	[tilespmem:s21], [sflag:$0x1] =	stream.indirect_vreg.gather [hbm4b:s14+s5], $0x80, v51, vm1, $0x2000b8;
	[tilespmem:$0x1D788] =	vst v63  }
0x9a7: {  	v57 =	vperm.xlane v22, v18;
	v56 =	vadd.s32 v1, v55;
	s7 =	simm.s32 $0xE400  }
0x9a8: {  	[tilespmem:s7], [sflag:$0x1] =	stream.indirect_vreg.gather [hbm4b:s14+s5], $0x80, v23, vm1, $0x2000b8;
	[tilespmem:$0x1D788] =	vst v63  }
0x9a9: {  	v58 =	vperm.xlane v22, v19;
	s15 =	simm.s32 $0xE480;
	v23 =	vadd.s32 v1, v57  }
0x9aa: {  	[tilespmem:s15], [sflag:$0x1] =	stream.indirect_vreg.gather [hbm4b:s14+s5], $0x80, v54, vm1, $0x2000b8;
	[tilespmem:$0x1D788] =	vst v63  }
0x9ab: {  	v60 =	vperm.xlane v22, v20;
	v59 =	vadd.s32 v1, v58;
	s21 =	simm.s32 $0xE500  }
0x9ac: {  	[tilespmem:s21], [sflag:$0x1] =	stream.indirect_vreg.gather [hbm4b:s14+s5], $0x80, v56, vm1, $0x2000b8;
	[tilespmem:$0x1D788] =	vst v63  }
0x9ad: {  	v22 =	vperm.xlane v22, v21;
	v61 =	vadd.s32 v1, v60;
	s7 =	simm.s32 $0xE580  }
0x9ae: {  	[tilespmem:s7], [sflag:$0x1] =	stream.indirect_vreg.gather [hbm4b:s14+s5], $0x80, v23, vm1, $0x2000b8;
	[tilespmem:$0x1D788] =	vst v63  }
0x9af: {  	v22 =	vadd.s32 v1, v22;
	s15 =	simm.s32 $0xE600  }
0x9b0: {  	[tilespmem:s15], [sflag:$0x1] =	stream.indirect_vreg.gather [hbm4b:s14+s5], $0x80, v59, vm1, $0x2000b8;
	[tilespmem:$0x1D788] =	vst v63  }
0x9b1: {  	s21 =	simm.s32 $0xE680  }
0x9b2: {  	[tilespmem:s21], [sflag:$0x1] =	stream.indirect_vreg.gather [hbm4b:s14+s5], $0x80, v61, vm1, $0x2000b8;
	[tilespmem:$0x1D788] =	vst v63  }
0x9b3: {  	s7 =	simm.s32 $0xE700  }
0x9b4: {  	[tilespmem:s7], [sflag:$0x1] =	stream.indirect_vreg.gather [hbm4b:s14+s5], $0x80, v22, vm1, $0x2000b8;
	[tilespmem:$0x1D788] =	vst v63  }
0x9b5: {  	v22 =	vld [tilespmem:s20+$0x70];
	_ =	sdelay $0x4  }
0x9b6: {  	v23 =	vshll.u32 v22, $0x1  }
0x9b7: {  	v22 =	vand.u32 $0x7, v22;
	v23 =	vand.u32 $0xFFFFFFF0, v23  }
0x9b8: {  	v22 =	vor.u32 v22, v23  }
0x9b9: {  	v23 =	vperm.xlane v22, v5;
	_ =	sdelay $0x1  }
0x9ba: {  	v62 =	vperm.xlane v22, v8;
	v23 =	vadd.s32 v1, v23;
	_ =	sdelay $0x1  }
0x9bb: {  	v63 =	vperm.xlane v22, v9;
	v24 =	vadd.s32 v1, v62;
	_ =	sdelay $0x1  }
0x9bc: {  	s15 =	simm.s32 $0xE780;
	v28 =	vperm.xlane v22, v10;
	v25 =	vadd.s32 v1, v63  }
0x9bd: {  	[tilespmem:s15], [sflag:$0x1] =	stream.indirect_vreg.gather [hbm4b:s14+s5], $0x80, v23, vm1, $0x2000b8;
	[tilespmem:$0x1D788] =	vst v63  }
0x9be: {  	s21 =	simm.s32 $0xE800;
	v29 =	vperm.xlane v22, v11;
	v23 =	vadd.s32 v1, v28  }
0x9bf: {  	[tilespmem:s21], [sflag:$0x1] =	stream.indirect_vreg.gather [hbm4b:s14+s5], $0x80, v24, vm1, $0x2000b8;
	[tilespmem:$0x1D788] =	vst v63  }
0x9c0: {  	s7 =	simm.s32 $0xE880;
	v31 =	vperm.xlane v22, v12;
	v30 =	vadd.s32 v1, v29  }
0x9c1: {  	[tilespmem:s7], [sflag:$0x1] =	stream.indirect_vreg.gather [hbm4b:s14+s5], $0x80, v25, vm1, $0x2000b8;
	[tilespmem:$0x1D788] =	vst v63  }
0x9c2: {  	v33 =	vperm.xlane v22, v13;
	v32 =	vadd.s32 v1, v31;
	s15 =	simm.s32 $0xE900  }
0x9c3: {  	[tilespmem:s15], [sflag:$0x1] =	stream.indirect_vreg.gather [hbm4b:s14+s5], $0x80, v23, vm1, $0x2000b8;
	[tilespmem:$0x1D788] =	vst v63  }
0x9c4: {  	v34 =	vperm.xlane v22, v7;
	s21 =	simm.s32 $0xE980;
	v23 =	vadd.s32 v1, v33  }
0x9c5: {  	[tilespmem:s21], [sflag:$0x1] =	stream.indirect_vreg.gather [hbm4b:s14+s5], $0x80, v30, vm1, $0x2000b8;
	[tilespmem:$0x1D788] =	vst v63  }
0x9c6: {  	v36 =	vperm.xlane v22, v14;
	v35 =	vadd.s32 v1, v34;
	s7 =	simm.s32 $0xEA00  }
0x9c7: {  	[tilespmem:s7], [sflag:$0x1] =	stream.indirect_vreg.gather [hbm4b:s14+s5], $0x80, v32, vm1, $0x2000b8;
	[tilespmem:$0x1D788] =	vst v63  }
0x9c8: {  	v38 =	vperm.xlane v22, v15;
	v37 =	vadd.s32 v1, v36;
	s15 =	simm.s32 $0xEA80  }
0x9c9: {  	[tilespmem:s15], [sflag:$0x1] =	stream.indirect_vreg.gather [hbm4b:s14+s5], $0x80, v23, vm1, $0x2000b8;
	[tilespmem:$0x1D788] =	vst v63  }
0x9ca: {  	v39 =	vperm.xlane v22, v16;
	s21 =	simm.s32 $0xEB00;
	v23 =	vadd.s32 v1, v38  }
0x9cb: {  	[tilespmem:s21], [sflag:$0x1] =	stream.indirect_vreg.gather [hbm4b:s14+s5], $0x80, v35, vm1, $0x2000b8;
	[tilespmem:$0x1D788] =	vst v63  }
0x9cc: {  	v41 =	vperm.xlane v22, v17;
	v40 =	vadd.s32 v1, v39;
	s7 =	simm.s32 $0xEB80  }
0x9cd: {  	[tilespmem:s7], [sflag:$0x1] =	stream.indirect_vreg.gather [hbm4b:s14+s5], $0x80, v37, vm1, $0x2000b8;
	[tilespmem:$0x1D788] =	vst v63  }
0x9ce: {  	v43 =	vperm.xlane v22, v18;
	v42 =	vadd.s32 v1, v41;
	s15 =	simm.s32 $0xEC00  }
0x9cf: {  	[tilespmem:s15], [sflag:$0x1] =	stream.indirect_vreg.gather [hbm4b:s14+s5], $0x80, v23, vm1, $0x2000b8;
	[tilespmem:$0x1D788] =	vst v63  }
0x9d0: {  	v44 =	vperm.xlane v22, v19;
	s21 =	simm.s32 $0xEC80;
	v23 =	vadd.s32 v1, v43  }
0x9d1: {  	[tilespmem:s21], [sflag:$0x1] =	stream.indirect_vreg.gather [hbm4b:s14+s5], $0x80, v40, vm1, $0x2000b8;
	[tilespmem:$0x1D788] =	vst v63  }
0x9d2: {  	v46 =	vperm.xlane v22, v20;
	v45 =	vadd.s32 v1, v44;
	s7 =	simm.s32 $0xED00  }
0x9d3: {  	[tilespmem:s7], [sflag:$0x1] =	stream.indirect_vreg.gather [hbm4b:s14+s5], $0x80, v42, vm1, $0x2000b8;
	[tilespmem:$0x1D788] =	vst v63  }
0x9d4: {  	v22 =	vperm.xlane v22, v21;
	v47 =	vadd.s32 v1, v46;
	s15 =	simm.s32 $0xED80  }
0x9d5: {  	[tilespmem:s15], [sflag:$0x1] =	stream.indirect_vreg.gather [hbm4b:s14+s5], $0x80, v23, vm1, $0x2000b8;
	[tilespmem:$0x1D788] =	vst v63  }
0x9d6: {  	v22 =	vadd.s32 v1, v22;
	s21 =	simm.s32 $0xEE00  }
0x9d7: {  	[tilespmem:s21], [sflag:$0x1] =	stream.indirect_vreg.gather [hbm4b:s14+s5], $0x80, v45, vm1, $0x2000b8;
	[tilespmem:$0x1D788] =	vst v63  }
0x9d8: {  	s7 =	simm.s32 $0xEE80  }
0x9d9: {  	[tilespmem:s7], [sflag:$0x1] =	stream.indirect_vreg.gather [hbm4b:s14+s5], $0x80, v47, vm1, $0x2000b8;
	[tilespmem:$0x1D788] =	vst v63  }
0x9da: {  	s15 =	simm.s32 $0xEF00  }
0x9db: {  	[tilespmem:s15], [sflag:$0x1] =	stream.indirect_vreg.gather [hbm4b:s14+s5], $0x80, v22, vm1, $0x2000b8;
	[tilespmem:$0x1D788] =	vst v63  }
0x9dc: {  	v22 =	vld [tilespmem:s20+$0x80];
	_ =	sdelay $0x4  }
0x9dd: {  	v23 =	vshll.u32 v22, $0x1  }
0x9de: {  	v22 =	vand.u32 $0x7, v22;
	v23 =	vand.u32 $0xFFFFFFF0, v23  }
0x9df: {  	v22 =	vor.u32 v22, v23  }
0x9e0: {  	v23 =	vperm.xlane v22, v5;
	_ =	sdelay $0x1  }
0x9e1: {  	v48 =	vperm.xlane v22, v8;
	v23 =	vadd.s32 v1, v23;
	_ =	sdelay $0x1  }
0x9e2: {  	v49 =	vperm.xlane v22, v9;
	v24 =	vadd.s32 v1, v48;
	_ =	sdelay $0x1  }
0x9e3: {  	s21 =	simm.s32 $0xEF80;
	v50 =	vperm.xlane v22, v10;
	v25 =	vadd.s32 v1, v49  }
0x9e4: {  	[tilespmem:s21], [sflag:$0x1] =	stream.indirect_vreg.gather [hbm4b:s14+s5], $0x80, v23, vm1, $0x2000b8;
	[tilespmem:$0x1D788] =	vst v63  }
0x9e5: {  	s7 =	simm.s32 $0xF000;
	v51 =	vperm.xlane v22, v11;
	v23 =	vadd.s32 v1, v50  }
0x9e6: {  	[tilespmem:s7], [sflag:$0x1] =	stream.indirect_vreg.gather [hbm4b:s14+s5], $0x80, v24, vm1, $0x2000b8;
	[tilespmem:$0x1D788] =	vst v63  }
0x9e7: {  	s15 =	simm.s32 $0xF080;
	v53 =	vperm.xlane v22, v12;
	v52 =	vadd.s32 v1, v51  }
0x9e8: {  	[tilespmem:s15], [sflag:$0x1] =	stream.indirect_vreg.gather [hbm4b:s14+s5], $0x80, v25, vm1, $0x2000b8;
	[tilespmem:$0x1D788] =	vst v63  }
0x9e9: {  	v55 =	vperm.xlane v22, v13;
	v54 =	vadd.s32 v1, v53;
	s21 =	simm.s32 $0xF100  }
0x9ea: {  	[tilespmem:s21], [sflag:$0x1] =	stream.indirect_vreg.gather [hbm4b:s14+s5], $0x80, v23, vm1, $0x2000b8;
	[tilespmem:$0x1D788] =	vst v63  }
0x9eb: {  	v56 =	vperm.xlane v22, v7;
	s7 =	simm.s32 $0xF180;
	v23 =	vadd.s32 v1, v55  }
0x9ec: {  	[tilespmem:s7], [sflag:$0x1] =	stream.indirect_vreg.gather [hbm4b:s14+s5], $0x80, v52, vm1, $0x2000b8;
	[tilespmem:$0x1D788] =	vst v63  }
0x9ed: {  	v58 =	vperm.xlane v22, v14;
	v57 =	vadd.s32 v1, v56;
	s15 =	simm.s32 $0xF200  }
0x9ee: {  	[tilespmem:s15], [sflag:$0x1] =	stream.indirect_vreg.gather [hbm4b:s14+s5], $0x80, v54, vm1, $0x2000b8;
	[tilespmem:$0x1D788] =	vst v63  }
0x9ef: {  	v60 =	vperm.xlane v22, v15;
	v59 =	vadd.s32 v1, v58;
	s21 =	simm.s32 $0xF280  }
0x9f0: {  	[tilespmem:s21], [sflag:$0x1] =	stream.indirect_vreg.gather [hbm4b:s14+s5], $0x80, v23, vm1, $0x2000b8;
	[tilespmem:$0x1D788] =	vst v63  }
0x9f1: {  	v61 =	vperm.xlane v22, v16;
	s7 =	simm.s32 $0xF300;
	v23 =	vadd.s32 v1, v60  }
0x9f2: {  	[tilespmem:s7], [sflag:$0x1] =	stream.indirect_vreg.gather [hbm4b:s14+s5], $0x80, v57, vm1, $0x2000b8;
	[tilespmem:$0x1D788] =	vst v63  }
0x9f3: {  	v63 =	vperm.xlane v22, v17;
	v62 =	vadd.s32 v1, v61;
	s15 =	simm.s32 $0xF380  }
0x9f4: {  	[tilespmem:s15], [sflag:$0x1] =	stream.indirect_vreg.gather [hbm4b:s14+s5], $0x80, v59, vm1, $0x2000b8;
	[tilespmem:$0x1D788] =	vst v63  }
0x9f5: {  	v29 =	vperm.xlane v22, v18;
	v28 =	vadd.s32 v1, v63;
	s21 =	simm.s32 $0xF400  }
0x9f6: {  	[tilespmem:s21], [sflag:$0x1] =	stream.indirect_vreg.gather [hbm4b:s14+s5], $0x80, v23, vm1, $0x2000b8;
	[tilespmem:$0x1D788] =	vst v63  }
0x9f7: {  	v30 =	vperm.xlane v22, v19;
	s7 =	simm.s32 $0xF480;
	v23 =	vadd.s32 v1, v29  }
0x9f8: {  	[tilespmem:s7], [sflag:$0x1] =	stream.indirect_vreg.gather [hbm4b:s14+s5], $0x80, v62, vm1, $0x2000b8;
	[tilespmem:$0x1D788] =	vst v63  }
0x9f9: {  	v32 =	vperm.xlane v22, v20;
	v31 =	vadd.s32 v1, v30;
	s15 =	simm.s32 $0xF500  }
0x9fa: {  	[tilespmem:s15], [sflag:$0x1] =	stream.indirect_vreg.gather [hbm4b:s14+s5], $0x80, v28, vm1, $0x2000b8;
	[tilespmem:$0x1D788] =	vst v63  }
0x9fb: {  	v22 =	vperm.xlane v22, v21;
	v33 =	vadd.s32 v1, v32;
	s21 =	simm.s32 $0xF580  }
0x9fc: {  	[tilespmem:s21], [sflag:$0x1] =	stream.indirect_vreg.gather [hbm4b:s14+s5], $0x80, v23, vm1, $0x2000b8;
	[tilespmem:$0x1D788] =	vst v63  }
0x9fd: {  	v22 =	vadd.s32 v1, v22;
	s7 =	simm.s32 $0xF600  }
0x9fe: {  	[tilespmem:s7], [sflag:$0x1] =	stream.indirect_vreg.gather [hbm4b:s14+s5], $0x80, v31, vm1, $0x2000b8;
	[tilespmem:$0x1D788] =	vst v63  }
0x9ff: {  	s15 =	simm.s32 $0xF680  }
0xa00: {  	[tilespmem:s15], [sflag:$0x1] =	stream.indirect_vreg.gather [hbm4b:s14+s5], $0x80, v33, vm1, $0x2000b8;
	[tilespmem:$0x1D788] =	vst v63  }
0xa01: {  	s21 =	simm.s32 $0xF700  }
0xa02: {  	[tilespmem:s21], [sflag:$0x1] =	stream.indirect_vreg.gather [hbm4b:s14+s5], $0x80, v22, vm1, $0x2000b8;
	[tilespmem:$0x1D788] =	vst v63  }
0xa03: {  	v22 =	vld [tilespmem:s20+$0x90];
	_ =	sdelay $0x4  }
0xa04: {  	v23 =	vshll.u32 v22, $0x1  }
0xa05: {  	v22 =	vand.u32 $0x7, v22;
	v23 =	vand.u32 $0xFFFFFFF0, v23  }
0xa06: {  	v22 =	vor.u32 v22, v23  }
0xa07: {  	v23 =	vperm.xlane v22, v5;
	_ =	sdelay $0x1  }
0xa08: {  	v34 =	vperm.xlane v22, v8;
	v23 =	vadd.s32 v1, v23;
	_ =	sdelay $0x1  }
0xa09: {  	v35 =	vperm.xlane v22, v9;
	v24 =	vadd.s32 v1, v34;
	_ =	sdelay $0x1  }
0xa0a: {  	s7 =	simm.s32 $0xF780;
	v36 =	vperm.xlane v22, v10;
	v25 =	vadd.s32 v1, v35  }
0xa0b: {  	[tilespmem:s7], [sflag:$0x1] =	stream.indirect_vreg.gather [hbm4b:s14+s5], $0x80, v23, vm1, $0x2000b8;
	[tilespmem:$0x1D788] =	vst v63  }
0xa0c: {  	s15 =	simm.s32 $0xF800;
	v37 =	vperm.xlane v22, v11;
	v23 =	vadd.s32 v1, v36  }
0xa0d: {  	[tilespmem:s15], [sflag:$0x1] =	stream.indirect_vreg.gather [hbm4b:s14+s5], $0x80, v24, vm1, $0x2000b8;
	[tilespmem:$0x1D788] =	vst v63  }
0xa0e: {  	s21 =	simm.s32 $0xF880;
	v39 =	vperm.xlane v22, v12;
	v38 =	vadd.s32 v1, v37  }
0xa0f: {  	[tilespmem:s21], [sflag:$0x1] =	stream.indirect_vreg.gather [hbm4b:s14+s5], $0x80, v25, vm1, $0x2000b8;
	[tilespmem:$0x1D788] =	vst v63  }
0xa10: {  	v41 =	vperm.xlane v22, v13;
	v40 =	vadd.s32 v1, v39;
	s7 =	simm.s32 $0xF900  }
0xa11: {  	[tilespmem:s7], [sflag:$0x1] =	stream.indirect_vreg.gather [hbm4b:s14+s5], $0x80, v23, vm1, $0x2000b8;
	[tilespmem:$0x1D788] =	vst v63  }
0xa12: {  	v42 =	vperm.xlane v22, v7;
	s15 =	simm.s32 $0xF980;
	v23 =	vadd.s32 v1, v41  }
0xa13: {  	[tilespmem:s15], [sflag:$0x1] =	stream.indirect_vreg.gather [hbm4b:s14+s5], $0x80, v38, vm1, $0x2000b8;
	[tilespmem:$0x1D788] =	vst v63  }
0xa14: {  	v44 =	vperm.xlane v22, v14;
	v43 =	vadd.s32 v1, v42;
	s21 =	simm.s32 $0xFA00  }
0xa15: {  	[tilespmem:s21], [sflag:$0x1] =	stream.indirect_vreg.gather [hbm4b:s14+s5], $0x80, v40, vm1, $0x2000b8;
	[tilespmem:$0x1D788] =	vst v63  }
0xa16: {  	v46 =	vperm.xlane v22, v15;
	v45 =	vadd.s32 v1, v44;
	s7 =	simm.s32 $0xFA80  }
0xa17: {  	[tilespmem:s7], [sflag:$0x1] =	stream.indirect_vreg.gather [hbm4b:s14+s5], $0x80, v23, vm1, $0x2000b8;
	[tilespmem:$0x1D788] =	vst v63  }
0xa18: {  	v47 =	vperm.xlane v22, v16;
	s15 =	simm.s32 $0xFB00;
	v23 =	vadd.s32 v1, v46  }
0xa19: {  	[tilespmem:s15], [sflag:$0x1] =	stream.indirect_vreg.gather [hbm4b:s14+s5], $0x80, v43, vm1, $0x2000b8;
	[tilespmem:$0x1D788] =	vst v63  }
0xa1a: {  	v49 =	vperm.xlane v22, v17;
	v48 =	vadd.s32 v1, v47;
	s21 =	simm.s32 $0xFB80  }
0xa1b: {  	[tilespmem:s21], [sflag:$0x1] =	stream.indirect_vreg.gather [hbm4b:s14+s5], $0x80, v45, vm1, $0x2000b8;
	[tilespmem:$0x1D788] =	vst v63  }
0xa1c: {  	v51 =	vperm.xlane v22, v18;
	v50 =	vadd.s32 v1, v49;
	s7 =	simm.s32 $0xFC00  }
0xa1d: {  	[tilespmem:s7], [sflag:$0x1] =	stream.indirect_vreg.gather [hbm4b:s14+s5], $0x80, v23, vm1, $0x2000b8;
	[tilespmem:$0x1D788] =	vst v63  }
0xa1e: {  	v52 =	vperm.xlane v22, v19;
	s15 =	simm.s32 $0xFC80;
	v23 =	vadd.s32 v1, v51  }
0xa1f: {  	[tilespmem:s15], [sflag:$0x1] =	stream.indirect_vreg.gather [hbm4b:s14+s5], $0x80, v48, vm1, $0x2000b8;
	[tilespmem:$0x1D788] =	vst v63  }
0xa20: {  	v54 =	vperm.xlane v22, v20;
	v53 =	vadd.s32 v1, v52;
	s21 =	simm.s32 $0xFD00  }
0xa21: {  	[tilespmem:s21], [sflag:$0x1] =	stream.indirect_vreg.gather [hbm4b:s14+s5], $0x80, v50, vm1, $0x2000b8;
	[tilespmem:$0x1D788] =	vst v63  }
0xa22: {  	v22 =	vperm.xlane v22, v21;
	v55 =	vadd.s32 v1, v54;
	s7 =	simm.s32 $0xFD80  }
0xa23: {  	[tilespmem:s7], [sflag:$0x1] =	stream.indirect_vreg.gather [hbm4b:s14+s5], $0x80, v23, vm1, $0x2000b8;
	[tilespmem:$0x1D788] =	vst v63  }
0xa24: {  	v22 =	vadd.s32 v1, v22;
	s15 =	simm.s32 $0xFE00  }
0xa25: {  	[tilespmem:s15], [sflag:$0x1] =	stream.indirect_vreg.gather [hbm4b:s14+s5], $0x80, v53, vm1, $0x2000b8;
	[tilespmem:$0x1D788] =	vst v63  }
0xa26: {  	s21 =	simm.s32 $0xFE80  }
0xa27: {  	[tilespmem:s21], [sflag:$0x1] =	stream.indirect_vreg.gather [hbm4b:s14+s5], $0x80, v55, vm1, $0x2000b8;
	[tilespmem:$0x1D788] =	vst v63  }
0xa28: {  	s7 =	simm.s32 $0xFF00  }
0xa29: {  	[tilespmem:s7], [sflag:$0x1] =	stream.indirect_vreg.gather [hbm4b:s14+s5], $0x80, v22, vm1, $0x2000b8;
	[tilespmem:$0x1D788] =	vst v63  }
0xa2a: {  	v22 =	vld [tilespmem:s20+$0xA0];
	_ =	sdelay $0x4  }
0xa2b: {  	v23 =	vshll.u32 v22, $0x1  }
0xa2c: {  	v22 =	vand.u32 $0x7, v22;
	v23 =	vand.u32 $0xFFFFFFF0, v23  }
0xa2d: {  	v22 =	vor.u32 v22, v23  }
0xa2e: {  	v23 =	vperm.xlane v22, v5;
	_ =	sdelay $0x1  }
0xa2f: {  	v56 =	vperm.xlane v22, v8;
	v23 =	vadd.s32 v1, v23;
	_ =	sdelay $0x1  }
0xa30: {  	v57 =	vperm.xlane v22, v9;
	v24 =	vadd.s32 v1, v56;
	_ =	sdelay $0x1  }
0xa31: {  	s15 =	simm.s32 $0xFF80;
	v58 =	vperm.xlane v22, v10;
	v25 =	vadd.s32 v1, v57  }
0xa32: {  	[tilespmem:s15], [sflag:$0x1] =	stream.indirect_vreg.gather [hbm4b:s14+s5], $0x80, v23, vm1, $0x2000b8;
	[tilespmem:$0x1D788] =	vst v63  }
0xa33: {  	s21 =	simm.s32 $0x10000;
	v59 =	vperm.xlane v22, v11;
	v23 =	vadd.s32 v1, v58  }
0xa34: {  	[tilespmem:s21], [sflag:$0x1] =	stream.indirect_vreg.gather [hbm4b:s14+s5], $0x80, v24, vm1, $0x2000b8;
	[tilespmem:$0x1D788] =	vst v63  }
0xa35: {  	s7 =	simm.s32 $0x10080;
	v61 =	vperm.xlane v22, v12;
	v60 =	vadd.s32 v1, v59  }
0xa36: {  	[tilespmem:s7], [sflag:$0x1] =	stream.indirect_vreg.gather [hbm4b:s14+s5], $0x80, v25, vm1, $0x2000b8;
	[tilespmem:$0x1D788] =	vst v63  }
0xa37: {  	v63 =	vperm.xlane v22, v13;
	v62 =	vadd.s32 v1, v61;
	s15 =	simm.s32 $0x10100  }
0xa38: {  	[tilespmem:s15], [sflag:$0x1] =	stream.indirect_vreg.gather [hbm4b:s14+s5], $0x80, v23, vm1, $0x2000b8;
	[tilespmem:$0x1D788] =	vst v63  }
0xa39: {  	v28 =	vperm.xlane v22, v7;
	s21 =	simm.s32 $0x10180;
	v23 =	vadd.s32 v1, v63  }
0xa3a: {  	[tilespmem:s21], [sflag:$0x1] =	stream.indirect_vreg.gather [hbm4b:s14+s5], $0x80, v60, vm1, $0x2000b8;
	[tilespmem:$0x1D788] =	vst v63  }
0xa3b: {  	v30 =	vperm.xlane v22, v14;
	v29 =	vadd.s32 v1, v28;
	s7 =	simm.s32 $0x10200  }
0xa3c: {  	[tilespmem:s7], [sflag:$0x1] =	stream.indirect_vreg.gather [hbm4b:s14+s5], $0x80, v62, vm1, $0x2000b8;
	[tilespmem:$0x1D788] =	vst v63  }
0xa3d: {  	v32 =	vperm.xlane v22, v15;
	v31 =	vadd.s32 v1, v30;
	s15 =	simm.s32 $0x10280  }
0xa3e: {  	[tilespmem:s15], [sflag:$0x1] =	stream.indirect_vreg.gather [hbm4b:s14+s5], $0x80, v23, vm1, $0x2000b8;
	[tilespmem:$0x1D788] =	vst v63  }
0xa3f: {  	v33 =	vperm.xlane v22, v16;
	s21 =	simm.s32 $0x10300;
	v23 =	vadd.s32 v1, v32  }
0xa40: {  	[tilespmem:s21], [sflag:$0x1] =	stream.indirect_vreg.gather [hbm4b:s14+s5], $0x80, v29, vm1, $0x2000b8;
	[tilespmem:$0x1D788] =	vst v63  }
0xa41: {  	v35 =	vperm.xlane v22, v17;
	v34 =	vadd.s32 v1, v33;
	s7 =	simm.s32 $0x10380  }
0xa42: {  	[tilespmem:s7], [sflag:$0x1] =	stream.indirect_vreg.gather [hbm4b:s14+s5], $0x80, v31, vm1, $0x2000b8;
	[tilespmem:$0x1D788] =	vst v63  }
0xa43: {  	v37 =	vperm.xlane v22, v18;
	v36 =	vadd.s32 v1, v35;
	s15 =	simm.s32 $0x10400  }
0xa44: {  	[tilespmem:s15], [sflag:$0x1] =	stream.indirect_vreg.gather [hbm4b:s14+s5], $0x80, v23, vm1, $0x2000b8;
	[tilespmem:$0x1D788] =	vst v63  }
0xa45: {  	v38 =	vperm.xlane v22, v19;
	s21 =	simm.s32 $0x10480;
	v23 =	vadd.s32 v1, v37  }
0xa46: {  	[tilespmem:s21], [sflag:$0x1] =	stream.indirect_vreg.gather [hbm4b:s14+s5], $0x80, v34, vm1, $0x2000b8;
	[tilespmem:$0x1D788] =	vst v63  }
0xa47: {  	v40 =	vperm.xlane v22, v20;
	v39 =	vadd.s32 v1, v38;
	s7 =	simm.s32 $0x10500  }
0xa48: {  	[tilespmem:s7], [sflag:$0x1] =	stream.indirect_vreg.gather [hbm4b:s14+s5], $0x80, v36, vm1, $0x2000b8;
	[tilespmem:$0x1D788] =	vst v63  }
0xa49: {  	v22 =	vperm.xlane v22, v21;
	v41 =	vadd.s32 v1, v40;
	s15 =	simm.s32 $0x10580  }
0xa4a: {  	[tilespmem:s15], [sflag:$0x1] =	stream.indirect_vreg.gather [hbm4b:s14+s5], $0x80, v23, vm1, $0x2000b8;
	[tilespmem:$0x1D788] =	vst v63  }
0xa4b: {  	v22 =	vadd.s32 v1, v22;
	s21 =	simm.s32 $0x10600  }
0xa4c: {  	[tilespmem:s21], [sflag:$0x1] =	stream.indirect_vreg.gather [hbm4b:s14+s5], $0x80, v39, vm1, $0x2000b8;
	[tilespmem:$0x1D788] =	vst v63  }
0xa4d: {  	s7 =	simm.s32 $0x10680  }
0xa4e: {  	[tilespmem:s7], [sflag:$0x1] =	stream.indirect_vreg.gather [hbm4b:s14+s5], $0x80, v41, vm1, $0x2000b8;
	[tilespmem:$0x1D788] =	vst v63  }
0xa4f: {  	s15 =	simm.s32 $0x10700  }
0xa50: {  	[tilespmem:s15], [sflag:$0x1] =	stream.indirect_vreg.gather [hbm4b:s14+s5], $0x80, v22, vm1, $0x2000b8;
	[tilespmem:$0x1D788] =	vst v63  }
0xa51: {  	v22 =	vld [tilespmem:s20+$0xB0];
	_ =	sdelay $0x4  }
0xa52: {  	v23 =	vshll.u32 v22, $0x1  }
0xa53: {  	v22 =	vand.u32 $0x7, v22;
	v23 =	vand.u32 $0xFFFFFFF0, v23  }
0xa54: {  	v22 =	vor.u32 v22, v23  }
0xa55: {  	v23 =	vperm.xlane v22, v5;
	_ =	sdelay $0x1  }
0xa56: {  	v42 =	vperm.xlane v22, v8;
	v23 =	vadd.s32 v1, v23;
	_ =	sdelay $0x1  }
0xa57: {  	v43 =	vperm.xlane v22, v9;
	v24 =	vadd.s32 v1, v42;
	_ =	sdelay $0x1  }
0xa58: {  	s21 =	simm.s32 $0x10780;
	v44 =	vperm.xlane v22, v10;
	v25 =	vadd.s32 v1, v43  }
0xa59: {  	[tilespmem:s21], [sflag:$0x1] =	stream.indirect_vreg.gather [hbm4b:s14+s5], $0x80, v23, vm1, $0x2000b8;
	[tilespmem:$0x1D788] =	vst v63  }
0xa5a: {  	s7 =	simm.s32 $0x10800;
	v45 =	vperm.xlane v22, v11;
	v23 =	vadd.s32 v1, v44  }
0xa5b: {  	[tilespmem:s7], [sflag:$0x1] =	stream.indirect_vreg.gather [hbm4b:s14+s5], $0x80, v24, vm1, $0x2000b8;
	[tilespmem:$0x1D788] =	vst v63  }
0xa5c: {  	s15 =	simm.s32 $0x10880;
	v47 =	vperm.xlane v22, v12;
	v46 =	vadd.s32 v1, v45  }
0xa5d: {  	[tilespmem:s15], [sflag:$0x1] =	stream.indirect_vreg.gather [hbm4b:s14+s5], $0x80, v25, vm1, $0x2000b8;
	[tilespmem:$0x1D788] =	vst v63  }
0xa5e: {  	v49 =	vperm.xlane v22, v13;
	v48 =	vadd.s32 v1, v47;
	s21 =	simm.s32 $0x10900  }
0xa5f: {  	[tilespmem:s21], [sflag:$0x1] =	stream.indirect_vreg.gather [hbm4b:s14+s5], $0x80, v23, vm1, $0x2000b8;
	[tilespmem:$0x1D788] =	vst v63  }
0xa60: {  	v50 =	vperm.xlane v22, v7;
	s7 =	simm.s32 $0x10980;
	v23 =	vadd.s32 v1, v49  }
0xa61: {  	[tilespmem:s7], [sflag:$0x1] =	stream.indirect_vreg.gather [hbm4b:s14+s5], $0x80, v46, vm1, $0x2000b8;
	[tilespmem:$0x1D788] =	vst v63  }
0xa62: {  	v52 =	vperm.xlane v22, v14;
	v51 =	vadd.s32 v1, v50;
	s15 =	simm.s32 $0x10A00  }
0xa63: {  	[tilespmem:s15], [sflag:$0x1] =	stream.indirect_vreg.gather [hbm4b:s14+s5], $0x80, v48, vm1, $0x2000b8;
	[tilespmem:$0x1D788] =	vst v63  }
0xa64: {  	v54 =	vperm.xlane v22, v15;
	v53 =	vadd.s32 v1, v52;
	s21 =	simm.s32 $0x10A80  }
0xa65: {  	[tilespmem:s21], [sflag:$0x1] =	stream.indirect_vreg.gather [hbm4b:s14+s5], $0x80, v23, vm1, $0x2000b8;
	[tilespmem:$0x1D788] =	vst v63  }
0xa66: {  	v55 =	vperm.xlane v22, v16;
	s7 =	simm.s32 $0x10B00;
	v23 =	vadd.s32 v1, v54  }
0xa67: {  	[tilespmem:s7], [sflag:$0x1] =	stream.indirect_vreg.gather [hbm4b:s14+s5], $0x80, v51, vm1, $0x2000b8;
	[tilespmem:$0x1D788] =	vst v63  }
0xa68: {  	v57 =	vperm.xlane v22, v17;
	v56 =	vadd.s32 v1, v55;
	s15 =	simm.s32 $0x10B80  }
0xa69: {  	[tilespmem:s15], [sflag:$0x1] =	stream.indirect_vreg.gather [hbm4b:s14+s5], $0x80, v53, vm1, $0x2000b8;
	[tilespmem:$0x1D788] =	vst v63  }
0xa6a: {  	v59 =	vperm.xlane v22, v18;
	v58 =	vadd.s32 v1, v57;
	s21 =	simm.s32 $0x10C00  }
0xa6b: {  	[tilespmem:s21], [sflag:$0x1] =	stream.indirect_vreg.gather [hbm4b:s14+s5], $0x80, v23, vm1, $0x2000b8;
	[tilespmem:$0x1D788] =	vst v63  }
0xa6c: {  	v60 =	vperm.xlane v22, v19;
	s7 =	simm.s32 $0x10C80;
	v23 =	vadd.s32 v1, v59  }
0xa6d: {  	[tilespmem:s7], [sflag:$0x1] =	stream.indirect_vreg.gather [hbm4b:s14+s5], $0x80, v56, vm1, $0x2000b8;
	[tilespmem:$0x1D788] =	vst v63  }
0xa6e: {  	v61 =	vadd.s32 v1, v60;
	s15 =	simm.s32 $0x10D00  }
0xa6f: {  	v62 =	vperm.xlane v22, v20;
	[tilespmem:s15], [sflag:$0x1] =	stream.indirect_vreg.gather [hbm4b:s14+s5], $0x80, v58, vm1, $0x2000b8;
	[tilespmem:$0x1D788] =	vst v63  }
0xa70: {  	s21 =	simm.s32 $0x10D80  }
0xa71: {  	v22 =	vperm.xlane v22, v21;
	v63 =	vadd.s32 v1, v62;
	[tilespmem:s21], [sflag:$0x1] =	stream.indirect_vreg.gather [hbm4b:s14+s5], $0x80, v23, vm1, $0x2000b8;
	[tilespmem:$0x1D788] =	vst v63  }
0xa72: {  	s7 =	simm.s32 $0x10E00  }
0xa73: {  	v22 =	vadd.s32 v1, v22;
	[tilespmem:s7], [sflag:$0x1] =	stream.indirect_vreg.gather [hbm4b:s14+s5], $0x80, v61, vm1, $0x2000b8;
	[tilespmem:$0x1D788] =	vst v63  }
.Ltmp21:
0xa74: {  	_ = 	snop;
	(pc) =	sbr.rel .LBB2_31-.Ltmp21, $4  }
0xa75: {  	s15 =	simm.s32 $0x10E80  }
0xa76: {  	[tilespmem:s15], [sflag:$0x1] =	stream.indirect_vreg.gather [hbm4b:s14+s5], $0x80, v63, vm1, $0x2000b8;
	[tilespmem:$0x1D788] =	vst v63  }
0xa77: {  	s21 =	simm.s32 $0x10F00  }
0xa78: {  	[tilespmem:s21], [sflag:$0x1] =	stream.indirect_vreg.gather [hbm4b:s14+s5], $0x80, v22, vm1, $0x2000b8;
	[tilespmem:$0x1D788] =	vst v63  }
.LBB2_19:
.Ltmp22:
0xa79: {  	(pc) =	sbr.rel .LBB2_23-.Ltmp22, $2  }
0xa7a: {  	_ =	sdelay $0x2  }
0xa7b: {  	s19 =	simm.s32 $0xA7C0  }
.LBB2_21:
.Ltmp23:
0xa7c: {  	(pc) =	sbr.rel .LBB2_23-.Ltmp23, $2  }
0xa7d: {  	_ =	sdelay $0x2  }
0xa7e: {  	s19 =	simm.s32 $0xA7C0  }
.LBB2_34:
0xa7f: {  	_ =	sfence.sel $0x180000  }
0xa80: {  	[bflag:$0x0] =	sbarrier.arrive $0xFFFF  }
0xa81: {  	_ =	strace $0x90000047  }
0xa82: {  	s0 =	stileid.u32;
	[bflag:$0x2] =	sbarrier.arrive $0xFFFF  }
0xa83: {  	p0 =	sne.s32 s0, $0x0;
	s0 =	rddreg [dreg:$0x7]  }
0xa84: {  	s0 =	sadd.s32 @!p0 $0x100000, s0  }
0xa85: {  	[sflag:s0] =	ssyncadd.tile.s32 @!p0 $0x1;
	_ =	shalt  }
.Lfunc_end2:
_tile_overlayer_lowered:
.L_overlay_start_2:
0xa86: {  	(tag) =	ssettag $0x2  }
0xa87: {  	s0 =	rddreg [dreg:$0x0];
	s2 =	stileid.u32  }
0xa88: {  	s1 =	rddreg [dreg:$0x1];
	p0 =	sne.s32 s2, $0x0  }
0xa89: {  	s3 =	rddreg [dreg:$0x2];
	[bflag:$0x3] =	sbarrier.arrive $0xFFFF;
	s2 =	simm.s32 @!p0 $0x1C05  }
0xa8a: {  	[timem:s3], [sflag:s2] =	dma.local @!p0 [hbm:s0], s1  }
0xa8b: {  	s0 =	simm.s32 @!p0 $0x5  }
0xa8c: {  	_ =	swait.ge @!p0 [sflag:s0], s1  }
0xa8d: {  	s1 =	ssub.s32 @!p0 $0x0, s1;
	[sflag:s0] =	ssyncset.done @!p0 $0x0  }
0xa8e: {  	[sflag:s0] =	ssyncadd.s32 @!p0 s1  }
0xa8f: {  	[bflag:$0x3] =	sbarrier.arrive $0xFFFF  }
0xa90: {  	_ =	shalt  }

</sc_bundles>
